<compile_context>
chip_gen: v7x
topology: tpu7x:2x2x1
jax: 0.10.2.dev20260603
libtpu: 0.0.44.dev20260713+nightly
codegen_flags: <defaults>
</compile_context>

<pallas_src>
import functools

import jax
import jax.numpy as jnp
from jax import lax
from jax.experimental import pallas as pl
from jax.experimental.pallas import tpu as pltpu
from jax.experimental.pallas import tpu_sc as plsc

N = 10000
NE = 320000
FV = 128
FE = 16
H = 128
GV = 128
G = 64

BN = 1000
NB = N // BN
BE = 2000
NEB = NE // BE

_F32 = jnp.float32


def _dot(a, b):
    return jnp.dot(a, b, preferred_element_type=_F32)


def _onehot(n2g_row):
    iota = lax.broadcasted_iota(jnp.int32, (1, G), 1)
    return (n2g_row[:, None] == iota).astype(_F32)


def _emb_body(x_ref, w_ref, b_ref, o_ref):
    o_ref[...] = jax.nn.silu(_dot(x_ref[...], w_ref[...]) + b_ref[...])


def _node_emb(x_inp, w, b):
    return pl.pallas_call(
        _emb_body,
        grid=(NB,),
        in_specs=[pl.BlockSpec((BN, FV), lambda i: (i, 0)),
                  pl.BlockSpec((FV, H), lambda i: (0, 0)),
                  pl.BlockSpec((1, H), lambda i: (0, 0))],
        out_specs=pl.BlockSpec((BN, H), lambda i: (i, 0)),
        out_shape=jax.ShapeDtypeStruct((N, H), _F32),
    )(x_inp, w, b)


def _edge_mlp_body(ea_ref, we_ref, be_ref, wcat_ref, bcat_ref, e0_ref, e1_ref):
    ea = jax.nn.silu(_dot(ea_ref[...], we_ref[...]) + be_ref[...])
    z = jnp.dot(ea.astype(jnp.bfloat16), wcat_ref[...],
                preferred_element_type=_F32) + bcat_ref[...]
    z = jax.nn.silu(z)
    e0_ref[...] = pltpu.bitcast(z[:, 0:H].astype(jnp.bfloat16), jnp.int32)
    e1_ref[...] = pltpu.bitcast(z[:, H:2 * H].astype(jnp.bfloat16),
                                jnp.int32)


def _edge_mlp(edge_attr, we, be, wcat, bcat):
    return pl.pallas_call(
        _edge_mlp_body,
        grid=(NEB,),
        in_specs=[pl.BlockSpec((BE, FE), lambda i: (i, 0)),
                  pl.BlockSpec((FE, H), lambda i: (0, 0)),
                  pl.BlockSpec((1, H), lambda i: (0, 0)),
                  pl.BlockSpec((H, 2 * H), lambda i: (0, 0)),
                  pl.BlockSpec((1, 2 * H), lambda i: (0, 0))],
        out_specs=[pl.BlockSpec((BE // 2, H), lambda i: (i, 0)),
                   pl.BlockSpec((BE // 2, H), lambda i: (i, 0))],
        out_shape=[jax.ShapeDtypeStruct((NE // 2, H), jnp.int32),
                   jax.ShapeDtypeStruct((NE // 2, H), jnp.int32)],
    )(edge_attr, we, be, wcat, bcat)


_NC = 2
_NS = 16
_NW = _NC * _NS
_EPW = NE // _NW
_CH = 80
_NCH = _EPW // _CH
_NG = _NCH // 2
_RPT = 632
_NP = _NS * _RPT


def _sc_conv_body(x_hbm, e_hbm, src_hbm, dst_hbm, zero_hbm, out_hbm,
                  src_v, dst_v, e_v, xg_v, acc, isem, gsem, ssem):
    c = lax.axis_index("c")
    s = lax.axis_index("s")
    wid = s * _NC + c
    r0 = s * _RPT
    pltpu.sync_copy(zero_hbm.at[pl.ds(r0, _RPT)], acc.at[pl.ds(r0, _RPT)])
    plsc.subcore_barrier()

    base = wid * _EPW

    base2 = wid * (_EPW // 2)
    _CH2 = _CH // 2

    def issue_loads(i, b):
        off = base + i * _CH
        off2 = pl.multiple_of(base2 + i * _CH2, 8)
        pltpu.async_copy(src_hbm.at[pl.ds(off, _CH)], src_v.at[b], isem.at[b])
        pltpu.async_copy(dst_hbm.at[pl.ds(off, _CH)], dst_v.at[b], isem.at[b])
        pltpu.async_copy(e_hbm.at[pl.ds(off2, _CH2)], e_v.at[b], isem.at[b])

    def wait_loads(i, b):
        off = base + i * _CH
        off2 = pl.multiple_of(base2 + i * _CH2, 8)
        pltpu.make_async_copy(src_hbm.at[pl.ds(off, _CH)], src_v.at[b],
                              isem.at[b]).wait()
        pltpu.make_async_copy(dst_hbm.at[pl.ds(off, _CH)], dst_v.at[b],
                              isem.at[b]).wait()
        pltpu.make_async_copy(e_hbm.at[pl.ds(off2, _CH2)], e_v.at[b],
                              isem.at[b]).wait()

    def issue_gather(b):
        pltpu.async_copy(x_hbm.at[src_v.at[b]], xg_v.at[b], gsem.at[b])

    def wait_gather(b):
        pltpu.make_async_copy(x_hbm.at[src_v.at[b]], xg_v.at[b],
                              gsem.at[b]).wait()

    def issue_scatter(b):
        pltpu.async_copy(xg_v.at[b], acc.at[dst_v.at[b]], ssem.at[b],
                         add=True)

    def wait_scatter(b):
        pltpu.make_async_copy(xg_v.at[b], acc.at[dst_v.at[b]],
                              ssem.at[b]).wait()

    def compute(b):
        def rowpair(r2, cc):
            r = r2 * 2
            for t in range(H // 16):
                sl = pl.ds(t * 16, 16)
                w = e_v[b, r2, sl]
                e_even = lax.bitcast_convert_type(w << 16, _F32)
                e_odd = lax.bitcast_convert_type(w & jnp.int32(-65536), _F32)
                xg_v[b, r, sl] = jnp.maximum(xg_v[b, r, sl] + e_even, 0.0)
                xg_v[b, r + 1, sl] = jnp.maximum(
                    xg_v[b, r + 1, sl] + e_odd, 0.0)
            return cc

        lax.fori_loop(0, _CH // 2, rowpair, 0)

    issue_loads(0, 0)

    def outer(g, carry):
        i0 = g * 2
        wait_loads(i0, 0)
        issue_gather(0)

        @pl.when(g > 0)
        def _():
            wait_scatter(1)

        issue_loads(i0 + 1, 1)
        wait_gather(0)
        compute(0)
        issue_scatter(0)

        wait_loads(i0 + 1, 1)
        issue_gather(1)
        wait_scatter(0)
        issue_loads(i0 + 2, 0)
        wait_gather(1)
        compute(1)
        issue_scatter(1)
        return carry

    lax.fori_loop(0, _NG, outer, 0)
    wait_loads(_NCH - 1, 0)
    issue_gather(0)
    wait_scatter(1)
    wait_gather(0)
    compute(0)
    issue_scatter(0)
    wait_scatter(0)
    plsc.subcore_barrier()
    pltpu.sync_copy(acc.at[pl.ds(r0, _RPT)], out_hbm.at[c, pl.ds(r0, _RPT)])


def _sc_conv(x, e, src, dst, zeros):
    f = pl.kernel(
        _sc_conv_body,
        out_type=jax.ShapeDtypeStruct((_NC, _NP, H), _F32),
        mesh=plsc.VectorSubcoreMesh(core_axis_name="c", subcore_axis_name="s"),
        scratch_types=[
            pltpu.VMEM((2, _CH), jnp.int32),
            pltpu.VMEM((2, _CH), jnp.int32),
            pltpu.VMEM((2, _CH // 2, H), jnp.int32),
            pltpu.VMEM((2, _CH, H), _F32),
            pltpu.VMEM_SHARED((_NP, H), _F32),
            pltpu.SemaphoreType.DMA((2,)),
            pltpu.SemaphoreType.DMA((2,)),
            pltpu.SemaphoreType.DMA((2,)),
        ],
    )
    return f(x, e, src, dst, zeros)


def _mlp_stats_body(scale_ref, parts_ref, x_ref, w1_ref, b1_ref, w2_ref,
                    b2_ref, n2g_ref, h_ref, stats_ref):
    i = pl.program_id(0)
    agg = parts_ref[0] + parts_ref[1]
    h = agg + scale_ref[0, 0] * x_ref[...]
    h = jax.nn.silu(_dot(h, w1_ref[...]) + b1_ref[...])
    h = jax.nn.silu(_dot(h, w2_ref[...]) + b2_ref[...])
    h_ref[...] = h
    oh = _onehot(n2g_ref[0, 0, :])
    dn = (((0,), (0,)), ((), ()))
    s1 = jnp.sum(lax.dot_general(oh, h, dn, preferred_element_type=_F32), 1)
    s2 = jnp.sum(lax.dot_general(oh, h * h, dn, preferred_element_type=_F32), 1)
    s0 = jnp.sum(oh, 0)
    blk = jnp.concatenate(
        [s0[None], s1[None], s2[None], jnp.zeros((5, G), _F32)], 0)

    @pl.when(i == 0)
    def _():
        stats_ref[...] = jnp.zeros_like(stats_ref)

    stats_ref[...] += blk


def _node_mlp_stats(scale, parts, x, w1, b1, w2, b2, n2g3):
    return pl.pallas_call(
        _mlp_stats_body,
        grid=(NB,),
        in_specs=[pl.BlockSpec((1, 1), lambda i: (0, 0)),
                  pl.BlockSpec((_NC, BN, H), lambda i: (0, i, 0)),
                  pl.BlockSpec((BN, H), lambda i: (i, 0)),
                  pl.BlockSpec((H, H), lambda i: (0, 0)),
                  pl.BlockSpec((1, H), lambda i: (0, 0)),
                  pl.BlockSpec((H, H), lambda i: (0, 0)),
                  pl.BlockSpec((1, H), lambda i: (0, 0)),
                  pl.BlockSpec((1, 1, BN), lambda i: (i, 0, 0))],
        out_specs=[pl.BlockSpec((BN, H), lambda i: (i, 0)),
                   pl.BlockSpec((8, G), lambda i: (0, 0))],
        out_shape=[jax.ShapeDtypeStruct((N, H), _F32),
                   jax.ShapeDtypeStruct((8, G), _F32)],
    )(scale, parts, x, w1, b1, w2, b2, n2g3)


def _norm_body(h_ref, x_ref, stats_ref, n2g_ref, w_ref, b_ref, o_ref):
    s0 = stats_ref[0, :]
    s1 = stats_ref[1, :]
    s2 = stats_ref[2, :]
    norm = jnp.maximum(s0, 1.0) * jnp.float32(H)
    mean = s1 / norm
    k = s0 * jnp.float32(H)
    var = (s2 - 2.0 * mean * s1 + mean * mean * k) / norm
    inv = lax.rsqrt(var + 1e-5)
    oh = _onehot(n2g_ref[0, 0, :])
    mean_n = jnp.sum(oh * mean[None, :], 1)
    inv_n = jnp.sum(oh * inv[None, :], 1)
    gn = (h_ref[...] - mean_n[:, None]) * inv_n[:, None] * w_ref[...] + b_ref[...]
    o_ref[...] = jnp.maximum((gn + x_ref[...]) * 0.5, 0.0)


def _apply_norm(h, x, stats, n2g3, w, b):
    return pl.pallas_call(
        _norm_body,
        grid=(NB,),
        in_specs=[pl.BlockSpec((BN, H), lambda i: (i, 0)),
                  pl.BlockSpec((BN, H), lambda i: (i, 0)),
                  pl.BlockSpec((8, G), lambda i: (0, 0)),
                  pl.BlockSpec((1, 1, BN), lambda i: (i, 0, 0)),
                  pl.BlockSpec((1, H), lambda i: (0, 0)),
                  pl.BlockSpec((1, H), lambda i: (0, 0))],
        out_specs=pl.BlockSpec((BN, H), lambda i: (i, 0)),
        out_shape=jax.ShapeDtypeStruct((N, H), _F32),
    )(h, x, stats, n2g3, w, b)


def _final_body(x2_ref, xin_ref, wf_ref, bf_ref, w1_ref, b1_ref, w2_ref,
                b2_ref, n2g_ref, stats_ref, w3_ref, b3_ref, xf_ref, z_ref,
                z1_ref):
    i = pl.program_id(0)
    xf = (_dot(x2_ref[...], wf_ref[0:H, :])
          + _dot(xin_ref[...], wf_ref[H:H + FV, :]) + bf_ref[...])
    xf = jax.nn.silu(xf)
    xf_ref[...] = xf
    g1 = _dot(xf, w1_ref[...]) + b1_ref[...]
    g2 = _dot(xf, w2_ref[...]) + b2_ref[...]
    hh = g1 * jax.nn.sigmoid(g2)
    oh = _onehot(n2g_ref[0, 0, :])
    dn = (((0,), (0,)), ((), ()))
    blk = lax.dot_general(oh, hh, dn, preferred_element_type=_F32)

    @pl.when(i == 0)
    def _():
        z1_ref[...] = jnp.zeros_like(z1_ref)

    z1_ref[...] += blk

    @pl.when(i == NB - 1)
    def _():
        c = jnp.maximum(stats_ref[0, :], 1.0)
        z1 = z1_ref[...]
        z2 = z1 / c[:, None]
        z = (_dot(z1, w3_ref[0:GV, :]) + _dot(z2, w3_ref[GV:2 * GV, :])
             + b3_ref[...])
        z_ref[...] = jax.nn.silu(z)


def _final_readout(x2, x_inp, wf, bf, w1, b1, w2, b2, n2g3, stats, w3, b3):
    return pl.pallas_call(
        _final_body,
        grid=(NB,),
        in_specs=[pl.BlockSpec((BN, H), lambda i: (i, 0)),
                  pl.BlockSpec((BN, FV), lambda i: (i, 0)),
                  pl.BlockSpec((H + FV, H), lambda i: (0, 0)),
                  pl.BlockSpec((1, H), lambda i: (0, 0)),
                  pl.BlockSpec((H, GV), lambda i: (0, 0)),
                  pl.BlockSpec((1, GV), lambda i: (0, 0)),
                  pl.BlockSpec((H, GV), lambda i: (0, 0)),
                  pl.BlockSpec((1, GV), lambda i: (0, 0)),
                  pl.BlockSpec((1, 1, BN), lambda i: (i, 0, 0)),
                  pl.BlockSpec((8, G), lambda i: (0, 0)),
                  pl.BlockSpec((2 * GV, GV), lambda i: (0, 0)),
                  pl.BlockSpec((1, GV), lambda i: (0, 0))],
        out_specs=[pl.BlockSpec((BN, H), lambda i: (i, 0)),
                   pl.BlockSpec((G, GV), lambda i: (0, 0)),
                   pl.BlockSpec((G, GV), lambda i: (0, 0))],
        out_shape=[jax.ShapeDtypeStruct((N, H), _F32),
                   jax.ShapeDtypeStruct((G, GV), _F32),
                   jax.ShapeDtypeStruct((G, GV), _F32)],
    )(x2, x_inp, wf, bf, w1, b1, w2, b2, n2g3, stats, w3, b3)


def kernel(x_inp, edge_index, edge_attr, node2graph, params):
    src = edge_index[0]
    dst = edge_index[1]
    n2g3 = node2graph.reshape(NB, 1, BN)
    zeros = jnp.zeros((_NP, H), _F32)

    p = params
    row = lambda v: v.reshape(1, -1)

    x = _node_emb(x_inp, p['node_emb']['W'], row(p['node_emb']['b']))

    b0c = p['blocks'][0]['conv2']
    b1c = p['blocks'][1]['conv2']
    wcat = jnp.concatenate([b0c['We'], b1c['We']],
                           axis=1).astype(jnp.bfloat16)
    bcat = jnp.concatenate([b0c['be'], b1c['be']]).reshape(1, -1)
    e0, e1 = _edge_mlp(edge_attr, p['edge_emb']['W'], row(p['edge_emb']['b']),
                       wcat, bcat)

    stats = None
    for bp, e in ((p['blocks'][0], e0), (p['blocks'][1], e1)):
        cp = bp['conv2']
        parts = _sc_conv(x, e, src, dst, zeros)
        scale = (1.0 + cp['eps']).reshape(1, 1)
        h, stats = _node_mlp_stats(scale, parts, x, cp['W1'], row(cp['b1']),
                                   cp['W2'], row(cp['b2']), n2g3)
        x = _apply_norm(h, x, stats, n2g3, row(bp['norm2']['w']),
                        row(bp['norm2']['b']))

    r = p['readout']
    xf, z, _ = _final_readout(x, x_inp, p['final']['W'], row(p['final']['b']),
                              r['W1'], row(r['b1']), r['W2'], row(r['b2']),
                              n2g3, stats, r['W3'], row(r['b3']))
    return (xf, z)

# --- scband reference (transcript-rebuilt; emitter-appended) ---
"""Pipeline reference for scband-graph-embedding-model-1786706395622 (READ-ONLY COPY).

The authoritative reference and input builder live on the scoring server;
editing this copy changes nothing except your own understanding.
"""

import jax, jax.numpy as jnp
import numpy as np

N_NODES = 10000
N_EDGES = 320000
FV = 128
FE = 16
H = 128
GV = 128
N_GRAPHS = 64


def _dense(key, shape):
    return jax.random.normal(key, shape, dtype=jnp.float32) * 0.05


def _conv_params(k1, k2, k3):
    return {'We': _dense(k1, (H, H)), 'be': jnp.zeros((H,), jnp.float32),
            'eps': jnp.array(0.1, dtype=jnp.float32),
            'W1': _dense(k2, (H, H)), 'b1': jnp.zeros((H,), jnp.float32),
            'W2': _dense(k3, (H, H)), 'b2': jnp.zeros((H,), jnp.float32)}


def setup_inputs(seed: int = 0):
    key = jax.random.key(seed)
    ks = list(jax.random.split(key, 32))
    x_inp = jax.random.normal(ks[0], (N_NODES, FV), dtype=jnp.float32)
    edge_index = jax.random.randint(ks[1], (2, N_EDGES), 0, N_NODES, dtype=jnp.int32)
    edge_attr = jax.random.normal(ks[2], (N_EDGES, FE), dtype=jnp.float32)
    node2graph = jnp.sort(jax.random.randint(ks[3], (N_NODES,), 0, N_GRAPHS, dtype=jnp.int32))
    blocks = []
    i = 4
    for _ in range(2):
        blocks.append({'conv1': _conv_params(ks[i], ks[i + 1], ks[i + 2]),
                       'norm1': {'w': jnp.ones((H,), jnp.float32), 'b': jnp.zeros((H,), jnp.float32)},
                       'conv2': _conv_params(ks[i + 3], ks[i + 4], ks[i + 5]),
                       'norm2': {'w': jnp.ones((H,), jnp.float32), 'b': jnp.zeros((H,), jnp.float32)}})
        i += 6
    params = {'node_emb': {'W': _dense(ks[i], (FV, H)), 'b': jnp.zeros((H,), jnp.float32)},
              'edge_emb': {'W': _dense(ks[i + 1], (FE, H)), 'b': jnp.zeros((H,), jnp.float32)},
              'blocks': blocks,
              'final': {'W': _dense(ks[i + 2], (H + FV, H)), 'b': jnp.zeros((H,), jnp.float32)},
              'readout': {'W1': _dense(ks[i + 3], (H, GV)), 'b1': jnp.zeros((GV,), jnp.float32),
                          'W2': _dense(ks[i + 4], (H, GV)), 'b2': jnp.zeros((GV,), jnp.float32),
                          'W3': _dense(ks[i + 5], (2 * GV, GV)), 'b3': jnp.zeros((GV,), jnp.float32)}}
    return {'x_inp': x_inp, 'edge_index': edge_index, 'edge_attr': edge_attr,
            'node2graph': node2graph, 'params': params}


def _gine_conv(x, src, dst, e_emb, p):
    e = jax.nn.silu(e_emb @ p['We'] + p['be'])
    m = jax.nn.relu(x[src] + e)
    agg = jax.ops.segment_sum(m, dst, num_segments=x.shape[0])
    h = agg + (1.0 + p['eps']) * x
    h = jax.nn.silu(h @ p['W1'] + p['b1'])
    h = jax.nn.silu(h @ p['W2'] + p['b2'])
    return h


def _graph_norm(x, batch, w, b):
    ones = jnp.ones((x.shape[0],), dtype=x.dtype)
    counts = jax.ops.segment_sum(ones, batch, num_segments=N_GRAPHS)
    norm = jnp.maximum(counts, 1.0) * x.shape[-1]
    mean = jax.ops.segment_sum(x, batch, num_segments=N_GRAPHS).sum(axis=-1) / norm
    xc = x - mean[batch][:, None]
    var = jax.ops.segment_sum(xc * xc, batch, num_segments=N_GRAPHS).sum(axis=-1) / norm
    out = xc / jnp.sqrt(var + 1e-5)[batch][:, None]
    return out * w + b


def _forward(x_inp, edge_attr, params, src, dst, node2graph):
    x = jax.nn.silu(x_inp @ params['node_emb']['W'] + params['node_emb']['b'])
    ea = jax.nn.silu(edge_attr @ params['edge_emb']['W'] + params['edge_emb']['b'])
    for bp in params['blocks']:
        identity = x
        out = _gine_conv(x, src, dst, ea, bp['conv1'])
        out = _graph_norm(out, node2graph, bp['norm1']['w'], bp['norm1']['b'])
        out = jax.nn.relu(out)
        # NOTE: original torch code passes x (not out) to conv2 -- reproduced faithfully
        out = _gine_conv(x, src, dst, ea, bp['conv2'])
        out = _graph_norm(out, node2graph, bp['norm2']['w'], bp['norm2']['b'])
        out = (out + identity) * 0.5
        x = jax.nn.relu(out)
    x = jnp.concatenate([x, x_inp], axis=-1)
    x = jax.nn.silu(x @ params['final']['W'] + params['final']['b'])
    r = params['readout']
    h = (x @ r['W1'] + r['b1']) * jax.nn.sigmoid(x @ r['W2'] + r['b2'])
    Z1 = jax.ops.segment_sum(h, node2graph, num_segments=N_GRAPHS)
    counts = jnp.maximum(jax.ops.segment_sum(jnp.ones((x.shape[0],), dtype=x.dtype), node2graph, num_segments=N_GRAPHS), 1.0)
    Z2 = Z1 / counts[:, None]
    Z = jnp.concatenate([Z1, Z2], axis=-1)
    Z = jax.nn.silu(Z @ r['W3'] + r['b3'])
    return (x, Z)


def reference(x_inp, edge_index, edge_attr, node2graph, params):
    return _forward(x_inp, edge_attr, params, edge_index[0], edge_index[1], node2graph)

if __name__ == "__main__":
    import jax
    _d = setup_inputs()
    print(jax.jit(kernel)(*tuple(_d.values())))

</pallas_src>

<mosaic_0001>
#map = affine_map<(d0, d1) -> (0, 0)>
#map1 = affine_map<(d0, d1) -> (0)>
#map2 = affine_map<(d0, d1) -> (0, 0, 0)>
module attributes {stable_mosaic.version = 14 : i64} {
  func.func @_sc_conv_body(%arg0: i32, %arg1: i32, %arg2: memref<10000x128xf32, #tpu.memory_space<hbm>>, %arg3: memref<160000x128xi32, #tpu.memory_space<hbm>>, %arg4: memref<320000xi32, #tpu.memory_space<hbm>>, %arg5: memref<320000xi32, #tpu.memory_space<hbm>>, %arg6: memref<10112x128xf32, #tpu.memory_space<hbm>>, %arg7: memref<2x10112x128xf32, #tpu.memory_space<hbm>>, %arg8: memref<2x80xi32, #tpu.memory_space<vmem>>, %arg9: memref<2x80xi32, #tpu.memory_space<vmem>>, %arg10: memref<2x40x128xi32, #tpu.memory_space<vmem>>, %arg11: memref<2x80x128xf32, #tpu.memory_space<vmem>>, %arg12: memref<10112x128xf32, #tpu.memory_space<vmem_shared>>, %arg13: memref<2x!tpu.dma_semaphore, #tpu.memory_space<semaphore_mem>>, %arg14: memref<2x!tpu.dma_semaphore, #tpu.memory_space<semaphore_mem>>, %arg15: memref<2x!tpu.dma_semaphore, #tpu.memory_space<semaphore_mem>>) attributes {dimension_semantics = [#tpu.dimension_semantics<core_parallel>, #tpu.dimension_semantics<subcore_parallel>], iteration_bounds = array<i64: 2, 16>, scalar_prefetch = 0 : i64, scratch_operands = 8 : i64, tpu.core_type = #tpu.core_type<sc_vector_subcore>, window_params = [{transform_indices = #map}, {transform_indices = #map}, {transform_indices = #map1}, {transform_indices = #map1}, {transform_indices = #map}, {transform_indices = #map2}]} {
    %mul3A = arith.constant 2 : i32
    %mul3A_0 = arith.muli %arg1, %mul3A : i32
    %add3A = arith.addi %mul3A_0, %arg0 : i32
    %mul3A_1 = arith.constant 632 : i32
    %mul3A_2 = arith.muli %arg1, %mul3A_1 : i32
    "tpu.region"() ({
      %run_scoped3A = tpu.sem_alloc : memref<!tpu.dma_semaphore, #tpu.memory_space<semaphore_mem>>
      %dma_start3A_181 = arith.constant 0 : i32
      %dma_start3A_182 = tpu.memref_slice %arg12[%mul3A_2, %dma_start3A_181] : memref<10112x128xf32, #tpu.memory_space<vmem_shared>> -> memref<632x128xf32, #tpu.memory_space<vmem_shared>>
      %dma_start3A_183 = arith.constant 0 : i32
      %dma_start3A_184 = tpu.memref_slice %arg6[%mul3A_2, %dma_start3A_183] : memref<10112x128xf32, #tpu.memory_space<hbm>> -> memref<632x128xf32, #tpu.memory_space<hbm>>
      tpu.enqueue_dma source(%dma_start3A_184 : memref<632x128xf32, #tpu.memory_space<hbm>>) target(%dma_start3A_182 : memref<632x128xf32, #tpu.memory_space<vmem_shared>>) target_semaphore(%run_scoped3A : memref<!tpu.dma_semaphore, #tpu.memory_space<semaphore_mem>>)
      %dma_wait3A_185 = arith.constant 0 : i32
      %dma_wait3A_186 = tpu.memref_slice %arg12[%mul3A_2, %dma_wait3A_185] : memref<10112x128xf32, #tpu.memory_space<vmem_shared>> -> memref<632x128xf32, #tpu.memory_space<vmem_shared>>
      %dma_wait3A_187 = arith.constant 0 : i32
      %dma_wait3A_188 = tpu.memref_slice %arg6[%mul3A_2, %dma_wait3A_187] : memref<10112x128xf32, #tpu.memory_space<hbm>> -> memref<632x128xf32, #tpu.memory_space<hbm>>
      tpu.wait_dma2 semaphore(%run_scoped3A : memref<!tpu.dma_semaphore, #tpu.memory_space<semaphore_mem>>) src(%dma_wait3A_188 : memref<632x128xf32, #tpu.memory_space<hbm>>) dst(%dma_wait3A_186 : memref<632x128xf32, #tpu.memory_space<vmem_shared>>)
      tpu.yield
    }) : () -> ()
    %barrier3A = arith.constant 0 : index
    tpu.barrier barrier_id(%barrier3A)
    %mul3A_3 = arith.constant 10000 : i32
    %mul3A_4 = arith.muli %add3A, %mul3A_3 : i32
    %mul3A_5 = arith.constant 5000 : i32
    %mul3A_6 = arith.muli %add3A, %mul3A_5 : i32
    %add3A_7 = arith.constant 0 : i32
    %add3A_8 = arith.addi %mul3A_4, %add3A_7 : i32
    %add3A_9 = arith.constant 0 : i32
    %add3A_10 = arith.addi %mul3A_6, %add3A_9 : i32
    %multiple_of3A = tpu.assume_multiple %add3A_10, 8 : i32
    %dma_start3A = arith.constant 0 : i32
    %dma_start3A_11 = arith.constant 0 : i32
    %dma_start3A_12 = arith.constant 0 : i32
    %dma_start3A_13 = tpu.memref_slice %arg8[%dma_start3A, %dma_start3A_12] : memref<2x80xi32, #tpu.memory_space<vmem>> -> memref<1x80xi32, #tpu.memory_space<vmem>>
    %dma_start3A_14 = tpu.memref_squeeze %dma_start3A_13 : memref<1x80xi32, #tpu.memory_space<vmem>> -> memref<80xi32, #tpu.memory_space<vmem>>
    %dma_start3A_15 = tpu.memref_slice %arg4[%add3A_8] : memref<320000xi32, #tpu.memory_space<hbm>> -> memref<80xi32, #tpu.memory_space<hbm>>
    %dma_start3A_16 = tpu.memref_slice %arg13[%dma_start3A_11] : memref<2x!tpu.dma_semaphore, #tpu.memory_space<semaphore_mem>> -> memref<1x!tpu.dma_semaphore, #tpu.memory_space<semaphore_mem>>
    %dma_start3A_17 = tpu.memref_squeeze %dma_start3A_16 : memref<1x!tpu.dma_semaphore, #tpu.memory_space<semaphore_mem>> -> memref<!tpu.dma_semaphore, #tpu.memory_space<semaphore_mem>>
    %dma_start3A_18 = arith.constant 0 : i32
    %dma_start3A_19 = tpu.memref_slice %arg8[%dma_start3A, %dma_start3A_18] : memref<2x80xi32, #tpu.memory_space<vmem>> -> memref<1x80xi32, #tpu.memory_space<vmem>>
    %dma_start3A_20 = tpu.memref_squeeze %dma_start3A_19 : memref<1x80xi32, #tpu.memory_space<vmem>> -> memref<80xi32, #tpu.memory_space<vmem>>
    %dma_start3A_21 = tpu.memref_slice %arg4[%add3A_8] : memref<320000xi32, #tpu.memory_space<hbm>> -> memref<80xi32, #tpu.memory_space<hbm>>
    tpu.enqueue_dma source(%dma_start3A_21 : memref<80xi32, #tpu.memory_space<hbm>>) target(%dma_start3A_20 : memref<80xi32, #tpu.memory_space<vmem>>) target_semaphore(%dma_start3A_17 : memref<!tpu.dma_semaphore, #tpu.memory_space<semaphore_mem>>)
    %dma_start3A_22 = arith.constant 0 : i32
    %dma_start3A_23 = arith.constant 0 : i32
    %dma_start3A_24 = arith.constant 0 : i32
    %dma_start3A_25 = tpu.memref_slice %arg9[%dma_start3A_22, %dma_start3A_24] : memref<2x80xi32, #tpu.memory_space<vmem>> -> memref<1x80xi32, #tpu.memory_space<vmem>>
    %dma_start3A_26 = tpu.memref_squeeze %dma_start3A_25 : memref<1x80xi32, #tpu.memory_space<vmem>> -> memref<80xi32, #tpu.memory_space<vmem>>
    %dma_start3A_27 = tpu.memref_slice %arg5[%add3A_8] : memref<320000xi32, #tpu.memory_space<hbm>> -> memref<80xi32, #tpu.memory_space<hbm>>
    %dma_start3A_28 = tpu.memref_slice %arg13[%dma_start3A_23] : memref<2x!tpu.dma_semaphore, #tpu.memory_space<semaphore_mem>> -> memref<1x!tpu.dma_semaphore, #tpu.memory_space<semaphore_mem>>
    %dma_start3A_29 = tpu.memref_squeeze %dma_start3A_28 : memref<1x!tpu.dma_semaphore, #tpu.memory_space<semaphore_mem>> -> memref<!tpu.dma_semaphore, #tpu.memory_space<semaphore_mem>>
    %dma_start3A_30 = arith.constant 0 : i32
    %dma_start3A_31 = tpu.memref_slice %arg9[%dma_start3A_22, %dma_start3A_30] : memref<2x80xi32, #tpu.memory_space<vmem>> -> memref<1x80xi32, #tpu.memory_space<vmem>>
    %dma_start3A_32 = tpu.memref_squeeze %dma_start3A_31 : memref<1x80xi32, #tpu.memory_space<vmem>> -> memref<80xi32, #tpu.memory_space<vmem>>
    %dma_start3A_33 = tpu.memref_slice %arg5[%add3A_8] : memref<320000xi32, #tpu.memory_space<hbm>> -> memref<80xi32, #tpu.memory_space<hbm>>
    tpu.enqueue_dma source(%dma_start3A_33 : memref<80xi32, #tpu.memory_space<hbm>>) target(%dma_start3A_32 : memref<80xi32, #tpu.memory_space<vmem>>) target_semaphore(%dma_start3A_29 : memref<!tpu.dma_semaphore, #tpu.memory_space<semaphore_mem>>)
    %dma_start3A_34 = arith.constant 0 : i32
    %dma_start3A_35 = arith.constant 0 : i32
    %dma_start3A_36 = arith.constant 0 : i32
    %dma_start3A_37 = arith.constant 0 : i32
    %dma_start3A_38 = tpu.memref_slice %arg10[%dma_start3A_34, %dma_start3A_36, %dma_start3A_37] : memref<2x40x128xi32, #tpu.memory_space<vmem>> -> memref<1x40x128xi32, #tpu.memory_space<vmem>>
    %dma_start3A_39 = tpu.memref_squeeze %dma_start3A_38 : memref<1x40x128xi32, #tpu.memory_space<vmem>> -> memref<40x128xi32, #tpu.memory_space<vmem>>
    %dma_start3A_40 = arith.constant 0 : i32
    %dma_start3A_41 = tpu.memref_slice %arg3[%multiple_of3A, %dma_start3A_40] : memref<160000x128xi32, #tpu.memory_space<hbm>> -> memref<40x128xi32, #tpu.memory_space<hbm>>
    %dma_start3A_42 = tpu.memref_slice %arg13[%dma_start3A_35] : memref<2x!tpu.dma_semaphore, #tpu.memory_space<semaphore_mem>> -> memref<1x!tpu.dma_semaphore, #tpu.memory_space<semaphore_mem>>
    %dma_start3A_43 = tpu.memref_squeeze %dma_start3A_42 : memref<1x!tpu.dma_semaphore, #tpu.memory_space<semaphore_mem>> -> memref<!tpu.dma_semaphore, #tpu.memory_space<semaphore_mem>>
    %dma_start3A_44 = arith.constant 0 : i32
    %dma_start3A_45 = arith.constant 0 : i32
    %dma_start3A_46 = tpu.memref_slice %arg10[%dma_start3A_34, %dma_start3A_44, %dma_start3A_45] : memref<2x40x128xi32, #tpu.memory_space<vmem>> -> memref<1x40x128xi32, #tpu.memory_space<vmem>>
    %dma_start3A_47 = tpu.memref_squeeze %dma_start3A_46 : memref<1x40x128xi32, #tpu.memory_space<vmem>> -> memref<40x128xi32, #tpu.memory_space<vmem>>
    %dma_start3A_48 = arith.constant 0 : i32
    %dma_start3A_49 = tpu.memref_slice %arg3[%multiple_of3A, %dma_start3A_48] : memref<160000x128xi32, #tpu.memory_space<hbm>> -> memref<40x128xi32, #tpu.memory_space<hbm>>
    tpu.enqueue_dma source(%dma_start3A_49 : memref<40x128xi32, #tpu.memory_space<hbm>>) target(%dma_start3A_47 : memref<40x128xi32, #tpu.memory_space<vmem>>) target_semaphore(%dma_start3A_43 : memref<!tpu.dma_semaphore, #tpu.memory_space<semaphore_mem>>)
    %scan3A = arith.constant 0 : i32
    %scan3A_50 = arith.constant 0 : i32
    %scan3A_51 = arith.constant 62 : i32
    %scan3A_52 = arith.addi %scan3A_50, %scan3A_51 : i32
    %scan3A_53 = arith.constant 1 : i32
    scf.for %scan3A_181 = %scan3A_50 to %scan3A_52 step %scan3A_53  : i32 {
      %mul3A_182 = arith.constant 2 : i32
      %mul3A_183 = arith.muli %scan3A_181, %mul3A_182 : i32
      %mul3A_184 = arith.constant 80 : i32
      %mul3A_185 = arith.muli %mul3A_183, %mul3A_184 : i32
      %add3A_186 = arith.addi %mul3A_4, %mul3A_185 : i32
      %mul3A_187 = arith.constant 40 : i32
      %mul3A_188 = arith.muli %mul3A_183, %mul3A_187 : i32
      %add3A_189 = arith.addi %mul3A_6, %mul3A_188 : i32
      %multiple_of3A_190 = tpu.assume_multiple %add3A_189, 8 : i32
      %dma_wait3A_191 = arith.constant 0 : i32
      %dma_wait3A_192 = arith.constant 0 : i32
      %dma_wait3A_193 = arith.constant 0 : i32
      %dma_wait3A_194 = tpu.memref_slice %arg8[%dma_wait3A_191, %dma_wait3A_193] : memref<2x80xi32, #tpu.memory_space<vmem>> -> memref<1x80xi32, #tpu.memory_space<vmem>>
      %dma_wait3A_195 = tpu.memref_squeeze %dma_wait3A_194 : memref<1x80xi32, #tpu.memory_space<vmem>> -> memref<80xi32, #tpu.memory_space<vmem>>
      %dma_wait3A_196 = tpu.memref_slice %arg4[%add3A_186] : memref<320000xi32, #tpu.memory_space<hbm>> -> memref<80xi32, #tpu.memory_space<hbm>>
      %dma_wait3A_197 = tpu.memref_slice %arg13[%dma_wait3A_192] : memref<2x!tpu.dma_semaphore, #tpu.memory_space<semaphore_mem>> -> memref<1x!tpu.dma_semaphore, #tpu.memory_space<semaphore_mem>>
      %dma_wait3A_198 = tpu.memref_squeeze %dma_wait3A_197 : memref<1x!tpu.dma_semaphore, #tpu.memory_space<semaphore_mem>> -> memref<!tpu.dma_semaphore, #tpu.memory_space<semaphore_mem>>
      %dma_wait3A_199 = arith.constant 0 : i32
      %dma_wait3A_200 = tpu.memref_slice %arg8[%dma_wait3A_191, %dma_wait3A_199] : memref<2x80xi32, #tpu.memory_space<vmem>> -> memref<1x80xi32, #tpu.memory_space<vmem>>
      %dma_wait3A_201 = tpu.memref_squeeze %dma_wait3A_200 : memref<1x80xi32, #tpu.memory_space<vmem>> -> memref<80xi32, #tpu.memory_space<vmem>>
      %dma_wait3A_202 = tpu.memref_slice %arg4[%add3A_186] : memref<320000xi32, #tpu.memory_space<hbm>> -> memref<80xi32, #tpu.memory_space<hbm>>
      tpu.wait_dma2 semaphore(%dma_wait3A_198 : memref<!tpu.dma_semaphore, #tpu.memory_space<semaphore_mem>>) src(%dma_wait3A_202 : memref<80xi32, #tpu.memory_space<hbm>>) dst(%dma_wait3A_201 : memref<80xi32, #tpu.memory_space<vmem>>)
      %dma_wait3A_203 = arith.constant 0 : i32
      %dma_wait3A_204 = arith.constant 0 : i32
      %dma_wait3A_205 = arith.constant 0 : i32
      %dma_wait3A_206 = tpu.memref_slice %arg9[%dma_wait3A_203, %dma_wait3A_205] : memref<2x80xi32, #tpu.memory_space<vmem>> -> memref<1x80xi32, #tpu.memory_space<vmem>>
      %dma_wait3A_207 = tpu.memref_squeeze %dma_wait3A_206 : memref<1x80xi32, #tpu.memory_space<vmem>> -> memref<80xi32, #tpu.memory_space<vmem>>
      %dma_wait3A_208 = tpu.memref_slice %arg5[%add3A_186] : memref<320000xi32, #tpu.memory_space<hbm>> -> memref<80xi32, #tpu.memory_space<hbm>>
      %dma_wait3A_209 = tpu.memref_slice %arg13[%dma_wait3A_204] : memref<2x!tpu.dma_semaphore, #tpu.memory_space<semaphore_mem>> -> memref<1x!tpu.dma_semaphore, #tpu.memory_space<semaphore_mem>>
      %dma_wait3A_210 = tpu.memref_squeeze %dma_wait3A_209 : memref<1x!tpu.dma_semaphore, #tpu.memory_space<semaphore_mem>> -> memref<!tpu.dma_semaphore, #tpu.memory_space<semaphore_mem>>
      %dma_wait3A_211 = arith.constant 0 : i32
      %dma_wait3A_212 = tpu.memref_slice %arg9[%dma_wait3A_203, %dma_wait3A_211] : memref<2x80xi32, #tpu.memory_space<vmem>> -> memref<1x80xi32, #tpu.memory_space<vmem>>
      %dma_wait3A_213 = tpu.memref_squeeze %dma_wait3A_212 : memref<1x80xi32, #tpu.memory_space<vmem>> -> memref<80xi32, #tpu.memory_space<vmem>>
      %dma_wait3A_214 = tpu.memref_slice %arg5[%add3A_186] : memref<320000xi32, #tpu.memory_space<hbm>> -> memref<80xi32, #tpu.memory_space<hbm>>
      tpu.wait_dma2 semaphore(%dma_wait3A_210 : memref<!tpu.dma_semaphore, #tpu.memory_space<semaphore_mem>>) src(%dma_wait3A_214 : memref<80xi32, #tpu.memory_space<hbm>>) dst(%dma_wait3A_213 : memref<80xi32, #tpu.memory_space<vmem>>)
      %dma_wait3A_215 = arith.constant 0 : i32
      %dma_wait3A_216 = arith.constant 0 : i32
      %dma_wait3A_217 = arith.constant 0 : i32
      %dma_wait3A_218 = arith.constant 0 : i32
      %dma_wait3A_219 = tpu.memref_slice %arg10[%dma_wait3A_215, %dma_wait3A_217, %dma_wait3A_218] : memref<2x40x128xi32, #tpu.memory_space<vmem>> -> memref<1x40x128xi32, #tpu.memory_space<vmem>>
      %dma_wait3A_220 = tpu.memref_squeeze %dma_wait3A_219 : memref<1x40x128xi32, #tpu.memory_space<vmem>> -> memref<40x128xi32, #tpu.memory_space<vmem>>
      %dma_wait3A_221 = arith.constant 0 : i32
      %dma_wait3A_222 = tpu.memref_slice %arg3[%multiple_of3A_190, %dma_wait3A_221] : memref<160000x128xi32, #tpu.memory_space<hbm>> -> memref<40x128xi32, #tpu.memory_space<hbm>>
      %dma_wait3A_223 = tpu.memref_slice %arg13[%dma_wait3A_216] : memref<2x!tpu.dma_semaphore, #tpu.memory_space<semaphore_mem>> -> memref<1x!tpu.dma_semaphore, #tpu.memory_space<semaphore_mem>>
      %dma_wait3A_224 = tpu.memref_squeeze %dma_wait3A_223 : memref<1x!tpu.dma_semaphore, #tpu.memory_space<semaphore_mem>> -> memref<!tpu.dma_semaphore, #tpu.memory_space<semaphore_mem>>
      %dma_wait3A_225 = arith.constant 0 : i32
      %dma_wait3A_226 = arith.constant 0 : i32
      %dma_wait3A_227 = tpu.memref_slice %arg10[%dma_wait3A_215, %dma_wait3A_225, %dma_wait3A_226] : memref<2x40x128xi32, #tpu.memory_space<vmem>> -> memref<1x40x128xi32, #tpu.memory_space<vmem>>
      %dma_wait3A_228 = tpu.memref_squeeze %dma_wait3A_227 : memref<1x40x128xi32, #tpu.memory_space<vmem>> -> memref<40x128xi32, #tpu.memory_space<vmem>>
      %dma_wait3A_229 = arith.constant 0 : i32
      %dma_wait3A_230 = tpu.memref_slice %arg3[%multiple_of3A_190, %dma_wait3A_229] : memref<160000x128xi32, #tpu.memory_space<hbm>> -> memref<40x128xi32, #tpu.memory_space<hbm>>
      tpu.wait_dma2 semaphore(%dma_wait3A_224 : memref<!tpu.dma_semaphore, #tpu.memory_space<semaphore_mem>>) src(%dma_wait3A_230 : memref<40x128xi32, #tpu.memory_space<hbm>>) dst(%dma_wait3A_228 : memref<40x128xi32, #tpu.memory_space<vmem>>)
      %dma_start3A_231 = arith.constant 0 : i32
      %dma_start3A_232 = arith.constant 0 : i32
      %dma_start3A_233 = arith.constant 0 : i32
      %dma_start3A_234 = arith.constant 0 : i32
      %dma_start3A_235 = arith.constant 0 : i32
      %dma_start3A_236 = tpu.memref_slice %arg11[%dma_start3A_232, %dma_start3A_234, %dma_start3A_235] : memref<2x80x128xf32, #tpu.memory_space<vmem>> -> memref<1x80x128xf32, #tpu.memory_space<vmem>>
      %dma_start3A_237 = tpu.memref_squeeze %dma_start3A_236 : memref<1x80x128xf32, #tpu.memory_space<vmem>> -> memref<80x128xf32, #tpu.memory_space<vmem>>
      %dma_start3A_238 = arith.constant 0 : i32
      %dma_start3A_239 = tpu.memref_slice %arg8[%dma_start3A_231, %dma_start3A_238] : memref<2x80xi32, #tpu.memory_space<vmem>> -> memref<1x80xi32, #tpu.memory_space<vmem>>
      %dma_start3A_240 = tpu.memref_squeeze %dma_start3A_239 : memref<1x80xi32, #tpu.memory_space<vmem>> -> memref<80xi32, #tpu.memory_space<vmem>>
      %dma_start3A_241 = arith.constant 0 : i32
      %dma_start3A_242 = arith.constant 0 : i32
      %dma_start3A_243 = tpu.memref_slice %arg2[%dma_start3A_241, %dma_start3A_242] : memref<10000x128xf32, #tpu.memory_space<hbm>> -> memref<10000x128xf32, #tpu.memory_space<hbm>>
      %dma_start3A_244 = tpu.memref_slice %arg14[%dma_start3A_233] : memref<2x!tpu.dma_semaphore, #tpu.memory_space<semaphore_mem>> -> memref<1x!tpu.dma_semaphore, #tpu.memory_space<semaphore_mem>>
      %dma_start3A_245 = tpu.memref_squeeze %dma_start3A_244 : memref<1x!tpu.dma_semaphore, #tpu.memory_space<semaphore_mem>> -> memref<!tpu.dma_semaphore, #tpu.memory_space<semaphore_mem>>
      tpu.enqueue_indirect_dma source(%dma_start3A_243 : memref<10000x128xf32, #tpu.memory_space<hbm>>) target(%dma_start3A_237 : memref<80x128xf32, #tpu.memory_space<vmem>>) offsets(%dma_start3A_240 : memref<80xi32, #tpu.memory_space<vmem>>) semaphore(%dma_start3A_245 : memref<!tpu.dma_semaphore, #tpu.memory_space<semaphore_mem>>)
      %gt3A = arith.constant 0 : i32
      %gt3A_246 = arith.cmpi sgt, %scan3A_181, %gt3A : i32
      %convert_element_type3A = arith.extui %gt3A_246 : i1 to i32
      %cond3A = arith.constant 0 : i32
      %cond3A_247 = arith.cmpi ne, %convert_element_type3A, %cond3A : i32
      scf.if %cond3A_247 {
        %dma_wait3A_497 = arith.constant 1 : i32
        %dma_wait3A_498 = arith.constant 1 : i32
        %dma_wait3A_499 = arith.constant 1 : i32
        %dma_wait3A_500 = arith.constant 0 : i32
        %dma_wait3A_501 = arith.constant 0 : i32
        %dma_wait3A_502 = tpu.memref_slice %arg11[%dma_wait3A_497, %dma_wait3A_500, %dma_wait3A_501] : memref<2x80x128xf32, #tpu.memory_space<vmem>> -> memref<1x80x128xf32, #tpu.memory_space<vmem>>
        %dma_wait3A_503 = tpu.memref_squeeze %dma_wait3A_502 : memref<1x80x128xf32, #tpu.memory_space<vmem>> -> memref<80x128xf32, #tpu.memory_space<vmem>>
        %dma_wait3A_504 = arith.constant 0 : i32
        %dma_wait3A_505 = tpu.memref_slice %arg9[%dma_wait3A_498, %dma_wait3A_504] : memref<2x80xi32, #tpu.memory_space<vmem>> -> memref<1x80xi32, #tpu.memory_space<vmem>>
        %dma_wait3A_506 = tpu.memref_squeeze %dma_wait3A_505 : memref<1x80xi32, #tpu.memory_space<vmem>> -> memref<80xi32, #tpu.memory_space<vmem>>
        %dma_wait3A_507 = arith.constant 0 : i32
        %dma_wait3A_508 = arith.constant 0 : i32
        %dma_wait3A_509 = tpu.memref_slice %arg12[%dma_wait3A_507, %dma_wait3A_508] : memref<10112x128xf32, #tpu.memory_space<vmem_shared>> -> memref<10112x128xf32, #tpu.memory_space<vmem_shared>>
        %dma_wait3A_510 = tpu.memref_slice %arg15[%dma_wait3A_499] : memref<2x!tpu.dma_semaphore, #tpu.memory_space<semaphore_mem>> -> memref<1x!tpu.dma_semaphore, #tpu.memory_space<semaphore_mem>>
        %dma_wait3A_511 = tpu.memref_squeeze %dma_wait3A_510 : memref<1x!tpu.dma_semaphore, #tpu.memory_space<semaphore_mem>> -> memref<!tpu.dma_semaphore, #tpu.memory_space<semaphore_mem>>
        tpu.wait_indirect_dma semaphore(%dma_wait3A_511 : memref<!tpu.dma_semaphore, #tpu.memory_space<semaphore_mem>>) src(%dma_wait3A_503 : memref<80x128xf32, #tpu.memory_space<vmem>>) dst(%dma_wait3A_509 : memref<10112x128xf32, #tpu.memory_space<vmem_shared>>)
      } else {
      }
      %add3A_248 = arith.constant 1 : i32
      %add3A_249 = arith.addi %mul3A_183, %add3A_248 : i32
      %mul3A_250 = arith.constant 80 : i32
      %mul3A_251 = arith.muli %add3A_249, %mul3A_250 : i32
      %add3A_252 = arith.addi %mul3A_4, %mul3A_251 : i32
      %mul3A_253 = arith.constant 40 : i32
      %mul3A_254 = arith.muli %add3A_249, %mul3A_253 : i32
      %add3A_255 = arith.addi %mul3A_6, %mul3A_254 : i32
      %multiple_of3A_256 = tpu.assume_multiple %add3A_255, 8 : i32
      %dma_start3A_257 = arith.constant 1 : i32
      %dma_start3A_258 = arith.constant 1 : i32
      %dma_start3A_259 = arith.constant 0 : i32
      %dma_start3A_260 = tpu.memref_slice %arg8[%dma_start3A_257, %dma_start3A_259] : memref<2x80xi32, #tpu.memory_space<vmem>> -> memref<1x80xi32, #tpu.memory_space<vmem>>
      %dma_start3A_261 = tpu.memref_squeeze %dma_start3A_260 : memref<1x80xi32, #tpu.memory_space<vmem>> -> memref<80xi32, #tpu.memory_space<vmem>>
      %dma_start3A_262 = tpu.memref_slice %arg4[%add3A_252] : memref<320000xi32, #tpu.memory_space<hbm>> -> memref<80xi32, #tpu.memory_space<hbm>>
      %dma_start3A_263 = tpu.memref_slice %arg13[%dma_start3A_258] : memref<2x!tpu.dma_semaphore, #tpu.memory_space<semaphore_mem>> -> memref<1x!tpu.dma_semaphore, #tpu.memory_space<semaphore_mem>>
      %dma_start3A_264 = tpu.memref_squeeze %dma_start3A_263 : memref<1x!tpu.dma_semaphore, #tpu.memory_space<semaphore_mem>> -> memref<!tpu.dma_semaphore, #tpu.memory_space<semaphore_mem>>
      %dma_start3A_265 = arith.constant 0 : i32
      %dma_start3A_266 = tpu.memref_slice %arg8[%dma_start3A_257, %dma_start3A_265] : memref<2x80xi32, #tpu.memory_space<vmem>> -> memref<1x80xi32, #tpu.memory_space<vmem>>
      %dma_start3A_267 = tpu.memref_squeeze %dma_start3A_266 : memref<1x80xi32, #tpu.memory_space<vmem>> -> memref<80xi32, #tpu.memory_space<vmem>>
      %dma_start3A_268 = tpu.memref_slice %arg4[%add3A_252] : memref<320000xi32, #tpu.memory_space<hbm>> -> memref<80xi32, #tpu.memory_space<hbm>>
      tpu.enqueue_dma source(%dma_start3A_268 : memref<80xi32, #tpu.memory_space<hbm>>) target(%dma_start3A_267 : memref<80xi32, #tpu.memory_space<vmem>>) target_semaphore(%dma_start3A_264 : memref<!tpu.dma_semaphore, #tpu.memory_space<semaphore_mem>>)
      %dma_start3A_269 = arith.constant 1 : i32
      %dma_start3A_270 = arith.constant 1 : i32
      %dma_start3A_271 = arith.constant 0 : i32
      %dma_start3A_272 = tpu.memref_slice %arg9[%dma_start3A_269, %dma_start3A_271] : memref<2x80xi32, #tpu.memory_space<vmem>> -> memref<1x80xi32, #tpu.memory_space<vmem>>
      %dma_start3A_273 = tpu.memref_squeeze %dma_start3A_272 : memref<1x80xi32, #tpu.memory_space<vmem>> -> memref<80xi32, #tpu.memory_space<vmem>>
      %dma_start3A_274 = tpu.memref_slice %arg5[%add3A_252] : memref<320000xi32, #tpu.memory_space<hbm>> -> memref<80xi32, #tpu.memory_space<hbm>>
      %dma_start3A_275 = tpu.memref_slice %arg13[%dma_start3A_270] : memref<2x!tpu.dma_semaphore, #tpu.memory_space<semaphore_mem>> -> memref<1x!tpu.dma_semaphore, #tpu.memory_space<semaphore_mem>>
      %dma_start3A_276 = tpu.memref_squeeze %dma_start3A_275 : memref<1x!tpu.dma_semaphore, #tpu.memory_space<semaphore_mem>> -> memref<!tpu.dma_semaphore, #tpu.memory_space<semaphore_mem>>
      %dma_start3A_277 = arith.constant 0 : i32
      %dma_start3A_278 = tpu.memref_slice %arg9[%dma_start3A_269, %dma_start3A_277] : memref<2x80xi32, #tpu.memory_space<vmem>> -> memref<1x80xi32, #tpu.memory_space<vmem>>
      %dma_start3A_279 = tpu.memref_squeeze %dma_start3A_278 : memref<1x80xi32, #tpu.memory_space<vmem>> -> memref<80xi32, #tpu.memory_space<vmem>>
      %dma_start3A_280 = tpu.memref_slice %arg5[%add3A_252] : memref<320000xi32, #tpu.memory_space<hbm>> -> memref<80xi32, #tpu.memory_space<hbm>>
      tpu.enqueue_dma source(%dma_start3A_280 : memref<80xi32, #tpu.memory_space<hbm>>) target(%dma_start3A_279 : memref<80xi32, #tpu.memory_space<vmem>>) target_semaphore(%dma_start3A_276 : memref<!tpu.dma_semaphore, #tpu.memory_space<semaphore_mem>>)
      %dma_start3A_281 = arith.constant 1 : i32
      %dma_start3A_282 = arith.constant 1 : i32
      %dma_start3A_283 = arith.constant 0 : i32
      %dma_start3A_284 = arith.constant 0 : i32
      %dma_start3A_285 = tpu.memref_slice %arg10[%dma_start3A_281, %dma_start3A_283, %dma_start3A_284] : memref<2x40x128xi32, #tpu.memory_space<vmem>> -> memref<1x40x128xi32, #tpu.memory_space<vmem>>
      %dma_start3A_286 = tpu.memref_squeeze %dma_start3A_285 : memref<1x40x128xi32, #tpu.memory_space<vmem>> -> memref<40x128xi32, #tpu.memory_space<vmem>>
      %dma_start3A_287 = arith.constant 0 : i32
      %dma_start3A_288 = tpu.memref_slice %arg3[%multiple_of3A_256, %dma_start3A_287] : memref<160000x128xi32, #tpu.memory_space<hbm>> -> memref<40x128xi32, #tpu.memory_space<hbm>>
      %dma_start3A_289 = tpu.memref_slice %arg13[%dma_start3A_282] : memref<2x!tpu.dma_semaphore, #tpu.memory_space<semaphore_mem>> -> memref<1x!tpu.dma_semaphore, #tpu.memory_space<semaphore_mem>>
      %dma_start3A_290 = tpu.memref_squeeze %dma_start3A_289 : memref<1x!tpu.dma_semaphore, #tpu.memory_space<semaphore_mem>> -> memref<!tpu.dma_semaphore, #tpu.memory_space<semaphore_mem>>
      %dma_start3A_291 = arith.constant 0 : i32
      %dma_start3A_292 = arith.constant 0 : i32
      %dma_start3A_293 = tpu.memref_slice %arg10[%dma_start3A_281, %dma_start3A_291, %dma_start3A_292] : memref<2x40x128xi32, #tpu.memory_space<vmem>> -> memref<1x40x128xi32, #tpu.memory_space<vmem>>
      %dma_start3A_294 = tpu.memref_squeeze %dma_start3A_293 : memref<1x40x128xi32, #tpu.memory_space<vmem>> -> memref<40x128xi32, #tpu.memory_space<vmem>>
      %dma_start3A_295 = arith.constant 0 : i32
      %dma_start3A_296 = tpu.memref_slice %arg3[%multiple_of3A_256, %dma_start3A_295] : memref<160000x128xi32, #tpu.memory_space<hbm>> -> memref<40x128xi32, #tpu.memory_space<hbm>>
      tpu.enqueue_dma source(%dma_start3A_296 : memref<40x128xi32, #tpu.memory_space<hbm>>) target(%dma_start3A_294 : memref<40x128xi32, #tpu.memory_space<vmem>>) target_semaphore(%dma_start3A_290 : memref<!tpu.dma_semaphore, #tpu.memory_space<semaphore_mem>>)
      %dma_wait3A_297 = arith.constant 0 : i32
      %dma_wait3A_298 = arith.constant 0 : i32
      %dma_wait3A_299 = arith.constant 0 : i32
      %dma_wait3A_300 = arith.constant 0 : i32
      %dma_wait3A_301 = arith.constant 0 : i32
      %dma_wait3A_302 = tpu.memref_slice %arg11[%dma_wait3A_298, %dma_wait3A_300, %dma_wait3A_301] : memref<2x80x128xf32, #tpu.memory_space<vmem>> -> memref<1x80x128xf32, #tpu.memory_space<vmem>>
      %dma_wait3A_303 = tpu.memref_squeeze %dma_wait3A_302 : memref<1x80x128xf32, #tpu.memory_space<vmem>> -> memref<80x128xf32, #tpu.memory_space<vmem>>
      %dma_wait3A_304 = arith.constant 0 : i32
      %dma_wait3A_305 = tpu.memref_slice %arg8[%dma_wait3A_297, %dma_wait3A_304] : memref<2x80xi32, #tpu.memory_space<vmem>> -> memref<1x80xi32, #tpu.memory_space<vmem>>
      %dma_wait3A_306 = tpu.memref_squeeze %dma_wait3A_305 : memref<1x80xi32, #tpu.memory_space<vmem>> -> memref<80xi32, #tpu.memory_space<vmem>>
      %dma_wait3A_307 = arith.constant 0 : i32
      %dma_wait3A_308 = arith.constant 0 : i32
      %dma_wait3A_309 = tpu.memref_slice %arg2[%dma_wait3A_307, %dma_wait3A_308] : memref<10000x128xf32, #tpu.memory_space<hbm>> -> memref<10000x128xf32, #tpu.memory_space<hbm>>
      %dma_wait3A_310 = tpu.memref_slice %arg14[%dma_wait3A_299] : memref<2x!tpu.dma_semaphore, #tpu.memory_space<semaphore_mem>> -> memref<1x!tpu.dma_semaphore, #tpu.memory_space<semaphore_mem>>
      %dma_wait3A_311 = tpu.memref_squeeze %dma_wait3A_310 : memref<1x!tpu.dma_semaphore, #tpu.memory_space<semaphore_mem>> -> memref<!tpu.dma_semaphore, #tpu.memory_space<semaphore_mem>>
      tpu.wait_indirect_dma semaphore(%dma_wait3A_311 : memref<!tpu.dma_semaphore, #tpu.memory_space<semaphore_mem>>) src(%dma_wait3A_309 : memref<10000x128xf32, #tpu.memory_space<hbm>>) dst(%dma_wait3A_303 : memref<80x128xf32, #tpu.memory_space<vmem>>)
      %scan3A_312 = arith.constant 0 : i32
      %scan3A_313 = arith.constant 0 : i32
      %scan3A_314 = arith.constant 40 : i32
      %scan3A_315 = arith.addi %scan3A_313, %scan3A_314 : i32
      %scan3A_316 = arith.constant 1 : i32
      scf.for %scan3A_497 = %scan3A_313 to %scan3A_315 step %scan3A_316  : i32 {
        %mul3A_498 = arith.constant 2 : i32
        %mul3A_499 = arith.muli %scan3A_497, %mul3A_498 : i32
        %get3A = arith.constant 0 : i32
        %get3A_500 = arith.index_cast %get3A : i32 to index
        %get3A_501 = arith.index_cast %scan3A_497 : i32 to index
        %get3A_502 = arith.constant 0 : index
        %get3A_503 = tpu.vector_load %arg10[%get3A_500, %get3A_501, %get3A_502] {strides = array<i32>} : memref<2x40x128xi32, #tpu.memory_space<vmem>>, vector<1x1x16xi32>,
        %get3A_504 = vector.shape_cast %get3A_503 : vector<1x1x16xi32> to vector<16xi32>
        %shift_left3A = arith.constant 16 : i32
        %shift_left3A_505 = vector.broadcast %shift_left3A : i32 to vector<16xi32>
        %shift_left3A_506 = arith.shli %get3A_504, %shift_left3A_505 : vector<16xi32>
        %bitcast_convert_type3A = tpu.bitcast %shift_left3A_506 : vector<16xi32> -> vector<16xf32>
        %and3A = arith.constant -65536 : i32
        %and3A_507 = vector.broadcast %and3A : i32 to vector<16xi32>
        %and3A_508 = arith.andi %get3A_504, %and3A_507 : vector<16xi32>
        %bitcast_convert_type3A_509 = tpu.bitcast %and3A_508 : vector<16xi32> -> vector<16xf32>
        %get3A_510 = arith.constant 0 : i32
        %get3A_511 = arith.index_cast %get3A_510 : i32 to index
        %get3A_512 = arith.index_cast %mul3A_499 : i32 to index
        %get3A_513 = arith.constant 0 : index
        %get3A_514 = tpu.vector_load %arg11[%get3A_511, %get3A_512, %get3A_513] {strides = array<i32>} : memref<2x80x128xf32, #tpu.memory_space<vmem>>, vector<1x1x16xf32>,
        %get3A_515 = vector.shape_cast %get3A_514 : vector<1x1x16xf32> to vector<16xf32>
        %add3A_516 = arith.addf %get3A_515, %bitcast_convert_type3A : vector<16xf32>
        %max3A = arith.constant 0.000000e+00 : f32
        %max3A_517 = vector.broadcast %max3A : f32 to vector<16xf32>
        %max3A_518 = arith.maximumf %add3A_516, %max3A_517 : vector<16xf32>
        %swap3A = arith.constant 0 : i32
        %swap3A_519 = arith.index_cast %swap3A : i32 to index
        %swap3A_520 = arith.index_cast %mul3A_499 : i32 to index
        %swap3A_521 = arith.constant 0 : index
        %swap3A_522 = tpu.vector_load %arg11[%swap3A_519, %swap3A_520, %swap3A_521] {strides = array<i32>} : memref<2x80x128xf32, #tpu.memory_space<vmem>>, vector<1x1x16xf32>,
        %swap3A_523 = vector.shape_cast %swap3A_522 : vector<1x1x16xf32> to vector<16xf32>
        %swap3A_524 = vector.shape_cast %max3A_518 : vector<16xf32> to vector<1x1x16xf32>
        tpu.vector_store %arg11[%swap3A_519, %swap3A_520, %swap3A_521], %swap3A_524 {strides = array<i32>} : memref<2x80x128xf32, #tpu.memory_space<vmem>>, vector<1x1x16xf32>,
        %add3A_525 = arith.constant 1 : i32
        %add3A_526 = arith.addi %mul3A_499, %add3A_525 : i32
        %get3A_527 = arith.constant 0 : i32
        %get3A_528 = arith.index_cast %get3A_527 : i32 to index
        %get3A_529 = arith.index_cast %add3A_526 : i32 to index
        %get3A_530 = arith.constant 0 : index
        %get3A_531 = tpu.vector_load %arg11[%get3A_528, %get3A_529, %get3A_530] {strides = array<i32>} : memref<2x80x128xf32, #tpu.memory_space<vmem>>, vector<1x1x16xf32>,
        %get3A_532 = vector.shape_cast %get3A_531 : vector<1x1x16xf32> to vector<16xf32>
        %add3A_533 = arith.addf %get3A_532, %bitcast_convert_type3A_509 : vector<16xf32>
        %max3A_534 = arith.constant 0.000000e+00 : f32
        %max3A_535 = vector.broadcast %max3A_534 : f32 to vector<16xf32>
        %max3A_536 = arith.maximumf %add3A_533, %max3A_535 : vector<16xf32>
        %add3A_537 = arith.constant 1 : i32
        %add3A_538 = arith.addi %mul3A_499, %add3A_537 : i32
        %swap3A_539 = arith.constant 0 : i32
        %swap3A_540 = arith.index_cast %swap3A_539 : i32 to index
        %swap3A_541 = arith.index_cast %add3A_538 : i32 to index
        %swap3A_542 = arith.constant 0 : index
        %swap3A_543 = tpu.vector_load %arg11[%swap3A_540, %swap3A_541, %swap3A_542] {strides = array<i32>} : memref<2x80x128xf32, #tpu.memory_space<vmem>>, vector<1x1x16xf32>,
        %swap3A_544 = vector.shape_cast %swap3A_543 : vector<1x1x16xf32> to vector<16xf32>
        %swap3A_545 = vector.shape_cast %max3A_536 : vector<16xf32> to vector<1x1x16xf32>
        tpu.vector_store %arg11[%swap3A_540, %swap3A_541, %swap3A_542], %swap3A_545 {strides = array<i32>} : memref<2x80x128xf32, #tpu.memory_space<vmem>>, vector<1x1x16xf32>,
        %get3A_546 = arith.constant 0 : i32
        %get3A_547 = arith.index_cast %get3A_546 : i32 to index
        %get3A_548 = arith.index_cast %scan3A_497 : i32 to index
        %get3A_549 = arith.constant 16 : index
        %get3A_550 = tpu.vector_load %arg10[%get3A_547, %get3A_548, %get3A_549] {strides = array<i32>} : memref<2x40x128xi32, #tpu.memory_space<vmem>>, vector<1x1x16xi32>,
        %get3A_551 = vector.shape_cast %get3A_550 : vector<1x1x16xi32> to vector<16xi32>
        %shift_left3A_552 = arith.constant 16 : i32
        %shift_left3A_553 = vector.broadcast %shift_left3A_552 : i32 to vector<16xi32>
        %shift_left3A_554 = arith.shli %get3A_551, %shift_left3A_553 : vector<16xi32>
        %bitcast_convert_type3A_555 = tpu.bitcast %shift_left3A_554 : vector<16xi32> -> vector<16xf32>
        %and3A_556 = arith.constant -65536 : i32
        %and3A_557 = vector.broadcast %and3A_556 : i32 to vector<16xi32>
        %and3A_558 = arith.andi %get3A_551, %and3A_557 : vector<16xi32>
        %bitcast_convert_type3A_559 = tpu.bitcast %and3A_558 : vector<16xi32> -> vector<16xf32>
        %get3A_560 = arith.constant 0 : i32
        %get3A_561 = arith.index_cast %get3A_560 : i32 to index
        %get3A_562 = arith.index_cast %mul3A_499 : i32 to index
        %get3A_563 = arith.constant 16 : index
        %get3A_564 = tpu.vector_load %arg11[%get3A_561, %get3A_562, %get3A_563] {strides = array<i32>} : memref<2x80x128xf32, #tpu.memory_space<vmem>>, vector<1x1x16xf32>,
        %get3A_565 = vector.shape_cast %get3A_564 : vector<1x1x16xf32> to vector<16xf32>
        %add3A_566 = arith.addf %get3A_565, %bitcast_convert_type3A_555 : vector<16xf32>
        %max3A_567 = arith.constant 0.000000e+00 : f32
        %max3A_568 = vector.broadcast %max3A_567 : f32 to vector<16xf32>
        %max3A_569 = arith.maximumf %add3A_566, %max3A_568 : vector<16xf32>
        %swap3A_570 = arith.constant 0 : i32
        %swap3A_571 = arith.index_cast %swap3A_570 : i32 to index
        %swap3A_572 = arith.index_cast %mul3A_499 : i32 to index
        %swap3A_573 = arith.constant 16 : index
        %swap3A_574 = tpu.vector_load %arg11[%swap3A_571, %swap3A_572, %swap3A_573] {strides = array<i32>} : memref<2x80x128xf32, #tpu.memory_space<vmem>>, vector<1x1x16xf32>,
        %swap3A_575 = vector.shape_cast %swap3A_574 : vector<1x1x16xf32> to vector<16xf32>
        %swap3A_576 = vector.shape_cast %max3A_569 : vector<16xf32> to vector<1x1x16xf32>
        tpu.vector_store %arg11[%swap3A_571, %swap3A_572, %swap3A_573], %swap3A_576 {strides = array<i32>} : memref<2x80x128xf32, #tpu.memory_space<vmem>>, vector<1x1x16xf32>,
        %add3A_577 = arith.constant 1 : i32
        %add3A_578 = arith.addi %mul3A_499, %add3A_577 : i32
        %get3A_579 = arith.constant 0 : i32
        %get3A_580 = arith.index_cast %get3A_579 : i32 to index
        %get3A_581 = arith.index_cast %add3A_578 : i32 to index
        %get3A_582 = arith.constant 16 : index
        %get3A_583 = tpu.vector_load %arg11[%get3A_580, %get3A_581, %get3A_582] {strides = array<i32>} : memref<2x80x128xf32, #tpu.memory_space<vmem>>, vector<1x1x16xf32>,
        %get3A_584 = vector.shape_cast %get3A_583 : vector<1x1x16xf32> to vector<16xf32>
        %add3A_585 = arith.addf %get3A_584, %bitcast_convert_type3A_559 : vector<16xf32>
        %max3A_586 = arith.constant 0.000000e+00 : f32
        %max3A_587 = vector.broadcast %max3A_586 : f32 to vector<16xf32>
        %max3A_588 = arith.maximumf %add3A_585, %max3A_587 : vector<16xf32>
        %add3A_589 = arith.constant 1 : i32
        %add3A_590 = arith.addi %mul3A_499, %add3A_589 : i32
        %swap3A_591 = arith.constant 0 : i32
        %swap3A_592 = arith.index_cast %swap3A_591 : i32 to index
        %swap3A_593 = arith.index_cast %add3A_590 : i32 to index
        %swap3A_594 = arith.constant 16 : index
        %swap3A_595 = tpu.vector_load %arg11[%swap3A_592, %swap3A_593, %swap3A_594] {strides = array<i32>} : memref<2x80x128xf32, #tpu.memory_space<vmem>>, vector<1x1x16xf32>,
        %swap3A_596 = vector.shape_cast %swap3A_595 : vector<1x1x16xf32> to vector<16xf32>
        %swap3A_597 = vector.shape_cast %max3A_588 : vector<16xf32> to vector<1x1x16xf32>
        tpu.vector_store %arg11[%swap3A_592, %swap3A_593, %swap3A_594], %swap3A_597 {strides = array<i32>} : memref<2x80x128xf32, #tpu.memory_space<vmem>>, vector<1x1x16xf32>,
        %get3A_598 = arith.constant 0 : i32
        %get3A_599 = arith.index_cast %get3A_598 : i32 to index
        %get3A_600 = arith.index_cast %scan3A_497 : i32 to index
        %get3A_601 = arith.constant 32 : index
        %get3A_602 = tpu.vector_load %arg10[%get3A_599, %get3A_600, %get3A_601] {strides = array<i32>} : memref<2x40x128xi32, #tpu.memory_space<vmem>>, vector<1x1x16xi32>,
        %get3A_603 = vector.shape_cast %get3A_602 : vector<1x1x16xi32> to vector<16xi32>
        %shift_left3A_604 = arith.constant 16 : i32
        %shift_left3A_605 = vector.broadcast %shift_left3A_604 : i32 to vector<16xi32>
        %shift_left3A_606 = arith.shli %get3A_603, %shift_left3A_605 : vector<16xi32>
        %bitcast_convert_type3A_607 = tpu.bitcast %shift_left3A_606 : vector<16xi32> -> vector<16xf32>
        %and3A_608 = arith.constant -65536 : i32
        %and3A_609 = vector.broadcast %and3A_608 : i32 to vector<16xi32>
        %and3A_610 = arith.andi %get3A_603, %and3A_609 : vector<16xi32>
        %bitcast_convert_type3A_611 = tpu.bitcast %and3A_610 : vector<16xi32> -> vector<16xf32>
        %get3A_612 = arith.constant 0 : i32
        %get3A_613 = arith.index_cast %get3A_612 : i32 to index
        %get3A_614 = arith.index_cast %mul3A_499 : i32 to index
        %get3A_615 = arith.constant 32 : index
        %get3A_616 = tpu.vector_load %arg11[%get3A_613, %get3A_614, %get3A_615] {strides = array<i32>} : memref<2x80x128xf32, #tpu.memory_space<vmem>>, vector<1x1x16xf32>,
        %get3A_617 = vector.shape_cast %get3A_616 : vector<1x1x16xf32> to vector<16xf32>
        %add3A_618 = arith.addf %get3A_617, %bitcast_convert_type3A_607 : vector<16xf32>
        %max3A_619 = arith.constant 0.000000e+00 : f32
        %max3A_620 = vector.broadcast %max3A_619 : f32 to vector<16xf32>
        %max3A_621 = arith.maximumf %add3A_618, %max3A_620 : vector<16xf32>
        %swap3A_622 = arith.constant 0 : i32
        %swap3A_623 = arith.index_cast %swap3A_622 : i32 to index
        %swap3A_624 = arith.index_cast %mul3A_499 : i32 to index
        %swap3A_625 = arith.constant 32 : index
        %swap3A_626 = tpu.vector_load %arg11[%swap3A_623, %swap3A_624, %swap3A_625] {strides = array<i32>} : memref<2x80x128xf32, #tpu.memory_space<vmem>>, vector<1x1x16xf32>,
        %swap3A_627 = vector.shape_cast %swap3A_626 : vector<1x1x16xf32> to vector<16xf32>
        %swap3A_628 = vector.shape_cast %max3A_621 : vector<16xf32> to vector<1x1x16xf32>
        tpu.vector_store %arg11[%swap3A_623, %swap3A_624, %swap3A_625], %swap3A_628 {strides = array<i32>} : memref<2x80x128xf32, #tpu.memory_space<vmem>>, vector<1x1x16xf32>,
        %add3A_629 = arith.constant 1 : i32
        %add3A_630 = arith.addi %mul3A_499, %add3A_629 : i32
        %get3A_631 = arith.constant 0 : i32
        %get3A_632 = arith.index_cast %get3A_631 : i32 to index
        %get3A_633 = arith.index_cast %add3A_630 : i32 to index
        %get3A_634 = arith.constant 32 : index
        %get3A_635 = tpu.vector_load %arg11[%get3A_632, %get3A_633, %get3A_634] {strides = array<i32>} : memref<2x80x128xf32, #tpu.memory_space<vmem>>, vector<1x1x16xf32>,
        %get3A_636 = vector.shape_cast %get3A_635 : vector<1x1x16xf32> to vector<16xf32>
        %add3A_637 = arith.addf %get3A_636, %bitcast_convert_type3A_611 : vector<16xf32>
        %max3A_638 = arith.constant 0.000000e+00 : f32
        %max3A_639 = vector.broadcast %max3A_638 : f32 to vector<16xf32>
        %max3A_640 = arith.maximumf %add3A_637, %max3A_639 : vector<16xf32>
        %add3A_641 = arith.constant 1 : i32
        %add3A_642 = arith.addi %mul3A_499, %add3A_641 : i32
        %swap3A_643 = arith.constant 0 : i32
        %swap3A_644 = arith.index_cast %swap3A_643 : i32 to index
        %swap3A_645 = arith.index_cast %add3A_642 : i32 to index
        %swap3A_646 = arith.constant 32 : index
        %swap3A_647 = tpu.vector_load %arg11[%swap3A_644, %swap3A_645, %swap3A_646] {strides = array<i32>} : memref<2x80x128xf32, #tpu.memory_space<vmem>>, vector<1x1x16xf32>,
        %swap3A_648 = vector.shape_cast %swap3A_647 : vector<1x1x16xf32> to vector<16xf32>
        %swap3A_649 = vector.shape_cast %max3A_640 : vector<16xf32> to vector<1x1x16xf32>
        tpu.vector_store %arg11[%swap3A_644, %swap3A_645, %swap3A_646], %swap3A_649 {strides = array<i32>} : memref<2x80x128xf32, #tpu.memory_space<vmem>>, vector<1x1x16xf32>,
        %get3A_650 = arith.constant 0 : i32
        %get3A_651 = arith.index_cast %get3A_650 : i32 to index
        %get3A_652 = arith.index_cast %scan3A_497 : i32 to index
        %get3A_653 = arith.constant 48 : index
        %get3A_654 = tpu.vector_load %arg10[%get3A_651, %get3A_652, %get3A_653] {strides = array<i32>} : memref<2x40x128xi32, #tpu.memory_space<vmem>>, vector<1x1x16xi32>,
        %get3A_655 = vector.shape_cast %get3A_654 : vector<1x1x16xi32> to vector<16xi32>
        %shift_left3A_656 = arith.constant 16 : i32
        %shift_left3A_657 = vector.broadcast %shift_left3A_656 : i32 to vector<16xi32>
        %shift_left3A_658 = arith.shli %get3A_655, %shift_left3A_657 : vector<16xi32>
        %bitcast_convert_type3A_659 = tpu.bitcast %shift_left3A_658 : vector<16xi32> -> vector<16xf32>
        %and3A_660 = arith.constant -65536 : i32
        %and3A_661 = vector.broadcast %and3A_660 : i32 to vector<16xi32>
        %and3A_662 = arith.andi %get3A_655, %and3A_661 : vector<16xi32>
        %bitcast_convert_type3A_663 = tpu.bitcast %and3A_662 : vector<16xi32> -> vector<16xf32>
        %get3A_664 = arith.constant 0 : i32
        %get3A_665 = arith.index_cast %get3A_664 : i32 to index
        %get3A_666 = arith.index_cast %mul3A_499 : i32 to index
        %get3A_667 = arith.constant 48 : index
        %get3A_668 = tpu.vector_load %arg11[%get3A_665, %get3A_666, %get3A_667] {strides = array<i32>} : memref<2x80x128xf32, #tpu.memory_space<vmem>>, vector<1x1x16xf32>,
        %get3A_669 = vector.shape_cast %get3A_668 : vector<1x1x16xf32> to vector<16xf32>
        %add3A_670 = arith.addf %get3A_669, %bitcast_convert_type3A_659 : vector<16xf32>
        %max3A_671 = arith.constant 0.000000e+00 : f32
        %max3A_672 = vector.broadcast %max3A_671 : f32 to vector<16xf32>
        %max3A_673 = arith.maximumf %add3A_670, %max3A_672 : vector<16xf32>
        %swap3A_674 = arith.constant 0 : i32
        %swap3A_675 = arith.index_cast %swap3A_674 : i32 to index
        %swap3A_676 = arith.index_cast %mul3A_499 : i32 to index
        %swap3A_677 = arith.constant 48 : index
        %swap3A_678 = tpu.vector_load %arg11[%swap3A_675, %swap3A_676, %swap3A_677] {strides = array<i32>} : memref<2x80x128xf32, #tpu.memory_space<vmem>>, vector<1x1x16xf32>,
        %swap3A_679 = vector.shape_cast %swap3A_678 : vector<1x1x16xf32> to vector<16xf32>
        %swap3A_680 = vector.shape_cast %max3A_673 : vector<16xf32> to vector<1x1x16xf32>
        tpu.vector_store %arg11[%swap3A_675, %swap3A_676, %swap3A_677], %swap3A_680 {strides = array<i32>} : memref<2x80x128xf32, #tpu.memory_space<vmem>>, vector<1x1x16xf32>,
        %add3A_681 = arith.constant 1 : i32
        %add3A_682 = arith.addi %mul3A_499, %add3A_681 : i32
        %get3A_683 = arith.constant 0 : i32
        %get3A_684 = arith.index_cast %get3A_683 : i32 to index
        %get3A_685 = arith.index_cast %add3A_682 : i32 to index
        %get3A_686 = arith.constant 48 : index
        %get3A_687 = tpu.vector_load %arg11[%get3A_684, %get3A_685, %get3A_686] {strides = array<i32>} : memref<2x80x128xf32, #tpu.memory_space<vmem>>, vector<1x1x16xf32>,
        %get3A_688 = vector.shape_cast %get3A_687 : vector<1x1x16xf32> to vector<16xf32>
        %add3A_689 = arith.addf %get3A_688, %bitcast_convert_type3A_663 : vector<16xf32>
        %max3A_690 = arith.constant 0.000000e+00 : f32
        %max3A_691 = vector.broadcast %max3A_690 : f32 to vector<16xf32>
        %max3A_692 = arith.maximumf %add3A_689, %max3A_691 : vector<16xf32>
        %add3A_693 = arith.constant 1 : i32
        %add3A_694 = arith.addi %mul3A_499, %add3A_693 : i32
        %swap3A_695 = arith.constant 0 : i32
        %swap3A_696 = arith.index_cast %swap3A_695 : i32 to index
        %swap3A_697 = arith.index_cast %add3A_694 : i32 to index
        %swap3A_698 = arith.constant 48 : index
        %swap3A_699 = tpu.vector_load %arg11[%swap3A_696, %swap3A_697, %swap3A_698] {strides = array<i32>} : memref<2x80x128xf32, #tpu.memory_space<vmem>>, vector<1x1x16xf32>,
        %swap3A_700 = vector.shape_cast %swap3A_699 : vector<1x1x16xf32> to vector<16xf32>
        %swap3A_701 = vector.shape_cast %max3A_692 : vector<16xf32> to vector<1x1x16xf32>
        tpu.vector_store %arg11[%swap3A_696, %swap3A_697, %swap3A_698], %swap3A_701 {strides = array<i32>} : memref<2x80x128xf32, #tpu.memory_space<vmem>>, vector<1x1x16xf32>,
        %get3A_702 = arith.constant 0 : i32
        %get3A_703 = arith.index_cast %get3A_702 : i32 to index
        %get3A_704 = arith.index_cast %scan3A_497 : i32 to index
        %get3A_705 = arith.constant 64 : index
        %get3A_706 = tpu.vector_load %arg10[%get3A_703, %get3A_704, %get3A_705] {strides = array<i32>} : memref<2x40x128xi32, #tpu.memory_space<vmem>>, vector<1x1x16xi32>,
        %get3A_707 = vector.shape_cast %get3A_706 : vector<1x1x16xi32> to vector<16xi32>
        %shift_left3A_708 = arith.constant 16 : i32
        %shift_left3A_709 = vector.broadcast %shift_left3A_708 : i32 to vector<16xi32>
        %shift_left3A_710 = arith.shli %get3A_707, %shift_left3A_709 : vector<16xi32>
        %bitcast_convert_type3A_711 = tpu.bitcast %shift_left3A_710 : vector<16xi32> -> vector<16xf32>
        %and3A_712 = arith.constant -65536 : i32
        %and3A_713 = vector.broadcast %and3A_712 : i32 to vector<16xi32>
        %and3A_714 = arith.andi %get3A_707, %and3A_713 : vector<16xi32>
        %bitcast_convert_type3A_715 = tpu.bitcast %and3A_714 : vector<16xi32> -> vector<16xf32>
        %get3A_716 = arith.constant 0 : i32
        %get3A_717 = arith.index_cast %get3A_716 : i32 to index
        %get3A_718 = arith.index_cast %mul3A_499 : i32 to index
        %get3A_719 = arith.constant 64 : index
        %get3A_720 = tpu.vector_load %arg11[%get3A_717, %get3A_718, %get3A_719] {strides = array<i32>} : memref<2x80x128xf32, #tpu.memory_space<vmem>>, vector<1x1x16xf32>,
        %get3A_721 = vector.shape_cast %get3A_720 : vector<1x1x16xf32> to vector<16xf32>
        %add3A_722 = arith.addf %get3A_721, %bitcast_convert_type3A_711 : vector<16xf32>
        %max3A_723 = arith.constant 0.000000e+00 : f32
        %max3A_724 = vector.broadcast %max3A_723 : f32 to vector<16xf32>
        %max3A_725 = arith.maximumf %add3A_722, %max3A_724 : vector<16xf32>
        %swap3A_726 = arith.constant 0 : i32
        %swap3A_727 = arith.index_cast %swap3A_726 : i32 to index
        %swap3A_728 = arith.index_cast %mul3A_499 : i32 to index
        %swap3A_729 = arith.constant 64 : index
        %swap3A_730 = tpu.vector_load %arg11[%swap3A_727, %swap3A_728, %swap3A_729] {strides = array<i32>} : memref<2x80x128xf32, #tpu.memory_space<vmem>>, vector<1x1x16xf32>,
        %swap3A_731 = vector.shape_cast %swap3A_730 : vector<1x1x16xf32> to vector<16xf32>
        %swap3A_732 = vector.shape_cast %max3A_725 : vector<16xf32> to vector<1x1x16xf32>
        tpu.vector_store %arg11[%swap3A_727, %swap3A_728, %swap3A_729], %swap3A_732 {strides = array<i32>} : memref<2x80x128xf32, #tpu.memory_space<vmem>>, vector<1x1x16xf32>,
        %add3A_733 = arith.constant 1 : i32
        %add3A_734 = arith.addi %mul3A_499, %add3A_733 : i32
        %get3A_735 = arith.constant 0 : i32
        %get3A_736 = arith.index_cast %get3A_735 : i32 to index
        %get3A_737 = arith.index_cast %add3A_734 : i32 to index
        %get3A_738 = arith.constant 64 : index
        %get3A_739 = tpu.vector_load %arg11[%get3A_736, %get3A_737, %get3A_738] {strides = array<i32>} : memref<2x80x128xf32, #tpu.memory_space<vmem>>, vector<1x1x16xf32>,
        %get3A_740 = vector.shape_cast %get3A_739 : vector<1x1x16xf32> to vector<16xf32>
        %add3A_741 = arith.addf %get3A_740, %bitcast_convert_type3A_715 : vector<16xf32>
        %max3A_742 = arith.constant 0.000000e+00 : f32
        %max3A_743 = vector.broadcast %max3A_742 : f32 to vector<16xf32>
        %max3A_744 = arith.maximumf %add3A_741, %max3A_743 : vector<16xf32>
        %add3A_745 = arith.constant 1 : i32
        %add3A_746 = arith.addi %mul3A_499, %add3A_745 : i32
        %swap3A_747 = arith.constant 0 : i32
        %swap3A_748 = arith.index_cast %swap3A_747 : i32 to index
        %swap3A_749 = arith.index_cast %add3A_746 : i32 to index
        %swap3A_750 = arith.constant 64 : index
        %swap3A_751 = tpu.vector_load %arg11[%swap3A_748, %swap3A_749, %swap3A_750] {strides = array<i32>} : memref<2x80x128xf32, #tpu.memory_space<vmem>>, vector<1x1x16xf32>,
        %swap3A_752 = vector.shape_cast %swap3A_751 : vector<1x1x16xf32> to vector<16xf32>
        %swap3A_753 = vector.shape_cast %max3A_744 : vector<16xf32> to vector<1x1x16xf32>
        tpu.vector_store %arg11[%swap3A_748, %swap3A_749, %swap3A_750], %swap3A_753 {strides = array<i32>} : memref<2x80x128xf32, #tpu.memory_space<vmem>>, vector<1x1x16xf32>,
        %get3A_754 = arith.constant 0 : i32
        %get3A_755 = arith.index_cast %get3A_754 : i32 to index
        %get3A_756 = arith.index_cast %scan3A_497 : i32 to index
        %get3A_757 = arith.constant 80 : index
        %get3A_758 = tpu.vector_load %arg10[%get3A_755, %get3A_756, %get3A_757] {strides = array<i32>} : memref<2x40x128xi32, #tpu.memory_space<vmem>>, vector<1x1x16xi32>,
        %get3A_759 = vector.shape_cast %get3A_758 : vector<1x1x16xi32> to vector<16xi32>
        %shift_left3A_760 = arith.constant 16 : i32
        %shift_left3A_761 = vector.broadcast %shift_left3A_760 : i32 to vector<16xi32>
        %shift_left3A_762 = arith.shli %get3A_759, %shift_left3A_761 : vector<16xi32>
        %bitcast_convert_type3A_763 = tpu.bitcast %shift_left3A_762 : vector<16xi32> -> vector<16xf32>
        %and3A_764 = arith.constant -65536 : i32
        %and3A_765 = vector.broadcast %and3A_764 : i32 to vector<16xi32>
        %and3A_766 = arith.andi %get3A_759, %and3A_765 : vector<16xi32>
        %bitcast_convert_type3A_767 = tpu.bitcast %and3A_766 : vector<16xi32> -> vector<16xf32>
        %get3A_768 = arith.constant 0 : i32
        %get3A_769 = arith.index_cast %get3A_768 : i32 to index
        %get3A_770 = arith.index_cast %mul3A_499 : i32 to index
        %get3A_771 = arith.constant 80 : index
        %get3A_772 = tpu.vector_load %arg11[%get3A_769, %get3A_770, %get3A_771] {strides = array<i32>} : memref<2x80x128xf32, #tpu.memory_space<vmem>>, vector<1x1x16xf32>,
        %get3A_773 = vector.shape_cast %get3A_772 : vector<1x1x16xf32> to vector<16xf32>
        %add3A_774 = arith.addf %get3A_773, %bitcast_convert_type3A_763 : vector<16xf32>
        %max3A_775 = arith.constant 0.000000e+00 : f32
        %max3A_776 = vector.broadcast %max3A_775 : f32 to vector<16xf32>
        %max3A_777 = arith.maximumf %add3A_774, %max3A_776 : vector<16xf32>
        %swap3A_778 = arith.constant 0 : i32
        %swap3A_779 = arith.index_cast %swap3A_778 : i32 to index
        %swap3A_780 = arith.index_cast %mul3A_499 : i32 to index
        %swap3A_781 = arith.constant 80 : index
        %swap3A_782 = tpu.vector_load %arg11[%swap3A_779, %swap3A_780, %swap3A_781] {strides = array<i32>} : memref<2x80x128xf32, #tpu.memory_space<vmem>>, vector<1x1x16xf32>,
        %swap3A_783 = vector.shape_cast %swap3A_782 : vector<1x1x16xf32> to vector<16xf32>
        %swap3A_784 = vector.shape_cast %max3A_777 : vector<16xf32> to vector<1x1x16xf32>
        tpu.vector_store %arg11[%swap3A_779, %swap3A_780, %swap3A_781], %swap3A_784 {strides = array<i32>} : memref<2x80x128xf32, #tpu.memory_space<vmem>>, vector<1x1x16xf32>,
        %add3A_785 = arith.constant 1 : i32
        %add3A_786 = arith.addi %mul3A_499, %add3A_785 : i32
        %get3A_787 = arith.constant 0 : i32
        %get3A_788 = arith.index_cast %get3A_787 : i32 to index
        %get3A_789 = arith.index_cast %add3A_786 : i32 to index
        %get3A_790 = arith.constant 80 : index
        %get3A_791 = tpu.vector_load %arg11[%get3A_788, %get3A_789, %get3A_790] {strides = array<i32>} : memref<2x80x128xf32, #tpu.memory_space<vmem>>, vector<1x1x16xf32>,
        %get3A_792 = vector.shape_cast %get3A_791 : vector<1x1x16xf32> to vector<16xf32>
        %add3A_793 = arith.addf %get3A_792, %bitcast_convert_type3A_767 : vector<16xf32>
        %max3A_794 = arith.constant 0.000000e+00 : f32
        %max3A_795 = vector.broadcast %max3A_794 : f32 to vector<16xf32>
        %max3A_796 = arith.maximumf %add3A_793, %max3A_795 : vector<16xf32>
        %add3A_797 = arith.constant 1 : i32
        %add3A_798 = arith.addi %mul3A_499, %add3A_797 : i32
        %swap3A_799 = arith.constant 0 : i32
        %swap3A_800 = arith.index_cast %swap3A_799 : i32 to index
        %swap3A_801 = arith.index_cast %add3A_798 : i32 to index
        %swap3A_802 = arith.constant 80 : index
        %swap3A_803 = tpu.vector_load %arg11[%swap3A_800, %swap3A_801, %swap3A_802] {strides = array<i32>} : memref<2x80x128xf32, #tpu.memory_space<vmem>>, vector<1x1x16xf32>,
        %swap3A_804 = vector.shape_cast %swap3A_803 : vector<1x1x16xf32> to vector<16xf32>
        %swap3A_805 = vector.shape_cast %max3A_796 : vector<16xf32> to vector<1x1x16xf32>
        tpu.vector_store %arg11[%swap3A_800, %swap3A_801, %swap3A_802], %swap3A_805 {strides = array<i32>} : memref<2x80x128xf32, #tpu.memory_space<vmem>>, vector<1x1x16xf32>,
        %get3A_806 = arith.constant 0 : i32
        %get3A_807 = arith.index_cast %get3A_806 : i32 to index
        %get3A_808 = arith.index_cast %scan3A_497 : i32 to index
        %get3A_809 = arith.constant 96 : index
        %get3A_810 = tpu.vector_load %arg10[%get3A_807, %get3A_808, %get3A_809] {strides = array<i32>} : memref<2x40x128xi32, #tpu.memory_space<vmem>>, vector<1x1x16xi32>,
        %get3A_811 = vector.shape_cast %get3A_810 : vector<1x1x16xi32> to vector<16xi32>
        %shift_left3A_812 = arith.constant 16 : i32
        %shift_left3A_813 = vector.broadcast %shift_left3A_812 : i32 to vector<16xi32>
        %shift_left3A_814 = arith.shli %get3A_811, %shift_left3A_813 : vector<16xi32>
        %bitcast_convert_type3A_815 = tpu.bitcast %shift_left3A_814 : vector<16xi32> -> vector<16xf32>
        %and3A_816 = arith.constant -65536 : i32
        %and3A_817 = vector.broadcast %and3A_816 : i32 to vector<16xi32>
        %and3A_818 = arith.andi %get3A_811, %and3A_817 : vector<16xi32>
        %bitcast_convert_type3A_819 = tpu.bitcast %and3A_818 : vector<16xi32> -> vector<16xf32>
        %get3A_820 = arith.constant 0 : i32
        %get3A_821 = arith.index_cast %get3A_820 : i32 to index
        %get3A_822 = arith.index_cast %mul3A_499 : i32 to index
        %get3A_823 = arith.constant 96 : index
        %get3A_824 = tpu.vector_load %arg11[%get3A_821, %get3A_822, %get3A_823] {strides = array<i32>} : memref<2x80x128xf32, #tpu.memory_space<vmem>>, vector<1x1x16xf32>,
        %get3A_825 = vector.shape_cast %get3A_824 : vector<1x1x16xf32> to vector<16xf32>
        %add3A_826 = arith.addf %get3A_825, %bitcast_convert_type3A_815 : vector<16xf32>
        %max3A_827 = arith.constant 0.000000e+00 : f32
        %max3A_828 = vector.broadcast %max3A_827 : f32 to vector<16xf32>
        %max3A_829 = arith.maximumf %add3A_826, %max3A_828 : vector<16xf32>
        %swap3A_830 = arith.constant 0 : i32
        %swap3A_831 = arith.index_cast %swap3A_830 : i32 to index
        %swap3A_832 = arith.index_cast %mul3A_499 : i32 to index
        %swap3A_833 = arith.constant 96 : index
        %swap3A_834 = tpu.vector_load %arg11[%swap3A_831, %swap3A_832, %swap3A_833] {strides = array<i32>} : memref<2x80x128xf32, #tpu.memory_space<vmem>>, vector<1x1x16xf32>,
        %swap3A_835 = vector.shape_cast %swap3A_834 : vector<1x1x16xf32> to vector<16xf32>
        %swap3A_836 = vector.shape_cast %max3A_829 : vector<16xf32> to vector<1x1x16xf32>
        tpu.vector_store %arg11[%swap3A_831, %swap3A_832, %swap3A_833], %swap3A_836 {strides = array<i32>} : memref<2x80x128xf32, #tpu.memory_space<vmem>>, vector<1x1x16xf32>,
        %add3A_837 = arith.constant 1 : i32
        %add3A_838 = arith.addi %mul3A_499, %add3A_837 : i32
        %get3A_839 = arith.constant 0 : i32
        %get3A_840 = arith.index_cast %get3A_839 : i32 to index
        %get3A_841 = arith.index_cast %add3A_838 : i32 to index
        %get3A_842 = arith.constant 96 : index
        %get3A_843 = tpu.vector_load %arg11[%get3A_840, %get3A_841, %get3A_842] {strides = array<i32>} : memref<2x80x128xf32, #tpu.memory_space<vmem>>, vector<1x1x16xf32>,
        %get3A_844 = vector.shape_cast %get3A_843 : vector<1x1x16xf32> to vector<16xf32>
        %add3A_845 = arith.addf %get3A_844, %bitcast_convert_type3A_819 : vector<16xf32>
        %max3A_846 = arith.constant 0.000000e+00 : f32
        %max3A_847 = vector.broadcast %max3A_846 : f32 to vector<16xf32>
        %max3A_848 = arith.maximumf %add3A_845, %max3A_847 : vector<16xf32>
        %add3A_849 = arith.constant 1 : i32
        %add3A_850 = arith.addi %mul3A_499, %add3A_849 : i32
        %swap3A_851 = arith.constant 0 : i32
        %swap3A_852 = arith.index_cast %swap3A_851 : i32 to index
        %swap3A_853 = arith.index_cast %add3A_850 : i32 to index
        %swap3A_854 = arith.constant 96 : index
        %swap3A_855 = tpu.vector_load %arg11[%swap3A_852, %swap3A_853, %swap3A_854] {strides = array<i32>} : memref<2x80x128xf32, #tpu.memory_space<vmem>>, vector<1x1x16xf32>,
        %swap3A_856 = vector.shape_cast %swap3A_855 : vector<1x1x16xf32> to vector<16xf32>
        %swap3A_857 = vector.shape_cast %max3A_848 : vector<16xf32> to vector<1x1x16xf32>
        tpu.vector_store %arg11[%swap3A_852, %swap3A_853, %swap3A_854], %swap3A_857 {strides = array<i32>} : memref<2x80x128xf32, #tpu.memory_space<vmem>>, vector<1x1x16xf32>,
        %get3A_858 = arith.constant 0 : i32
        %get3A_859 = arith.index_cast %get3A_858 : i32 to index
        %get3A_860 = arith.index_cast %scan3A_497 : i32 to index
        %get3A_861 = arith.constant 112 : index
        %get3A_862 = tpu.vector_load %arg10[%get3A_859, %get3A_860, %get3A_861] {strides = array<i32>} : memref<2x40x128xi32, #tpu.memory_space<vmem>>, vector<1x1x16xi32>,
        %get3A_863 = vector.shape_cast %get3A_862 : vector<1x1x16xi32> to vector<16xi32>
        %shift_left3A_864 = arith.constant 16 : i32
        %shift_left3A_865 = vector.broadcast %shift_left3A_864 : i32 to vector<16xi32>
        %shift_left3A_866 = arith.shli %get3A_863, %shift_left3A_865 : vector<16xi32>
        %bitcast_convert_type3A_867 = tpu.bitcast %shift_left3A_866 : vector<16xi32> -> vector<16xf32>
        %and3A_868 = arith.constant -65536 : i32
        %and3A_869 = vector.broadcast %and3A_868 : i32 to vector<16xi32>
        %and3A_870 = arith.andi %get3A_863, %and3A_869 : vector<16xi32>
        %bitcast_convert_type3A_871 = tpu.bitcast %and3A_870 : vector<16xi32> -> vector<16xf32>
        %get3A_872 = arith.constant 0 : i32
        %get3A_873 = arith.index_cast %get3A_872 : i32 to index
        %get3A_874 = arith.index_cast %mul3A_499 : i32 to index
        %get3A_875 = arith.constant 112 : index
        %get3A_876 = tpu.vector_load %arg11[%get3A_873, %get3A_874, %get3A_875] {strides = array<i32>} : memref<2x80x128xf32, #tpu.memory_space<vmem>>, vector<1x1x16xf32>,
        %get3A_877 = vector.shape_cast %get3A_876 : vector<1x1x16xf32> to vector<16xf32>
        %add3A_878 = arith.addf %get3A_877, %bitcast_convert_type3A_867 : vector<16xf32>
        %max3A_879 = arith.constant 0.000000e+00 : f32
        %max3A_880 = vector.broadcast %max3A_879 : f32 to vector<16xf32>
        %max3A_881 = arith.maximumf %add3A_878, %max3A_880 : vector<16xf32>
        %swap3A_882 = arith.constant 0 : i32
        %swap3A_883 = arith.index_cast %swap3A_882 : i32 to index
        %swap3A_884 = arith.index_cast %mul3A_499 : i32 to index
        %swap3A_885 = arith.constant 112 : index
        %swap3A_886 = tpu.vector_load %arg11[%swap3A_883, %swap3A_884, %swap3A_885] {strides = array<i32>} : memref<2x80x128xf32, #tpu.memory_space<vmem>>, vector<1x1x16xf32>,
        %swap3A_887 = vector.shape_cast %swap3A_886 : vector<1x1x16xf32> to vector<16xf32>
        %swap3A_888 = vector.shape_cast %max3A_881 : vector<16xf32> to vector<1x1x16xf32>
        tpu.vector_store %arg11[%swap3A_883, %swap3A_884, %swap3A_885], %swap3A_888 {strides = array<i32>} : memref<2x80x128xf32, #tpu.memory_space<vmem>>, vector<1x1x16xf32>,
        %add3A_889 = arith.constant 1 : i32
        %add3A_890 = arith.addi %mul3A_499, %add3A_889 : i32
        %get3A_891 = arith.constant 0 : i32
        %get3A_892 = arith.index_cast %get3A_891 : i32 to index
        %get3A_893 = arith.index_cast %add3A_890 : i32 to index
        %get3A_894 = arith.constant 112 : index
        %get3A_895 = tpu.vector_load %arg11[%get3A_892, %get3A_893, %get3A_894] {strides = array<i32>} : memref<2x80x128xf32, #tpu.memory_space<vmem>>, vector<1x1x16xf32>,
        %get3A_896 = vector.shape_cast %get3A_895 : vector<1x1x16xf32> to vector<16xf32>
        %add3A_897 = arith.addf %get3A_896, %bitcast_convert_type3A_871 : vector<16xf32>
        %max3A_898 = arith.constant 0.000000e+00 : f32
        %max3A_899 = vector.broadcast %max3A_898 : f32 to vector<16xf32>
        %max3A_900 = arith.maximumf %add3A_897, %max3A_899 : vector<16xf32>
        %add3A_901 = arith.constant 1 : i32
        %add3A_902 = arith.addi %mul3A_499, %add3A_901 : i32
        %swap3A_903 = arith.constant 0 : i32
        %swap3A_904 = arith.index_cast %swap3A_903 : i32 to index
        %swap3A_905 = arith.index_cast %add3A_902 : i32 to index
        %swap3A_906 = arith.constant 112 : index
        %swap3A_907 = tpu.vector_load %arg11[%swap3A_904, %swap3A_905, %swap3A_906] {strides = array<i32>} : memref<2x80x128xf32, #tpu.memory_space<vmem>>, vector<1x1x16xf32>,
        %swap3A_908 = vector.shape_cast %swap3A_907 : vector<1x1x16xf32> to vector<16xf32>
        %swap3A_909 = vector.shape_cast %max3A_900 : vector<16xf32> to vector<1x1x16xf32>
        tpu.vector_store %arg11[%swap3A_904, %swap3A_905, %swap3A_906], %swap3A_909 {strides = array<i32>} : memref<2x80x128xf32, #tpu.memory_space<vmem>>, vector<1x1x16xf32>,
      }
      %scan3A_317 = arith.constant 40 : i32
      %dma_start3A_318 = arith.constant 0 : i32
      %dma_start3A_319 = arith.constant 0 : i32
      %dma_start3A_320 = arith.constant 0 : i32
      %dma_start3A_321 = arith.constant 0 : i32
      %dma_start3A_322 = arith.constant 0 : i32
      %dma_start3A_323 = tpu.memref_slice %arg11[%dma_start3A_318, %dma_start3A_321, %dma_start3A_322] : memref<2x80x128xf32, #tpu.memory_space<vmem>> -> memref<1x80x128xf32, #tpu.memory_space<vmem>>
      %dma_start3A_324 = tpu.memref_squeeze %dma_start3A_323 : memref<1x80x128xf32, #tpu.memory_space<vmem>> -> memref<80x128xf32, #tpu.memory_space<vmem>>
      %dma_start3A_325 = arith.constant 0 : i32
      %dma_start3A_326 = tpu.memref_slice %arg9[%dma_start3A_319, %dma_start3A_325] : memref<2x80xi32, #tpu.memory_space<vmem>> -> memref<1x80xi32, #tpu.memory_space<vmem>>
      %dma_start3A_327 = tpu.memref_squeeze %dma_start3A_326 : memref<1x80xi32, #tpu.memory_space<vmem>> -> memref<80xi32, #tpu.memory_space<vmem>>
      %dma_start3A_328 = arith.constant 0 : i32
      %dma_start3A_329 = arith.constant 0 : i32
      %dma_start3A_330 = tpu.memref_slice %arg12[%dma_start3A_328, %dma_start3A_329] : memref<10112x128xf32, #tpu.memory_space<vmem_shared>> -> memref<10112x128xf32, #tpu.memory_space<vmem_shared>>
      %dma_start3A_331 = tpu.memref_slice %arg15[%dma_start3A_320] : memref<2x!tpu.dma_semaphore, #tpu.memory_space<semaphore_mem>> -> memref<1x!tpu.dma_semaphore, #tpu.memory_space<semaphore_mem>>
      %dma_start3A_332 = tpu.memref_squeeze %dma_start3A_331 : memref<1x!tpu.dma_semaphore, #tpu.memory_space<semaphore_mem>> -> memref<!tpu.dma_semaphore, #tpu.memory_space<semaphore_mem>>
      tpu.enqueue_indirect_dma source(%dma_start3A_324 : memref<80x128xf32, #tpu.memory_space<vmem>>) target(%dma_start3A_330 : memref<10112x128xf32, #tpu.memory_space<vmem_shared>>) offsets(%dma_start3A_327 : memref<80xi32, #tpu.memory_space<vmem>>) semaphore(%dma_start3A_332 : memref<!tpu.dma_semaphore, #tpu.memory_space<semaphore_mem>>) {add = true}
      %add3A_333 = arith.constant 1 : i32
      %add3A_334 = arith.addi %mul3A_183, %add3A_333 : i32
      %mul3A_335 = arith.constant 80 : i32
      %mul3A_336 = arith.muli %add3A_334, %mul3A_335 : i32
      %add3A_337 = arith.addi %mul3A_4, %mul3A_336 : i32
      %mul3A_338 = arith.constant 40 : i32
      %mul3A_339 = arith.muli %add3A_334, %mul3A_338 : i32
      %add3A_340 = arith.addi %mul3A_6, %mul3A_339 : i32
      %multiple_of3A_341 = tpu.assume_multiple %add3A_340, 8 : i32
      %dma_wait3A_342 = arith.constant 1 : i32
      %dma_wait3A_343 = arith.constant 1 : i32
      %dma_wait3A_344 = arith.constant 0 : i32
      %dma_wait3A_345 = tpu.memref_slice %arg8[%dma_wait3A_342, %dma_wait3A_344] : memref<2x80xi32, #tpu.memory_space<vmem>> -> memref<1x80xi32, #tpu.memory_space<vmem>>
      %dma_wait3A_346 = tpu.memref_squeeze %dma_wait3A_345 : memref<1x80xi32, #tpu.memory_space<vmem>> -> memref<80xi32, #tpu.memory_space<vmem>>
      %dma_wait3A_347 = tpu.memref_slice %arg4[%add3A_337] : memref<320000xi32, #tpu.memory_space<hbm>> -> memref<80xi32, #tpu.memory_space<hbm>>
      %dma_wait3A_348 = tpu.memref_slice %arg13[%dma_wait3A_343] : memref<2x!tpu.dma_semaphore, #tpu.memory_space<semaphore_mem>> -> memref<1x!tpu.dma_semaphore, #tpu.memory_space<semaphore_mem>>
      %dma_wait3A_349 = tpu.memref_squeeze %dma_wait3A_348 : memref<1x!tpu.dma_semaphore, #tpu.memory_space<semaphore_mem>> -> memref<!tpu.dma_semaphore, #tpu.memory_space<semaphore_mem>>
      %dma_wait3A_350 = arith.constant 0 : i32
      %dma_wait3A_351 = tpu.memref_slice %arg8[%dma_wait3A_342, %dma_wait3A_350] : memref<2x80xi32, #tpu.memory_space<vmem>> -> memref<1x80xi32, #tpu.memory_space<vmem>>
      %dma_wait3A_352 = tpu.memref_squeeze %dma_wait3A_351 : memref<1x80xi32, #tpu.memory_space<vmem>> -> memref<80xi32, #tpu.memory_space<vmem>>
      %dma_wait3A_353 = tpu.memref_slice %arg4[%add3A_337] : memref<320000xi32, #tpu.memory_space<hbm>> -> memref<80xi32, #tpu.memory_space<hbm>>
      tpu.wait_dma2 semaphore(%dma_wait3A_349 : memref<!tpu.dma_semaphore, #tpu.memory_space<semaphore_mem>>) src(%dma_wait3A_353 : memref<80xi32, #tpu.memory_space<hbm>>) dst(%dma_wait3A_352 : memref<80xi32, #tpu.memory_space<vmem>>)
      %dma_wait3A_354 = arith.constant 1 : i32
      %dma_wait3A_355 = arith.constant 1 : i32
      %dma_wait3A_356 = arith.constant 0 : i32
      %dma_wait3A_357 = tpu.memref_slice %arg9[%dma_wait3A_354, %dma_wait3A_356] : memref<2x80xi32, #tpu.memory_space<vmem>> -> memref<1x80xi32, #tpu.memory_space<vmem>>
      %dma_wait3A_358 = tpu.memref_squeeze %dma_wait3A_357 : memref<1x80xi32, #tpu.memory_space<vmem>> -> memref<80xi32, #tpu.memory_space<vmem>>
      %dma_wait3A_359 = tpu.memref_slice %arg5[%add3A_337] : memref<320000xi32, #tpu.memory_space<hbm>> -> memref<80xi32, #tpu.memory_space<hbm>>
      %dma_wait3A_360 = tpu.memref_slice %arg13[%dma_wait3A_355] : memref<2x!tpu.dma_semaphore, #tpu.memory_space<semaphore_mem>> -> memref<1x!tpu.dma_semaphore, #tpu.memory_space<semaphore_mem>>
      %dma_wait3A_361 = tpu.memref_squeeze %dma_wait3A_360 : memref<1x!tpu.dma_semaphore, #tpu.memory_space<semaphore_mem>> -> memref<!tpu.dma_semaphore, #tpu.memory_space<semaphore_mem>>
      %dma_wait3A_362 = arith.constant 0 : i32
      %dma_wait3A_363 = tpu.memref_slice %arg9[%dma_wait3A_354, %dma_wait3A_362] : memref<2x80xi32, #tpu.memory_space<vmem>> -> memref<1x80xi32, #tpu.memory_space<vmem>>
      %dma_wait3A_364 = tpu.memref_squeeze %dma_wait3A_363 : memref<1x80xi32, #tpu.memory_space<vmem>> -> memref<80xi32, #tpu.memory_space<vmem>>
      %dma_wait3A_365 = tpu.memref_slice %arg5[%add3A_337] : memref<320000xi32, #tpu.memory_space<hbm>> -> memref<80xi32, #tpu.memory_space<hbm>>
      tpu.wait_dma2 semaphore(%dma_wait3A_361 : memref<!tpu.dma_semaphore, #tpu.memory_space<semaphore_mem>>) src(%dma_wait3A_365 : memref<80xi32, #tpu.memory_space<hbm>>) dst(%dma_wait3A_364 : memref<80xi32, #tpu.memory_space<vmem>>)
      %dma_wait3A_366 = arith.constant 1 : i32
      %dma_wait3A_367 = arith.constant 1 : i32
      %dma_wait3A_368 = arith.constant 0 : i32
      %dma_wait3A_369 = arith.constant 0 : i32
      %dma_wait3A_370 = tpu.memref_slice %arg10[%dma_wait3A_366, %dma_wait3A_368, %dma_wait3A_369] : memref<2x40x128xi32, #tpu.memory_space<vmem>> -> memref<1x40x128xi32, #tpu.memory_space<vmem>>
      %dma_wait3A_371 = tpu.memref_squeeze %dma_wait3A_370 : memref<1x40x128xi32, #tpu.memory_space<vmem>> -> memref<40x128xi32, #tpu.memory_space<vmem>>
      %dma_wait3A_372 = arith.constant 0 : i32
      %dma_wait3A_373 = tpu.memref_slice %arg3[%multiple_of3A_341, %dma_wait3A_372] : memref<160000x128xi32, #tpu.memory_space<hbm>> -> memref<40x128xi32, #tpu.memory_space<hbm>>
      %dma_wait3A_374 = tpu.memref_slice %arg13[%dma_wait3A_367] : memref<2x!tpu.dma_semaphore, #tpu.memory_space<semaphore_mem>> -> memref<1x!tpu.dma_semaphore, #tpu.memory_space<semaphore_mem>>
      %dma_wait3A_375 = tpu.memref_squeeze %dma_wait3A_374 : memref<1x!tpu.dma_semaphore, #tpu.memory_space<semaphore_mem>> -> memref<!tpu.dma_semaphore, #tpu.memory_space<semaphore_mem>>
      %dma_wait3A_376 = arith.constant 0 : i32
      %dma_wait3A_377 = arith.constant 0 : i32
      %dma_wait3A_378 = tpu.memref_slice %arg10[%dma_wait3A_366, %dma_wait3A_376, %dma_wait3A_377] : memref<2x40x128xi32, #tpu.memory_space<vmem>> -> memref<1x40x128xi32, #tpu.memory_space<vmem>>
      %dma_wait3A_379 = tpu.memref_squeeze %dma_wait3A_378 : memref<1x40x128xi32, #tpu.memory_space<vmem>> -> memref<40x128xi32, #tpu.memory_space<vmem>>
      %dma_wait3A_380 = arith.constant 0 : i32
      %dma_wait3A_381 = tpu.memref_slice %arg3[%multiple_of3A_341, %dma_wait3A_380] : memref<160000x128xi32, #tpu.memory_space<hbm>> -> memref<40x128xi32, #tpu.memory_space<hbm>>
      tpu.wait_dma2 semaphore(%dma_wait3A_375 : memref<!tpu.dma_semaphore, #tpu.memory_space<semaphore_mem>>) src(%dma_wait3A_381 : memref<40x128xi32, #tpu.memory_space<hbm>>) dst(%dma_wait3A_379 : memref<40x128xi32, #tpu.memory_space<vmem>>)
      %dma_start3A_382 = arith.constant 1 : i32
      %dma_start3A_383 = arith.constant 1 : i32
      %dma_start3A_384 = arith.constant 1 : i32
      %dma_start3A_385 = arith.constant 0 : i32
      %dma_start3A_386 = arith.constant 0 : i32
      %dma_start3A_387 = tpu.memref_slice %arg11[%dma_start3A_383, %dma_start3A_385, %dma_start3A_386] : memref<2x80x128xf32, #tpu.memory_space<vmem>> -> memref<1x80x128xf32, #tpu.memory_space<vmem>>
      %dma_start3A_388 = tpu.memref_squeeze %dma_start3A_387 : memref<1x80x128xf32, #tpu.memory_space<vmem>> -> memref<80x128xf32, #tpu.memory_space<vmem>>
      %dma_start3A_389 = arith.constant 0 : i32
      %dma_start3A_390 = tpu.memref_slice %arg8[%dma_start3A_382, %dma_start3A_389] : memref<2x80xi32, #tpu.memory_space<vmem>> -> memref<1x80xi32, #tpu.memory_space<vmem>>
      %dma_start3A_391 = tpu.memref_squeeze %dma_start3A_390 : memref<1x80xi32, #tpu.memory_space<vmem>> -> memref<80xi32, #tpu.memory_space<vmem>>
      %dma_start3A_392 = arith.constant 0 : i32
      %dma_start3A_393 = arith.constant 0 : i32
      %dma_start3A_394 = tpu.memref_slice %arg2[%dma_start3A_392, %dma_start3A_393] : memref<10000x128xf32, #tpu.memory_space<hbm>> -> memref<10000x128xf32, #tpu.memory_space<hbm>>
      %dma_start3A_395 = tpu.memref_slice %arg14[%dma_start3A_384] : memref<2x!tpu.dma_semaphore, #tpu.memory_space<semaphore_mem>> -> memref<1x!tpu.dma_semaphore, #tpu.memory_space<semaphore_mem>>
      %dma_start3A_396 = tpu.memref_squeeze %dma_start3A_395 : memref<1x!tpu.dma_semaphore, #tpu.memory_space<semaphore_mem>> -> memref<!tpu.dma_semaphore, #tpu.memory_space<semaphore_mem>>
      tpu.enqueue_indirect_dma source(%dma_start3A_394 : memref<10000x128xf32, #tpu.memory_space<hbm>>) target(%dma_start3A_388 : memref<80x128xf32, #tpu.memory_space<vmem>>) offsets(%dma_start3A_391 : memref<80xi32, #tpu.memory_space<vmem>>) semaphore(%dma_start3A_396 : memref<!tpu.dma_semaphore, #tpu.memory_space<semaphore_mem>>)
      %dma_wait3A_397 = arith.constant 0 : i32
      %dma_wait3A_398 = arith.constant 0 : i32
      %dma_wait3A_399 = arith.constant 0 : i32
      %dma_wait3A_400 = arith.constant 0 : i32
      %dma_wait3A_401 = arith.constant 0 : i32
      %dma_wait3A_402 = tpu.memref_slice %arg11[%dma_wait3A_397, %dma_wait3A_400, %dma_wait3A_401] : memref<2x80x128xf32, #tpu.memory_space<vmem>> -> memref<1x80x128xf32, #tpu.memory_space<vmem>>
      %dma_wait3A_403 = tpu.memref_squeeze %dma_wait3A_402 : memref<1x80x128xf32, #tpu.memory_space<vmem>> -> memref<80x128xf32, #tpu.memory_space<vmem>>
      %dma_wait3A_404 = arith.constant 0 : i32
      %dma_wait3A_405 = tpu.memref_slice %arg9[%dma_wait3A_398, %dma_wait3A_404] : memref<2x80xi32, #tpu.memory_space<vmem>> -> memref<1x80xi32, #tpu.memory_space<vmem>>
      %dma_wait3A_406 = tpu.memref_squeeze %dma_wait3A_405 : memref<1x80xi32, #tpu.memory_space<vmem>> -> memref<80xi32, #tpu.memory_space<vmem>>
      %dma_wait3A_407 = arith.constant 0 : i32
      %dma_wait3A_408 = arith.constant 0 : i32
      %dma_wait3A_409 = tpu.memref_slice %arg12[%dma_wait3A_407, %dma_wait3A_408] : memref<10112x128xf32, #tpu.memory_space<vmem_shared>> -> memref<10112x128xf32, #tpu.memory_space<vmem_shared>>
      %dma_wait3A_410 = tpu.memref_slice %arg15[%dma_wait3A_399] : memref<2x!tpu.dma_semaphore, #tpu.memory_space<semaphore_mem>> -> memref<1x!tpu.dma_semaphore, #tpu.memory_space<semaphore_mem>>
      %dma_wait3A_411 = tpu.memref_squeeze %dma_wait3A_410 : memref<1x!tpu.dma_semaphore, #tpu.memory_space<semaphore_mem>> -> memref<!tpu.dma_semaphore, #tpu.memory_space<semaphore_mem>>
      tpu.wait_indirect_dma semaphore(%dma_wait3A_411 : memref<!tpu.dma_semaphore, #tpu.memory_space<semaphore_mem>>) src(%dma_wait3A_403 : memref<80x128xf32, #tpu.memory_space<vmem>>) dst(%dma_wait3A_409 : memref<10112x128xf32, #tpu.memory_space<vmem_shared>>)
      %add3A_412 = arith.constant 2 : i32
      %add3A_413 = arith.addi %mul3A_183, %add3A_412 : i32
      %mul3A_414 = arith.constant 80 : i32
      %mul3A_415 = arith.muli %add3A_413, %mul3A_414 : i32
      %add3A_416 = arith.addi %mul3A_4, %mul3A_415 : i32
      %mul3A_417 = arith.constant 40 : i32
      %mul3A_418 = arith.muli %add3A_413, %mul3A_417 : i32
      %add3A_419 = arith.addi %mul3A_6, %mul3A_418 : i32
      %multiple_of3A_420 = tpu.assume_multiple %add3A_419, 8 : i32
      %dma_start3A_421 = arith.constant 0 : i32
      %dma_start3A_422 = arith.constant 0 : i32
      %dma_start3A_423 = arith.constant 0 : i32
      %dma_start3A_424 = tpu.memref_slice %arg8[%dma_start3A_421, %dma_start3A_423] : memref<2x80xi32, #tpu.memory_space<vmem>> -> memref<1x80xi32, #tpu.memory_space<vmem>>
      %dma_start3A_425 = tpu.memref_squeeze %dma_start3A_424 : memref<1x80xi32, #tpu.memory_space<vmem>> -> memref<80xi32, #tpu.memory_space<vmem>>
      %dma_start3A_426 = tpu.memref_slice %arg4[%add3A_416] : memref<320000xi32, #tpu.memory_space<hbm>> -> memref<80xi32, #tpu.memory_space<hbm>>
      %dma_start3A_427 = tpu.memref_slice %arg13[%dma_start3A_422] : memref<2x!tpu.dma_semaphore, #tpu.memory_space<semaphore_mem>> -> memref<1x!tpu.dma_semaphore, #tpu.memory_space<semaphore_mem>>
      %dma_start3A_428 = tpu.memref_squeeze %dma_start3A_427 : memref<1x!tpu.dma_semaphore, #tpu.memory_space<semaphore_mem>> -> memref<!tpu.dma_semaphore, #tpu.memory_space<semaphore_mem>>
      %dma_start3A_429 = arith.constant 0 : i32
      %dma_start3A_430 = tpu.memref_slice %arg8[%dma_start3A_421, %dma_start3A_429] : memref<2x80xi32, #tpu.memory_space<vmem>> -> memref<1x80xi32, #tpu.memory_space<vmem>>
      %dma_start3A_431 = tpu.memref_squeeze %dma_start3A_430 : memref<1x80xi32, #tpu.memory_space<vmem>> -> memref<80xi32, #tpu.memory_space<vmem>>
      %dma_start3A_432 = tpu.memref_slice %arg4[%add3A_416] : memref<320000xi32, #tpu.memory_space<hbm>> -> memref<80xi32, #tpu.memory_space<hbm>>
      tpu.enqueue_dma source(%dma_start3A_432 : memref<80xi32, #tpu.memory_space<hbm>>) target(%dma_start3A_431 : memref<80xi32, #tpu.memory_space<vmem>>) target_semaphore(%dma_start3A_428 : memref<!tpu.dma_semaphore, #tpu.memory_space<semaphore_mem>>)
      %dma_start3A_433 = arith.constant 0 : i32
      %dma_start3A_434 = arith.constant 0 : i32
      %dma_start3A_435 = arith.constant 0 : i32
      %dma_start3A_436 = tpu.memref_slice %arg9[%dma_start3A_433, %dma_start3A_435] : memref<2x80xi32, #tpu.memory_space<vmem>> -> memref<1x80xi32, #tpu.memory_space<vmem>>
      %dma_start3A_437 = tpu.memref_squeeze %dma_start3A_436 : memref<1x80xi32, #tpu.memory_space<vmem>> -> memref<80xi32, #tpu.memory_space<vmem>>
      %dma_start3A_438 = tpu.memref_slice %arg5[%add3A_416] : memref<320000xi32, #tpu.memory_space<hbm>> -> memref<80xi32, #tpu.memory_space<hbm>>
      %dma_start3A_439 = tpu.memref_slice %arg13[%dma_start3A_434] : memref<2x!tpu.dma_semaphore, #tpu.memory_space<semaphore_mem>> -> memref<1x!tpu.dma_semaphore, #tpu.memory_space<semaphore_mem>>
      %dma_start3A_440 = tpu.memref_squeeze %dma_start3A_439 : memref<1x!tpu.dma_semaphore, #tpu.memory_space<semaphore_mem>> -> memref<!tpu.dma_semaphore, #tpu.memory_space<semaphore_mem>>
      %dma_start3A_441 = arith.constant 0 : i32
      %dma_start3A_442 = tpu.memref_slice %arg9[%dma_start3A_433, %dma_start3A_441] : memref<2x80xi32, #tpu.memory_space<vmem>> -> memref<1x80xi32, #tpu.memory_space<vmem>>
      %dma_start3A_443 = tpu.memref_squeeze %dma_start3A_442 : memref<1x80xi32, #tpu.memory_space<vmem>> -> memref<80xi32, #tpu.memory_space<vmem>>
      %dma_start3A_444 = tpu.memref_slice %arg5[%add3A_416] : memref<320000xi32, #tpu.memory_space<hbm>> -> memref<80xi32, #tpu.memory_space<hbm>>
      tpu.enqueue_dma source(%dma_start3A_444 : memref<80xi32, #tpu.memory_space<hbm>>) target(%dma_start3A_443 : memref<80xi32, #tpu.memory_space<vmem>>) target_semaphore(%dma_start3A_440 : memref<!tpu.dma_semaphore, #tpu.memory_space<semaphore_mem>>)
      %dma_start3A_445 = arith.constant 0 : i32
      %dma_start3A_446 = arith.constant 0 : i32
      %dma_start3A_447 = arith.constant 0 : i32
      %dma_start3A_448 = arith.constant 0 : i32
      %dma_start3A_449 = tpu.memref_slice %arg10[%dma_start3A_445, %dma_start3A_447, %dma_start3A_448] : memref<2x40x128xi32, #tpu.memory_space<vmem>> -> memref<1x40x128xi32, #tpu.memory_space<vmem>>
      %dma_start3A_450 = tpu.memref_squeeze %dma_start3A_449 : memref<1x40x128xi32, #tpu.memory_space<vmem>> -> memref<40x128xi32, #tpu.memory_space<vmem>>
      %dma_start3A_451 = arith.constant 0 : i32
      %dma_start3A_452 = tpu.memref_slice %arg3[%multiple_of3A_420, %dma_start3A_451] : memref<160000x128xi32, #tpu.memory_space<hbm>> -> memref<40x128xi32, #tpu.memory_space<hbm>>
      %dma_start3A_453 = tpu.memref_slice %arg13[%dma_start3A_446] : memref<2x!tpu.dma_semaphore, #tpu.memory_space<semaphore_mem>> -> memref<1x!tpu.dma_semaphore, #tpu.memory_space<semaphore_mem>>
      %dma_start3A_454 = tpu.memref_squeeze %dma_start3A_453 : memref<1x!tpu.dma_semaphore, #tpu.memory_space<semaphore_mem>> -> memref<!tpu.dma_semaphore, #tpu.memory_space<semaphore_mem>>
      %dma_start3A_455 = arith.constant 0 : i32
      %dma_start3A_456 = arith.constant 0 : i32
      %dma_start3A_457 = tpu.memref_slice %arg10[%dma_start3A_445, %dma_start3A_455, %dma_start3A_456] : memref<2x40x128xi32, #tpu.memory_space<vmem>> -> memref<1x40x128xi32, #tpu.memory_space<vmem>>
      %dma_start3A_458 = tpu.memref_squeeze %dma_start3A_457 : memref<1x40x128xi32, #tpu.memory_space<vmem>> -> memref<40x128xi32, #tpu.memory_space<vmem>>
      %dma_start3A_459 = arith.constant 0 : i32
      %dma_start3A_460 = tpu.memref_slice %arg3[%multiple_of3A_420, %dma_start3A_459] : memref<160000x128xi32, #tpu.memory_space<hbm>> -> memref<40x128xi32, #tpu.memory_space<hbm>>
      tpu.enqueue_dma source(%dma_start3A_460 : memref<40x128xi32, #tpu.memory_space<hbm>>) target(%dma_start3A_458 : memref<40x128xi32, #tpu.memory_space<vmem>>) target_semaphore(%dma_start3A_454 : memref<!tpu.dma_semaphore, #tpu.memory_space<semaphore_mem>>)
      %dma_wait3A_461 = arith.constant 1 : i32
      %dma_wait3A_462 = arith.constant 1 : i32
      %dma_wait3A_463 = arith.constant 1 : i32
      %dma_wait3A_464 = arith.constant 0 : i32
      %dma_wait3A_465 = arith.constant 0 : i32
      %dma_wait3A_466 = tpu.memref_slice %arg11[%dma_wait3A_462, %dma_wait3A_464, %dma_wait3A_465] : memref<2x80x128xf32, #tpu.memory_space<vmem>> -> memref<1x80x128xf32, #tpu.memory_space<vmem>>
      %dma_wait3A_467 = tpu.memref_squeeze %dma_wait3A_466 : memref<1x80x128xf32, #tpu.memory_space<vmem>> -> memref<80x128xf32, #tpu.memory_space<vmem>>
      %dma_wait3A_468 = arith.constant 0 : i32
      %dma_wait3A_469 = tpu.memref_slice %arg8[%dma_wait3A_461, %dma_wait3A_468] : memref<2x80xi32, #tpu.memory_space<vmem>> -> memref<1x80xi32, #tpu.memory_space<vmem>>
      %dma_wait3A_470 = tpu.memref_squeeze %dma_wait3A_469 : memref<1x80xi32, #tpu.memory_space<vmem>> -> memref<80xi32, #tpu.memory_space<vmem>>
      %dma_wait3A_471 = arith.constant 0 : i32
      %dma_wait3A_472 = arith.constant 0 : i32
      %dma_wait3A_473 = tpu.memref_slice %arg2[%dma_wait3A_471, %dma_wait3A_472] : memref<10000x128xf32, #tpu.memory_space<hbm>> -> memref<10000x128xf32, #tpu.memory_space<hbm>>
      %dma_wait3A_474 = tpu.memref_slice %arg14[%dma_wait3A_463] : memref<2x!tpu.dma_semaphore, #tpu.memory_space<semaphore_mem>> -> memref<1x!tpu.dma_semaphore, #tpu.memory_space<semaphore_mem>>
      %dma_wait3A_475 = tpu.memref_squeeze %dma_wait3A_474 : memref<1x!tpu.dma_semaphore, #tpu.memory_space<semaphore_mem>> -> memref<!tpu.dma_semaphore, #tpu.memory_space<semaphore_mem>>
      tpu.wait_indirect_dma semaphore(%dma_wait3A_475 : memref<!tpu.dma_semaphore, #tpu.memory_space<semaphore_mem>>) src(%dma_wait3A_473 : memref<10000x128xf32, #tpu.memory_space<hbm>>) dst(%dma_wait3A_467 : memref<80x128xf32, #tpu.memory_space<vmem>>)
      %scan3A_476 = arith.constant 0 : i32
      %scan3A_477 = arith.constant 0 : i32
      %scan3A_478 = arith.constant 40 : i32
      %scan3A_479 = arith.addi %scan3A_477, %scan3A_478 : i32
      %scan3A_480 = arith.constant 1 : i32
      scf.for %scan3A_497 = %scan3A_477 to %scan3A_479 step %scan3A_480  : i32 {
        %mul3A_498 = arith.constant 2 : i32
        %mul3A_499 = arith.muli %scan3A_497, %mul3A_498 : i32
        %get3A = arith.constant 1 : i32
        %get3A_500 = arith.index_cast %get3A : i32 to index
        %get3A_501 = arith.index_cast %scan3A_497 : i32 to index
        %get3A_502 = arith.constant 0 : index
        %get3A_503 = tpu.vector_load %arg10[%get3A_500, %get3A_501, %get3A_502] {strides = array<i32>} : memref<2x40x128xi32, #tpu.memory_space<vmem>>, vector<1x1x16xi32>,
        %get3A_504 = vector.shape_cast %get3A_503 : vector<1x1x16xi32> to vector<16xi32>
        %shift_left3A = arith.constant 16 : i32
        %shift_left3A_505 = vector.broadcast %shift_left3A : i32 to vector<16xi32>
        %shift_left3A_506 = arith.shli %get3A_504, %shift_left3A_505 : vector<16xi32>
        %bitcast_convert_type3A = tpu.bitcast %shift_left3A_506 : vector<16xi32> -> vector<16xf32>
        %and3A = arith.constant -65536 : i32
        %and3A_507 = vector.broadcast %and3A : i32 to vector<16xi32>
        %and3A_508 = arith.andi %get3A_504, %and3A_507 : vector<16xi32>
        %bitcast_convert_type3A_509 = tpu.bitcast %and3A_508 : vector<16xi32> -> vector<16xf32>
        %get3A_510 = arith.constant 1 : i32
        %get3A_511 = arith.index_cast %get3A_510 : i32 to index
        %get3A_512 = arith.index_cast %mul3A_499 : i32 to index
        %get3A_513 = arith.constant 0 : index
        %get3A_514 = tpu.vector_load %arg11[%get3A_511, %get3A_512, %get3A_513] {strides = array<i32>} : memref<2x80x128xf32, #tpu.memory_space<vmem>>, vector<1x1x16xf32>,
        %get3A_515 = vector.shape_cast %get3A_514 : vector<1x1x16xf32> to vector<16xf32>
        %add3A_516 = arith.addf %get3A_515, %bitcast_convert_type3A : vector<16xf32>
        %max3A = arith.constant 0.000000e+00 : f32
        %max3A_517 = vector.broadcast %max3A : f32 to vector<16xf32>
        %max3A_518 = arith.maximumf %add3A_516, %max3A_517 : vector<16xf32>
        %swap3A = arith.constant 1 : i32
        %swap3A_519 = arith.index_cast %swap3A : i32 to index
        %swap3A_520 = arith.index_cast %mul3A_499 : i32 to index
        %swap3A_521 = arith.constant 0 : index
        %swap3A_522 = tpu.vector_load %arg11[%swap3A_519, %swap3A_520, %swap3A_521] {strides = array<i32>} : memref<2x80x128xf32, #tpu.memory_space<vmem>>, vector<1x1x16xf32>,
        %swap3A_523 = vector.shape_cast %swap3A_522 : vector<1x1x16xf32> to vector<16xf32>
        %swap3A_524 = vector.shape_cast %max3A_518 : vector<16xf32> to vector<1x1x16xf32>
        tpu.vector_store %arg11[%swap3A_519, %swap3A_520, %swap3A_521], %swap3A_524 {strides = array<i32>} : memref<2x80x128xf32, #tpu.memory_space<vmem>>, vector<1x1x16xf32>,
        %add3A_525 = arith.constant 1 : i32
        %add3A_526 = arith.addi %mul3A_499, %add3A_525 : i32
        %get3A_527 = arith.constant 1 : i32
        %get3A_528 = arith.index_cast %get3A_527 : i32 to index
        %get3A_529 = arith.index_cast %add3A_526 : i32 to index
        %get3A_530 = arith.constant 0 : index
        %get3A_531 = tpu.vector_load %arg11[%get3A_528, %get3A_529, %get3A_530] {strides = array<i32>} : memref<2x80x128xf32, #tpu.memory_space<vmem>>, vector<1x1x16xf32>,
        %get3A_532 = vector.shape_cast %get3A_531 : vector<1x1x16xf32> to vector<16xf32>
        %add3A_533 = arith.addf %get3A_532, %bitcast_convert_type3A_509 : vector<16xf32>
        %max3A_534 = arith.constant 0.000000e+00 : f32
        %max3A_535 = vector.broadcast %max3A_534 : f32 to vector<16xf32>
        %max3A_536 = arith.maximumf %add3A_533, %max3A_535 : vector<16xf32>
        %add3A_537 = arith.constant 1 : i32
        %add3A_538 = arith.addi %mul3A_499, %add3A_537 : i32
        %swap3A_539 = arith.constant 1 : i32
        %swap3A_540 = arith.index_cast %swap3A_539 : i32 to index
        %swap3A_541 = arith.index_cast %add3A_538 : i32 to index
        %swap3A_542 = arith.constant 0 : index
        %swap3A_543 = tpu.vector_load %arg11[%swap3A_540, %swap3A_541, %swap3A_542] {strides = array<i32>} : memref<2x80x128xf32, #tpu.memory_space<vmem>>, vector<1x1x16xf32>,
        %swap3A_544 = vector.shape_cast %swap3A_543 : vector<1x1x16xf32> to vector<16xf32>
        %swap3A_545 = vector.shape_cast %max3A_536 : vector<16xf32> to vector<1x1x16xf32>
        tpu.vector_store %arg11[%swap3A_540, %swap3A_541, %swap3A_542], %swap3A_545 {strides = array<i32>} : memref<2x80x128xf32, #tpu.memory_space<vmem>>, vector<1x1x16xf32>,
        %get3A_546 = arith.constant 1 : i32
        %get3A_547 = arith.index_cast %get3A_546 : i32 to index
        %get3A_548 = arith.index_cast %scan3A_497 : i32 to index
        %get3A_549 = arith.constant 16 : index
        %get3A_550 = tpu.vector_load %arg10[%get3A_547, %get3A_548, %get3A_549] {strides = array<i32>} : memref<2x40x128xi32, #tpu.memory_space<vmem>>, vector<1x1x16xi32>,
        %get3A_551 = vector.shape_cast %get3A_550 : vector<1x1x16xi32> to vector<16xi32>
        %shift_left3A_552 = arith.constant 16 : i32
        %shift_left3A_553 = vector.broadcast %shift_left3A_552 : i32 to vector<16xi32>
        %shift_left3A_554 = arith.shli %get3A_551, %shift_left3A_553 : vector<16xi32>
        %bitcast_convert_type3A_555 = tpu.bitcast %shift_left3A_554 : vector<16xi32> -> vector<16xf32>
        %and3A_556 = arith.constant -65536 : i32
        %and3A_557 = vector.broadcast %and3A_556 : i32 to vector<16xi32>
        %and3A_558 = arith.andi %get3A_551, %and3A_557 : vector<16xi32>
        %bitcast_convert_type3A_559 = tpu.bitcast %and3A_558 : vector<16xi32> -> vector<16xf32>
        %get3A_560 = arith.constant 1 : i32
        %get3A_561 = arith.index_cast %get3A_560 : i32 to index
        %get3A_562 = arith.index_cast %mul3A_499 : i32 to index
        %get3A_563 = arith.constant 16 : index
        %get3A_564 = tpu.vector_load %arg11[%get3A_561, %get3A_562, %get3A_563] {strides = array<i32>} : memref<2x80x128xf32, #tpu.memory_space<vmem>>, vector<1x1x16xf32>,
        %get3A_565 = vector.shape_cast %get3A_564 : vector<1x1x16xf32> to vector<16xf32>
        %add3A_566 = arith.addf %get3A_565, %bitcast_convert_type3A_555 : vector<16xf32>
        %max3A_567 = arith.constant 0.000000e+00 : f32
        %max3A_568 = vector.broadcast %max3A_567 : f32 to vector<16xf32>
        %max3A_569 = arith.maximumf %add3A_566, %max3A_568 : vector<16xf32>
        %swap3A_570 = arith.constant 1 : i32
        %swap3A_571 = arith.index_cast %swap3A_570 : i32 to index
        %swap3A_572 = arith.index_cast %mul3A_499 : i32 to index
        %swap3A_573 = arith.constant 16 : index
        %swap3A_574 = tpu.vector_load %arg11[%swap3A_571, %swap3A_572, %swap3A_573] {strides = array<i32>} : memref<2x80x128xf32, #tpu.memory_space<vmem>>, vector<1x1x16xf32>,
        %swap3A_575 = vector.shape_cast %swap3A_574 : vector<1x1x16xf32> to vector<16xf32>
        %swap3A_576 = vector.shape_cast %max3A_569 : vector<16xf32> to vector<1x1x16xf32>
        tpu.vector_store %arg11[%swap3A_571, %swap3A_572, %swap3A_573], %swap3A_576 {strides = array<i32>} : memref<2x80x128xf32, #tpu.memory_space<vmem>>, vector<1x1x16xf32>,
        %add3A_577 = arith.constant 1 : i32
        %add3A_578 = arith.addi %mul3A_499, %add3A_577 : i32
        %get3A_579 = arith.constant 1 : i32
        %get3A_580 = arith.index_cast %get3A_579 : i32 to index
        %get3A_581 = arith.index_cast %add3A_578 : i32 to index
        %get3A_582 = arith.constant 16 : index
        %get3A_583 = tpu.vector_load %arg11[%get3A_580, %get3A_581, %get3A_582] {strides = array<i32>} : memref<2x80x128xf32, #tpu.memory_space<vmem>>, vector<1x1x16xf32>,
        %get3A_584 = vector.shape_cast %get3A_583 : vector<1x1x16xf32> to vector<16xf32>
        %add3A_585 = arith.addf %get3A_584, %bitcast_convert_type3A_559 : vector<16xf32>
        %max3A_586 = arith.constant 0.000000e+00 : f32
        %max3A_587 = vector.broadcast %max3A_586 : f32 to vector<16xf32>
        %max3A_588 = arith.maximumf %add3A_585, %max3A_587 : vector<16xf32>
        %add3A_589 = arith.constant 1 : i32
        %add3A_590 = arith.addi %mul3A_499, %add3A_589 : i32
        %swap3A_591 = arith.constant 1 : i32
        %swap3A_592 = arith.index_cast %swap3A_591 : i32 to index
        %swap3A_593 = arith.index_cast %add3A_590 : i32 to index
        %swap3A_594 = arith.constant 16 : index
        %swap3A_595 = tpu.vector_load %arg11[%swap3A_592, %swap3A_593, %swap3A_594] {strides = array<i32>} : memref<2x80x128xf32, #tpu.memory_space<vmem>>, vector<1x1x16xf32>,
        %swap3A_596 = vector.shape_cast %swap3A_595 : vector<1x1x16xf32> to vector<16xf32>
        %swap3A_597 = vector.shape_cast %max3A_588 : vector<16xf32> to vector<1x1x16xf32>
        tpu.vector_store %arg11[%swap3A_592, %swap3A_593, %swap3A_594], %swap3A_597 {strides = array<i32>} : memref<2x80x128xf32, #tpu.memory_space<vmem>>, vector<1x1x16xf32>,
        %get3A_598 = arith.constant 1 : i32
        %get3A_599 = arith.index_cast %get3A_598 : i32 to index
        %get3A_600 = arith.index_cast %scan3A_497 : i32 to index
        %get3A_601 = arith.constant 32 : index
        %get3A_602 = tpu.vector_load %arg10[%get3A_599, %get3A_600, %get3A_601] {strides = array<i32>} : memref<2x40x128xi32, #tpu.memory_space<vmem>>, vector<1x1x16xi32>,
        %get3A_603 = vector.shape_cast %get3A_602 : vector<1x1x16xi32> to vector<16xi32>
        %shift_left3A_604 = arith.constant 16 : i32
        %shift_left3A_605 = vector.broadcast %shift_left3A_604 : i32 to vector<16xi32>
        %shift_left3A_606 = arith.shli %get3A_603, %shift_left3A_605 : vector<16xi32>
        %bitcast_convert_type3A_607 = tpu.bitcast %shift_left3A_606 : vector<16xi32> -> vector<16xf32>
        %and3A_608 = arith.constant -65536 : i32
        %and3A_609 = vector.broadcast %and3A_608 : i32 to vector<16xi32>
        %and3A_610 = arith.andi %get3A_603, %and3A_609 : vector<16xi32>
        %bitcast_convert_type3A_611 = tpu.bitcast %and3A_610 : vector<16xi32> -> vector<16xf32>
        %get3A_612 = arith.constant 1 : i32
        %get3A_613 = arith.index_cast %get3A_612 : i32 to index
        %get3A_614 = arith.index_cast %mul3A_499 : i32 to index
        %get3A_615 = arith.constant 32 : index
        %get3A_616 = tpu.vector_load %arg11[%get3A_613, %get3A_614, %get3A_615] {strides = array<i32>} : memref<2x80x128xf32, #tpu.memory_space<vmem>>, vector<1x1x16xf32>,
        %get3A_617 = vector.shape_cast %get3A_616 : vector<1x1x16xf32> to vector<16xf32>
        %add3A_618 = arith.addf %get3A_617, %bitcast_convert_type3A_607 : vector<16xf32>
        %max3A_619 = arith.constant 0.000000e+00 : f32
        %max3A_620 = vector.broadcast %max3A_619 : f32 to vector<16xf32>
        %max3A_621 = arith.maximumf %add3A_618, %max3A_620 : vector<16xf32>
        %swap3A_622 = arith.constant 1 : i32
        %swap3A_623 = arith.index_cast %swap3A_622 : i32 to index
        %swap3A_624 = arith.index_cast %mul3A_499 : i32 to index
        %swap3A_625 = arith.constant 32 : index
        %swap3A_626 = tpu.vector_load %arg11[%swap3A_623, %swap3A_624, %swap3A_625] {strides = array<i32>} : memref<2x80x128xf32, #tpu.memory_space<vmem>>, vector<1x1x16xf32>,
        %swap3A_627 = vector.shape_cast %swap3A_626 : vector<1x1x16xf32> to vector<16xf32>
        %swap3A_628 = vector.shape_cast %max3A_621 : vector<16xf32> to vector<1x1x16xf32>
        tpu.vector_store %arg11[%swap3A_623, %swap3A_624, %swap3A_625], %swap3A_628 {strides = array<i32>} : memref<2x80x128xf32, #tpu.memory_space<vmem>>, vector<1x1x16xf32>,
        %add3A_629 = arith.constant 1 : i32
        %add3A_630 = arith.addi %mul3A_499, %add3A_629 : i32
        %get3A_631 = arith.constant 1 : i32
        %get3A_632 = arith.index_cast %get3A_631 : i32 to index
        %get3A_633 = arith.index_cast %add3A_630 : i32 to index
        %get3A_634 = arith.constant 32 : index
        %get3A_635 = tpu.vector_load %arg11[%get3A_632, %get3A_633, %get3A_634] {strides = array<i32>} : memref<2x80x128xf32, #tpu.memory_space<vmem>>, vector<1x1x16xf32>,
        %get3A_636 = vector.shape_cast %get3A_635 : vector<1x1x16xf32> to vector<16xf32>
        %add3A_637 = arith.addf %get3A_636, %bitcast_convert_type3A_611 : vector<16xf32>
        %max3A_638 = arith.constant 0.000000e+00 : f32
        %max3A_639 = vector.broadcast %max3A_638 : f32 to vector<16xf32>
        %max3A_640 = arith.maximumf %add3A_637, %max3A_639 : vector<16xf32>
        %add3A_641 = arith.constant 1 : i32
        %add3A_642 = arith.addi %mul3A_499, %add3A_641 : i32
        %swap3A_643 = arith.constant 1 : i32
        %swap3A_644 = arith.index_cast %swap3A_643 : i32 to index
        %swap3A_645 = arith.index_cast %add3A_642 : i32 to index
        %swap3A_646 = arith.constant 32 : index
        %swap3A_647 = tpu.vector_load %arg11[%swap3A_644, %swap3A_645, %swap3A_646] {strides = array<i32>} : memref<2x80x128xf32, #tpu.memory_space<vmem>>, vector<1x1x16xf32>,
        %swap3A_648 = vector.shape_cast %swap3A_647 : vector<1x1x16xf32> to vector<16xf32>
        %swap3A_649 = vector.shape_cast %max3A_640 : vector<16xf32> to vector<1x1x16xf32>
        tpu.vector_store %arg11[%swap3A_644, %swap3A_645, %swap3A_646], %swap3A_649 {strides = array<i32>} : memref<2x80x128xf32, #tpu.memory_space<vmem>>, vector<1x1x16xf32>,
        %get3A_650 = arith.constant 1 : i32
        %get3A_651 = arith.index_cast %get3A_650 : i32 to index
        %get3A_652 = arith.index_cast %scan3A_497 : i32 to index
        %get3A_653 = arith.constant 48 : index
        %get3A_654 = tpu.vector_load %arg10[%get3A_651, %get3A_652, %get3A_653] {strides = array<i32>} : memref<2x40x128xi32, #tpu.memory_space<vmem>>, vector<1x1x16xi32>,
        %get3A_655 = vector.shape_cast %get3A_654 : vector<1x1x16xi32> to vector<16xi32>
        %shift_left3A_656 = arith.constant 16 : i32
        %shift_left3A_657 = vector.broadcast %shift_left3A_656 : i32 to vector<16xi32>
        %shift_left3A_658 = arith.shli %get3A_655, %shift_left3A_657 : vector<16xi32>
        %bitcast_convert_type3A_659 = tpu.bitcast %shift_left3A_658 : vector<16xi32> -> vector<16xf32>
        %and3A_660 = arith.constant -65536 : i32
        %and3A_661 = vector.broadcast %and3A_660 : i32 to vector<16xi32>
        %and3A_662 = arith.andi %get3A_655, %and3A_661 : vector<16xi32>
        %bitcast_convert_type3A_663 = tpu.bitcast %and3A_662 : vector<16xi32> -> vector<16xf32>
        %get3A_664 = arith.constant 1 : i32
        %get3A_665 = arith.index_cast %get3A_664 : i32 to index
        %get3A_666 = arith.index_cast %mul3A_499 : i32 to index
        %get3A_667 = arith.constant 48 : index
        %get3A_668 = tpu.vector_load %arg11[%get3A_665, %get3A_666, %get3A_667] {strides = array<i32>} : memref<2x80x128xf32, #tpu.memory_space<vmem>>, vector<1x1x16xf32>,
        %get3A_669 = vector.shape_cast %get3A_668 : vector<1x1x16xf32> to vector<16xf32>
        %add3A_670 = arith.addf %get3A_669, %bitcast_convert_type3A_659 : vector<16xf32>
        %max3A_671 = arith.constant 0.000000e+00 : f32
        %max3A_672 = vector.broadcast %max3A_671 : f32 to vector<16xf32>
        %max3A_673 = arith.maximumf %add3A_670, %max3A_672 : vector<16xf32>
        %swap3A_674 = arith.constant 1 : i32
        %swap3A_675 = arith.index_cast %swap3A_674 : i32 to index
        %swap3A_676 = arith.index_cast %mul3A_499 : i32 to index
        %swap3A_677 = arith.constant 48 : index
        %swap3A_678 = tpu.vector_load %arg11[%swap3A_675, %swap3A_676, %swap3A_677] {strides = array<i32>} : memref<2x80x128xf32, #tpu.memory_space<vmem>>, vector<1x1x16xf32>,
        %swap3A_679 = vector.shape_cast %swap3A_678 : vector<1x1x16xf32> to vector<16xf32>
        %swap3A_680 = vector.shape_cast %max3A_673 : vector<16xf32> to vector<1x1x16xf32>
        tpu.vector_store %arg11[%swap3A_675, %swap3A_676, %swap3A_677], %swap3A_680 {strides = array<i32>} : memref<2x80x128xf32, #tpu.memory_space<vmem>>, vector<1x1x16xf32>,
        %add3A_681 = arith.constant 1 : i32
        %add3A_682 = arith.addi %mul3A_499, %add3A_681 : i32
        %get3A_683 = arith.constant 1 : i32
        %get3A_684 = arith.index_cast %get3A_683 : i32 to index
        %get3A_685 = arith.index_cast %add3A_682 : i32 to index
        %get3A_686 = arith.constant 48 : index
        %get3A_687 = tpu.vector_load %arg11[%get3A_684, %get3A_685, %get3A_686] {strides = array<i32>} : memref<2x80x128xf32, #tpu.memory_space<vmem>>, vector<1x1x16xf32>,
        %get3A_688 = vector.shape_cast %get3A_687 : vector<1x1x16xf32> to vector<16xf32>
        %add3A_689 = arith.addf %get3A_688, %bitcast_convert_type3A_663 : vector<16xf32>
        %max3A_690 = arith.constant 0.000000e+00 : f32
        %max3A_691 = vector.broadcast %max3A_690 : f32 to vector<16xf32>
        %max3A_692 = arith.maximumf %add3A_689, %max3A_691 : vector<16xf32>
        %add3A_693 = arith.constant 1 : i32
        %add3A_694 = arith.addi %mul3A_499, %add3A_693 : i32
        %swap3A_695 = arith.constant 1 : i32
        %swap3A_696 = arith.index_cast %swap3A_695 : i32 to index
        %swap3A_697 = arith.index_cast %add3A_694 : i32 to index
        %swap3A_698 = arith.constant 48 : index
        %swap3A_699 = tpu.vector_load %arg11[%swap3A_696, %swap3A_697, %swap3A_698] {strides = array<i32>} : memref<2x80x128xf32, #tpu.memory_space<vmem>>, vector<1x1x16xf32>,
        %swap3A_700 = vector.shape_cast %swap3A_699 : vector<1x1x16xf32> to vector<16xf32>
        %swap3A_701 = vector.shape_cast %max3A_692 : vector<16xf32> to vector<1x1x16xf32>
        tpu.vector_store %arg11[%swap3A_696, %swap3A_697, %swap3A_698], %swap3A_701 {strides = array<i32>} : memref<2x80x128xf32, #tpu.memory_space<vmem>>, vector<1x1x16xf32>,
        %get3A_702 = arith.constant 1 : i32
        %get3A_703 = arith.index_cast %get3A_702 : i32 to index
        %get3A_704 = arith.index_cast %scan3A_497 : i32 to index
        %get3A_705 = arith.constant 64 : index
        %get3A_706 = tpu.vector_load %arg10[%get3A_703, %get3A_704, %get3A_705] {strides = array<i32>} : memref<2x40x128xi32, #tpu.memory_space<vmem>>, vector<1x1x16xi32>,
        %get3A_707 = vector.shape_cast %get3A_706 : vector<1x1x16xi32> to vector<16xi32>
        %shift_left3A_708 = arith.constant 16 : i32
        %shift_left3A_709 = vector.broadcast %shift_left3A_708 : i32 to vector<16xi32>
        %shift_left3A_710 = arith.shli %get3A_707, %shift_left3A_709 : vector<16xi32>
        %bitcast_convert_type3A_711 = tpu.bitcast %shift_left3A_710 : vector<16xi32> -> vector<16xf32>
        %and3A_712 = arith.constant -65536 : i32
        %and3A_713 = vector.broadcast %and3A_712 : i32 to vector<16xi32>
        %and3A_714 = arith.andi %get3A_707, %and3A_713 : vector<16xi32>
        %bitcast_convert_type3A_715 = tpu.bitcast %and3A_714 : vector<16xi32> -> vector<16xf32>
        %get3A_716 = arith.constant 1 : i32
        %get3A_717 = arith.index_cast %get3A_716 : i32 to index
        %get3A_718 = arith.index_cast %mul3A_499 : i32 to index
        %get3A_719 = arith.constant 64 : index
        %get3A_720 = tpu.vector_load %arg11[%get3A_717, %get3A_718, %get3A_719] {strides = array<i32>} : memref<2x80x128xf32, #tpu.memory_space<vmem>>, vector<1x1x16xf32>,
        %get3A_721 = vector.shape_cast %get3A_720 : vector<1x1x16xf32> to vector<16xf32>
        %add3A_722 = arith.addf %get3A_721, %bitcast_convert_type3A_711 : vector<16xf32>
        %max3A_723 = arith.constant 0.000000e+00 : f32
        %max3A_724 = vector.broadcast %max3A_723 : f32 to vector<16xf32>
        %max3A_725 = arith.maximumf %add3A_722, %max3A_724 : vector<16xf32>
        %swap3A_726 = arith.constant 1 : i32
        %swap3A_727 = arith.index_cast %swap3A_726 : i32 to index
        %swap3A_728 = arith.index_cast %mul3A_499 : i32 to index
        %swap3A_729 = arith.constant 64 : index
        %swap3A_730 = tpu.vector_load %arg11[%swap3A_727, %swap3A_728, %swap3A_729] {strides = array<i32>} : memref<2x80x128xf32, #tpu.memory_space<vmem>>, vector<1x1x16xf32>,
        %swap3A_731 = vector.shape_cast %swap3A_730 : vector<1x1x16xf32> to vector<16xf32>
        %swap3A_732 = vector.shape_cast %max3A_725 : vector<16xf32> to vector<1x1x16xf32>
        tpu.vector_store %arg11[%swap3A_727, %swap3A_728, %swap3A_729], %swap3A_732 {strides = array<i32>} : memref<2x80x128xf32, #tpu.memory_space<vmem>>, vector<1x1x16xf32>,
        %add3A_733 = arith.constant 1 : i32
        %add3A_734 = arith.addi %mul3A_499, %add3A_733 : i32
        %get3A_735 = arith.constant 1 : i32
        %get3A_736 = arith.index_cast %get3A_735 : i32 to index
        %get3A_737 = arith.index_cast %add3A_734 : i32 to index
        %get3A_738 = arith.constant 64 : index
        %get3A_739 = tpu.vector_load %arg11[%get3A_736, %get3A_737, %get3A_738] {strides = array<i32>} : memref<2x80x128xf32, #tpu.memory_space<vmem>>, vector<1x1x16xf32>,
        %get3A_740 = vector.shape_cast %get3A_739 : vector<1x1x16xf32> to vector<16xf32>
        %add3A_741 = arith.addf %get3A_740, %bitcast_convert_type3A_715 : vector<16xf32>
        %max3A_742 = arith.constant 0.000000e+00 : f32
        %max3A_743 = vector.broadcast %max3A_742 : f32 to vector<16xf32>
        %max3A_744 = arith.maximumf %add3A_741, %max3A_743 : vector<16xf32>
        %add3A_745 = arith.constant 1 : i32
        %add3A_746 = arith.addi %mul3A_499, %add3A_745 : i32
        %swap3A_747 = arith.constant 1 : i32
        %swap3A_748 = arith.index_cast %swap3A_747 : i32 to index
        %swap3A_749 = arith.index_cast %add3A_746 : i32 to index
        %swap3A_750 = arith.constant 64 : index
        %swap3A_751 = tpu.vector_load %arg11[%swap3A_748, %swap3A_749, %swap3A_750] {strides = array<i32>} : memref<2x80x128xf32, #tpu.memory_space<vmem>>, vector<1x1x16xf32>,
        %swap3A_752 = vector.shape_cast %swap3A_751 : vector<1x1x16xf32> to vector<16xf32>
        %swap3A_753 = vector.shape_cast %max3A_744 : vector<16xf32> to vector<1x1x16xf32>
        tpu.vector_store %arg11[%swap3A_748, %swap3A_749, %swap3A_750], %swap3A_753 {strides = array<i32>} : memref<2x80x128xf32, #tpu.memory_space<vmem>>, vector<1x1x16xf32>,
        %get3A_754 = arith.constant 1 : i32
        %get3A_755 = arith.index_cast %get3A_754 : i32 to index
        %get3A_756 = arith.index_cast %scan3A_497 : i32 to index
        %get3A_757 = arith.constant 80 : index
        %get3A_758 = tpu.vector_load %arg10[%get3A_755, %get3A_756, %get3A_757] {strides = array<i32>} : memref<2x40x128xi32, #tpu.memory_space<vmem>>, vector<1x1x16xi32>,
        %get3A_759 = vector.shape_cast %get3A_758 : vector<1x1x16xi32> to vector<16xi32>
        %shift_left3A_760 = arith.constant 16 : i32
        %shift_left3A_761 = vector.broadcast %shift_left3A_760 : i32 to vector<16xi32>
        %shift_left3A_762 = arith.shli %get3A_759, %shift_left3A_761 : vector<16xi32>
        %bitcast_convert_type3A_763 = tpu.bitcast %shift_left3A_762 : vector<16xi32> -> vector<16xf32>
        %and3A_764 = arith.constant -65536 : i32
        %and3A_765 = vector.broadcast %and3A_764 : i32 to vector<16xi32>
        %and3A_766 = arith.andi %get3A_759, %and3A_765 : vector<16xi32>
        %bitcast_convert_type3A_767 = tpu.bitcast %and3A_766 : vector<16xi32> -> vector<16xf32>
        %get3A_768 = arith.constant 1 : i32
        %get3A_769 = arith.index_cast %get3A_768 : i32 to index
        %get3A_770 = arith.index_cast %mul3A_499 : i32 to index
        %get3A_771 = arith.constant 80 : index
        %get3A_772 = tpu.vector_load %arg11[%get3A_769, %get3A_770, %get3A_771] {strides = array<i32>} : memref<2x80x128xf32, #tpu.memory_space<vmem>>, vector<1x1x16xf32>,
        %get3A_773 = vector.shape_cast %get3A_772 : vector<1x1x16xf32> to vector<16xf32>
        %add3A_774 = arith.addf %get3A_773, %bitcast_convert_type3A_763 : vector<16xf32>
        %max3A_775 = arith.constant 0.000000e+00 : f32
        %max3A_776 = vector.broadcast %max3A_775 : f32 to vector<16xf32>
        %max3A_777 = arith.maximumf %add3A_774, %max3A_776 : vector<16xf32>
        %swap3A_778 = arith.constant 1 : i32
        %swap3A_779 = arith.index_cast %swap3A_778 : i32 to index
        %swap3A_780 = arith.index_cast %mul3A_499 : i32 to index
        %swap3A_781 = arith.constant 80 : index
        %swap3A_782 = tpu.vector_load %arg11[%swap3A_779, %swap3A_780, %swap3A_781] {strides = array<i32>} : memref<2x80x128xf32, #tpu.memory_space<vmem>>, vector<1x1x16xf32>,
        %swap3A_783 = vector.shape_cast %swap3A_782 : vector<1x1x16xf32> to vector<16xf32>
        %swap3A_784 = vector.shape_cast %max3A_777 : vector<16xf32> to vector<1x1x16xf32>
        tpu.vector_store %arg11[%swap3A_779, %swap3A_780, %swap3A_781], %swap3A_784 {strides = array<i32>} : memref<2x80x128xf32, #tpu.memory_space<vmem>>, vector<1x1x16xf32>,
        %add3A_785 = arith.constant 1 : i32
        %add3A_786 = arith.addi %mul3A_499, %add3A_785 : i32
        %get3A_787 = arith.constant 1 : i32
        %get3A_788 = arith.index_cast %get3A_787 : i32 to index
        %get3A_789 = arith.index_cast %add3A_786 : i32 to index
        %get3A_790 = arith.constant 80 : index
        %get3A_791 = tpu.vector_load %arg11[%get3A_788, %get3A_789, %get3A_790] {strides = array<i32>} : memref<2x80x128xf32, #tpu.memory_space<vmem>>, vector<1x1x16xf32>,
        %get3A_792 = vector.shape_cast %get3A_791 : vector<1x1x16xf32> to vector<16xf32>
        %add3A_793 = arith.addf %get3A_792, %bitcast_convert_type3A_767 : vector<16xf32>
        %max3A_794 = arith.constant 0.000000e+00 : f32
        %max3A_795 = vector.broadcast %max3A_794 : f32 to vector<16xf32>
        %max3A_796 = arith.maximumf %add3A_793, %max3A_795 : vector<16xf32>
        %add3A_797 = arith.constant 1 : i32
        %add3A_798 = arith.addi %mul3A_499, %add3A_797 : i32
        %swap3A_799 = arith.constant 1 : i32
        %swap3A_800 = arith.index_cast %swap3A_799 : i32 to index
        %swap3A_801 = arith.index_cast %add3A_798 : i32 to index
        %swap3A_802 = arith.constant 80 : index
        %swap3A_803 = tpu.vector_load %arg11[%swap3A_800, %swap3A_801, %swap3A_802] {strides = array<i32>} : memref<2x80x128xf32, #tpu.memory_space<vmem>>, vector<1x1x16xf32>,
        %swap3A_804 = vector.shape_cast %swap3A_803 : vector<1x1x16xf32> to vector<16xf32>
        %swap3A_805 = vector.shape_cast %max3A_796 : vector<16xf32> to vector<1x1x16xf32>
        tpu.vector_store %arg11[%swap3A_800, %swap3A_801, %swap3A_802], %swap3A_805 {strides = array<i32>} : memref<2x80x128xf32, #tpu.memory_space<vmem>>, vector<1x1x16xf32>,
        %get3A_806 = arith.constant 1 : i32
        %get3A_807 = arith.index_cast %get3A_806 : i32 to index
        %get3A_808 = arith.index_cast %scan3A_497 : i32 to index
        %get3A_809 = arith.constant 96 : index
        %get3A_810 = tpu.vector_load %arg10[%get3A_807, %get3A_808, %get3A_809] {strides = array<i32>} : memref<2x40x128xi32, #tpu.memory_space<vmem>>, vector<1x1x16xi32>,
        %get3A_811 = vector.shape_cast %get3A_810 : vector<1x1x16xi32> to vector<16xi32>
        %shift_left3A_812 = arith.constant 16 : i32
        %shift_left3A_813 = vector.broadcast %shift_left3A_812 : i32 to vector<16xi32>
        %shift_left3A_814 = arith.shli %get3A_811, %shift_left3A_813 : vector<16xi32>
        %bitcast_convert_type3A_815 = tpu.bitcast %shift_left3A_814 : vector<16xi32> -> vector<16xf32>
        %and3A_816 = arith.constant -65536 : i32
        %and3A_817 = vector.broadcast %and3A_816 : i32 to vector<16xi32>
        %and3A_818 = arith.andi %get3A_811, %and3A_817 : vector<16xi32>
        %bitcast_convert_type3A_819 = tpu.bitcast %and3A_818 : vector<16xi32> -> vector<16xf32>
        %get3A_820 = arith.constant 1 : i32
        %get3A_821 = arith.index_cast %get3A_820 : i32 to index
        %get3A_822 = arith.index_cast %mul3A_499 : i32 to index
        %get3A_823 = arith.constant 96 : index
        %get3A_824 = tpu.vector_load %arg11[%get3A_821, %get3A_822, %get3A_823] {strides = array<i32>} : memref<2x80x128xf32, #tpu.memory_space<vmem>>, vector<1x1x16xf32>,
        %get3A_825 = vector.shape_cast %get3A_824 : vector<1x1x16xf32> to vector<16xf32>
        %add3A_826 = arith.addf %get3A_825, %bitcast_convert_type3A_815 : vector<16xf32>
        %max3A_827 = arith.constant 0.000000e+00 : f32
        %max3A_828 = vector.broadcast %max3A_827 : f32 to vector<16xf32>
        %max3A_829 = arith.maximumf %add3A_826, %max3A_828 : vector<16xf32>
        %swap3A_830 = arith.constant 1 : i32
        %swap3A_831 = arith.index_cast %swap3A_830 : i32 to index
        %swap3A_832 = arith.index_cast %mul3A_499 : i32 to index
        %swap3A_833 = arith.constant 96 : index
        %swap3A_834 = tpu.vector_load %arg11[%swap3A_831, %swap3A_832, %swap3A_833] {strides = array<i32>} : memref<2x80x128xf32, #tpu.memory_space<vmem>>, vector<1x1x16xf32>,
        %swap3A_835 = vector.shape_cast %swap3A_834 : vector<1x1x16xf32> to vector<16xf32>
        %swap3A_836 = vector.shape_cast %max3A_829 : vector<16xf32> to vector<1x1x16xf32>
        tpu.vector_store %arg11[%swap3A_831, %swap3A_832, %swap3A_833], %swap3A_836 {strides = array<i32>} : memref<2x80x128xf32, #tpu.memory_space<vmem>>, vector<1x1x16xf32>,
        %add3A_837 = arith.constant 1 : i32
        %add3A_838 = arith.addi %mul3A_499, %add3A_837 : i32
        %get3A_839 = arith.constant 1 : i32
        %get3A_840 = arith.index_cast %get3A_839 : i32 to index
        %get3A_841 = arith.index_cast %add3A_838 : i32 to index
        %get3A_842 = arith.constant 96 : index
        %get3A_843 = tpu.vector_load %arg11[%get3A_840, %get3A_841, %get3A_842] {strides = array<i32>} : memref<2x80x128xf32, #tpu.memory_space<vmem>>, vector<1x1x16xf32>,
        %get3A_844 = vector.shape_cast %get3A_843 : vector<1x1x16xf32> to vector<16xf32>
        %add3A_845 = arith.addf %get3A_844, %bitcast_convert_type3A_819 : vector<16xf32>
        %max3A_846 = arith.constant 0.000000e+00 : f32
        %max3A_847 = vector.broadcast %max3A_846 : f32 to vector<16xf32>
        %max3A_848 = arith.maximumf %add3A_845, %max3A_847 : vector<16xf32>
        %add3A_849 = arith.constant 1 : i32
        %add3A_850 = arith.addi %mul3A_499, %add3A_849 : i32
        %swap3A_851 = arith.constant 1 : i32
        %swap3A_852 = arith.index_cast %swap3A_851 : i32 to index
        %swap3A_853 = arith.index_cast %add3A_850 : i32 to index
        %swap3A_854 = arith.constant 96 : index
        %swap3A_855 = tpu.vector_load %arg11[%swap3A_852, %swap3A_853, %swap3A_854] {strides = array<i32>} : memref<2x80x128xf32, #tpu.memory_space<vmem>>, vector<1x1x16xf32>,
        %swap3A_856 = vector.shape_cast %swap3A_855 : vector<1x1x16xf32> to vector<16xf32>
        %swap3A_857 = vector.shape_cast %max3A_848 : vector<16xf32> to vector<1x1x16xf32>
        tpu.vector_store %arg11[%swap3A_852, %swap3A_853, %swap3A_854], %swap3A_857 {strides = array<i32>} : memref<2x80x128xf32, #tpu.memory_space<vmem>>, vector<1x1x16xf32>,
        %get3A_858 = arith.constant 1 : i32
        %get3A_859 = arith.index_cast %get3A_858 : i32 to index
        %get3A_860 = arith.index_cast %scan3A_497 : i32 to index
        %get3A_861 = arith.constant 112 : index
        %get3A_862 = tpu.vector_load %arg10[%get3A_859, %get3A_860, %get3A_861] {strides = array<i32>} : memref<2x40x128xi32, #tpu.memory_space<vmem>>, vector<1x1x16xi32>,
        %get3A_863 = vector.shape_cast %get3A_862 : vector<1x1x16xi32> to vector<16xi32>
        %shift_left3A_864 = arith.constant 16 : i32
        %shift_left3A_865 = vector.broadcast %shift_left3A_864 : i32 to vector<16xi32>
        %shift_left3A_866 = arith.shli %get3A_863, %shift_left3A_865 : vector<16xi32>
        %bitcast_convert_type3A_867 = tpu.bitcast %shift_left3A_866 : vector<16xi32> -> vector<16xf32>
        %and3A_868 = arith.constant -65536 : i32
        %and3A_869 = vector.broadcast %and3A_868 : i32 to vector<16xi32>
        %and3A_870 = arith.andi %get3A_863, %and3A_869 : vector<16xi32>
        %bitcast_convert_type3A_871 = tpu.bitcast %and3A_870 : vector<16xi32> -> vector<16xf32>
        %get3A_872 = arith.constant 1 : i32
        %get3A_873 = arith.index_cast %get3A_872 : i32 to index
        %get3A_874 = arith.index_cast %mul3A_499 : i32 to index
        %get3A_875 = arith.constant 112 : index
        %get3A_876 = tpu.vector_load %arg11[%get3A_873, %get3A_874, %get3A_875] {strides = array<i32>} : memref<2x80x128xf32, #tpu.memory_space<vmem>>, vector<1x1x16xf32>,
        %get3A_877 = vector.shape_cast %get3A_876 : vector<1x1x16xf32> to vector<16xf32>
        %add3A_878 = arith.addf %get3A_877, %bitcast_convert_type3A_867 : vector<16xf32>
        %max3A_879 = arith.constant 0.000000e+00 : f32
        %max3A_880 = vector.broadcast %max3A_879 : f32 to vector<16xf32>
        %max3A_881 = arith.maximumf %add3A_878, %max3A_880 : vector<16xf32>
        %swap3A_882 = arith.constant 1 : i32
        %swap3A_883 = arith.index_cast %swap3A_882 : i32 to index
        %swap3A_884 = arith.index_cast %mul3A_499 : i32 to index
        %swap3A_885 = arith.constant 112 : index
        %swap3A_886 = tpu.vector_load %arg11[%swap3A_883, %swap3A_884, %swap3A_885] {strides = array<i32>} : memref<2x80x128xf32, #tpu.memory_space<vmem>>, vector<1x1x16xf32>,
        %swap3A_887 = vector.shape_cast %swap3A_886 : vector<1x1x16xf32> to vector<16xf32>
        %swap3A_888 = vector.shape_cast %max3A_881 : vector<16xf32> to vector<1x1x16xf32>
        tpu.vector_store %arg11[%swap3A_883, %swap3A_884, %swap3A_885], %swap3A_888 {strides = array<i32>} : memref<2x80x128xf32, #tpu.memory_space<vmem>>, vector<1x1x16xf32>,
        %add3A_889 = arith.constant 1 : i32
        %add3A_890 = arith.addi %mul3A_499, %add3A_889 : i32
        %get3A_891 = arith.constant 1 : i32
        %get3A_892 = arith.index_cast %get3A_891 : i32 to index
        %get3A_893 = arith.index_cast %add3A_890 : i32 to index
        %get3A_894 = arith.constant 112 : index
        %get3A_895 = tpu.vector_load %arg11[%get3A_892, %get3A_893, %get3A_894] {strides = array<i32>} : memref<2x80x128xf32, #tpu.memory_space<vmem>>, vector<1x1x16xf32>,
        %get3A_896 = vector.shape_cast %get3A_895 : vector<1x1x16xf32> to vector<16xf32>
        %add3A_897 = arith.addf %get3A_896, %bitcast_convert_type3A_871 : vector<16xf32>
        %max3A_898 = arith.constant 0.000000e+00 : f32
        %max3A_899 = vector.broadcast %max3A_898 : f32 to vector<16xf32>
        %max3A_900 = arith.maximumf %add3A_897, %max3A_899 : vector<16xf32>
        %add3A_901 = arith.constant 1 : i32
        %add3A_902 = arith.addi %mul3A_499, %add3A_901 : i32
        %swap3A_903 = arith.constant 1 : i32
        %swap3A_904 = arith.index_cast %swap3A_903 : i32 to index
        %swap3A_905 = arith.index_cast %add3A_902 : i32 to index
        %swap3A_906 = arith.constant 112 : index
        %swap3A_907 = tpu.vector_load %arg11[%swap3A_904, %swap3A_905, %swap3A_906] {strides = array<i32>} : memref<2x80x128xf32, #tpu.memory_space<vmem>>, vector<1x1x16xf32>,
        %swap3A_908 = vector.shape_cast %swap3A_907 : vector<1x1x16xf32> to vector<16xf32>
        %swap3A_909 = vector.shape_cast %max3A_900 : vector<16xf32> to vector<1x1x16xf32>
        tpu.vector_store %arg11[%swap3A_904, %swap3A_905, %swap3A_906], %swap3A_909 {strides = array<i32>} : memref<2x80x128xf32, #tpu.memory_space<vmem>>, vector<1x1x16xf32>,
      }
      %scan3A_481 = arith.constant 40 : i32
      %dma_start3A_482 = arith.constant 1 : i32
      %dma_start3A_483 = arith.constant 1 : i32
      %dma_start3A_484 = arith.constant 1 : i32
      %dma_start3A_485 = arith.constant 0 : i32
      %dma_start3A_486 = arith.constant 0 : i32
      %dma_start3A_487 = tpu.memref_slice %arg11[%dma_start3A_482, %dma_start3A_485, %dma_start3A_486] : memref<2x80x128xf32, #tpu.memory_space<vmem>> -> memref<1x80x128xf32, #tpu.memory_space<vmem>>
      %dma_start3A_488 = tpu.memref_squeeze %dma_start3A_487 : memref<1x80x128xf32, #tpu.memory_space<vmem>> -> memref<80x128xf32, #tpu.memory_space<vmem>>
      %dma_start3A_489 = arith.constant 0 : i32
      %dma_start3A_490 = tpu.memref_slice %arg9[%dma_start3A_483, %dma_start3A_489] : memref<2x80xi32, #tpu.memory_space<vmem>> -> memref<1x80xi32, #tpu.memory_space<vmem>>
      %dma_start3A_491 = tpu.memref_squeeze %dma_start3A_490 : memref<1x80xi32, #tpu.memory_space<vmem>> -> memref<80xi32, #tpu.memory_space<vmem>>
      %dma_start3A_492 = arith.constant 0 : i32
      %dma_start3A_493 = arith.constant 0 : i32
      %dma_start3A_494 = tpu.memref_slice %arg12[%dma_start3A_492, %dma_start3A_493] : memref<10112x128xf32, #tpu.memory_space<vmem_shared>> -> memref<10112x128xf32, #tpu.memory_space<vmem_shared>>
      %dma_start3A_495 = tpu.memref_slice %arg15[%dma_start3A_484] : memref<2x!tpu.dma_semaphore, #tpu.memory_space<semaphore_mem>> -> memref<1x!tpu.dma_semaphore, #tpu.memory_space<semaphore_mem>>
      %dma_start3A_496 = tpu.memref_squeeze %dma_start3A_495 : memref<1x!tpu.dma_semaphore, #tpu.memory_space<semaphore_mem>> -> memref<!tpu.dma_semaphore, #tpu.memory_space<semaphore_mem>>
      tpu.enqueue_indirect_dma source(%dma_start3A_488 : memref<80x128xf32, #tpu.memory_space<vmem>>) target(%dma_start3A_494 : memref<10112x128xf32, #tpu.memory_space<vmem_shared>>) offsets(%dma_start3A_491 : memref<80xi32, #tpu.memory_space<vmem>>) semaphore(%dma_start3A_496 : memref<!tpu.dma_semaphore, #tpu.memory_space<semaphore_mem>>) {add = true}
    }
    %scan3A_54 = arith.constant 62 : i32
    %add3A_55 = arith.constant 9920 : i32
    %add3A_56 = arith.addi %mul3A_4, %add3A_55 : i32
    %add3A_57 = arith.constant 4960 : i32
    %add3A_58 = arith.addi %mul3A_6, %add3A_57 : i32
    %multiple_of3A_59 = tpu.assume_multiple %add3A_58, 8 : i32
    %dma_wait3A = arith.constant 0 : i32
    %dma_wait3A_60 = arith.constant 0 : i32
    %dma_wait3A_61 = arith.constant 0 : i32
    %dma_wait3A_62 = tpu.memref_slice %arg8[%dma_wait3A, %dma_wait3A_61] : memref<2x80xi32, #tpu.memory_space<vmem>> -> memref<1x80xi32, #tpu.memory_space<vmem>>
    %dma_wait3A_63 = tpu.memref_squeeze %dma_wait3A_62 : memref<1x80xi32, #tpu.memory_space<vmem>> -> memref<80xi32, #tpu.memory_space<vmem>>
    %dma_wait3A_64 = tpu.memref_slice %arg4[%add3A_56] : memref<320000xi32, #tpu.memory_space<hbm>> -> memref<80xi32, #tpu.memory_space<hbm>>
    %dma_wait3A_65 = tpu.memref_slice %arg13[%dma_wait3A_60] : memref<2x!tpu.dma_semaphore, #tpu.memory_space<semaphore_mem>> -> memref<1x!tpu.dma_semaphore, #tpu.memory_space<semaphore_mem>>
    %dma_wait3A_66 = tpu.memref_squeeze %dma_wait3A_65 : memref<1x!tpu.dma_semaphore, #tpu.memory_space<semaphore_mem>> -> memref<!tpu.dma_semaphore, #tpu.memory_space<semaphore_mem>>
    %dma_wait3A_67 = arith.constant 0 : i32
    %dma_wait3A_68 = tpu.memref_slice %arg8[%dma_wait3A, %dma_wait3A_67] : memref<2x80xi32, #tpu.memory_space<vmem>> -> memref<1x80xi32, #tpu.memory_space<vmem>>
    %dma_wait3A_69 = tpu.memref_squeeze %dma_wait3A_68 : memref<1x80xi32, #tpu.memory_space<vmem>> -> memref<80xi32, #tpu.memory_space<vmem>>
    %dma_wait3A_70 = tpu.memref_slice %arg4[%add3A_56] : memref<320000xi32, #tpu.memory_space<hbm>> -> memref<80xi32, #tpu.memory_space<hbm>>
    tpu.wait_dma2 semaphore(%dma_wait3A_66 : memref<!tpu.dma_semaphore, #tpu.memory_space<semaphore_mem>>) src(%dma_wait3A_70 : memref<80xi32, #tpu.memory_space<hbm>>) dst(%dma_wait3A_69 : memref<80xi32, #tpu.memory_space<vmem>>)
    %dma_wait3A_71 = arith.constant 0 : i32
    %dma_wait3A_72 = arith.constant 0 : i32
    %dma_wait3A_73 = arith.constant 0 : i32
    %dma_wait3A_74 = tpu.memref_slice %arg9[%dma_wait3A_71, %dma_wait3A_73] : memref<2x80xi32, #tpu.memory_space<vmem>> -> memref<1x80xi32, #tpu.memory_space<vmem>>
    %dma_wait3A_75 = tpu.memref_squeeze %dma_wait3A_74 : memref<1x80xi32, #tpu.memory_space<vmem>> -> memref<80xi32, #tpu.memory_space<vmem>>
    %dma_wait3A_76 = tpu.memref_slice %arg5[%add3A_56] : memref<320000xi32, #tpu.memory_space<hbm>> -> memref<80xi32, #tpu.memory_space<hbm>>
    %dma_wait3A_77 = tpu.memref_slice %arg13[%dma_wait3A_72] : memref<2x!tpu.dma_semaphore, #tpu.memory_space<semaphore_mem>> -> memref<1x!tpu.dma_semaphore, #tpu.memory_space<semaphore_mem>>
    %dma_wait3A_78 = tpu.memref_squeeze %dma_wait3A_77 : memref<1x!tpu.dma_semaphore, #tpu.memory_space<semaphore_mem>> -> memref<!tpu.dma_semaphore, #tpu.memory_space<semaphore_mem>>
    %dma_wait3A_79 = arith.constant 0 : i32
    %dma_wait3A_80 = tpu.memref_slice %arg9[%dma_wait3A_71, %dma_wait3A_79] : memref<2x80xi32, #tpu.memory_space<vmem>> -> memref<1x80xi32, #tpu.memory_space<vmem>>
    %dma_wait3A_81 = tpu.memref_squeeze %dma_wait3A_80 : memref<1x80xi32, #tpu.memory_space<vmem>> -> memref<80xi32, #tpu.memory_space<vmem>>
    %dma_wait3A_82 = tpu.memref_slice %arg5[%add3A_56] : memref<320000xi32, #tpu.memory_space<hbm>> -> memref<80xi32, #tpu.memory_space<hbm>>
    tpu.wait_dma2 semaphore(%dma_wait3A_78 : memref<!tpu.dma_semaphore, #tpu.memory_space<semaphore_mem>>) src(%dma_wait3A_82 : memref<80xi32, #tpu.memory_space<hbm>>) dst(%dma_wait3A_81 : memref<80xi32, #tpu.memory_space<vmem>>)
    %dma_wait3A_83 = arith.constant 0 : i32
    %dma_wait3A_84 = arith.constant 0 : i32
    %dma_wait3A_85 = arith.constant 0 : i32
    %dma_wait3A_86 = arith.constant 0 : i32
    %dma_wait3A_87 = tpu.memref_slice %arg10[%dma_wait3A_83, %dma_wait3A_85, %dma_wait3A_86] : memref<2x40x128xi32, #tpu.memory_space<vmem>> -> memref<1x40x128xi32, #tpu.memory_space<vmem>>
    %dma_wait3A_88 = tpu.memref_squeeze %dma_wait3A_87 : memref<1x40x128xi32, #tpu.memory_space<vmem>> -> memref<40x128xi32, #tpu.memory_space<vmem>>
    %dma_wait3A_89 = arith.constant 0 : i32
    %dma_wait3A_90 = tpu.memref_slice %arg3[%multiple_of3A_59, %dma_wait3A_89] : memref<160000x128xi32, #tpu.memory_space<hbm>> -> memref<40x128xi32, #tpu.memory_space<hbm>>
    %dma_wait3A_91 = tpu.memref_slice %arg13[%dma_wait3A_84] : memref<2x!tpu.dma_semaphore, #tpu.memory_space<semaphore_mem>> -> memref<1x!tpu.dma_semaphore, #tpu.memory_space<semaphore_mem>>
    %dma_wait3A_92 = tpu.memref_squeeze %dma_wait3A_91 : memref<1x!tpu.dma_semaphore, #tpu.memory_space<semaphore_mem>> -> memref<!tpu.dma_semaphore, #tpu.memory_space<semaphore_mem>>
    %dma_wait3A_93 = arith.constant 0 : i32
    %dma_wait3A_94 = arith.constant 0 : i32
    %dma_wait3A_95 = tpu.memref_slice %arg10[%dma_wait3A_83, %dma_wait3A_93, %dma_wait3A_94] : memref<2x40x128xi32, #tpu.memory_space<vmem>> -> memref<1x40x128xi32, #tpu.memory_space<vmem>>
    %dma_wait3A_96 = tpu.memref_squeeze %dma_wait3A_95 : memref<1x40x128xi32, #tpu.memory_space<vmem>> -> memref<40x128xi32, #tpu.memory_space<vmem>>
    %dma_wait3A_97 = arith.constant 0 : i32
    %dma_wait3A_98 = tpu.memref_slice %arg3[%multiple_of3A_59, %dma_wait3A_97] : memref<160000x128xi32, #tpu.memory_space<hbm>> -> memref<40x128xi32, #tpu.memory_space<hbm>>
    tpu.wait_dma2 semaphore(%dma_wait3A_92 : memref<!tpu.dma_semaphore, #tpu.memory_space<semaphore_mem>>) src(%dma_wait3A_98 : memref<40x128xi32, #tpu.memory_space<hbm>>) dst(%dma_wait3A_96 : memref<40x128xi32, #tpu.memory_space<vmem>>)
    %dma_start3A_99 = arith.constant 0 : i32
    %dma_start3A_100 = arith.constant 0 : i32
    %dma_start3A_101 = arith.constant 0 : i32
    %dma_start3A_102 = arith.constant 0 : i32
    %dma_start3A_103 = arith.constant 0 : i32
    %dma_start3A_104 = tpu.memref_slice %arg11[%dma_start3A_100, %dma_start3A_102, %dma_start3A_103] : memref<2x80x128xf32, #tpu.memory_space<vmem>> -> memref<1x80x128xf32, #tpu.memory_space<vmem>>
    %dma_start3A_105 = tpu.memref_squeeze %dma_start3A_104 : memref<1x80x128xf32, #tpu.memory_space<vmem>> -> memref<80x128xf32, #tpu.memory_space<vmem>>
    %dma_start3A_106 = arith.constant 0 : i32
    %dma_start3A_107 = tpu.memref_slice %arg8[%dma_start3A_99, %dma_start3A_106] : memref<2x80xi32, #tpu.memory_space<vmem>> -> memref<1x80xi32, #tpu.memory_space<vmem>>
    %dma_start3A_108 = tpu.memref_squeeze %dma_start3A_107 : memref<1x80xi32, #tpu.memory_space<vmem>> -> memref<80xi32, #tpu.memory_space<vmem>>
    %dma_start3A_109 = arith.constant 0 : i32
    %dma_start3A_110 = arith.constant 0 : i32
    %dma_start3A_111 = tpu.memref_slice %arg2[%dma_start3A_109, %dma_start3A_110] : memref<10000x128xf32, #tpu.memory_space<hbm>> -> memref<10000x128xf32, #tpu.memory_space<hbm>>
    %dma_start3A_112 = tpu.memref_slice %arg14[%dma_start3A_101] : memref<2x!tpu.dma_semaphore, #tpu.memory_space<semaphore_mem>> -> memref<1x!tpu.dma_semaphore, #tpu.memory_space<semaphore_mem>>
    %dma_start3A_113 = tpu.memref_squeeze %dma_start3A_112 : memref<1x!tpu.dma_semaphore, #tpu.memory_space<semaphore_mem>> -> memref<!tpu.dma_semaphore, #tpu.memory_space<semaphore_mem>>
    tpu.enqueue_indirect_dma source(%dma_start3A_111 : memref<10000x128xf32, #tpu.memory_space<hbm>>) target(%dma_start3A_105 : memref<80x128xf32, #tpu.memory_space<vmem>>) offsets(%dma_start3A_108 : memref<80xi32, #tpu.memory_space<vmem>>) semaphore(%dma_start3A_113 : memref<!tpu.dma_semaphore, #tpu.memory_space<semaphore_mem>>)
    %dma_wait3A_114 = arith.constant 1 : i32
    %dma_wait3A_115 = arith.constant 1 : i32
    %dma_wait3A_116 = arith.constant 1 : i32
    %dma_wait3A_117 = arith.constant 0 : i32
    %dma_wait3A_118 = arith.constant 0 : i32
    %dma_wait3A_119 = tpu.memref_slice %arg11[%dma_wait3A_114, %dma_wait3A_117, %dma_wait3A_118] : memref<2x80x128xf32, #tpu.memory_space<vmem>> -> memref<1x80x128xf32, #tpu.memory_space<vmem>>
    %dma_wait3A_120 = tpu.memref_squeeze %dma_wait3A_119 : memref<1x80x128xf32, #tpu.memory_space<vmem>> -> memref<80x128xf32, #tpu.memory_space<vmem>>
    %dma_wait3A_121 = arith.constant 0 : i32
    %dma_wait3A_122 = tpu.memref_slice %arg9[%dma_wait3A_115, %dma_wait3A_121] : memref<2x80xi32, #tpu.memory_space<vmem>> -> memref<1x80xi32, #tpu.memory_space<vmem>>
    %dma_wait3A_123 = tpu.memref_squeeze %dma_wait3A_122 : memref<1x80xi32, #tpu.memory_space<vmem>> -> memref<80xi32, #tpu.memory_space<vmem>>
    %dma_wait3A_124 = arith.constant 0 : i32
    %dma_wait3A_125 = arith.constant 0 : i32
    %dma_wait3A_126 = tpu.memref_slice %arg12[%dma_wait3A_124, %dma_wait3A_125] : memref<10112x128xf32, #tpu.memory_space<vmem_shared>> -> memref<10112x128xf32, #tpu.memory_space<vmem_shared>>
    %dma_wait3A_127 = tpu.memref_slice %arg15[%dma_wait3A_116] : memref<2x!tpu.dma_semaphore, #tpu.memory_space<semaphore_mem>> -> memref<1x!tpu.dma_semaphore, #tpu.memory_space<semaphore_mem>>
    %dma_wait3A_128 = tpu.memref_squeeze %dma_wait3A_127 : memref<1x!tpu.dma_semaphore, #tpu.memory_space<semaphore_mem>> -> memref<!tpu.dma_semaphore, #tpu.memory_space<semaphore_mem>>
    tpu.wait_indirect_dma semaphore(%dma_wait3A_128 : memref<!tpu.dma_semaphore, #tpu.memory_space<semaphore_mem>>) src(%dma_wait3A_120 : memref<80x128xf32, #tpu.memory_space<vmem>>) dst(%dma_wait3A_126 : memref<10112x128xf32, #tpu.memory_space<vmem_shared>>)
    %dma_wait3A_129 = arith.constant 0 : i32
    %dma_wait3A_130 = arith.constant 0 : i32
    %dma_wait3A_131 = arith.constant 0 : i32
    %dma_wait3A_132 = arith.constant 0 : i32
    %dma_wait3A_133 = arith.constant 0 : i32
    %dma_wait3A_134 = tpu.memref_slice %arg11[%dma_wait3A_130, %dma_wait3A_132, %dma_wait3A_133] : memref<2x80x128xf32, #tpu.memory_space<vmem>> -> memref<1x80x128xf32, #tpu.memory_space<vmem>>
    %dma_wait3A_135 = tpu.memref_squeeze %dma_wait3A_134 : memref<1x80x128xf32, #tpu.memory_space<vmem>> -> memref<80x128xf32, #tpu.memory_space<vmem>>
    %dma_wait3A_136 = arith.constant 0 : i32
    %dma_wait3A_137 = tpu.memref_slice %arg8[%dma_wait3A_129, %dma_wait3A_136] : memref<2x80xi32, #tpu.memory_space<vmem>> -> memref<1x80xi32, #tpu.memory_space<vmem>>
    %dma_wait3A_138 = tpu.memref_squeeze %dma_wait3A_137 : memref<1x80xi32, #tpu.memory_space<vmem>> -> memref<80xi32, #tpu.memory_space<vmem>>
    %dma_wait3A_139 = arith.constant 0 : i32
    %dma_wait3A_140 = arith.constant 0 : i32
    %dma_wait3A_141 = tpu.memref_slice %arg2[%dma_wait3A_139, %dma_wait3A_140] : memref<10000x128xf32, #tpu.memory_space<hbm>> -> memref<10000x128xf32, #tpu.memory_space<hbm>>
    %dma_wait3A_142 = tpu.memref_slice %arg14[%dma_wait3A_131] : memref<2x!tpu.dma_semaphore, #tpu.memory_space<semaphore_mem>> -> memref<1x!tpu.dma_semaphore, #tpu.memory_space<semaphore_mem>>
    %dma_wait3A_143 = tpu.memref_squeeze %dma_wait3A_142 : memref<1x!tpu.dma_semaphore, #tpu.memory_space<semaphore_mem>> -> memref<!tpu.dma_semaphore, #tpu.memory_space<semaphore_mem>>
    tpu.wait_indirect_dma semaphore(%dma_wait3A_143 : memref<!tpu.dma_semaphore, #tpu.memory_space<semaphore_mem>>) src(%dma_wait3A_141 : memref<10000x128xf32, #tpu.memory_space<hbm>>) dst(%dma_wait3A_135 : memref<80x128xf32, #tpu.memory_space<vmem>>)
    %scan3A_144 = arith.constant 0 : i32
    %scan3A_145 = arith.constant 0 : i32
    %scan3A_146 = arith.constant 40 : i32
    %scan3A_147 = arith.addi %scan3A_145, %scan3A_146 : i32
    %scan3A_148 = arith.constant 1 : i32
    scf.for %scan3A_181 = %scan3A_145 to %scan3A_147 step %scan3A_148  : i32 {
      %mul3A_182 = arith.constant 2 : i32
      %mul3A_183 = arith.muli %scan3A_181, %mul3A_182 : i32
      %get3A = arith.constant 0 : i32
      %get3A_184 = arith.index_cast %get3A : i32 to index
      %get3A_185 = arith.index_cast %scan3A_181 : i32 to index
      %get3A_186 = arith.constant 0 : index
      %get3A_187 = tpu.vector_load %arg10[%get3A_184, %get3A_185, %get3A_186] {strides = array<i32>} : memref<2x40x128xi32, #tpu.memory_space<vmem>>, vector<1x1x16xi32>,
      %get3A_188 = vector.shape_cast %get3A_187 : vector<1x1x16xi32> to vector<16xi32>
      %shift_left3A = arith.constant 16 : i32
      %shift_left3A_189 = vector.broadcast %shift_left3A : i32 to vector<16xi32>
      %shift_left3A_190 = arith.shli %get3A_188, %shift_left3A_189 : vector<16xi32>
      %bitcast_convert_type3A = tpu.bitcast %shift_left3A_190 : vector<16xi32> -> vector<16xf32>
      %and3A = arith.constant -65536 : i32
      %and3A_191 = vector.broadcast %and3A : i32 to vector<16xi32>
      %and3A_192 = arith.andi %get3A_188, %and3A_191 : vector<16xi32>
      %bitcast_convert_type3A_193 = tpu.bitcast %and3A_192 : vector<16xi32> -> vector<16xf32>
      %get3A_194 = arith.constant 0 : i32
      %get3A_195 = arith.index_cast %get3A_194 : i32 to index
      %get3A_196 = arith.index_cast %mul3A_183 : i32 to index
      %get3A_197 = arith.constant 0 : index
      %get3A_198 = tpu.vector_load %arg11[%get3A_195, %get3A_196, %get3A_197] {strides = array<i32>} : memref<2x80x128xf32, #tpu.memory_space<vmem>>, vector<1x1x16xf32>,
      %get3A_199 = vector.shape_cast %get3A_198 : vector<1x1x16xf32> to vector<16xf32>
      %add3A_200 = arith.addf %get3A_199, %bitcast_convert_type3A : vector<16xf32>
      %max3A = arith.constant 0.000000e+00 : f32
      %max3A_201 = vector.broadcast %max3A : f32 to vector<16xf32>
      %max3A_202 = arith.maximumf %add3A_200, %max3A_201 : vector<16xf32>
      %swap3A = arith.constant 0 : i32
      %swap3A_203 = arith.index_cast %swap3A : i32 to index
      %swap3A_204 = arith.index_cast %mul3A_183 : i32 to index
      %swap3A_205 = arith.constant 0 : index
      %swap3A_206 = tpu.vector_load %arg11[%swap3A_203, %swap3A_204, %swap3A_205] {strides = array<i32>} : memref<2x80x128xf32, #tpu.memory_space<vmem>>, vector<1x1x16xf32>,
      %swap3A_207 = vector.shape_cast %swap3A_206 : vector<1x1x16xf32> to vector<16xf32>
      %swap3A_208 = vector.shape_cast %max3A_202 : vector<16xf32> to vector<1x1x16xf32>
      tpu.vector_store %arg11[%swap3A_203, %swap3A_204, %swap3A_205], %swap3A_208 {strides = array<i32>} : memref<2x80x128xf32, #tpu.memory_space<vmem>>, vector<1x1x16xf32>,
      %add3A_209 = arith.constant 1 : i32
      %add3A_210 = arith.addi %mul3A_183, %add3A_209 : i32
      %get3A_211 = arith.constant 0 : i32
      %get3A_212 = arith.index_cast %get3A_211 : i32 to index
      %get3A_213 = arith.index_cast %add3A_210 : i32 to index
      %get3A_214 = arith.constant 0 : index
      %get3A_215 = tpu.vector_load %arg11[%get3A_212, %get3A_213, %get3A_214] {strides = array<i32>} : memref<2x80x128xf32, #tpu.memory_space<vmem>>, vector<1x1x16xf32>,
      %get3A_216 = vector.shape_cast %get3A_215 : vector<1x1x16xf32> to vector<16xf32>
      %add3A_217 = arith.addf %get3A_216, %bitcast_convert_type3A_193 : vector<16xf32>
      %max3A_218 = arith.constant 0.000000e+00 : f32
      %max3A_219 = vector.broadcast %max3A_218 : f32 to vector<16xf32>
      %max3A_220 = arith.maximumf %add3A_217, %max3A_219 : vector<16xf32>
      %add3A_221 = arith.constant 1 : i32
      %add3A_222 = arith.addi %mul3A_183, %add3A_221 : i32
      %swap3A_223 = arith.constant 0 : i32
      %swap3A_224 = arith.index_cast %swap3A_223 : i32 to index
      %swap3A_225 = arith.index_cast %add3A_222 : i32 to index
      %swap3A_226 = arith.constant 0 : index
      %swap3A_227 = tpu.vector_load %arg11[%swap3A_224, %swap3A_225, %swap3A_226] {strides = array<i32>} : memref<2x80x128xf32, #tpu.memory_space<vmem>>, vector<1x1x16xf32>,
      %swap3A_228 = vector.shape_cast %swap3A_227 : vector<1x1x16xf32> to vector<16xf32>
      %swap3A_229 = vector.shape_cast %max3A_220 : vector<16xf32> to vector<1x1x16xf32>
      tpu.vector_store %arg11[%swap3A_224, %swap3A_225, %swap3A_226], %swap3A_229 {strides = array<i32>} : memref<2x80x128xf32, #tpu.memory_space<vmem>>, vector<1x1x16xf32>,
      %get3A_230 = arith.constant 0 : i32
      %get3A_231 = arith.index_cast %get3A_230 : i32 to index
      %get3A_232 = arith.index_cast %scan3A_181 : i32 to index
      %get3A_233 = arith.constant 16 : index
      %get3A_234 = tpu.vector_load %arg10[%get3A_231, %get3A_232, %get3A_233] {strides = array<i32>} : memref<2x40x128xi32, #tpu.memory_space<vmem>>, vector<1x1x16xi32>,
      %get3A_235 = vector.shape_cast %get3A_234 : vector<1x1x16xi32> to vector<16xi32>
      %shift_left3A_236 = arith.constant 16 : i32
      %shift_left3A_237 = vector.broadcast %shift_left3A_236 : i32 to vector<16xi32>
      %shift_left3A_238 = arith.shli %get3A_235, %shift_left3A_237 : vector<16xi32>
      %bitcast_convert_type3A_239 = tpu.bitcast %shift_left3A_238 : vector<16xi32> -> vector<16xf32>
      %and3A_240 = arith.constant -65536 : i32
      %and3A_241 = vector.broadcast %and3A_240 : i32 to vector<16xi32>
      %and3A_242 = arith.andi %get3A_235, %and3A_241 : vector<16xi32>
      %bitcast_convert_type3A_243 = tpu.bitcast %and3A_242 : vector<16xi32> -> vector<16xf32>
      %get3A_244 = arith.constant 0 : i32
      %get3A_245 = arith.index_cast %get3A_244 : i32 to index
      %get3A_246 = arith.index_cast %mul3A_183 : i32 to index
      %get3A_247 = arith.constant 16 : index
      %get3A_248 = tpu.vector_load %arg11[%get3A_245, %get3A_246, %get3A_247] {strides = array<i32>} : memref<2x80x128xf32, #tpu.memory_space<vmem>>, vector<1x1x16xf32>,
      %get3A_249 = vector.shape_cast %get3A_248 : vector<1x1x16xf32> to vector<16xf32>
      %add3A_250 = arith.addf %get3A_249, %bitcast_convert_type3A_239 : vector<16xf32>
      %max3A_251 = arith.constant 0.000000e+00 : f32
      %max3A_252 = vector.broadcast %max3A_251 : f32 to vector<16xf32>
      %max3A_253 = arith.maximumf %add3A_250, %max3A_252 : vector<16xf32>
      %swap3A_254 = arith.constant 0 : i32
      %swap3A_255 = arith.index_cast %swap3A_254 : i32 to index
      %swap3A_256 = arith.index_cast %mul3A_183 : i32 to index
      %swap3A_257 = arith.constant 16 : index
      %swap3A_258 = tpu.vector_load %arg11[%swap3A_255, %swap3A_256, %swap3A_257] {strides = array<i32>} : memref<2x80x128xf32, #tpu.memory_space<vmem>>, vector<1x1x16xf32>,
      %swap3A_259 = vector.shape_cast %swap3A_258 : vector<1x1x16xf32> to vector<16xf32>
      %swap3A_260 = vector.shape_cast %max3A_253 : vector<16xf32> to vector<1x1x16xf32>
      tpu.vector_store %arg11[%swap3A_255, %swap3A_256, %swap3A_257], %swap3A_260 {strides = array<i32>} : memref<2x80x128xf32, #tpu.memory_space<vmem>>, vector<1x1x16xf32>,
      %add3A_261 = arith.constant 1 : i32
      %add3A_262 = arith.addi %mul3A_183, %add3A_261 : i32
      %get3A_263 = arith.constant 0 : i32
      %get3A_264 = arith.index_cast %get3A_263 : i32 to index
      %get3A_265 = arith.index_cast %add3A_262 : i32 to index
      %get3A_266 = arith.constant 16 : index
      %get3A_267 = tpu.vector_load %arg11[%get3A_264, %get3A_265, %get3A_266] {strides = array<i32>} : memref<2x80x128xf32, #tpu.memory_space<vmem>>, vector<1x1x16xf32>,
      %get3A_268 = vector.shape_cast %get3A_267 : vector<1x1x16xf32> to vector<16xf32>
      %add3A_269 = arith.addf %get3A_268, %bitcast_convert_type3A_243 : vector<16xf32>
      %max3A_270 = arith.constant 0.000000e+00 : f32
      %max3A_271 = vector.broadcast %max3A_270 : f32 to vector<16xf32>
      %max3A_272 = arith.maximumf %add3A_269, %max3A_271 : vector<16xf32>
      %add3A_273 = arith.constant 1 : i32
      %add3A_274 = arith.addi %mul3A_183, %add3A_273 : i32
      %swap3A_275 = arith.constant 0 : i32
      %swap3A_276 = arith.index_cast %swap3A_275 : i32 to index
      %swap3A_277 = arith.index_cast %add3A_274 : i32 to index
      %swap3A_278 = arith.constant 16 : index
      %swap3A_279 = tpu.vector_load %arg11[%swap3A_276, %swap3A_277, %swap3A_278] {strides = array<i32>} : memref<2x80x128xf32, #tpu.memory_space<vmem>>, vector<1x1x16xf32>,
      %swap3A_280 = vector.shape_cast %swap3A_279 : vector<1x1x16xf32> to vector<16xf32>
      %swap3A_281 = vector.shape_cast %max3A_272 : vector<16xf32> to vector<1x1x16xf32>
      tpu.vector_store %arg11[%swap3A_276, %swap3A_277, %swap3A_278], %swap3A_281 {strides = array<i32>} : memref<2x80x128xf32, #tpu.memory_space<vmem>>, vector<1x1x16xf32>,
      %get3A_282 = arith.constant 0 : i32
      %get3A_283 = arith.index_cast %get3A_282 : i32 to index
      %get3A_284 = arith.index_cast %scan3A_181 : i32 to index
      %get3A_285 = arith.constant 32 : index
      %get3A_286 = tpu.vector_load %arg10[%get3A_283, %get3A_284, %get3A_285] {strides = array<i32>} : memref<2x40x128xi32, #tpu.memory_space<vmem>>, vector<1x1x16xi32>,
      %get3A_287 = vector.shape_cast %get3A_286 : vector<1x1x16xi32> to vector<16xi32>
      %shift_left3A_288 = arith.constant 16 : i32
      %shift_left3A_289 = vector.broadcast %shift_left3A_288 : i32 to vector<16xi32>
      %shift_left3A_290 = arith.shli %get3A_287, %shift_left3A_289 : vector<16xi32>
      %bitcast_convert_type3A_291 = tpu.bitcast %shift_left3A_290 : vector<16xi32> -> vector<16xf32>
      %and3A_292 = arith.constant -65536 : i32
      %and3A_293 = vector.broadcast %and3A_292 : i32 to vector<16xi32>
      %and3A_294 = arith.andi %get3A_287, %and3A_293 : vector<16xi32>
      %bitcast_convert_type3A_295 = tpu.bitcast %and3A_294 : vector<16xi32> -> vector<16xf32>
      %get3A_296 = arith.constant 0 : i32
      %get3A_297 = arith.index_cast %get3A_296 : i32 to index
      %get3A_298 = arith.index_cast %mul3A_183 : i32 to index
      %get3A_299 = arith.constant 32 : index
      %get3A_300 = tpu.vector_load %arg11[%get3A_297, %get3A_298, %get3A_299] {strides = array<i32>} : memref<2x80x128xf32, #tpu.memory_space<vmem>>, vector<1x1x16xf32>,
      %get3A_301 = vector.shape_cast %get3A_300 : vector<1x1x16xf32> to vector<16xf32>
      %add3A_302 = arith.addf %get3A_301, %bitcast_convert_type3A_291 : vector<16xf32>
      %max3A_303 = arith.constant 0.000000e+00 : f32
      %max3A_304 = vector.broadcast %max3A_303 : f32 to vector<16xf32>
      %max3A_305 = arith.maximumf %add3A_302, %max3A_304 : vector<16xf32>
      %swap3A_306 = arith.constant 0 : i32
      %swap3A_307 = arith.index_cast %swap3A_306 : i32 to index
      %swap3A_308 = arith.index_cast %mul3A_183 : i32 to index
      %swap3A_309 = arith.constant 32 : index
      %swap3A_310 = tpu.vector_load %arg11[%swap3A_307, %swap3A_308, %swap3A_309] {strides = array<i32>} : memref<2x80x128xf32, #tpu.memory_space<vmem>>, vector<1x1x16xf32>,
      %swap3A_311 = vector.shape_cast %swap3A_310 : vector<1x1x16xf32> to vector<16xf32>
      %swap3A_312 = vector.shape_cast %max3A_305 : vector<16xf32> to vector<1x1x16xf32>
      tpu.vector_store %arg11[%swap3A_307, %swap3A_308, %swap3A_309], %swap3A_312 {strides = array<i32>} : memref<2x80x128xf32, #tpu.memory_space<vmem>>, vector<1x1x16xf32>,
      %add3A_313 = arith.constant 1 : i32
      %add3A_314 = arith.addi %mul3A_183, %add3A_313 : i32
      %get3A_315 = arith.constant 0 : i32
      %get3A_316 = arith.index_cast %get3A_315 : i32 to index
      %get3A_317 = arith.index_cast %add3A_314 : i32 to index
      %get3A_318 = arith.constant 32 : index
      %get3A_319 = tpu.vector_load %arg11[%get3A_316, %get3A_317, %get3A_318] {strides = array<i32>} : memref<2x80x128xf32, #tpu.memory_space<vmem>>, vector<1x1x16xf32>,
      %get3A_320 = vector.shape_cast %get3A_319 : vector<1x1x16xf32> to vector<16xf32>
      %add3A_321 = arith.addf %get3A_320, %bitcast_convert_type3A_295 : vector<16xf32>
      %max3A_322 = arith.constant 0.000000e+00 : f32
      %max3A_323 = vector.broadcast %max3A_322 : f32 to vector<16xf32>
      %max3A_324 = arith.maximumf %add3A_321, %max3A_323 : vector<16xf32>
      %add3A_325 = arith.constant 1 : i32
      %add3A_326 = arith.addi %mul3A_183, %add3A_325 : i32
      %swap3A_327 = arith.constant 0 : i32
      %swap3A_328 = arith.index_cast %swap3A_327 : i32 to index
      %swap3A_329 = arith.index_cast %add3A_326 : i32 to index
      %swap3A_330 = arith.constant 32 : index
      %swap3A_331 = tpu.vector_load %arg11[%swap3A_328, %swap3A_329, %swap3A_330] {strides = array<i32>} : memref<2x80x128xf32, #tpu.memory_space<vmem>>, vector<1x1x16xf32>,
      %swap3A_332 = vector.shape_cast %swap3A_331 : vector<1x1x16xf32> to vector<16xf32>
      %swap3A_333 = vector.shape_cast %max3A_324 : vector<16xf32> to vector<1x1x16xf32>
      tpu.vector_store %arg11[%swap3A_328, %swap3A_329, %swap3A_330], %swap3A_333 {strides = array<i32>} : memref<2x80x128xf32, #tpu.memory_space<vmem>>, vector<1x1x16xf32>,
      %get3A_334 = arith.constant 0 : i32
      %get3A_335 = arith.index_cast %get3A_334 : i32 to index
      %get3A_336 = arith.index_cast %scan3A_181 : i32 to index
      %get3A_337 = arith.constant 48 : index
      %get3A_338 = tpu.vector_load %arg10[%get3A_335, %get3A_336, %get3A_337] {strides = array<i32>} : memref<2x40x128xi32, #tpu.memory_space<vmem>>, vector<1x1x16xi32>,
      %get3A_339 = vector.shape_cast %get3A_338 : vector<1x1x16xi32> to vector<16xi32>
      %shift_left3A_340 = arith.constant 16 : i32
      %shift_left3A_341 = vector.broadcast %shift_left3A_340 : i32 to vector<16xi32>
      %shift_left3A_342 = arith.shli %get3A_339, %shift_left3A_341 : vector<16xi32>
      %bitcast_convert_type3A_343 = tpu.bitcast %shift_left3A_342 : vector<16xi32> -> vector<16xf32>
      %and3A_344 = arith.constant -65536 : i32
      %and3A_345 = vector.broadcast %and3A_344 : i32 to vector<16xi32>
      %and3A_346 = arith.andi %get3A_339, %and3A_345 : vector<16xi32>
      %bitcast_convert_type3A_347 = tpu.bitcast %and3A_346 : vector<16xi32> -> vector<16xf32>
      %get3A_348 = arith.constant 0 : i32
      %get3A_349 = arith.index_cast %get3A_348 : i32 to index
      %get3A_350 = arith.index_cast %mul3A_183 : i32 to index
      %get3A_351 = arith.constant 48 : index
      %get3A_352 = tpu.vector_load %arg11[%get3A_349, %get3A_350, %get3A_351] {strides = array<i32>} : memref<2x80x128xf32, #tpu.memory_space<vmem>>, vector<1x1x16xf32>,
      %get3A_353 = vector.shape_cast %get3A_352 : vector<1x1x16xf32> to vector<16xf32>
      %add3A_354 = arith.addf %get3A_353, %bitcast_convert_type3A_343 : vector<16xf32>
      %max3A_355 = arith.constant 0.000000e+00 : f32
      %max3A_356 = vector.broadcast %max3A_355 : f32 to vector<16xf32>
      %max3A_357 = arith.maximumf %add3A_354, %max3A_356 : vector<16xf32>
      %swap3A_358 = arith.constant 0 : i32
      %swap3A_359 = arith.index_cast %swap3A_358 : i32 to index
      %swap3A_360 = arith.index_cast %mul3A_183 : i32 to index
      %swap3A_361 = arith.constant 48 : index
      %swap3A_362 = tpu.vector_load %arg11[%swap3A_359, %swap3A_360, %swap3A_361] {strides = array<i32>} : memref<2x80x128xf32, #tpu.memory_space<vmem>>, vector<1x1x16xf32>,
      %swap3A_363 = vector.shape_cast %swap3A_362 : vector<1x1x16xf32> to vector<16xf32>
      %swap3A_364 = vector.shape_cast %max3A_357 : vector<16xf32> to vector<1x1x16xf32>
      tpu.vector_store %arg11[%swap3A_359, %swap3A_360, %swap3A_361], %swap3A_364 {strides = array<i32>} : memref<2x80x128xf32, #tpu.memory_space<vmem>>, vector<1x1x16xf32>,
      %add3A_365 = arith.constant 1 : i32
      %add3A_366 = arith.addi %mul3A_183, %add3A_365 : i32
      %get3A_367 = arith.constant 0 : i32
      %get3A_368 = arith.index_cast %get3A_367 : i32 to index
      %get3A_369 = arith.index_cast %add3A_366 : i32 to index
      %get3A_370 = arith.constant 48 : index
      %get3A_371 = tpu.vector_load %arg11[%get3A_368, %get3A_369, %get3A_370] {strides = array<i32>} : memref<2x80x128xf32, #tpu.memory_space<vmem>>, vector<1x1x16xf32>,
      %get3A_372 = vector.shape_cast %get3A_371 : vector<1x1x16xf32> to vector<16xf32>
      %add3A_373 = arith.addf %get3A_372, %bitcast_convert_type3A_347 : vector<16xf32>
      %max3A_374 = arith.constant 0.000000e+00 : f32
      %max3A_375 = vector.broadcast %max3A_374 : f32 to vector<16xf32>
      %max3A_376 = arith.maximumf %add3A_373, %max3A_375 : vector<16xf32>
      %add3A_377 = arith.constant 1 : i32
      %add3A_378 = arith.addi %mul3A_183, %add3A_377 : i32
      %swap3A_379 = arith.constant 0 : i32
      %swap3A_380 = arith.index_cast %swap3A_379 : i32 to index
      %swap3A_381 = arith.index_cast %add3A_378 : i32 to index
      %swap3A_382 = arith.constant 48 : index
      %swap3A_383 = tpu.vector_load %arg11[%swap3A_380, %swap3A_381, %swap3A_382] {strides = array<i32>} : memref<2x80x128xf32, #tpu.memory_space<vmem>>, vector<1x1x16xf32>,
      %swap3A_384 = vector.shape_cast %swap3A_383 : vector<1x1x16xf32> to vector<16xf32>
      %swap3A_385 = vector.shape_cast %max3A_376 : vector<16xf32> to vector<1x1x16xf32>
      tpu.vector_store %arg11[%swap3A_380, %swap3A_381, %swap3A_382], %swap3A_385 {strides = array<i32>} : memref<2x80x128xf32, #tpu.memory_space<vmem>>, vector<1x1x16xf32>,
      %get3A_386 = arith.constant 0 : i32
      %get3A_387 = arith.index_cast %get3A_386 : i32 to index
      %get3A_388 = arith.index_cast %scan3A_181 : i32 to index
      %get3A_389 = arith.constant 64 : index
      %get3A_390 = tpu.vector_load %arg10[%get3A_387, %get3A_388, %get3A_389] {strides = array<i32>} : memref<2x40x128xi32, #tpu.memory_space<vmem>>, vector<1x1x16xi32>,
      %get3A_391 = vector.shape_cast %get3A_390 : vector<1x1x16xi32> to vector<16xi32>
      %shift_left3A_392 = arith.constant 16 : i32
      %shift_left3A_393 = vector.broadcast %shift_left3A_392 : i32 to vector<16xi32>
      %shift_left3A_394 = arith.shli %get3A_391, %shift_left3A_393 : vector<16xi32>
      %bitcast_convert_type3A_395 = tpu.bitcast %shift_left3A_394 : vector<16xi32> -> vector<16xf32>
      %and3A_396 = arith.constant -65536 : i32
      %and3A_397 = vector.broadcast %and3A_396 : i32 to vector<16xi32>
      %and3A_398 = arith.andi %get3A_391, %and3A_397 : vector<16xi32>
      %bitcast_convert_type3A_399 = tpu.bitcast %and3A_398 : vector<16xi32> -> vector<16xf32>
      %get3A_400 = arith.constant 0 : i32
      %get3A_401 = arith.index_cast %get3A_400 : i32 to index
      %get3A_402 = arith.index_cast %mul3A_183 : i32 to index
      %get3A_403 = arith.constant 64 : index
      %get3A_404 = tpu.vector_load %arg11[%get3A_401, %get3A_402, %get3A_403] {strides = array<i32>} : memref<2x80x128xf32, #tpu.memory_space<vmem>>, vector<1x1x16xf32>,
      %get3A_405 = vector.shape_cast %get3A_404 : vector<1x1x16xf32> to vector<16xf32>
      %add3A_406 = arith.addf %get3A_405, %bitcast_convert_type3A_395 : vector<16xf32>
      %max3A_407 = arith.constant 0.000000e+00 : f32
      %max3A_408 = vector.broadcast %max3A_407 : f32 to vector<16xf32>
      %max3A_409 = arith.maximumf %add3A_406, %max3A_408 : vector<16xf32>
      %swap3A_410 = arith.constant 0 : i32
      %swap3A_411 = arith.index_cast %swap3A_410 : i32 to index
      %swap3A_412 = arith.index_cast %mul3A_183 : i32 to index
      %swap3A_413 = arith.constant 64 : index
      %swap3A_414 = tpu.vector_load %arg11[%swap3A_411, %swap3A_412, %swap3A_413] {strides = array<i32>} : memref<2x80x128xf32, #tpu.memory_space<vmem>>, vector<1x1x16xf32>,
      %swap3A_415 = vector.shape_cast %swap3A_414 : vector<1x1x16xf32> to vector<16xf32>
      %swap3A_416 = vector.shape_cast %max3A_409 : vector<16xf32> to vector<1x1x16xf32>
      tpu.vector_store %arg11[%swap3A_411, %swap3A_412, %swap3A_413], %swap3A_416 {strides = array<i32>} : memref<2x80x128xf32, #tpu.memory_space<vmem>>, vector<1x1x16xf32>,
      %add3A_417 = arith.constant 1 : i32
      %add3A_418 = arith.addi %mul3A_183, %add3A_417 : i32
      %get3A_419 = arith.constant 0 : i32
      %get3A_420 = arith.index_cast %get3A_419 : i32 to index
      %get3A_421 = arith.index_cast %add3A_418 : i32 to index
      %get3A_422 = arith.constant 64 : index
      %get3A_423 = tpu.vector_load %arg11[%get3A_420, %get3A_421, %get3A_422] {strides = array<i32>} : memref<2x80x128xf32, #tpu.memory_space<vmem>>, vector<1x1x16xf32>,
      %get3A_424 = vector.shape_cast %get3A_423 : vector<1x1x16xf32> to vector<16xf32>
      %add3A_425 = arith.addf %get3A_424, %bitcast_convert_type3A_399 : vector<16xf32>
      %max3A_426 = arith.constant 0.000000e+00 : f32
      %max3A_427 = vector.broadcast %max3A_426 : f32 to vector<16xf32>
      %max3A_428 = arith.maximumf %add3A_425, %max3A_427 : vector<16xf32>
      %add3A_429 = arith.constant 1 : i32
      %add3A_430 = arith.addi %mul3A_183, %add3A_429 : i32
      %swap3A_431 = arith.constant 0 : i32
      %swap3A_432 = arith.index_cast %swap3A_431 : i32 to index
      %swap3A_433 = arith.index_cast %add3A_430 : i32 to index
      %swap3A_434 = arith.constant 64 : index
      %swap3A_435 = tpu.vector_load %arg11[%swap3A_432, %swap3A_433, %swap3A_434] {strides = array<i32>} : memref<2x80x128xf32, #tpu.memory_space<vmem>>, vector<1x1x16xf32>,
      %swap3A_436 = vector.shape_cast %swap3A_435 : vector<1x1x16xf32> to vector<16xf32>
      %swap3A_437 = vector.shape_cast %max3A_428 : vector<16xf32> to vector<1x1x16xf32>
      tpu.vector_store %arg11[%swap3A_432, %swap3A_433, %swap3A_434], %swap3A_437 {strides = array<i32>} : memref<2x80x128xf32, #tpu.memory_space<vmem>>, vector<1x1x16xf32>,
      %get3A_438 = arith.constant 0 : i32
      %get3A_439 = arith.index_cast %get3A_438 : i32 to index
      %get3A_440 = arith.index_cast %scan3A_181 : i32 to index
      %get3A_441 = arith.constant 80 : index
      %get3A_442 = tpu.vector_load %arg10[%get3A_439, %get3A_440, %get3A_441] {strides = array<i32>} : memref<2x40x128xi32, #tpu.memory_space<vmem>>, vector<1x1x16xi32>,
      %get3A_443 = vector.shape_cast %get3A_442 : vector<1x1x16xi32> to vector<16xi32>
      %shift_left3A_444 = arith.constant 16 : i32
      %shift_left3A_445 = vector.broadcast %shift_left3A_444 : i32 to vector<16xi32>
      %shift_left3A_446 = arith.shli %get3A_443, %shift_left3A_445 : vector<16xi32>
      %bitcast_convert_type3A_447 = tpu.bitcast %shift_left3A_446 : vector<16xi32> -> vector<16xf32>
      %and3A_448 = arith.constant -65536 : i32
      %and3A_449 = vector.broadcast %and3A_448 : i32 to vector<16xi32>
      %and3A_450 = arith.andi %get3A_443, %and3A_449 : vector<16xi32>
      %bitcast_convert_type3A_451 = tpu.bitcast %and3A_450 : vector<16xi32> -> vector<16xf32>
      %get3A_452 = arith.constant 0 : i32
      %get3A_453 = arith.index_cast %get3A_452 : i32 to index
      %get3A_454 = arith.index_cast %mul3A_183 : i32 to index
      %get3A_455 = arith.constant 80 : index
      %get3A_456 = tpu.vector_load %arg11[%get3A_453, %get3A_454, %get3A_455] {strides = array<i32>} : memref<2x80x128xf32, #tpu.memory_space<vmem>>, vector<1x1x16xf32>,
      %get3A_457 = vector.shape_cast %get3A_456 : vector<1x1x16xf32> to vector<16xf32>
      %add3A_458 = arith.addf %get3A_457, %bitcast_convert_type3A_447 : vector<16xf32>
      %max3A_459 = arith.constant 0.000000e+00 : f32
      %max3A_460 = vector.broadcast %max3A_459 : f32 to vector<16xf32>
      %max3A_461 = arith.maximumf %add3A_458, %max3A_460 : vector<16xf32>
      %swap3A_462 = arith.constant 0 : i32
      %swap3A_463 = arith.index_cast %swap3A_462 : i32 to index
      %swap3A_464 = arith.index_cast %mul3A_183 : i32 to index
      %swap3A_465 = arith.constant 80 : index
      %swap3A_466 = tpu.vector_load %arg11[%swap3A_463, %swap3A_464, %swap3A_465] {strides = array<i32>} : memref<2x80x128xf32, #tpu.memory_space<vmem>>, vector<1x1x16xf32>,
      %swap3A_467 = vector.shape_cast %swap3A_466 : vector<1x1x16xf32> to vector<16xf32>
      %swap3A_468 = vector.shape_cast %max3A_461 : vector<16xf32> to vector<1x1x16xf32>
      tpu.vector_store %arg11[%swap3A_463, %swap3A_464, %swap3A_465], %swap3A_468 {strides = array<i32>} : memref<2x80x128xf32, #tpu.memory_space<vmem>>, vector<1x1x16xf32>,
      %add3A_469 = arith.constant 1 : i32
      %add3A_470 = arith.addi %mul3A_183, %add3A_469 : i32
      %get3A_471 = arith.constant 0 : i32
      %get3A_472 = arith.index_cast %get3A_471 : i32 to index
      %get3A_473 = arith.index_cast %add3A_470 : i32 to index
      %get3A_474 = arith.constant 80 : index
      %get3A_475 = tpu.vector_load %arg11[%get3A_472, %get3A_473, %get3A_474] {strides = array<i32>} : memref<2x80x128xf32, #tpu.memory_space<vmem>>, vector<1x1x16xf32>,
      %get3A_476 = vector.shape_cast %get3A_475 : vector<1x1x16xf32> to vector<16xf32>
      %add3A_477 = arith.addf %get3A_476, %bitcast_convert_type3A_451 : vector<16xf32>
      %max3A_478 = arith.constant 0.000000e+00 : f32
      %max3A_479 = vector.broadcast %max3A_478 : f32 to vector<16xf32>
      %max3A_480 = arith.maximumf %add3A_477, %max3A_479 : vector<16xf32>
      %add3A_481 = arith.constant 1 : i32
      %add3A_482 = arith.addi %mul3A_183, %add3A_481 : i32
      %swap3A_483 = arith.constant 0 : i32
      %swap3A_484 = arith.index_cast %swap3A_483 : i32 to index
      %swap3A_485 = arith.index_cast %add3A_482 : i32 to index
      %swap3A_486 = arith.constant 80 : index
      %swap3A_487 = tpu.vector_load %arg11[%swap3A_484, %swap3A_485, %swap3A_486] {strides = array<i32>} : memref<2x80x128xf32, #tpu.memory_space<vmem>>, vector<1x1x16xf32>,
      %swap3A_488 = vector.shape_cast %swap3A_487 : vector<1x1x16xf32> to vector<16xf32>
      %swap3A_489 = vector.shape_cast %max3A_480 : vector<16xf32> to vector<1x1x16xf32>
      tpu.vector_store %arg11[%swap3A_484, %swap3A_485, %swap3A_486], %swap3A_489 {strides = array<i32>} : memref<2x80x128xf32, #tpu.memory_space<vmem>>, vector<1x1x16xf32>,
      %get3A_490 = arith.constant 0 : i32
      %get3A_491 = arith.index_cast %get3A_490 : i32 to index
      %get3A_492 = arith.index_cast %scan3A_181 : i32 to index
      %get3A_493 = arith.constant 96 : index
      %get3A_494 = tpu.vector_load %arg10[%get3A_491, %get3A_492, %get3A_493] {strides = array<i32>} : memref<2x40x128xi32, #tpu.memory_space<vmem>>, vector<1x1x16xi32>,
      %get3A_495 = vector.shape_cast %get3A_494 : vector<1x1x16xi32> to vector<16xi32>
      %shift_left3A_496 = arith.constant 16 : i32
      %shift_left3A_497 = vector.broadcast %shift_left3A_496 : i32 to vector<16xi32>
      %shift_left3A_498 = arith.shli %get3A_495, %shift_left3A_497 : vector<16xi32>
      %bitcast_convert_type3A_499 = tpu.bitcast %shift_left3A_498 : vector<16xi32> -> vector<16xf32>
      %and3A_500 = arith.constant -65536 : i32
      %and3A_501 = vector.broadcast %and3A_500 : i32 to vector<16xi32>
      %and3A_502 = arith.andi %get3A_495, %and3A_501 : vector<16xi32>
      %bitcast_convert_type3A_503 = tpu.bitcast %and3A_502 : vector<16xi32> -> vector<16xf32>
      %get3A_504 = arith.constant 0 : i32
      %get3A_505 = arith.index_cast %get3A_504 : i32 to index
      %get3A_506 = arith.index_cast %mul3A_183 : i32 to index
      %get3A_507 = arith.constant 96 : index
      %get3A_508 = tpu.vector_load %arg11[%get3A_505, %get3A_506, %get3A_507] {strides = array<i32>} : memref<2x80x128xf32, #tpu.memory_space<vmem>>, vector<1x1x16xf32>,
      %get3A_509 = vector.shape_cast %get3A_508 : vector<1x1x16xf32> to vector<16xf32>
      %add3A_510 = arith.addf %get3A_509, %bitcast_convert_type3A_499 : vector<16xf32>
      %max3A_511 = arith.constant 0.000000e+00 : f32
      %max3A_512 = vector.broadcast %max3A_511 : f32 to vector<16xf32>
      %max3A_513 = arith.maximumf %add3A_510, %max3A_512 : vector<16xf32>
      %swap3A_514 = arith.constant 0 : i32
      %swap3A_515 = arith.index_cast %swap3A_514 : i32 to index
      %swap3A_516 = arith.index_cast %mul3A_183 : i32 to index
      %swap3A_517 = arith.constant 96 : index
      %swap3A_518 = tpu.vector_load %arg11[%swap3A_515, %swap3A_516, %swap3A_517] {strides = array<i32>} : memref<2x80x128xf32, #tpu.memory_space<vmem>>, vector<1x1x16xf32>,
      %swap3A_519 = vector.shape_cast %swap3A_518 : vector<1x1x16xf32> to vector<16xf32>
      %swap3A_520 = vector.shape_cast %max3A_513 : vector<16xf32> to vector<1x1x16xf32>
      tpu.vector_store %arg11[%swap3A_515, %swap3A_516, %swap3A_517], %swap3A_520 {strides = array<i32>} : memref<2x80x128xf32, #tpu.memory_space<vmem>>, vector<1x1x16xf32>,
      %add3A_521 = arith.constant 1 : i32
      %add3A_522 = arith.addi %mul3A_183, %add3A_521 : i32
      %get3A_523 = arith.constant 0 : i32
      %get3A_524 = arith.index_cast %get3A_523 : i32 to index
      %get3A_525 = arith.index_cast %add3A_522 : i32 to index
      %get3A_526 = arith.constant 96 : index
      %get3A_527 = tpu.vector_load %arg11[%get3A_524, %get3A_525, %get3A_526] {strides = array<i32>} : memref<2x80x128xf32, #tpu.memory_space<vmem>>, vector<1x1x16xf32>,
      %get3A_528 = vector.shape_cast %get3A_527 : vector<1x1x16xf32> to vector<16xf32>
      %add3A_529 = arith.addf %get3A_528, %bitcast_convert_type3A_503 : vector<16xf32>
      %max3A_530 = arith.constant 0.000000e+00 : f32
      %max3A_531 = vector.broadcast %max3A_530 : f32 to vector<16xf32>
      %max3A_532 = arith.maximumf %add3A_529, %max3A_531 : vector<16xf32>
      %add3A_533 = arith.constant 1 : i32
      %add3A_534 = arith.addi %mul3A_183, %add3A_533 : i32
      %swap3A_535 = arith.constant 0 : i32
      %swap3A_536 = arith.index_cast %swap3A_535 : i32 to index
      %swap3A_537 = arith.index_cast %add3A_534 : i32 to index
      %swap3A_538 = arith.constant 96 : index
      %swap3A_539 = tpu.vector_load %arg11[%swap3A_536, %swap3A_537, %swap3A_538] {strides = array<i32>} : memref<2x80x128xf32, #tpu.memory_space<vmem>>, vector<1x1x16xf32>,
      %swap3A_540 = vector.shape_cast %swap3A_539 : vector<1x1x16xf32> to vector<16xf32>
      %swap3A_541 = vector.shape_cast %max3A_532 : vector<16xf32> to vector<1x1x16xf32>
      tpu.vector_store %arg11[%swap3A_536, %swap3A_537, %swap3A_538], %swap3A_541 {strides = array<i32>} : memref<2x80x128xf32, #tpu.memory_space<vmem>>, vector<1x1x16xf32>,
      %get3A_542 = arith.constant 0 : i32
      %get3A_543 = arith.index_cast %get3A_542 : i32 to index
      %get3A_544 = arith.index_cast %scan3A_181 : i32 to index
      %get3A_545 = arith.constant 112 : index
      %get3A_546 = tpu.vector_load %arg10[%get3A_543, %get3A_544, %get3A_545] {strides = array<i32>} : memref<2x40x128xi32, #tpu.memory_space<vmem>>, vector<1x1x16xi32>,
      %get3A_547 = vector.shape_cast %get3A_546 : vector<1x1x16xi32> to vector<16xi32>
      %shift_left3A_548 = arith.constant 16 : i32
      %shift_left3A_549 = vector.broadcast %shift_left3A_548 : i32 to vector<16xi32>
      %shift_left3A_550 = arith.shli %get3A_547, %shift_left3A_549 : vector<16xi32>
      %bitcast_convert_type3A_551 = tpu.bitcast %shift_left3A_550 : vector<16xi32> -> vector<16xf32>
      %and3A_552 = arith.constant -65536 : i32
      %and3A_553 = vector.broadcast %and3A_552 : i32 to vector<16xi32>
      %and3A_554 = arith.andi %get3A_547, %and3A_553 : vector<16xi32>
      %bitcast_convert_type3A_555 = tpu.bitcast %and3A_554 : vector<16xi32> -> vector<16xf32>
      %get3A_556 = arith.constant 0 : i32
      %get3A_557 = arith.index_cast %get3A_556 : i32 to index
      %get3A_558 = arith.index_cast %mul3A_183 : i32 to index
      %get3A_559 = arith.constant 112 : index
      %get3A_560 = tpu.vector_load %arg11[%get3A_557, %get3A_558, %get3A_559] {strides = array<i32>} : memref<2x80x128xf32, #tpu.memory_space<vmem>>, vector<1x1x16xf32>,
      %get3A_561 = vector.shape_cast %get3A_560 : vector<1x1x16xf32> to vector<16xf32>
      %add3A_562 = arith.addf %get3A_561, %bitcast_convert_type3A_551 : vector<16xf32>
      %max3A_563 = arith.constant 0.000000e+00 : f32
      %max3A_564 = vector.broadcast %max3A_563 : f32 to vector<16xf32>
      %max3A_565 = arith.maximumf %add3A_562, %max3A_564 : vector<16xf32>
      %swap3A_566 = arith.constant 0 : i32
      %swap3A_567 = arith.index_cast %swap3A_566 : i32 to index
      %swap3A_568 = arith.index_cast %mul3A_183 : i32 to index
      %swap3A_569 = arith.constant 112 : index
      %swap3A_570 = tpu.vector_load %arg11[%swap3A_567, %swap3A_568, %swap3A_569] {strides = array<i32>} : memref<2x80x128xf32, #tpu.memory_space<vmem>>, vector<1x1x16xf32>,
      %swap3A_571 = vector.shape_cast %swap3A_570 : vector<1x1x16xf32> to vector<16xf32>
      %swap3A_572 = vector.shape_cast %max3A_565 : vector<16xf32> to vector<1x1x16xf32>
      tpu.vector_store %arg11[%swap3A_567, %swap3A_568, %swap3A_569], %swap3A_572 {strides = array<i32>} : memref<2x80x128xf32, #tpu.memory_space<vmem>>, vector<1x1x16xf32>,
      %add3A_573 = arith.constant 1 : i32
      %add3A_574 = arith.addi %mul3A_183, %add3A_573 : i32
      %get3A_575 = arith.constant 0 : i32
      %get3A_576 = arith.index_cast %get3A_575 : i32 to index
      %get3A_577 = arith.index_cast %add3A_574 : i32 to index
      %get3A_578 = arith.constant 112 : index
      %get3A_579 = tpu.vector_load %arg11[%get3A_576, %get3A_577, %get3A_578] {strides = array<i32>} : memref<2x80x128xf32, #tpu.memory_space<vmem>>, vector<1x1x16xf32>,
      %get3A_580 = vector.shape_cast %get3A_579 : vector<1x1x16xf32> to vector<16xf32>
      %add3A_581 = arith.addf %get3A_580, %bitcast_convert_type3A_555 : vector<16xf32>
      %max3A_582 = arith.constant 0.000000e+00 : f32
      %max3A_583 = vector.broadcast %max3A_582 : f32 to vector<16xf32>
      %max3A_584 = arith.maximumf %add3A_581, %max3A_583 : vector<16xf32>
      %add3A_585 = arith.constant 1 : i32
      %add3A_586 = arith.addi %mul3A_183, %add3A_585 : i32
      %swap3A_587 = arith.constant 0 : i32
      %swap3A_588 = arith.index_cast %swap3A_587 : i32 to index
      %swap3A_589 = arith.index_cast %add3A_586 : i32 to index
      %swap3A_590 = arith.constant 112 : index
      %swap3A_591 = tpu.vector_load %arg11[%swap3A_588, %swap3A_589, %swap3A_590] {strides = array<i32>} : memref<2x80x128xf32, #tpu.memory_space<vmem>>, vector<1x1x16xf32>,
      %swap3A_592 = vector.shape_cast %swap3A_591 : vector<1x1x16xf32> to vector<16xf32>
      %swap3A_593 = vector.shape_cast %max3A_584 : vector<16xf32> to vector<1x1x16xf32>
      tpu.vector_store %arg11[%swap3A_588, %swap3A_589, %swap3A_590], %swap3A_593 {strides = array<i32>} : memref<2x80x128xf32, #tpu.memory_space<vmem>>, vector<1x1x16xf32>,
    }
    %scan3A_149 = arith.constant 40 : i32
    %dma_start3A_150 = arith.constant 0 : i32
    %dma_start3A_151 = arith.constant 0 : i32
    %dma_start3A_152 = arith.constant 0 : i32
    %dma_start3A_153 = arith.constant 0 : i32
    %dma_start3A_154 = arith.constant 0 : i32
    %dma_start3A_155 = tpu.memref_slice %arg11[%dma_start3A_150, %dma_start3A_153, %dma_start3A_154] : memref<2x80x128xf32, #tpu.memory_space<vmem>> -> memref<1x80x128xf32, #tpu.memory_space<vmem>>
    %dma_start3A_156 = tpu.memref_squeeze %dma_start3A_155 : memref<1x80x128xf32, #tpu.memory_space<vmem>> -> memref<80x128xf32, #tpu.memory_space<vmem>>
    %dma_start3A_157 = arith.constant 0 : i32
    %dma_start3A_158 = tpu.memref_slice %arg9[%dma_start3A_151, %dma_start3A_157] : memref<2x80xi32, #tpu.memory_space<vmem>> -> memref<1x80xi32, #tpu.memory_space<vmem>>
    %dma_start3A_159 = tpu.memref_squeeze %dma_start3A_158 : memref<1x80xi32, #tpu.memory_space<vmem>> -> memref<80xi32, #tpu.memory_space<vmem>>
    %dma_start3A_160 = arith.constant 0 : i32
    %dma_start3A_161 = arith.constant 0 : i32
    %dma_start3A_162 = tpu.memref_slice %arg12[%dma_start3A_160, %dma_start3A_161] : memref<10112x128xf32, #tpu.memory_space<vmem_shared>> -> memref<10112x128xf32, #tpu.memory_space<vmem_shared>>
    %dma_start3A_163 = tpu.memref_slice %arg15[%dma_start3A_152] : memref<2x!tpu.dma_semaphore, #tpu.memory_space<semaphore_mem>> -> memref<1x!tpu.dma_semaphore, #tpu.memory_space<semaphore_mem>>
    %dma_start3A_164 = tpu.memref_squeeze %dma_start3A_163 : memref<1x!tpu.dma_semaphore, #tpu.memory_space<semaphore_mem>> -> memref<!tpu.dma_semaphore, #tpu.memory_space<semaphore_mem>>
    tpu.enqueue_indirect_dma source(%dma_start3A_156 : memref<80x128xf32, #tpu.memory_space<vmem>>) target(%dma_start3A_162 : memref<10112x128xf32, #tpu.memory_space<vmem_shared>>) offsets(%dma_start3A_159 : memref<80xi32, #tpu.memory_space<vmem>>) semaphore(%dma_start3A_164 : memref<!tpu.dma_semaphore, #tpu.memory_space<semaphore_mem>>) {add = true}
    %dma_wait3A_165 = arith.constant 0 : i32
    %dma_wait3A_166 = arith.constant 0 : i32
    %dma_wait3A_167 = arith.constant 0 : i32
    %dma_wait3A_168 = arith.constant 0 : i32
    %dma_wait3A_169 = arith.constant 0 : i32
    %dma_wait3A_170 = tpu.memref_slice %arg11[%dma_wait3A_165, %dma_wait3A_168, %dma_wait3A_169] : memref<2x80x128xf32, #tpu.memory_space<vmem>> -> memref<1x80x128xf32, #tpu.memory_space<vmem>>
    %dma_wait3A_171 = tpu.memref_squeeze %dma_wait3A_170 : memref<1x80x128xf32, #tpu.memory_space<vmem>> -> memref<80x128xf32, #tpu.memory_space<vmem>>
    %dma_wait3A_172 = arith.constant 0 : i32
    %dma_wait3A_173 = tpu.memref_slice %arg9[%dma_wait3A_166, %dma_wait3A_172] : memref<2x80xi32, #tpu.memory_space<vmem>> -> memref<1x80xi32, #tpu.memory_space<vmem>>
    %dma_wait3A_174 = tpu.memref_squeeze %dma_wait3A_173 : memref<1x80xi32, #tpu.memory_space<vmem>> -> memref<80xi32, #tpu.memory_space<vmem>>
    %dma_wait3A_175 = arith.constant 0 : i32
    %dma_wait3A_176 = arith.constant 0 : i32
    %dma_wait3A_177 = tpu.memref_slice %arg12[%dma_wait3A_175, %dma_wait3A_176] : memref<10112x128xf32, #tpu.memory_space<vmem_shared>> -> memref<10112x128xf32, #tpu.memory_space<vmem_shared>>
    %dma_wait3A_178 = tpu.memref_slice %arg15[%dma_wait3A_167] : memref<2x!tpu.dma_semaphore, #tpu.memory_space<semaphore_mem>> -> memref<1x!tpu.dma_semaphore, #tpu.memory_space<semaphore_mem>>
    %dma_wait3A_179 = tpu.memref_squeeze %dma_wait3A_178 : memref<1x!tpu.dma_semaphore, #tpu.memory_space<semaphore_mem>> -> memref<!tpu.dma_semaphore, #tpu.memory_space<semaphore_mem>>
    tpu.wait_indirect_dma semaphore(%dma_wait3A_179 : memref<!tpu.dma_semaphore, #tpu.memory_space<semaphore_mem>>) src(%dma_wait3A_171 : memref<80x128xf32, #tpu.memory_space<vmem>>) dst(%dma_wait3A_177 : memref<10112x128xf32, #tpu.memory_space<vmem_shared>>)
    %barrier3A_180 = arith.constant 0 : index
    tpu.barrier barrier_id(%barrier3A_180)
    "tpu.region"() ({
      %run_scoped3A = tpu.sem_alloc : memref<!tpu.dma_semaphore, #tpu.memory_space<semaphore_mem>>
      %dma_start3A_181 = arith.constant 0 : i32
      %dma_start3A_182 = tpu.memref_slice %arg7[%arg0, %mul3A_2, %dma_start3A_181] : memref<2x10112x128xf32, #tpu.memory_space<hbm>> -> memref<1x632x128xf32, #tpu.memory_space<hbm>>
      %dma_start3A_183 = tpu.memref_squeeze %dma_start3A_182 : memref<1x632x128xf32, #tpu.memory_space<hbm>> -> memref<632x128xf32, #tpu.memory_space<hbm>>
      %dma_start3A_184 = arith.constant 0 : i32
      %dma_start3A_185 = tpu.memref_slice %arg12[%mul3A_2, %dma_start3A_184] : memref<10112x128xf32, #tpu.memory_space<vmem_shared>> -> memref<632x128xf32, #tpu.memory_space<vmem_shared>>
      tpu.enqueue_dma source(%dma_start3A_185 : memref<632x128xf32, #tpu.memory_space<vmem_shared>>) target(%dma_start3A_183 : memref<632x128xf32, #tpu.memory_space<hbm>>) target_semaphore(%run_scoped3A : memref<!tpu.dma_semaphore, #tpu.memory_space<semaphore_mem>>)
      %dma_wait3A_186 = arith.constant 0 : i32
      %dma_wait3A_187 = tpu.memref_slice %arg7[%arg0, %mul3A_2, %dma_wait3A_186] : memref<2x10112x128xf32, #tpu.memory_space<hbm>> -> memref<1x632x128xf32, #tpu.memory_space<hbm>>
      %dma_wait3A_188 = tpu.memref_squeeze %dma_wait3A_187 : memref<1x632x128xf32, #tpu.memory_space<hbm>> -> memref<632x128xf32, #tpu.memory_space<hbm>>
      %dma_wait3A_189 = arith.constant 0 : i32
      %dma_wait3A_190 = tpu.memref_slice %arg12[%mul3A_2, %dma_wait3A_189] : memref<10112x128xf32, #tpu.memory_space<vmem_shared>> -> memref<632x128xf32, #tpu.memory_space<vmem_shared>>
      tpu.wait_dma2 semaphore(%run_scoped3A : memref<!tpu.dma_semaphore, #tpu.memory_space<semaphore_mem>>) src(%dma_wait3A_190 : memref<632x128xf32, #tpu.memory_space<vmem_shared>>) dst(%dma_wait3A_188 : memref<632x128xf32, #tpu.memory_space<hbm>>)
      tpu.yield
    }) : () -> ()
    return
  }
}

#map = affine_map<(d0, d1) -> (0, 0)>
#map1 = affine_map<(d0, d1) -> (0)>
#map2 = affine_map<(d0, d1) -> (0, 0, 0)>
module attributes {stable_mosaic.version = 14 : i64} {
  func.func @_sc_conv_body(%arg0: i32, %arg1: i32, %arg2: memref<10000x128xf32, #tpu.memory_space<hbm>>, %arg3: memref<160000x128xi32, #tpu.memory_space<hbm>>, %arg4: memref<320000xi32, #tpu.memory_space<hbm>>, %arg5: memref<320000xi32, #tpu.memory_space<hbm>>, %arg6: memref<10112x128xf32, #tpu.memory_space<hbm>>, %arg7: memref<2x10112x128xf32, #tpu.memory_space<hbm>>, %arg8: memref<2x80xi32, #tpu.memory_space<vmem>>, %arg9: memref<2x80xi32, #tpu.memory_space<vmem>>, %arg10: memref<2x40x128xi32, #tpu.memory_space<vmem>>, %arg11: memref<2x80x128xf32, #tpu.memory_space<vmem>>, %arg12: memref<10112x128xf32, #tpu.memory_space<vmem_shared>>, %arg13: memref<2x!tpu.dma_semaphore, #tpu.memory_space<semaphore_mem>>, %arg14: memref<2x!tpu.dma_semaphore, #tpu.memory_space<semaphore_mem>>, %arg15: memref<2x!tpu.dma_semaphore, #tpu.memory_space<semaphore_mem>>) attributes {dimension_semantics = [#tpu.dimension_semantics<core_parallel>, #tpu.dimension_semantics<subcore_parallel>], iteration_bounds = array<i64: 2, 16>, scalar_prefetch = 0 : i64, scratch_operands = 8 : i64, tpu.core_type = #tpu.core_type<sc_vector_subcore>, window_params = [{transform_indices = #map}, {transform_indices = #map}, {transform_indices = #map1}, {transform_indices = #map1}, {transform_indices = #map}, {transform_indices = #map2}]} {
    %mul3A = arith.constant 2 : i32
    %mul3A_0 = arith.muli %arg1, %mul3A : i32
    %add3A = arith.addi %mul3A_0, %arg0 : i32
    %mul3A_1 = arith.constant 632 : i32
    %mul3A_2 = arith.muli %arg1, %mul3A_1 : i32
    "tpu.region"() ({
      %run_scoped3A = tpu.sem_alloc : memref<!tpu.dma_semaphore, #tpu.memory_space<semaphore_mem>>
      %dma_start3A_181 = arith.constant 0 : i32
      %dma_start3A_182 = tpu.memref_slice %arg12[%mul3A_2, %dma_start3A_181] : memref<10112x128xf32, #tpu.memory_space<vmem_shared>> -> memref<632x128xf32, #tpu.memory_space<vmem_shared>>
      %dma_start3A_183 = arith.constant 0 : i32
      %dma_start3A_184 = tpu.memref_slice %arg6[%mul3A_2, %dma_start3A_183] : memref<10112x128xf32, #tpu.memory_space<hbm>> -> memref<632x128xf32, #tpu.memory_space<hbm>>
      tpu.enqueue_dma source(%dma_start3A_184 : memref<632x128xf32, #tpu.memory_space<hbm>>) target(%dma_start3A_182 : memref<632x128xf32, #tpu.memory_space<vmem_shared>>) target_semaphore(%run_scoped3A : memref<!tpu.dma_semaphore, #tpu.memory_space<semaphore_mem>>)
      %dma_wait3A_185 = arith.constant 0 : i32
      %dma_wait3A_186 = tpu.memref_slice %arg12[%mul3A_2, %dma_wait3A_185] : memref<10112x128xf32, #tpu.memory_space<vmem_shared>> -> memref<632x128xf32, #tpu.memory_space<vmem_shared>>
      %dma_wait3A_187 = arith.constant 0 : i32
      %dma_wait3A_188 = tpu.memref_slice %arg6[%mul3A_2, %dma_wait3A_187] : memref<10112x128xf32, #tpu.memory_space<hbm>> -> memref<632x128xf32, #tpu.memory_space<hbm>>
      tpu.wait_dma2 semaphore(%run_scoped3A : memref<!tpu.dma_semaphore, #tpu.memory_space<semaphore_mem>>) src(%dma_wait3A_188 : memref<632x128xf32, #tpu.memory_space<hbm>>) dst(%dma_wait3A_186 : memref<632x128xf32, #tpu.memory_space<vmem_shared>>)
      tpu.yield
    }) : () -> ()
    %barrier3A = arith.constant 0 : index
    tpu.barrier barrier_id(%barrier3A)
    %mul3A_3 = arith.constant 10000 : i32
    %mul3A_4 = arith.muli %add3A, %mul3A_3 : i32
    %mul3A_5 = arith.constant 5000 : i32
    %mul3A_6 = arith.muli %add3A, %mul3A_5 : i32
    %add3A_7 = arith.constant 0 : i32
    %add3A_8 = arith.addi %mul3A_4, %add3A_7 : i32
    %add3A_9 = arith.constant 0 : i32
    %add3A_10 = arith.addi %mul3A_6, %add3A_9 : i32
    %multiple_of3A = tpu.assume_multiple %add3A_10, 8 : i32
    %dma_start3A = arith.constant 0 : i32
    %dma_start3A_11 = arith.constant 0 : i32
    %dma_start3A_12 = arith.constant 0 : i32
    %dma_start3A_13 = tpu.memref_slice %arg8[%dma_start3A, %dma_start3A_12] : memref<2x80xi32, #tpu.memory_space<vmem>> -> memref<1x80xi32, #tpu.memory_space<vmem>>
    %dma_start3A_14 = tpu.memref_squeeze %dma_start3A_13 : memref<1x80xi32, #tpu.memory_space<vmem>> -> memref<80xi32, #tpu.memory_space<vmem>>
    %dma_start3A_15 = tpu.memref_slice %arg4[%add3A_8] : memref<320000xi32, #tpu.memory_space<hbm>> -> memref<80xi32, #tpu.memory_space<hbm>>
    %dma_start3A_16 = tpu.memref_slice %arg13[%dma_start3A_11] : memref<2x!tpu.dma_semaphore, #tpu.memory_space<semaphore_mem>> -> memref<1x!tpu.dma_semaphore, #tpu.memory_space<semaphore_mem>>
    %dma_start3A_17 = tpu.memref_squeeze %dma_start3A_16 : memref<1x!tpu.dma_semaphore, #tpu.memory_space<semaphore_mem>> -> memref<!tpu.dma_semaphore, #tpu.memory_space<semaphore_mem>>
    %dma_start3A_18 = arith.constant 0 : i32
    %dma_start3A_19 = tpu.memref_slice %arg8[%dma_start3A, %dma_start3A_18] : memref<2x80xi32, #tpu.memory_space<vmem>> -> memref<1x80xi32, #tpu.memory_space<vmem>>
    %dma_start3A_20 = tpu.memref_squeeze %dma_start3A_19 : memref<1x80xi32, #tpu.memory_space<vmem>> -> memref<80xi32, #tpu.memory_space<vmem>>
    %dma_start3A_21 = tpu.memref_slice %arg4[%add3A_8] : memref<320000xi32, #tpu.memory_space<hbm>> -> memref<80xi32, #tpu.memory_space<hbm>>
    tpu.enqueue_dma source(%dma_start3A_21 : memref<80xi32, #tpu.memory_space<hbm>>) target(%dma_start3A_20 : memref<80xi32, #tpu.memory_space<vmem>>) target_semaphore(%dma_start3A_17 : memref<!tpu.dma_semaphore, #tpu.memory_space<semaphore_mem>>)
    %dma_start3A_22 = arith.constant 0 : i32
    %dma_start3A_23 = arith.constant 0 : i32
    %dma_start3A_24 = arith.constant 0 : i32
    %dma_start3A_25 = tpu.memref_slice %arg9[%dma_start3A_22, %dma_start3A_24] : memref<2x80xi32, #tpu.memory_space<vmem>> -> memref<1x80xi32, #tpu.memory_space<vmem>>
    %dma_start3A_26 = tpu.memref_squeeze %dma_start3A_25 : memref<1x80xi32, #tpu.memory_space<vmem>> -> memref<80xi32, #tpu.memory_space<vmem>>
    %dma_start3A_27 = tpu.memref_slice %arg5[%add3A_8] : memref<320000xi32, #tpu.memory_space<hbm>> -> memref<80xi32, #tpu.memory_space<hbm>>
    %dma_start3A_28 = tpu.memref_slice %arg13[%dma_start3A_23] : memref<2x!tpu.dma_semaphore, #tpu.memory_space<semaphore_mem>> -> memref<1x!tpu.dma_semaphore, #tpu.memory_space<semaphore_mem>>
    %dma_start3A_29 = tpu.memref_squeeze %dma_start3A_28 : memref<1x!tpu.dma_semaphore, #tpu.memory_space<semaphore_mem>> -> memref<!tpu.dma_semaphore, #tpu.memory_space<semaphore_mem>>
    %dma_start3A_30 = arith.constant 0 : i32
    %dma_start3A_31 = tpu.memref_slice %arg9[%dma_start3A_22, %dma_start3A_30] : memref<2x80xi32, #tpu.memory_space<vmem>> -> memref<1x80xi32, #tpu.memory_space<vmem>>
    %dma_start3A_32 = tpu.memref_squeeze %dma_start3A_31 : memref<1x80xi32, #tpu.memory_space<vmem>> -> memref<80xi32, #tpu.memory_space<vmem>>
    %dma_start3A_33 = tpu.memref_slice %arg5[%add3A_8] : memref<320000xi32, #tpu.memory_space<hbm>> -> memref<80xi32, #tpu.memory_space<hbm>>
    tpu.enqueue_dma source(%dma_start3A_33 : memref<80xi32, #tpu.memory_space<hbm>>) target(%dma_start3A_32 : memref<80xi32, #tpu.memory_space<vmem>>) target_semaphore(%dma_start3A_29 : memref<!tpu.dma_semaphore, #tpu.memory_space<semaphore_mem>>)
    %dma_start3A_34 = arith.constant 0 : i32
    %dma_start3A_35 = arith.constant 0 : i32
    %dma_start3A_36 = arith.constant 0 : i32
    %dma_start3A_37 = arith.constant 0 : i32
    %dma_start3A_38 = tpu.memref_slice %arg10[%dma_start3A_34, %dma_start3A_36, %dma_start3A_37] : memref<2x40x128xi32, #tpu.memory_space<vmem>> -> memref<1x40x128xi32, #tpu.memory_space<vmem>>
    %dma_start3A_39 = tpu.memref_squeeze %dma_start3A_38 : memref<1x40x128xi32, #tpu.memory_space<vmem>> -> memref<40x128xi32, #tpu.memory_space<vmem>>
    %dma_start3A_40 = arith.constant 0 : i32
    %dma_start3A_41 = tpu.memref_slice %arg3[%multiple_of3A, %dma_start3A_40] : memref<160000x128xi32, #tpu.memory_space<hbm>> -> memref<40x128xi32, #tpu.memory_space<hbm>>
    %dma_start3A_42 = tpu.memref_slice %arg13[%dma_start3A_35] : memref<2x!tpu.dma_semaphore, #tpu.memory_space<semaphore_mem>> -> memref<1x!tpu.dma_semaphore, #tpu.memory_space<semaphore_mem>>
    %dma_start3A_43 = tpu.memref_squeeze %dma_start3A_42 : memref<1x!tpu.dma_semaphore, #tpu.memory_space<semaphore_mem>> -> memref<!tpu.dma_semaphore, #tpu.memory_space<semaphore_mem>>
    %dma_start3A_44 = arith.constant 0 : i32
    %dma_start3A_45 = arith.constant 0 : i32
    %dma_start3A_46 = tpu.memref_slice %arg10[%dma_start3A_34, %dma_start3A_44, %dma_start3A_45] : memref<2x40x128xi32, #tpu.memory_space<vmem>> -> memref<1x40x128xi32, #tpu.memory_space<vmem>>
    %dma_start3A_47 = tpu.memref_squeeze %dma_start3A_46 : memref<1x40x128xi32, #tpu.memory_space<vmem>> -> memref<40x128xi32, #tpu.memory_space<vmem>>
    %dma_start3A_48 = arith.constant 0 : i32
    %dma_start3A_49 = tpu.memref_slice %arg3[%multiple_of3A, %dma_start3A_48] : memref<160000x128xi32, #tpu.memory_space<hbm>> -> memref<40x128xi32, #tpu.memory_space<hbm>>
    tpu.enqueue_dma source(%dma_start3A_49 : memref<40x128xi32, #tpu.memory_space<hbm>>) target(%dma_start3A_47 : memref<40x128xi32, #tpu.memory_space<vmem>>) target_semaphore(%dma_start3A_43 : memref<!tpu.dma_semaphore, #tpu.memory_space<semaphore_mem>>)
    %scan3A = arith.constant 0 : i32
    %scan3A_50 = arith.constant 0 : i32
    %scan3A_51 = arith.constant 62 : i32
    %scan3A_52 = arith.addi %scan3A_50, %scan3A_51 : i32
    %scan3A_53 = arith.constant 1 : i32
    scf.for %scan3A_181 = %scan3A_50 to %scan3A_52 step %scan3A_53  : i32 {
      %mul3A_182 = arith.constant 2 : i32
      %mul3A_183 = arith.muli %scan3A_181, %mul3A_182 : i32
      %mul3A_184 = arith.constant 80 : i32
      %mul3A_185 = arith.muli %mul3A_183, %mul3A_184 : i32
      %add3A_186 = arith.addi %mul3A_4, %mul3A_185 : i32
      %mul3A_187 = arith.constant 40 : i32
      %mul3A_188 = arith.muli %mul3A_183, %mul3A_187 : i32
      %add3A_189 = arith.addi %mul3A_6, %mul3A_188 : i32
      %multiple_of3A_190 = tpu.assume_multiple %add3A_189, 8 : i32
      %dma_wait3A_191 = arith.constant 0 : i32
      %dma_wait3A_192 = arith.constant 0 : i32
      %dma_wait3A_193 = arith.constant 0 : i32
      %dma_wait3A_194 = tpu.memref_slice %arg8[%dma_wait3A_191, %dma_wait3A_193] : memref<2x80xi32, #tpu.memory_space<vmem>> -> memref<1x80xi32, #tpu.memory_space<vmem>>
      %dma_wait3A_195 = tpu.memref_squeeze %dma_wait3A_194 : memref<1x80xi32, #tpu.memory_space<vmem>> -> memref<80xi32, #tpu.memory_space<vmem>>
      %dma_wait3A_196 = tpu.memref_slice %arg4[%add3A_186] : memref<320000xi32, #tpu.memory_space<hbm>> -> memref<80xi32, #tpu.memory_space<hbm>>
      %dma_wait3A_197 = tpu.memref_slice %arg13[%dma_wait3A_192] : memref<2x!tpu.dma_semaphore, #tpu.memory_space<semaphore_mem>> -> memref<1x!tpu.dma_semaphore, #tpu.memory_space<semaphore_mem>>
      %dma_wait3A_198 = tpu.memref_squeeze %dma_wait3A_197 : memref<1x!tpu.dma_semaphore, #tpu.memory_space<semaphore_mem>> -> memref<!tpu.dma_semaphore, #tpu.memory_space<semaphore_mem>>
      %dma_wait3A_199 = arith.constant 0 : i32
      %dma_wait3A_200 = tpu.memref_slice %arg8[%dma_wait3A_191, %dma_wait3A_199] : memref<2x80xi32, #tpu.memory_space<vmem>> -> memref<1x80xi32, #tpu.memory_space<vmem>>
      %dma_wait3A_201 = tpu.memref_squeeze %dma_wait3A_200 : memref<1x80xi32, #tpu.memory_space<vmem>> -> memref<80xi32, #tpu.memory_space<vmem>>
      %dma_wait3A_202 = tpu.memref_slice %arg4[%add3A_186] : memref<320000xi32, #tpu.memory_space<hbm>> -> memref<80xi32, #tpu.memory_space<hbm>>
      tpu.wait_dma2 semaphore(%dma_wait3A_198 : memref<!tpu.dma_semaphore, #tpu.memory_space<semaphore_mem>>) src(%dma_wait3A_202 : memref<80xi32, #tpu.memory_space<hbm>>) dst(%dma_wait3A_201 : memref<80xi32, #tpu.memory_space<vmem>>)
      %dma_wait3A_203 = arith.constant 0 : i32
      %dma_wait3A_204 = arith.constant 0 : i32
      %dma_wait3A_205 = arith.constant 0 : i32
      %dma_wait3A_206 = tpu.memref_slice %arg9[%dma_wait3A_203, %dma_wait3A_205] : memref<2x80xi32, #tpu.memory_space<vmem>> -> memref<1x80xi32, #tpu.memory_space<vmem>>
      %dma_wait3A_207 = tpu.memref_squeeze %dma_wait3A_206 : memref<1x80xi32, #tpu.memory_space<vmem>> -> memref<80xi32, #tpu.memory_space<vmem>>
      %dma_wait3A_208 = tpu.memref_slice %arg5[%add3A_186] : memref<320000xi32, #tpu.memory_space<hbm>> -> memref<80xi32, #tpu.memory_space<hbm>>
      %dma_wait3A_209 = tpu.memref_slice %arg13[%dma_wait3A_204] : memref<2x!tpu.dma_semaphore, #tpu.memory_space<semaphore_mem>> -> memref<1x!tpu.dma_semaphore, #tpu.memory_space<semaphore_mem>>
      %dma_wait3A_210 = tpu.memref_squeeze %dma_wait3A_209 : memref<1x!tpu.dma_semaphore, #tpu.memory_space<semaphore_mem>> -> memref<!tpu.dma_semaphore, #tpu.memory_space<semaphore_mem>>
      %dma_wait3A_211 = arith.constant 0 : i32
      %dma_wait3A_212 = tpu.memref_slice %arg9[%dma_wait3A_203, %dma_wait3A_211] : memref<2x80xi32, #tpu.memory_space<vmem>> -> memref<1x80xi32, #tpu.memory_space<vmem>>
      %dma_wait3A_213 = tpu.memref_squeeze %dma_wait3A_212 : memref<1x80xi32, #tpu.memory_space<vmem>> -> memref<80xi32, #tpu.memory_space<vmem>>
      %dma_wait3A_214 = tpu.memref_slice %arg5[%add3A_186] : memref<320000xi32, #tpu.memory_space<hbm>> -> memref<80xi32, #tpu.memory_space<hbm>>
      tpu.wait_dma2 semaphore(%dma_wait3A_210 : memref<!tpu.dma_semaphore, #tpu.memory_space<semaphore_mem>>) src(%dma_wait3A_214 : memref<80xi32, #tpu.memory_space<hbm>>) dst(%dma_wait3A_213 : memref<80xi32, #tpu.memory_space<vmem>>)
      %dma_wait3A_215 = arith.constant 0 : i32
      %dma_wait3A_216 = arith.constant 0 : i32
      %dma_wait3A_217 = arith.constant 0 : i32
      %dma_wait3A_218 = arith.constant 0 : i32
      %dma_wait3A_219 = tpu.memref_slice %arg10[%dma_wait3A_215, %dma_wait3A_217, %dma_wait3A_218] : memref<2x40x128xi32, #tpu.memory_space<vmem>> -> memref<1x40x128xi32, #tpu.memory_space<vmem>>
      %dma_wait3A_220 = tpu.memref_squeeze %dma_wait3A_219 : memref<1x40x128xi32, #tpu.memory_space<vmem>> -> memref<40x128xi32, #tpu.memory_space<vmem>>
      %dma_wait3A_221 = arith.constant 0 : i32
      %dma_wait3A_222 = tpu.memref_slice %arg3[%multiple_of3A_190, %dma_wait3A_221] : memref<160000x128xi32, #tpu.memory_space<hbm>> -> memref<40x128xi32, #tpu.memory_space<hbm>>
      %dma_wait3A_223 = tpu.memref_slice %arg13[%dma_wait3A_216] : memref<2x!tpu.dma_semaphore, #tpu.memory_space<semaphore_mem>> -> memref<1x!tpu.dma_semaphore, #tpu.memory_space<semaphore_mem>>
      %dma_wait3A_224 = tpu.memref_squeeze %dma_wait3A_223 : memref<1x!tpu.dma_semaphore, #tpu.memory_space<semaphore_mem>> -> memref<!tpu.dma_semaphore, #tpu.memory_space<semaphore_mem>>
      %dma_wait3A_225 = arith.constant 0 : i32
      %dma_wait3A_226 = arith.constant 0 : i32
      %dma_wait3A_227 = tpu.memref_slice %arg10[%dma_wait3A_215, %dma_wait3A_225, %dma_wait3A_226] : memref<2x40x128xi32, #tpu.memory_space<vmem>> -> memref<1x40x128xi32, #tpu.memory_space<vmem>>
      %dma_wait3A_228 = tpu.memref_squeeze %dma_wait3A_227 : memref<1x40x128xi32, #tpu.memory_space<vmem>> -> memref<40x128xi32, #tpu.memory_space<vmem>>
      %dma_wait3A_229 = arith.constant 0 : i32
      %dma_wait3A_230 = tpu.memref_slice %arg3[%multiple_of3A_190, %dma_wait3A_229] : memref<160000x128xi32, #tpu.memory_space<hbm>> -> memref<40x128xi32, #tpu.memory_space<hbm>>
      tpu.wait_dma2 semaphore(%dma_wait3A_224 : memref<!tpu.dma_semaphore, #tpu.memory_space<semaphore_mem>>) src(%dma_wait3A_230 : memref<40x128xi32, #tpu.memory_space<hbm>>) dst(%dma_wait3A_228 : memref<40x128xi32, #tpu.memory_space<vmem>>)
      %dma_start3A_231 = arith.constant 0 : i32
      %dma_start3A_232 = arith.constant 0 : i32
      %dma_start3A_233 = arith.constant 0 : i32
      %dma_start3A_234 = arith.constant 0 : i32
      %dma_start3A_235 = arith.constant 0 : i32
      %dma_start3A_236 = tpu.memref_slice %arg11[%dma_start3A_232, %dma_start3A_234, %dma_start3A_235] : memref<2x80x128xf32, #tpu.memory_space<vmem>> -> memref<1x80x128xf32, #tpu.memory_space<vmem>>
      %dma_start3A_237 = tpu.memref_squeeze %dma_start3A_236 : memref<1x80x128xf32, #tpu.memory_space<vmem>> -> memref<80x128xf32, #tpu.memory_space<vmem>>
      %dma_start3A_238 = arith.constant 0 : i32
      %dma_start3A_239 = tpu.memref_slice %arg8[%dma_start3A_231, %dma_start3A_238] : memref<2x80xi32, #tpu.memory_space<vmem>> -> memref<1x80xi32, #tpu.memory_space<vmem>>
      %dma_start3A_240 = tpu.memref_squeeze %dma_start3A_239 : memref<1x80xi32, #tpu.memory_space<vmem>> -> memref<80xi32, #tpu.memory_space<vmem>>
      %dma_start3A_241 = arith.constant 0 : i32
      %dma_start3A_242 = arith.constant 0 : i32
      %dma_start3A_243 = tpu.memref_slice %arg2[%dma_start3A_241, %dma_start3A_242] : memref<10000x128xf32, #tpu.memory_space<hbm>> -> memref<10000x128xf32, #tpu.memory_space<hbm>>
      %dma_start3A_244 = tpu.memref_slice %arg14[%dma_start3A_233] : memref<2x!tpu.dma_semaphore, #tpu.memory_space<semaphore_mem>> -> memref<1x!tpu.dma_semaphore, #tpu.memory_space<semaphore_mem>>
      %dma_start3A_245 = tpu.memref_squeeze %dma_start3A_244 : memref<1x!tpu.dma_semaphore, #tpu.memory_space<semaphore_mem>> -> memref<!tpu.dma_semaphore, #tpu.memory_space<semaphore_mem>>
      tpu.enqueue_indirect_dma source(%dma_start3A_243 : memref<10000x128xf32, #tpu.memory_space<hbm>>) target(%dma_start3A_237 : memref<80x128xf32, #tpu.memory_space<vmem>>) offsets(%dma_start3A_240 : memref<80xi32, #tpu.memory_space<vmem>>) semaphore(%dma_start3A_245 : memref<!tpu.dma_semaphore, #tpu.memory_space<semaphore_mem>>)
      %gt3A = arith.constant 0 : i32
      %gt3A_246 = arith.cmpi sgt, %scan3A_181, %gt3A : i32
      %convert_element_type3A = arith.extui %gt3A_246 : i1 to i32
      %cond3A = arith.constant 0 : i32
      %cond3A_247 = arith.cmpi ne, %convert_element_type3A, %cond3A : i32
      scf.if %cond3A_247 {
        %dma_wait3A_497 = arith.constant 1 : i32
        %dma_wait3A_498 = arith.constant 1 : i32
        %dma_wait3A_499 = arith.constant 1 : i32
        %dma_wait3A_500 = arith.constant 0 : i32
        %dma_wait3A_501 = arith.constant 0 : i32
        %dma_wait3A_502 = tpu.memref_slice %arg11[%dma_wait3A_497, %dma_wait3A_500, %dma_wait3A_501] : memref<2x80x128xf32, #tpu.memory_space<vmem>> -> memref<1x80x128xf32, #tpu.memory_space<vmem>>
        %dma_wait3A_503 = tpu.memref_squeeze %dma_wait3A_502 : memref<1x80x128xf32, #tpu.memory_space<vmem>> -> memref<80x128xf32, #tpu.memory_space<vmem>>
        %dma_wait3A_504 = arith.constant 0 : i32
        %dma_wait3A_505 = tpu.memref_slice %arg9[%dma_wait3A_498, %dma_wait3A_504] : memref<2x80xi32, #tpu.memory_space<vmem>> -> memref<1x80xi32, #tpu.memory_space<vmem>>
        %dma_wait3A_506 = tpu.memref_squeeze %dma_wait3A_505 : memref<1x80xi32, #tpu.memory_space<vmem>> -> memref<80xi32, #tpu.memory_space<vmem>>
        %dma_wait3A_507 = arith.constant 0 : i32
        %dma_wait3A_508 = arith.constant 0 : i32
        %dma_wait3A_509 = tpu.memref_slice %arg12[%dma_wait3A_507, %dma_wait3A_508] : memref<10112x128xf32, #tpu.memory_space<vmem_shared>> -> memref<10112x128xf32, #tpu.memory_space<vmem_shared>>
        %dma_wait3A_510 = tpu.memref_slice %arg15[%dma_wait3A_499] : memref<2x!tpu.dma_semaphore, #tpu.memory_space<semaphore_mem>> -> memref<1x!tpu.dma_semaphore, #tpu.memory_space<semaphore_mem>>
        %dma_wait3A_511 = tpu.memref_squeeze %dma_wait3A_510 : memref<1x!tpu.dma_semaphore, #tpu.memory_space<semaphore_mem>> -> memref<!tpu.dma_semaphore, #tpu.memory_space<semaphore_mem>>
        tpu.wait_indirect_dma semaphore(%dma_wait3A_511 : memref<!tpu.dma_semaphore, #tpu.memory_space<semaphore_mem>>) src(%dma_wait3A_503 : memref<80x128xf32, #tpu.memory_space<vmem>>) dst(%dma_wait3A_509 : memref<10112x128xf32, #tpu.memory_space<vmem_shared>>)
      } else {
      }
      %add3A_248 = arith.constant 1 : i32
      %add3A_249 = arith.addi %mul3A_183, %add3A_248 : i32
      %mul3A_250 = arith.constant 80 : i32
      %mul3A_251 = arith.muli %add3A_249, %mul3A_250 : i32
      %add3A_252 = arith.addi %mul3A_4, %mul3A_251 : i32
      %mul3A_253 = arith.constant 40 : i32
      %mul3A_254 = arith.muli %add3A_249, %mul3A_253 : i32
      %add3A_255 = arith.addi %mul3A_6, %mul3A_254 : i32
      %multiple_of3A_256 = tpu.assume_multiple %add3A_255, 8 : i32
      %dma_start3A_257 = arith.constant 1 : i32
      %dma_start3A_258 = arith.constant 1 : i32
      %dma_start3A_259 = arith.constant 0 : i32
      %dma_start3A_260 = tpu.memref_slice %arg8[%dma_start3A_257, %dma_start3A_259] : memref<2x80xi32, #tpu.memory_space<vmem>> -> memref<1x80xi32, #tpu.memory_space<vmem>>
      %dma_start3A_261 = tpu.memref_squeeze %dma_start3A_260 : memref<1x80xi32, #tpu.memory_space<vmem>> -> memref<80xi32, #tpu.memory_space<vmem>>
      %dma_start3A_262 = tpu.memref_slice %arg4[%add3A_252] : memref<320000xi32, #tpu.memory_space<hbm>> -> memref<80xi32, #tpu.memory_space<hbm>>
      %dma_start3A_263 = tpu.memref_slice %arg13[%dma_start3A_258] : memref<2x!tpu.dma_semaphore, #tpu.memory_space<semaphore_mem>> -> memref<1x!tpu.dma_semaphore, #tpu.memory_space<semaphore_mem>>
      %dma_start3A_264 = tpu.memref_squeeze %dma_start3A_263 : memref<1x!tpu.dma_semaphore, #tpu.memory_space<semaphore_mem>> -> memref<!tpu.dma_semaphore, #tpu.memory_space<semaphore_mem>>
      %dma_start3A_265 = arith.constant 0 : i32
      %dma_start3A_266 = tpu.memref_slice %arg8[%dma_start3A_257, %dma_start3A_265] : memref<2x80xi32, #tpu.memory_space<vmem>> -> memref<1x80xi32, #tpu.memory_space<vmem>>
      %dma_start3A_267 = tpu.memref_squeeze %dma_start3A_266 : memref<1x80xi32, #tpu.memory_space<vmem>> -> memref<80xi32, #tpu.memory_space<vmem>>
      %dma_start3A_268 = tpu.memref_slice %arg4[%add3A_252] : memref<320000xi32, #tpu.memory_space<hbm>> -> memref<80xi32, #tpu.memory_space<hbm>>
      tpu.enqueue_dma source(%dma_start3A_268 : memref<80xi32, #tpu.memory_space<hbm>>) target(%dma_start3A_267 : memref<80xi32, #tpu.memory_space<vmem>>) target_semaphore(%dma_start3A_264 : memref<!tpu.dma_semaphore, #tpu.memory_space<semaphore_mem>>)
      %dma_start3A_269 = arith.constant 1 : i32
      %dma_start3A_270 = arith.constant 1 : i32
      %dma_start3A_271 = arith.constant 0 : i32
      %dma_start3A_272 = tpu.memref_slice %arg9[%dma_start3A_269, %dma_start3A_271] : memref<2x80xi32, #tpu.memory_space<vmem>> -> memref<1x80xi32, #tpu.memory_space<vmem>>
      %dma_start3A_273 = tpu.memref_squeeze %dma_start3A_272 : memref<1x80xi32, #tpu.memory_space<vmem>> -> memref<80xi32, #tpu.memory_space<vmem>>
      %dma_start3A_274 = tpu.memref_slice %arg5[%add3A_252] : memref<320000xi32, #tpu.memory_space<hbm>> -> memref<80xi32, #tpu.memory_space<hbm>>
      %dma_start3A_275 = tpu.memref_slice %arg13[%dma_start3A_270] : memref<2x!tpu.dma_semaphore, #tpu.memory_space<semaphore_mem>> -> memref<1x!tpu.dma_semaphore, #tpu.memory_space<semaphore_mem>>
      %dma_start3A_276 = tpu.memref_squeeze %dma_start3A_275 : memref<1x!tpu.dma_semaphore, #tpu.memory_space<semaphore_mem>> -> memref<!tpu.dma_semaphore, #tpu.memory_space<semaphore_mem>>
      %dma_start3A_277 = arith.constant 0 : i32
      %dma_start3A_278 = tpu.memref_slice %arg9[%dma_start3A_269, %dma_start3A_277] : memref<2x80xi32, #tpu.memory_space<vmem>> -> memref<1x80xi32, #tpu.memory_space<vmem>>
      %dma_start3A_279 = tpu.memref_squeeze %dma_start3A_278 : memref<1x80xi32, #tpu.memory_space<vmem>> -> memref<80xi32, #tpu.memory_space<vmem>>
      %dma_start3A_280 = tpu.memref_slice %arg5[%add3A_252] : memref<320000xi32, #tpu.memory_space<hbm>> -> memref<80xi32, #tpu.memory_space<hbm>>
      tpu.enqueue_dma source(%dma_start3A_280 : memref<80xi32, #tpu.memory_space<hbm>>) target(%dma_start3A_279 : memref<80xi32, #tpu.memory_space<vmem>>) target_semaphore(%dma_start3A_276 : memref<!tpu.dma_semaphore, #tpu.memory_space<semaphore_mem>>)
      %dma_start3A_281 = arith.constant 1 : i32
      %dma_start3A_282 = arith.constant 1 : i32
      %dma_start3A_283 = arith.constant 0 : i32
      %dma_start3A_284 = arith.constant 0 : i32
      %dma_start3A_285 = tpu.memref_slice %arg10[%dma_start3A_281, %dma_start3A_283, %dma_start3A_284] : memref<2x40x128xi32, #tpu.memory_space<vmem>> -> memref<1x40x128xi32, #tpu.memory_space<vmem>>
      %dma_start3A_286 = tpu.memref_squeeze %dma_start3A_285 : memref<1x40x128xi32, #tpu.memory_space<vmem>> -> memref<40x128xi32, #tpu.memory_space<vmem>>
      %dma_start3A_287 = arith.constant 0 : i32
      %dma_start3A_288 = tpu.memref_slice %arg3[%multiple_of3A_256, %dma_start3A_287] : memref<160000x128xi32, #tpu.memory_space<hbm>> -> memref<40x128xi32, #tpu.memory_space<hbm>>
      %dma_start3A_289 = tpu.memref_slice %arg13[%dma_start3A_282] : memref<2x!tpu.dma_semaphore, #tpu.memory_space<semaphore_mem>> -> memref<1x!tpu.dma_semaphore, #tpu.memory_space<semaphore_mem>>
      %dma_start3A_290 = tpu.memref_squeeze %dma_start3A_289 : memref<1x!tpu.dma_semaphore, #tpu.memory_space<semaphore_mem>> -> memref<!tpu.dma_semaphore, #tpu.memory_space<semaphore_mem>>
      %dma_start3A_291 = arith.constant 0 : i32
      %dma_start3A_292 = arith.constant 0 : i32
      %dma_start3A_293 = tpu.memref_slice %arg10[%dma_start3A_281, %dma_start3A_291, %dma_start3A_292] : memref<2x40x128xi32, #tpu.memory_space<vmem>> -> memref<1x40x128xi32, #tpu.memory_space<vmem>>
      %dma_start3A_294 = tpu.memref_squeeze %dma_start3A_293 : memref<1x40x128xi32, #tpu.memory_space<vmem>> -> memref<40x128xi32, #tpu.memory_space<vmem>>
      %dma_start3A_295 = arith.constant 0 : i32
      %dma_start3A_296 = tpu.memref_slice %arg3[%multiple_of3A_256, %dma_start3A_295] : memref<160000x128xi32, #tpu.memory_space<hbm>> -> memref<40x128xi32, #tpu.memory_space<hbm>>
      tpu.enqueue_dma source(%dma_start3A_296 : memref<40x128xi32, #tpu.memory_space<hbm>>) target(%dma_start3A_294 : memref<40x128xi32, #tpu.memory_space<vmem>>) target_semaphore(%dma_start3A_290 : memref<!tpu.dma_semaphore, #tpu.memory_space<semaphore_mem>>)
      %dma_wait3A_297 = arith.constant 0 : i32
      %dma_wait3A_298 = arith.constant 0 : i32
      %dma_wait3A_299 = arith.constant 0 : i32
      %dma_wait3A_300 = arith.constant 0 : i32
      %dma_wait3A_301 = arith.constant 0 : i32
      %dma_wait3A_302 = tpu.memref_slice %arg11[%dma_wait3A_298, %dma_wait3A_300, %dma_wait3A_301] : memref<2x80x128xf32, #tpu.memory_space<vmem>> -> memref<1x80x128xf32, #tpu.memory_space<vmem>>
      %dma_wait3A_303 = tpu.memref_squeeze %dma_wait3A_302 : memref<1x80x128xf32, #tpu.memory_space<vmem>> -> memref<80x128xf32, #tpu.memory_space<vmem>>
      %dma_wait3A_304 = arith.constant 0 : i32
      %dma_wait3A_305 = tpu.memref_slice %arg8[%dma_wait3A_297, %dma_wait3A_304] : memref<2x80xi32, #tpu.memory_space<vmem>> -> memref<1x80xi32, #tpu.memory_space<vmem>>
      %dma_wait3A_306 = tpu.memref_squeeze %dma_wait3A_305 : memref<1x80xi32, #tpu.memory_space<vmem>> -> memref<80xi32, #tpu.memory_space<vmem>>
      %dma_wait3A_307 = arith.constant 0 : i32
      %dma_wait3A_308 = arith.constant 0 : i32
      %dma_wait3A_309 = tpu.memref_slice %arg2[%dma_wait3A_307, %dma_wait3A_308] : memref<10000x128xf32, #tpu.memory_space<hbm>> -> memref<10000x128xf32, #tpu.memory_space<hbm>>
      %dma_wait3A_310 = tpu.memref_slice %arg14[%dma_wait3A_299] : memref<2x!tpu.dma_semaphore, #tpu.memory_space<semaphore_mem>> -> memref<1x!tpu.dma_semaphore, #tpu.memory_space<semaphore_mem>>
      %dma_wait3A_311 = tpu.memref_squeeze %dma_wait3A_310 : memref<1x!tpu.dma_semaphore, #tpu.memory_space<semaphore_mem>> -> memref<!tpu.dma_semaphore, #tpu.memory_space<semaphore_mem>>
      tpu.wait_indirect_dma semaphore(%dma_wait3A_311 : memref<!tpu.dma_semaphore, #tpu.memory_space<semaphore_mem>>) src(%dma_wait3A_309 : memref<10000x128xf32, #tpu.memory_space<hbm>>) dst(%dma_wait3A_303 : memref<80x128xf32, #tpu.memory_space<vmem>>)
      %scan3A_312 = arith.constant 0 : i32
      %scan3A_313 = arith.constant 0 : i32
      %scan3A_314 = arith.constant 40 : i32
      %scan3A_315 = arith.addi %scan3A_313, %scan3A_314 : i32
      %scan3A_316 = arith.constant 1 : i32
      scf.for %scan3A_497 = %scan3A_313 to %scan3A_315 step %scan3A_316  : i32 {
        %mul3A_498 = arith.constant 2 : i32
        %mul3A_499 = arith.muli %scan3A_497, %mul3A_498 : i32
        %get3A = arith.constant 0 : i32
        %get3A_500 = arith.index_cast %get3A : i32 to index
        %get3A_501 = arith.index_cast %scan3A_497 : i32 to index
        %get3A_502 = arith.constant 0 : index
        %get3A_503 = tpu.vector_load %arg10[%get3A_500, %get3A_501, %get3A_502] {strides = array<i32>} : memref<2x40x128xi32, #tpu.memory_space<vmem>>, vector<1x1x16xi32>,
        %get3A_504 = vector.shape_cast %get3A_503 : vector<1x1x16xi32> to vector<16xi32>
        %shift_left3A = arith.constant 16 : i32
        %shift_left3A_505 = vector.broadcast %shift_left3A : i32 to vector<16xi32>
        %shift_left3A_506 = arith.shli %get3A_504, %shift_left3A_505 : vector<16xi32>
        %bitcast_convert_type3A = tpu.bitcast %shift_left3A_506 : vector<16xi32> -> vector<16xf32>
        %and3A = arith.constant -65536 : i32
        %and3A_507 = vector.broadcast %and3A : i32 to vector<16xi32>
        %and3A_508 = arith.andi %get3A_504, %and3A_507 : vector<16xi32>
        %bitcast_convert_type3A_509 = tpu.bitcast %and3A_508 : vector<16xi32> -> vector<16xf32>
        %get3A_510 = arith.constant 0 : i32
        %get3A_511 = arith.index_cast %get3A_510 : i32 to index
        %get3A_512 = arith.index_cast %mul3A_499 : i32 to index
        %get3A_513 = arith.constant 0 : index
        %get3A_514 = tpu.vector_load %arg11[%get3A_511, %get3A_512, %get3A_513] {strides = array<i32>} : memref<2x80x128xf32, #tpu.memory_space<vmem>>, vector<1x1x16xf32>,
        %get3A_515 = vector.shape_cast %get3A_514 : vector<1x1x16xf32> to vector<16xf32>
        %add3A_516 = arith.addf %get3A_515, %bitcast_convert_type3A : vector<16xf32>
        %max3A = arith.constant 0.000000e+00 : f32
        %max3A_517 = vector.broadcast %max3A : f32 to vector<16xf32>
        %max3A_518 = arith.maximumf %add3A_516, %max3A_517 : vector<16xf32>
        %swap3A = arith.constant 0 : i32
        %swap3A_519 = arith.index_cast %swap3A : i32 to index
        %swap3A_520 = arith.index_cast %mul3A_499 : i32 to index
        %swap3A_521 = arith.constant 0 : index
        %swap3A_522 = tpu.vector_load %arg11[%swap3A_519, %swap3A_520, %swap3A_521] {strides = array<i32>} : memref<2x80x128xf32, #tpu.memory_space<vmem>>, vector<1x1x16xf32>,
        %swap3A_523 = vector.shape_cast %swap3A_522 : vector<1x1x16xf32> to vector<16xf32>
        %swap3A_524 = vector.shape_cast %max3A_518 : vector<16xf32> to vector<1x1x16xf32>
        tpu.vector_store %arg11[%swap3A_519, %swap3A_520, %swap3A_521], %swap3A_524 {strides = array<i32>} : memref<2x80x128xf32, #tpu.memory_space<vmem>>, vector<1x1x16xf32>,
        %add3A_525 = arith.constant 1 : i32
        %add3A_526 = arith.addi %mul3A_499, %add3A_525 : i32
        %get3A_527 = arith.constant 0 : i32
        %get3A_528 = arith.index_cast %get3A_527 : i32 to index
        %get3A_529 = arith.index_cast %add3A_526 : i32 to index
        %get3A_530 = arith.constant 0 : index
        %get3A_531 = tpu.vector_load %arg11[%get3A_528, %get3A_529, %get3A_530] {strides = array<i32>} : memref<2x80x128xf32, #tpu.memory_space<vmem>>, vector<1x1x16xf32>,
        %get3A_532 = vector.shape_cast %get3A_531 : vector<1x1x16xf32> to vector<16xf32>
        %add3A_533 = arith.addf %get3A_532, %bitcast_convert_type3A_509 : vector<16xf32>
        %max3A_534 = arith.constant 0.000000e+00 : f32
        %max3A_535 = vector.broadcast %max3A_534 : f32 to vector<16xf32>
        %max3A_536 = arith.maximumf %add3A_533, %max3A_535 : vector<16xf32>
        %add3A_537 = arith.constant 1 : i32
        %add3A_538 = arith.addi %mul3A_499, %add3A_537 : i32
        %swap3A_539 = arith.constant 0 : i32
        %swap3A_540 = arith.index_cast %swap3A_539 : i32 to index
        %swap3A_541 = arith.index_cast %add3A_538 : i32 to index
        %swap3A_542 = arith.constant 0 : index
        %swap3A_543 = tpu.vector_load %arg11[%swap3A_540, %swap3A_541, %swap3A_542] {strides = array<i32>} : memref<2x80x128xf32, #tpu.memory_space<vmem>>, vector<1x1x16xf32>,
        %swap3A_544 = vector.shape_cast %swap3A_543 : vector<1x1x16xf32> to vector<16xf32>
        %swap3A_545 = vector.shape_cast %max3A_536 : vector<16xf32> to vector<1x1x16xf32>
        tpu.vector_store %arg11[%swap3A_540, %swap3A_541, %swap3A_542], %swap3A_545 {strides = array<i32>} : memref<2x80x128xf32, #tpu.memory_space<vmem>>, vector<1x1x16xf32>,
        %get3A_546 = arith.constant 0 : i32
        %get3A_547 = arith.index_cast %get3A_546 : i32 to index
        %get3A_548 = arith.index_cast %scan3A_497 : i32 to index
        %get3A_549 = arith.constant 16 : index
        %get3A_550 = tpu.vector_load %arg10[%get3A_547, %get3A_548, %get3A_549] {strides = array<i32>} : memref<2x40x128xi32, #tpu.memory_space<vmem>>, vector<1x1x16xi32>,
        %get3A_551 = vector.shape_cast %get3A_550 : vector<1x1x16xi32> to vector<16xi32>
        %shift_left3A_552 = arith.constant 16 : i32
        %shift_left3A_553 = vector.broadcast %shift_left3A_552 : i32 to vector<16xi32>
        %shift_left3A_554 = arith.shli %get3A_551, %shift_left3A_553 : vector<16xi32>
        %bitcast_convert_type3A_555 = tpu.bitcast %shift_left3A_554 : vector<16xi32> -> vector<16xf32>
        %and3A_556 = arith.constant -65536 : i32
        %and3A_557 = vector.broadcast %and3A_556 : i32 to vector<16xi32>
        %and3A_558 = arith.andi %get3A_551, %and3A_557 : vector<16xi32>
        %bitcast_convert_type3A_559 = tpu.bitcast %and3A_558 : vector<16xi32> -> vector<16xf32>
        %get3A_560 = arith.constant 0 : i32
        %get3A_561 = arith.index_cast %get3A_560 : i32 to index
        %get3A_562 = arith.index_cast %mul3A_499 : i32 to index
        %get3A_563 = arith.constant 16 : index
        %get3A_564 = tpu.vector_load %arg11[%get3A_561, %get3A_562, %get3A_563] {strides = array<i32>} : memref<2x80x128xf32, #tpu.memory_space<vmem>>, vector<1x1x16xf32>,
        %get3A_565 = vector.shape_cast %get3A_564 : vector<1x1x16xf32> to vector<16xf32>
        %add3A_566 = arith.addf %get3A_565, %bitcast_convert_type3A_555 : vector<16xf32>
        %max3A_567 = arith.constant 0.000000e+00 : f32
        %max3A_568 = vector.broadcast %max3A_567 : f32 to vector<16xf32>
        %max3A_569 = arith.maximumf %add3A_566, %max3A_568 : vector<16xf32>
        %swap3A_570 = arith.constant 0 : i32
        %swap3A_571 = arith.index_cast %swap3A_570 : i32 to index
        %swap3A_572 = arith.index_cast %mul3A_499 : i32 to index
        %swap3A_573 = arith.constant 16 : index
        %swap3A_574 = tpu.vector_load %arg11[%swap3A_571, %swap3A_572, %swap3A_573] {strides = array<i32>} : memref<2x80x128xf32, #tpu.memory_space<vmem>>, vector<1x1x16xf32>,
        %swap3A_575 = vector.shape_cast %swap3A_574 : vector<1x1x16xf32> to vector<16xf32>
        %swap3A_576 = vector.shape_cast %max3A_569 : vector<16xf32> to vector<1x1x16xf32>
        tpu.vector_store %arg11[%swap3A_571, %swap3A_572, %swap3A_573], %swap3A_576 {strides = array<i32>} : memref<2x80x128xf32, #tpu.memory_space<vmem>>, vector<1x1x16xf32>,
        %add3A_577 = arith.constant 1 : i32
        %add3A_578 = arith.addi %mul3A_499, %add3A_577 : i32
        %get3A_579 = arith.constant 0 : i32
        %get3A_580 = arith.index_cast %get3A_579 : i32 to index
        %get3A_581 = arith.index_cast %add3A_578 : i32 to index
        %get3A_582 = arith.constant 16 : index
        %get3A_583 = tpu.vector_load %arg11[%get3A_580, %get3A_581, %get3A_582] {strides = array<i32>} : memref<2x80x128xf32, #tpu.memory_space<vmem>>, vector<1x1x16xf32>,
        %get3A_584 = vector.shape_cast %get3A_583 : vector<1x1x16xf32> to vector<16xf32>
        %add3A_585 = arith.addf %get3A_584, %bitcast_convert_type3A_559 : vector<16xf32>
        %max3A_586 = arith.constant 0.000000e+00 : f32
        %max3A_587 = vector.broadcast %max3A_586 : f32 to vector<16xf32>
        %max3A_588 = arith.maximumf %add3A_585, %max3A_587 : vector<16xf32>
        %add3A_589 = arith.constant 1 : i32
        %add3A_590 = arith.addi %mul3A_499, %add3A_589 : i32
        %swap3A_591 = arith.constant 0 : i32
        %swap3A_592 = arith.index_cast %swap3A_591 : i32 to index
        %swap3A_593 = arith.index_cast %add3A_590 : i32 to index
        %swap3A_594 = arith.constant 16 : index
        %swap3A_595 = tpu.vector_load %arg11[%swap3A_592, %swap3A_593, %swap3A_594] {strides = array<i32>} : memref<2x80x128xf32, #tpu.memory_space<vmem>>, vector<1x1x16xf32>,
        %swap3A_596 = vector.shape_cast %swap3A_595 : vector<1x1x16xf32> to vector<16xf32>
        %swap3A_597 = vector.shape_cast %max3A_588 : vector<16xf32> to vector<1x1x16xf32>
        tpu.vector_store %arg11[%swap3A_592, %swap3A_593, %swap3A_594], %swap3A_597 {strides = array<i32>} : memref<2x80x128xf32, #tpu.memory_space<vmem>>, vector<1x1x16xf32>,
        %get3A_598 = arith.constant 0 : i32
        %get3A_599 = arith.index_cast %get3A_598 : i32 to index
        %get3A_600 = arith.index_cast %scan3A_497 : i32 to index
        %get3A_601 = arith.constant 32 : index
        %get3A_602 = tpu.vector_load %arg10[%get3A_599, %get3A_600, %get3A_601] {strides = array<i32>} : memref<2x40x128xi32, #tpu.memory_space<vmem>>, vector<1x1x16xi32>,
        %get3A_603 = vector.shape_cast %get3A_602 : vector<1x1x16xi32> to vector<16xi32>
        %shift_left3A_604 = arith.constant 16 : i32
        %shift_left3A_605 = vector.broadcast %shift_left3A_604 : i32 to vector<16xi32>
        %shift_left3A_606 = arith.shli %get3A_603, %shift_left3A_605 : vector<16xi32>
        %bitcast_convert_type3A_607 = tpu.bitcast %shift_left3A_606 : vector<16xi32> -> vector<16xf32>
        %and3A_608 = arith.constant -65536 : i32
        %and3A_609 = vector.broadcast %and3A_608 : i32 to vector<16xi32>
        %and3A_610 = arith.andi %get3A_603, %and3A_609 : vector<16xi32>
        %bitcast_convert_type3A_611 = tpu.bitcast %and3A_610 : vector<16xi32> -> vector<16xf32>
        %get3A_612 = arith.constant 0 : i32
        %get3A_613 = arith.index_cast %get3A_612 : i32 to index
        %get3A_614 = arith.index_cast %mul3A_499 : i32 to index
        %get3A_615 = arith.constant 32 : index
        %get3A_616 = tpu.vector_load %arg11[%get3A_613, %get3A_614, %get3A_615] {strides = array<i32>} : memref<2x80x128xf32, #tpu.memory_space<vmem>>, vector<1x1x16xf32>,
        %get3A_617 = vector.shape_cast %get3A_616 : vector<1x1x16xf32> to vector<16xf32>
        %add3A_618 = arith.addf %get3A_617, %bitcast_convert_type3A_607 : vector<16xf32>
        %max3A_619 = arith.constant 0.000000e+00 : f32
        %max3A_620 = vector.broadcast %max3A_619 : f32 to vector<16xf32>
        %max3A_621 = arith.maximumf %add3A_618, %max3A_620 : vector<16xf32>
        %swap3A_622 = arith.constant 0 : i32
        %swap3A_623 = arith.index_cast %swap3A_622 : i32 to index
        %swap3A_624 = arith.index_cast %mul3A_499 : i32 to index
        %swap3A_625 = arith.constant 32 : index
        %swap3A_626 = tpu.vector_load %arg11[%swap3A_623, %swap3A_624, %swap3A_625] {strides = array<i32>} : memref<2x80x128xf32, #tpu.memory_space<vmem>>, vector<1x1x16xf32>,
        %swap3A_627 = vector.shape_cast %swap3A_626 : vector<1x1x16xf32> to vector<16xf32>
        %swap3A_628 = vector.shape_cast %max3A_621 : vector<16xf32> to vector<1x1x16xf32>
        tpu.vector_store %arg11[%swap3A_623, %swap3A_624, %swap3A_625], %swap3A_628 {strides = array<i32>} : memref<2x80x128xf32, #tpu.memory_space<vmem>>, vector<1x1x16xf32>,
        %add3A_629 = arith.constant 1 : i32
        %add3A_630 = arith.addi %mul3A_499, %add3A_629 : i32
        %get3A_631 = arith.constant 0 : i32
        %get3A_632 = arith.index_cast %get3A_631 : i32 to index
        %get3A_633 = arith.index_cast %add3A_630 : i32 to index
        %get3A_634 = arith.constant 32 : index
        %get3A_635 = tpu.vector_load %arg11[%get3A_632, %get3A_633, %get3A_634] {strides = array<i32>} : memref<2x80x128xf32, #tpu.memory_space<vmem>>, vector<1x1x16xf32>,
        %get3A_636 = vector.shape_cast %get3A_635 : vector<1x1x16xf32> to vector<16xf32>
        %add3A_637 = arith.addf %get3A_636, %bitcast_convert_type3A_611 : vector<16xf32>
        %max3A_638 = arith.constant 0.000000e+00 : f32
        %max3A_639 = vector.broadcast %max3A_638 : f32 to vector<16xf32>
        %max3A_640 = arith.maximumf %add3A_637, %max3A_639 : vector<16xf32>
        %add3A_641 = arith.constant 1 : i32
        %add3A_642 = arith.addi %mul3A_499, %add3A_641 : i32
        %swap3A_643 = arith.constant 0 : i32
        %swap3A_644 = arith.index_cast %swap3A_643 : i32 to index
        %swap3A_645 = arith.index_cast %add3A_642 : i32 to index
        %swap3A_646 = arith.constant 32 : index
        %swap3A_647 = tpu.vector_load %arg11[%swap3A_644, %swap3A_645, %swap3A_646] {strides = array<i32>} : memref<2x80x128xf32, #tpu.memory_space<vmem>>, vector<1x1x16xf32>,
        %swap3A_648 = vector.shape_cast %swap3A_647 : vector<1x1x16xf32> to vector<16xf32>
        %swap3A_649 = vector.shape_cast %max3A_640 : vector<16xf32> to vector<1x1x16xf32>
        tpu.vector_store %arg11[%swap3A_644, %swap3A_645, %swap3A_646], %swap3A_649 {strides = array<i32>} : memref<2x80x128xf32, #tpu.memory_space<vmem>>, vector<1x1x16xf32>,
        %get3A_650 = arith.constant 0 : i32
        %get3A_651 = arith.index_cast %get3A_650 : i32 to index
        %get3A_652 = arith.index_cast %scan3A_497 : i32 to index
        %get3A_653 = arith.constant 48 : index
        %get3A_654 = tpu.vector_load %arg10[%get3A_651, %get3A_652, %get3A_653] {strides = array<i32>} : memref<2x40x128xi32, #tpu.memory_space<vmem>>, vector<1x1x16xi32>,
        %get3A_655 = vector.shape_cast %get3A_654 : vector<1x1x16xi32> to vector<16xi32>
        %shift_left3A_656 = arith.constant 16 : i32
        %shift_left3A_657 = vector.broadcast %shift_left3A_656 : i32 to vector<16xi32>
        %shift_left3A_658 = arith.shli %get3A_655, %shift_left3A_657 : vector<16xi32>
        %bitcast_convert_type3A_659 = tpu.bitcast %shift_left3A_658 : vector<16xi32> -> vector<16xf32>
        %and3A_660 = arith.constant -65536 : i32
        %and3A_661 = vector.broadcast %and3A_660 : i32 to vector<16xi32>
        %and3A_662 = arith.andi %get3A_655, %and3A_661 : vector<16xi32>
        %bitcast_convert_type3A_663 = tpu.bitcast %and3A_662 : vector<16xi32> -> vector<16xf32>
        %get3A_664 = arith.constant 0 : i32
        %get3A_665 = arith.index_cast %get3A_664 : i32 to index
        %get3A_666 = arith.index_cast %mul3A_499 : i32 to index
        %get3A_667 = arith.constant 48 : index
        %get3A_668 = tpu.vector_load %arg11[%get3A_665, %get3A_666, %get3A_667] {strides = array<i32>} : memref<2x80x128xf32, #tpu.memory_space<vmem>>, vector<1x1x16xf32>,
        %get3A_669 = vector.shape_cast %get3A_668 : vector<1x1x16xf32> to vector<16xf32>
        %add3A_670 = arith.addf %get3A_669, %bitcast_convert_type3A_659 : vector<16xf32>
        %max3A_671 = arith.constant 0.000000e+00 : f32
        %max3A_672 = vector.broadcast %max3A_671 : f32 to vector<16xf32>
        %max3A_673 = arith.maximumf %add3A_670, %max3A_672 : vector<16xf32>
        %swap3A_674 = arith.constant 0 : i32
        %swap3A_675 = arith.index_cast %swap3A_674 : i32 to index
        %swap3A_676 = arith.index_cast %mul3A_499 : i32 to index
        %swap3A_677 = arith.constant 48 : index
        %swap3A_678 = tpu.vector_load %arg11[%swap3A_675, %swap3A_676, %swap3A_677] {strides = array<i32>} : memref<2x80x128xf32, #tpu.memory_space<vmem>>, vector<1x1x16xf32>,
        %swap3A_679 = vector.shape_cast %swap3A_678 : vector<1x1x16xf32> to vector<16xf32>
        %swap3A_680 = vector.shape_cast %max3A_673 : vector<16xf32> to vector<1x1x16xf32>
        tpu.vector_store %arg11[%swap3A_675, %swap3A_676, %swap3A_677], %swap3A_680 {strides = array<i32>} : memref<2x80x128xf32, #tpu.memory_space<vmem>>, vector<1x1x16xf32>,
        %add3A_681 = arith.constant 1 : i32
        %add3A_682 = arith.addi %mul3A_499, %add3A_681 : i32
        %get3A_683 = arith.constant 0 : i32
        %get3A_684 = arith.index_cast %get3A_683 : i32 to index
        %get3A_685 = arith.index_cast %add3A_682 : i32 to index
        %get3A_686 = arith.constant 48 : index
        %get3A_687 = tpu.vector_load %arg11[%get3A_684, %get3A_685, %get3A_686] {strides = array<i32>} : memref<2x80x128xf32, #tpu.memory_space<vmem>>, vector<1x1x16xf32>,
        %get3A_688 = vector.shape_cast %get3A_687 : vector<1x1x16xf32> to vector<16xf32>
        %add3A_689 = arith.addf %get3A_688, %bitcast_convert_type3A_663 : vector<16xf32>
        %max3A_690 = arith.constant 0.000000e+00 : f32
        %max3A_691 = vector.broadcast %max3A_690 : f32 to vector<16xf32>
        %max3A_692 = arith.maximumf %add3A_689, %max3A_691 : vector<16xf32>
        %add3A_693 = arith.constant 1 : i32
        %add3A_694 = arith.addi %mul3A_499, %add3A_693 : i32
        %swap3A_695 = arith.constant 0 : i32
        %swap3A_696 = arith.index_cast %swap3A_695 : i32 to index
        %swap3A_697 = arith.index_cast %add3A_694 : i32 to index
        %swap3A_698 = arith.constant 48 : index
        %swap3A_699 = tpu.vector_load %arg11[%swap3A_696, %swap3A_697, %swap3A_698] {strides = array<i32>} : memref<2x80x128xf32, #tpu.memory_space<vmem>>, vector<1x1x16xf32>,
        %swap3A_700 = vector.shape_cast %swap3A_699 : vector<1x1x16xf32> to vector<16xf32>
        %swap3A_701 = vector.shape_cast %max3A_692 : vector<16xf32> to vector<1x1x16xf32>
        tpu.vector_store %arg11[%swap3A_696, %swap3A_697, %swap3A_698], %swap3A_701 {strides = array<i32>} : memref<2x80x128xf32, #tpu.memory_space<vmem>>, vector<1x1x16xf32>,
        %get3A_702 = arith.constant 0 : i32
        %get3A_703 = arith.index_cast %get3A_702 : i32 to index
        %get3A_704 = arith.index_cast %scan3A_497 : i32 to index
        %get3A_705 = arith.constant 64 : index
        %get3A_706 = tpu.vector_load %arg10[%get3A_703, %get3A_704, %get3A_705] {strides = array<i32>} : memref<2x40x128xi32, #tpu.memory_space<vmem>>, vector<1x1x16xi32>,
        %get3A_707 = vector.shape_cast %get3A_706 : vector<1x1x16xi32> to vector<16xi32>
        %shift_left3A_708 = arith.constant 16 : i32
        %shift_left3A_709 = vector.broadcast %shift_left3A_708 : i32 to vector<16xi32>
        %shift_left3A_710 = arith.shli %get3A_707, %shift_left3A_709 : vector<16xi32>
        %bitcast_convert_type3A_711 = tpu.bitcast %shift_left3A_710 : vector<16xi32> -> vector<16xf32>
        %and3A_712 = arith.constant -65536 : i32
        %and3A_713 = vector.broadcast %and3A_712 : i32 to vector<16xi32>
        %and3A_714 = arith.andi %get3A_707, %and3A_713 : vector<16xi32>
        %bitcast_convert_type3A_715 = tpu.bitcast %and3A_714 : vector<16xi32> -> vector<16xf32>
        %get3A_716 = arith.constant 0 : i32
        %get3A_717 = arith.index_cast %get3A_716 : i32 to index
        %get3A_718 = arith.index_cast %mul3A_499 : i32 to index
        %get3A_719 = arith.constant 64 : index
        %get3A_720 = tpu.vector_load %arg11[%get3A_717, %get3A_718, %get3A_719] {strides = array<i32>} : memref<2x80x128xf32, #tpu.memory_space<vmem>>, vector<1x1x16xf32>,
        %get3A_721 = vector.shape_cast %get3A_720 : vector<1x1x16xf32> to vector<16xf32>
        %add3A_722 = arith.addf %get3A_721, %bitcast_convert_type3A_711 : vector<16xf32>
        %max3A_723 = arith.constant 0.000000e+00 : f32
        %max3A_724 = vector.broadcast %max3A_723 : f32 to vector<16xf32>
        %max3A_725 = arith.maximumf %add3A_722, %max3A_724 : vector<16xf32>
        %swap3A_726 = arith.constant 0 : i32
        %swap3A_727 = arith.index_cast %swap3A_726 : i32 to index
        %swap3A_728 = arith.index_cast %mul3A_499 : i32 to index
        %swap3A_729 = arith.constant 64 : index
        %swap3A_730 = tpu.vector_load %arg11[%swap3A_727, %swap3A_728, %swap3A_729] {strides = array<i32>} : memref<2x80x128xf32, #tpu.memory_space<vmem>>, vector<1x1x16xf32>,
        %swap3A_731 = vector.shape_cast %swap3A_730 : vector<1x1x16xf32> to vector<16xf32>
        %swap3A_732 = vector.shape_cast %max3A_725 : vector<16xf32> to vector<1x1x16xf32>
        tpu.vector_store %arg11[%swap3A_727, %swap3A_728, %swap3A_729], %swap3A_732 {strides = array<i32>} : memref<2x80x128xf32, #tpu.memory_space<vmem>>, vector<1x1x16xf32>,
        %add3A_733 = arith.constant 1 : i32
        %add3A_734 = arith.addi %mul3A_499, %add3A_733 : i32
        %get3A_735 = arith.constant 0 : i32
        %get3A_736 = arith.index_cast %get3A_735 : i32 to index
        %get3A_737 = arith.index_cast %add3A_734 : i32 to index
        %get3A_738 = arith.constant 64 : index
        %get3A_739 = tpu.vector_load %arg11[%get3A_736, %get3A_737, %get3A_738] {strides = array<i32>} : memref<2x80x128xf32, #tpu.memory_space<vmem>>, vector<1x1x16xf32>,
        %get3A_740 = vector.shape_cast %get3A_739 : vector<1x1x16xf32> to vector<16xf32>
        %add3A_741 = arith.addf %get3A_740, %bitcast_convert_type3A_715 : vector<16xf32>
        %max3A_742 = arith.constant 0.000000e+00 : f32
        %max3A_743 = vector.broadcast %max3A_742 : f32 to vector<16xf32>
        %max3A_744 = arith.maximumf %add3A_741, %max3A_743 : vector<16xf32>
        %add3A_745 = arith.constant 1 : i32
        %add3A_746 = arith.addi %mul3A_499, %add3A_745 : i32
        %swap3A_747 = arith.constant 0 : i32
        %swap3A_748 = arith.index_cast %swap3A_747 : i32 to index
        %swap3A_749 = arith.index_cast %add3A_746 : i32 to index
        %swap3A_750 = arith.constant 64 : index
        %swap3A_751 = tpu.vector_load %arg11[%swap3A_748, %swap3A_749, %swap3A_750] {strides = array<i32>} : memref<2x80x128xf32, #tpu.memory_space<vmem>>, vector<1x1x16xf32>,
        %swap3A_752 = vector.shape_cast %swap3A_751 : vector<1x1x16xf32> to vector<16xf32>
        %swap3A_753 = vector.shape_cast %max3A_744 : vector<16xf32> to vector<1x1x16xf32>
        tpu.vector_store %arg11[%swap3A_748, %swap3A_749, %swap3A_750], %swap3A_753 {strides = array<i32>} : memref<2x80x128xf32, #tpu.memory_space<vmem>>, vector<1x1x16xf32>,
        %get3A_754 = arith.constant 0 : i32
        %get3A_755 = arith.index_cast %get3A_754 : i32 to index
        %get3A_756 = arith.index_cast %scan3A_497 : i32 to index
        %get3A_757 = arith.constant 80 : index
        %get3A_758 = tpu.vector_load %arg10[%get3A_755, %get3A_756, %get3A_757] {strides = array<i32>} : memref<2x40x128xi32, #tpu.memory_space<vmem>>, vector<1x1x16xi32>,
        %get3A_759 = vector.shape_cast %get3A_758 : vector<1x1x16xi32> to vector<16xi32>
        %shift_left3A_760 = arith.constant 16 : i32
        %shift_left3A_761 = vector.broadcast %shift_left3A_760 : i32 to vector<16xi32>
        %shift_left3A_762 = arith.shli %get3A_759, %shift_left3A_761 : vector<16xi32>
        %bitcast_convert_type3A_763 = tpu.bitcast %shift_left3A_762 : vector<16xi32> -> vector<16xf32>
        %and3A_764 = arith.constant -65536 : i32
        %and3A_765 = vector.broadcast %and3A_764 : i32 to vector<16xi32>
        %and3A_766 = arith.andi %get3A_759, %and3A_765 : vector<16xi32>
        %bitcast_convert_type3A_767 = tpu.bitcast %and3A_766 : vector<16xi32> -> vector<16xf32>
        %get3A_768 = arith.constant 0 : i32
        %get3A_769 = arith.index_cast %get3A_768 : i32 to index
        %get3A_770 = arith.index_cast %mul3A_499 : i32 to index
        %get3A_771 = arith.constant 80 : index
        %get3A_772 = tpu.vector_load %arg11[%get3A_769, %get3A_770, %get3A_771] {strides = array<i32>} : memref<2x80x128xf32, #tpu.memory_space<vmem>>, vector<1x1x16xf32>,
        %get3A_773 = vector.shape_cast %get3A_772 : vector<1x1x16xf32> to vector<16xf32>
        %add3A_774 = arith.addf %get3A_773, %bitcast_convert_type3A_763 : vector<16xf32>
        %max3A_775 = arith.constant 0.000000e+00 : f32
        %max3A_776 = vector.broadcast %max3A_775 : f32 to vector<16xf32>
        %max3A_777 = arith.maximumf %add3A_774, %max3A_776 : vector<16xf32>
        %swap3A_778 = arith.constant 0 : i32
        %swap3A_779 = arith.index_cast %swap3A_778 : i32 to index
        %swap3A_780 = arith.index_cast %mul3A_499 : i32 to index
        %swap3A_781 = arith.constant 80 : index
        %swap3A_782 = tpu.vector_load %arg11[%swap3A_779, %swap3A_780, %swap3A_781] {strides = array<i32>} : memref<2x80x128xf32, #tpu.memory_space<vmem>>, vector<1x1x16xf32>,
        %swap3A_783 = vector.shape_cast %swap3A_782 : vector<1x1x16xf32> to vector<16xf32>
        %swap3A_784 = vector.shape_cast %max3A_777 : vector<16xf32> to vector<1x1x16xf32>
        tpu.vector_store %arg11[%swap3A_779, %swap3A_780, %swap3A_781], %swap3A_784 {strides = array<i32>} : memref<2x80x128xf32, #tpu.memory_space<vmem>>, vector<1x1x16xf32>,
        %add3A_785 = arith.constant 1 : i32
        %add3A_786 = arith.addi %mul3A_499, %add3A_785 : i32
        %get3A_787 = arith.constant 0 : i32
        %get3A_788 = arith.index_cast %get3A_787 : i32 to index
        %get3A_789 = arith.index_cast %add3A_786 : i32 to index
        %get3A_790 = arith.constant 80 : index
        %get3A_791 = tpu.vector_load %arg11[%get3A_788, %get3A_789, %get3A_790] {strides = array<i32>} : memref<2x80x128xf32, #tpu.memory_space<vmem>>, vector<1x1x16xf32>,
        %get3A_792 = vector.shape_cast %get3A_791 : vector<1x1x16xf32> to vector<16xf32>
        %add3A_793 = arith.addf %get3A_792, %bitcast_convert_type3A_767 : vector<16xf32>
        %max3A_794 = arith.constant 0.000000e+00 : f32
        %max3A_795 = vector.broadcast %max3A_794 : f32 to vector<16xf32>
        %max3A_796 = arith.maximumf %add3A_793, %max3A_795 : vector<16xf32>
        %add3A_797 = arith.constant 1 : i32
        %add3A_798 = arith.addi %mul3A_499, %add3A_797 : i32
        %swap3A_799 = arith.constant 0 : i32
        %swap3A_800 = arith.index_cast %swap3A_799 : i32 to index
        %swap3A_801 = arith.index_cast %add3A_798 : i32 to index
        %swap3A_802 = arith.constant 80 : index
        %swap3A_803 = tpu.vector_load %arg11[%swap3A_800, %swap3A_801, %swap3A_802] {strides = array<i32>} : memref<2x80x128xf32, #tpu.memory_space<vmem>>, vector<1x1x16xf32>,
        %swap3A_804 = vector.shape_cast %swap3A_803 : vector<1x1x16xf32> to vector<16xf32>
        %swap3A_805 = vector.shape_cast %max3A_796 : vector<16xf32> to vector<1x1x16xf32>
        tpu.vector_store %arg11[%swap3A_800, %swap3A_801, %swap3A_802], %swap3A_805 {strides = array<i32>} : memref<2x80x128xf32, #tpu.memory_space<vmem>>, vector<1x1x16xf32>,
        %get3A_806 = arith.constant 0 : i32
        %get3A_807 = arith.index_cast %get3A_806 : i32 to index
        %get3A_808 = arith.index_cast %scan3A_497 : i32 to index
        %get3A_809 = arith.constant 96 : index
        %get3A_810 = tpu.vector_load %arg10[%get3A_807, %get3A_808, %get3A_809] {strides = array<i32>} : memref<2x40x128xi32, #tpu.memory_space<vmem>>, vector<1x1x16xi32>,
        %get3A_811 = vector.shape_cast %get3A_810 : vector<1x1x16xi32> to vector<16xi32>
        %shift_left3A_812 = arith.constant 16 : i32
        %shift_left3A_813 = vector.broadcast %shift_left3A_812 : i32 to vector<16xi32>
        %shift_left3A_814 = arith.shli %get3A_811, %shift_left3A_813 : vector<16xi32>
        %bitcast_convert_type3A_815 = tpu.bitcast %shift_left3A_814 : vector<16xi32> -> vector<16xf32>
        %and3A_816 = arith.constant -65536 : i32
        %and3A_817 = vector.broadcast %and3A_816 : i32 to vector<16xi32>
        %and3A_818 = arith.andi %get3A_811, %and3A_817 : vector<16xi32>
        %bitcast_convert_type3A_819 = tpu.bitcast %and3A_818 : vector<16xi32> -> vector<16xf32>
        %get3A_820 = arith.constant 0 : i32
        %get3A_821 = arith.index_cast %get3A_820 : i32 to index
        %get3A_822 = arith.index_cast %mul3A_499 : i32 to index
        %get3A_823 = arith.constant 96 : index
        %get3A_824 = tpu.vector_load %arg11[%get3A_821, %get3A_822, %get3A_823] {strides = array<i32>} : memref<2x80x128xf32, #tpu.memory_space<vmem>>, vector<1x1x16xf32>,
        %get3A_825 = vector.shape_cast %get3A_824 : vector<1x1x16xf32> to vector<16xf32>
        %add3A_826 = arith.addf %get3A_825, %bitcast_convert_type3A_815 : vector<16xf32>
        %max3A_827 = arith.constant 0.000000e+00 : f32
        %max3A_828 = vector.broadcast %max3A_827 : f32 to vector<16xf32>
        %max3A_829 = arith.maximumf %add3A_826, %max3A_828 : vector<16xf32>
        %swap3A_830 = arith.constant 0 : i32
        %swap3A_831 = arith.index_cast %swap3A_830 : i32 to index
        %swap3A_832 = arith.index_cast %mul3A_499 : i32 to index
        %swap3A_833 = arith.constant 96 : index
        %swap3A_834 = tpu.vector_load %arg11[%swap3A_831, %swap3A_832, %swap3A_833] {strides = array<i32>} : memref<2x80x128xf32, #tpu.memory_space<vmem>>, vector<1x1x16xf32>,
        %swap3A_835 = vector.shape_cast %swap3A_834 : vector<1x1x16xf32> to vector<16xf32>
        %swap3A_836 = vector.shape_cast %max3A_829 : vector<16xf32> to vector<1x1x16xf32>
        tpu.vector_store %arg11[%swap3A_831, %swap3A_832, %swap3A_833], %swap3A_836 {strides = array<i32>} : memref<2x80x128xf32, #tpu.memory_space<vmem>>, vector<1x1x16xf32>,
        %add3A_837 = arith.constant 1 : i32
        %add3A_838 = arith.addi %mul3A_499, %add3A_837 : i32
        %get3A_839 = arith.constant 0 : i32
        %get3A_840 = arith.index_cast %get3A_839 : i32 to index
        %get3A_841 = arith.index_cast %add3A_838 : i32 to index
        %get3A_842 = arith.constant 96 : index
        %get3A_843 = tpu.vector_load %arg11[%get3A_840, %get3A_841, %get3A_842] {strides = array<i32>} : memref<2x80x128xf32, #tpu.memory_space<vmem>>, vector<1x1x16xf32>,
        %get3A_844 = vector.shape_cast %get3A_843 : vector<1x1x16xf32> to vector<16xf32>
        %add3A_845 = arith.addf %get3A_844, %bitcast_convert_type3A_819 : vector<16xf32>
        %max3A_846 = arith.constant 0.000000e+00 : f32
        %max3A_847 = vector.broadcast %max3A_846 : f32 to vector<16xf32>
        %max3A_848 = arith.maximumf %add3A_845, %max3A_847 : vector<16xf32>
        %add3A_849 = arith.constant 1 : i32
        %add3A_850 = arith.addi %mul3A_499, %add3A_849 : i32
        %swap3A_851 = arith.constant 0 : i32
        %swap3A_852 = arith.index_cast %swap3A_851 : i32 to index
        %swap3A_853 = arith.index_cast %add3A_850 : i32 to index
        %swap3A_854 = arith.constant 96 : index
        %swap3A_855 = tpu.vector_load %arg11[%swap3A_852, %swap3A_853, %swap3A_854] {strides = array<i32>} : memref<2x80x128xf32, #tpu.memory_space<vmem>>, vector<1x1x16xf32>,
        %swap3A_856 = vector.shape_cast %swap3A_855 : vector<1x1x16xf32> to vector<16xf32>
        %swap3A_857 = vector.shape_cast %max3A_848 : vector<16xf32> to vector<1x1x16xf32>
        tpu.vector_store %arg11[%swap3A_852, %swap3A_853, %swap3A_854], %swap3A_857 {strides = array<i32>} : memref<2x80x128xf32, #tpu.memory_space<vmem>>, vector<1x1x16xf32>,
        %get3A_858 = arith.constant 0 : i32
        %get3A_859 = arith.index_cast %get3A_858 : i32 to index
        %get3A_860 = arith.index_cast %scan3A_497 : i32 to index
        %get3A_861 = arith.constant 112 : index
        %get3A_862 = tpu.vector_load %arg10[%get3A_859, %get3A_860, %get3A_861] {strides = array<i32>} : memref<2x40x128xi32, #tpu.memory_space<vmem>>, vector<1x1x16xi32>,
        %get3A_863 = vector.shape_cast %get3A_862 : vector<1x1x16xi32> to vector<16xi32>
        %shift_left3A_864 = arith.constant 16 : i32
        %shift_left3A_865 = vector.broadcast %shift_left3A_864 : i32 to vector<16xi32>
        %shift_left3A_866 = arith.shli %get3A_863, %shift_left3A_865 : vector<16xi32>
        %bitcast_convert_type3A_867 = tpu.bitcast %shift_left3A_866 : vector<16xi32> -> vector<16xf32>
        %and3A_868 = arith.constant -65536 : i32
        %and3A_869 = vector.broadcast %and3A_868 : i32 to vector<16xi32>
        %and3A_870 = arith.andi %get3A_863, %and3A_869 : vector<16xi32>
        %bitcast_convert_type3A_871 = tpu.bitcast %and3A_870 : vector<16xi32> -> vector<16xf32>
        %get3A_872 = arith.constant 0 : i32
        %get3A_873 = arith.index_cast %get3A_872 : i32 to index
        %get3A_874 = arith.index_cast %mul3A_499 : i32 to index
        %get3A_875 = arith.constant 112 : index
        %get3A_876 = tpu.vector_load %arg11[%get3A_873, %get3A_874, %get3A_875] {strides = array<i32>} : memref<2x80x128xf32, #tpu.memory_space<vmem>>, vector<1x1x16xf32>,
        %get3A_877 = vector.shape_cast %get3A_876 : vector<1x1x16xf32> to vector<16xf32>
        %add3A_878 = arith.addf %get3A_877, %bitcast_convert_type3A_867 : vector<16xf32>
        %max3A_879 = arith.constant 0.000000e+00 : f32
        %max3A_880 = vector.broadcast %max3A_879 : f32 to vector<16xf32>
        %max3A_881 = arith.maximumf %add3A_878, %max3A_880 : vector<16xf32>
        %swap3A_882 = arith.constant 0 : i32
        %swap3A_883 = arith.index_cast %swap3A_882 : i32 to index
        %swap3A_884 = arith.index_cast %mul3A_499 : i32 to index
        %swap3A_885 = arith.constant 112 : index
        %swap3A_886 = tpu.vector_load %arg11[%swap3A_883, %swap3A_884, %swap3A_885] {strides = array<i32>} : memref<2x80x128xf32, #tpu.memory_space<vmem>>, vector<1x1x16xf32>,
        %swap3A_887 = vector.shape_cast %swap3A_886 : vector<1x1x16xf32> to vector<16xf32>
        %swap3A_888 = vector.shape_cast %max3A_881 : vector<16xf32> to vector<1x1x16xf32>
        tpu.vector_store %arg11[%swap3A_883, %swap3A_884, %swap3A_885], %swap3A_888 {strides = array<i32>} : memref<2x80x128xf32, #tpu.memory_space<vmem>>, vector<1x1x16xf32>,
        %add3A_889 = arith.constant 1 : i32
        %add3A_890 = arith.addi %mul3A_499, %add3A_889 : i32
        %get3A_891 = arith.constant 0 : i32
        %get3A_892 = arith.index_cast %get3A_891 : i32 to index
        %get3A_893 = arith.index_cast %add3A_890 : i32 to index
        %get3A_894 = arith.constant 112 : index
        %get3A_895 = tpu.vector_load %arg11[%get3A_892, %get3A_893, %get3A_894] {strides = array<i32>} : memref<2x80x128xf32, #tpu.memory_space<vmem>>, vector<1x1x16xf32>,
        %get3A_896 = vector.shape_cast %get3A_895 : vector<1x1x16xf32> to vector<16xf32>
        %add3A_897 = arith.addf %get3A_896, %bitcast_convert_type3A_871 : vector<16xf32>
        %max3A_898 = arith.constant 0.000000e+00 : f32
        %max3A_899 = vector.broadcast %max3A_898 : f32 to vector<16xf32>
        %max3A_900 = arith.maximumf %add3A_897, %max3A_899 : vector<16xf32>
        %add3A_901 = arith.constant 1 : i32
        %add3A_902 = arith.addi %mul3A_499, %add3A_901 : i32
        %swap3A_903 = arith.constant 0 : i32
        %swap3A_904 = arith.index_cast %swap3A_903 : i32 to index
        %swap3A_905 = arith.index_cast %add3A_902 : i32 to index
        %swap3A_906 = arith.constant 112 : index
        %swap3A_907 = tpu.vector_load %arg11[%swap3A_904, %swap3A_905, %swap3A_906] {strides = array<i32>} : memref<2x80x128xf32, #tpu.memory_space<vmem>>, vector<1x1x16xf32>,
        %swap3A_908 = vector.shape_cast %swap3A_907 : vector<1x1x16xf32> to vector<16xf32>
        %swap3A_909 = vector.shape_cast %max3A_900 : vector<16xf32> to vector<1x1x16xf32>
        tpu.vector_store %arg11[%swap3A_904, %swap3A_905, %swap3A_906], %swap3A_909 {strides = array<i32>} : memref<2x80x128xf32, #tpu.memory_space<vmem>>, vector<1x1x16xf32>,
      }
      %scan3A_317 = arith.constant 40 : i32
      %dma_start3A_318 = arith.constant 0 : i32
      %dma_start3A_319 = arith.constant 0 : i32
      %dma_start3A_320 = arith.constant 0 : i32
      %dma_start3A_321 = arith.constant 0 : i32
      %dma_start3A_322 = arith.constant 0 : i32
      %dma_start3A_323 = tpu.memref_slice %arg11[%dma_start3A_318, %dma_start3A_321, %dma_start3A_322] : memref<2x80x128xf32, #tpu.memory_space<vmem>> -> memref<1x80x128xf32, #tpu.memory_space<vmem>>
      %dma_start3A_324 = tpu.memref_squeeze %dma_start3A_323 : memref<1x80x128xf32, #tpu.memory_space<vmem>> -> memref<80x128xf32, #tpu.memory_space<vmem>>
      %dma_start3A_325 = arith.constant 0 : i32
      %dma_start3A_326 = tpu.memref_slice %arg9[%dma_start3A_319, %dma_start3A_325] : memref<2x80xi32, #tpu.memory_space<vmem>> -> memref<1x80xi32, #tpu.memory_space<vmem>>
      %dma_start3A_327 = tpu.memref_squeeze %dma_start3A_326 : memref<1x80xi32, #tpu.memory_space<vmem>> -> memref<80xi32, #tpu.memory_space<vmem>>
      %dma_start3A_328 = arith.constant 0 : i32
      %dma_start3A_329 = arith.constant 0 : i32
      %dma_start3A_330 = tpu.memref_slice %arg12[%dma_start3A_328, %dma_start3A_329] : memref<10112x128xf32, #tpu.memory_space<vmem_shared>> -> memref<10112x128xf32, #tpu.memory_space<vmem_shared>>
      %dma_start3A_331 = tpu.memref_slice %arg15[%dma_start3A_320] : memref<2x!tpu.dma_semaphore, #tpu.memory_space<semaphore_mem>> -> memref<1x!tpu.dma_semaphore, #tpu.memory_space<semaphore_mem>>
      %dma_start3A_332 = tpu.memref_squeeze %dma_start3A_331 : memref<1x!tpu.dma_semaphore, #tpu.memory_space<semaphore_mem>> -> memref<!tpu.dma_semaphore, #tpu.memory_space<semaphore_mem>>
      tpu.enqueue_indirect_dma source(%dma_start3A_324 : memref<80x128xf32, #tpu.memory_space<vmem>>) target(%dma_start3A_330 : memref<10112x128xf32, #tpu.memory_space<vmem_shared>>) offsets(%dma_start3A_327 : memref<80xi32, #tpu.memory_space<vmem>>) semaphore(%dma_start3A_332 : memref<!tpu.dma_semaphore, #tpu.memory_space<semaphore_mem>>) {add = true}
      %add3A_333 = arith.constant 1 : i32
      %add3A_334 = arith.addi %mul3A_183, %add3A_333 : i32
      %mul3A_335 = arith.constant 80 : i32
      %mul3A_336 = arith.muli %add3A_334, %mul3A_335 : i32
      %add3A_337 = arith.addi %mul3A_4, %mul3A_336 : i32
      %mul3A_338 = arith.constant 40 : i32
      %mul3A_339 = arith.muli %add3A_334, %mul3A_338 : i32
      %add3A_340 = arith.addi %mul3A_6, %mul3A_339 : i32
      %multiple_of3A_341 = tpu.assume_multiple %add3A_340, 8 : i32
      %dma_wait3A_342 = arith.constant 1 : i32
      %dma_wait3A_343 = arith.constant 1 : i32
      %dma_wait3A_344 = arith.constant 0 : i32
      %dma_wait3A_345 = tpu.memref_slice %arg8[%dma_wait3A_342, %dma_wait3A_344] : memref<2x80xi32, #tpu.memory_space<vmem>> -> memref<1x80xi32, #tpu.memory_space<vmem>>
      %dma_wait3A_346 = tpu.memref_squeeze %dma_wait3A_345 : memref<1x80xi32, #tpu.memory_space<vmem>> -> memref<80xi32, #tpu.memory_space<vmem>>
      %dma_wait3A_347 = tpu.memref_slice %arg4[%add3A_337] : memref<320000xi32, #tpu.memory_space<hbm>> -> memref<80xi32, #tpu.memory_space<hbm>>
      %dma_wait3A_348 = tpu.memref_slice %arg13[%dma_wait3A_343] : memref<2x!tpu.dma_semaphore, #tpu.memory_space<semaphore_mem>> -> memref<1x!tpu.dma_semaphore, #tpu.memory_space<semaphore_mem>>
      %dma_wait3A_349 = tpu.memref_squeeze %dma_wait3A_348 : memref<1x!tpu.dma_semaphore, #tpu.memory_space<semaphore_mem>> -> memref<!tpu.dma_semaphore, #tpu.memory_space<semaphore_mem>>
      %dma_wait3A_350 = arith.constant 0 : i32
      %dma_wait3A_351 = tpu.memref_slice %arg8[%dma_wait3A_342, %dma_wait3A_350] : memref<2x80xi32, #tpu.memory_space<vmem>> -> memref<1x80xi32, #tpu.memory_space<vmem>>
      %dma_wait3A_352 = tpu.memref_squeeze %dma_wait3A_351 : memref<1x80xi32, #tpu.memory_space<vmem>> -> memref<80xi32, #tpu.memory_space<vmem>>
      %dma_wait3A_353 = tpu.memref_slice %arg4[%add3A_337] : memref<320000xi32, #tpu.memory_space<hbm>> -> memref<80xi32, #tpu.memory_space<hbm>>
      tpu.wait_dma2 semaphore(%dma_wait3A_349 : memref<!tpu.dma_semaphore, #tpu.memory_space<semaphore_mem>>) src(%dma_wait3A_353 : memref<80xi32, #tpu.memory_space<hbm>>) dst(%dma_wait3A_352 : memref<80xi32, #tpu.memory_space<vmem>>)
      %dma_wait3A_354 = arith.constant 1 : i32
      %dma_wait3A_355 = arith.constant 1 : i32
      %dma_wait3A_356 = arith.constant 0 : i32
      %dma_wait3A_357 = tpu.memref_slice %arg9[%dma_wait3A_354, %dma_wait3A_356] : memref<2x80xi32, #tpu.memory_space<vmem>> -> memref<1x80xi32, #tpu.memory_space<vmem>>
      %dma_wait3A_358 = tpu.memref_squeeze %dma_wait3A_357 : memref<1x80xi32, #tpu.memory_space<vmem>> -> memref<80xi32, #tpu.memory_space<vmem>>
      %dma_wait3A_359 = tpu.memref_slice %arg5[%add3A_337] : memref<320000xi32, #tpu.memory_space<hbm>> -> memref<80xi32, #tpu.memory_space<hbm>>
      %dma_wait3A_360 = tpu.memref_slice %arg13[%dma_wait3A_355] : memref<2x!tpu.dma_semaphore, #tpu.memory_space<semaphore_mem>> -> memref<1x!tpu.dma_semaphore, #tpu.memory_space<semaphore_mem>>
      %dma_wait3A_361 = tpu.memref_squeeze %dma_wait3A_360 : memref<1x!tpu.dma_semaphore, #tpu.memory_space<semaphore_mem>> -> memref<!tpu.dma_semaphore, #tpu.memory_space<semaphore_mem>>
      %dma_wait3A_362 = arith.constant 0 : i32
      %dma_wait3A_363 = tpu.memref_slice %arg9[%dma_wait3A_354, %dma_wait3A_362] : memref<2x80xi32, #tpu.memory_space<vmem>> -> memref<1x80xi32, #tpu.memory_space<vmem>>
      %dma_wait3A_364 = tpu.memref_squeeze %dma_wait3A_363 : memref<1x80xi32, #tpu.memory_space<vmem>> -> memref<80xi32, #tpu.memory_space<vmem>>
      %dma_wait3A_365 = tpu.memref_slice %arg5[%add3A_337] : memref<320000xi32, #tpu.memory_space<hbm>> -> memref<80xi32, #tpu.memory_space<hbm>>
      tpu.wait_dma2 semaphore(%dma_wait3A_361 : memref<!tpu.dma_semaphore, #tpu.memory_space<semaphore_mem>>) src(%dma_wait3A_365 : memref<80xi32, #tpu.memory_space<hbm>>) dst(%dma_wait3A_364 : memref<80xi32, #tpu.memory_space<vmem>>)
      %dma_wait3A_366 = arith.constant 1 : i32
      %dma_wait3A_367 = arith.constant 1 : i32
      %dma_wait3A_368 = arith.constant 0 : i32
      %dma_wait3A_369 = arith.constant 0 : i32
      %dma_wait3A_370 = tpu.memref_slice %arg10[%dma_wait3A_366, %dma_wait3A_368, %dma_wait3A_369] : memref<2x40x128xi32, #tpu.memory_space<vmem>> -> memref<1x40x128xi32, #tpu.memory_space<vmem>>
      %dma_wait3A_371 = tpu.memref_squeeze %dma_wait3A_370 : memref<1x40x128xi32, #tpu.memory_space<vmem>> -> memref<40x128xi32, #tpu.memory_space<vmem>>
      %dma_wait3A_372 = arith.constant 0 : i32
      %dma_wait3A_373 = tpu.memref_slice %arg3[%multiple_of3A_341, %dma_wait3A_372] : memref<160000x128xi32, #tpu.memory_space<hbm>> -> memref<40x128xi32, #tpu.memory_space<hbm>>
      %dma_wait3A_374 = tpu.memref_slice %arg13[%dma_wait3A_367] : memref<2x!tpu.dma_semaphore, #tpu.memory_space<semaphore_mem>> -> memref<1x!tpu.dma_semaphore, #tpu.memory_space<semaphore_mem>>
      %dma_wait3A_375 = tpu.memref_squeeze %dma_wait3A_374 : memref<1x!tpu.dma_semaphore, #tpu.memory_space<semaphore_mem>> -> memref<!tpu.dma_semaphore, #tpu.memory_space<semaphore_mem>>
      %dma_wait3A_376 = arith.constant 0 : i32
      %dma_wait3A_377 = arith.constant 0 : i32
      %dma_wait3A_378 = tpu.memref_slice %arg10[%dma_wait3A_366, %dma_wait3A_376, %dma_wait3A_377] : memref<2x40x128xi32, #tpu.memory_space<vmem>> -> memref<1x40x128xi32, #tpu.memory_space<vmem>>
      %dma_wait3A_379 = tpu.memref_squeeze %dma_wait3A_378 : memref<1x40x128xi32, #tpu.memory_space<vmem>> -> memref<40x128xi32, #tpu.memory_space<vmem>>
      %dma_wait3A_380 = arith.constant 0 : i32
      %dma_wait3A_381 = tpu.memref_slice %arg3[%multiple_of3A_341, %dma_wait3A_380] : memref<160000x128xi32, #tpu.memory_space<hbm>> -> memref<40x128xi32, #tpu.memory_space<hbm>>
      tpu.wait_dma2 semaphore(%dma_wait3A_375 : memref<!tpu.dma_semaphore, #tpu.memory_space<semaphore_mem>>) src(%dma_wait3A_381 : memref<40x128xi32, #tpu.memory_space<hbm>>) dst(%dma_wait3A_379 : memref<40x128xi32, #tpu.memory_space<vmem>>)
      %dma_start3A_382 = arith.constant 1 : i32
      %dma_start3A_383 = arith.constant 1 : i32
      %dma_start3A_384 = arith.constant 1 : i32
      %dma_start3A_385 = arith.constant 0 : i32
      %dma_start3A_386 = arith.constant 0 : i32
      %dma_start3A_387 = tpu.memref_slice %arg11[%dma_start3A_383, %dma_start3A_385, %dma_start3A_386] : memref<2x80x128xf32, #tpu.memory_space<vmem>> -> memref<1x80x128xf32, #tpu.memory_space<vmem>>
      %dma_start3A_388 = tpu.memref_squeeze %dma_start3A_387 : memref<1x80x128xf32, #tpu.memory_space<vmem>> -> memref<80x128xf32, #tpu.memory_space<vmem>>
      %dma_start3A_389 = arith.constant 0 : i32
      %dma_start3A_390 = tpu.memref_slice %arg8[%dma_start3A_382, %dma_start3A_389] : memref<2x80xi32, #tpu.memory_space<vmem>> -> memref<1x80xi32, #tpu.memory_space<vmem>>
      %dma_start3A_391 = tpu.memref_squeeze %dma_start3A_390 : memref<1x80xi32, #tpu.memory_space<vmem>> -> memref<80xi32, #tpu.memory_space<vmem>>
      %dma_start3A_392 = arith.constant 0 : i32
      %dma_start3A_393 = arith.constant 0 : i32
      %dma_start3A_394 = tpu.memref_slice %arg2[%dma_start3A_392, %dma_start3A_393] : memref<10000x128xf32, #tpu.memory_space<hbm>> -> memref<10000x128xf32, #tpu.memory_space<hbm>>
      %dma_start3A_395 = tpu.memref_slice %arg14[%dma_start3A_384] : memref<2x!tpu.dma_semaphore, #tpu.memory_space<semaphore_mem>> -> memref<1x!tpu.dma_semaphore, #tpu.memory_space<semaphore_mem>>
      %dma_start3A_396 = tpu.memref_squeeze %dma_start3A_395 : memref<1x!tpu.dma_semaphore, #tpu.memory_space<semaphore_mem>> -> memref<!tpu.dma_semaphore, #tpu.memory_space<semaphore_mem>>
      tpu.enqueue_indirect_dma source(%dma_start3A_394 : memref<10000x128xf32, #tpu.memory_space<hbm>>) target(%dma_start3A_388 : memref<80x128xf32, #tpu.memory_space<vmem>>) offsets(%dma_start3A_391 : memref<80xi32, #tpu.memory_space<vmem>>) semaphore(%dma_start3A_396 : memref<!tpu.dma_semaphore, #tpu.memory_space<semaphore_mem>>)
      %dma_wait3A_397 = arith.constant 0 : i32
      %dma_wait3A_398 = arith.constant 0 : i32
      %dma_wait3A_399 = arith.constant 0 : i32
      %dma_wait3A_400 = arith.constant 0 : i32
      %dma_wait3A_401 = arith.constant 0 : i32
      %dma_wait3A_402 = tpu.memref_slice %arg11[%dma_wait3A_397, %dma_wait3A_400, %dma_wait3A_401] : memref<2x80x128xf32, #tpu.memory_space<vmem>> -> memref<1x80x128xf32, #tpu.memory_space<vmem>>
      %dma_wait3A_403 = tpu.memref_squeeze %dma_wait3A_402 : memref<1x80x128xf32, #tpu.memory_space<vmem>> -> memref<80x128xf32, #tpu.memory_space<vmem>>
      %dma_wait3A_404 = arith.constant 0 : i32
      %dma_wait3A_405 = tpu.memref_slice %arg9[%dma_wait3A_398, %dma_wait3A_404] : memref<2x80xi32, #tpu.memory_space<vmem>> -> memref<1x80xi32, #tpu.memory_space<vmem>>
      %dma_wait3A_406 = tpu.memref_squeeze %dma_wait3A_405 : memref<1x80xi32, #tpu.memory_space<vmem>> -> memref<80xi32, #tpu.memory_space<vmem>>
      %dma_wait3A_407 = arith.constant 0 : i32
      %dma_wait3A_408 = arith.constant 0 : i32
      %dma_wait3A_409 = tpu.memref_slice %arg12[%dma_wait3A_407, %dma_wait3A_408] : memref<10112x128xf32, #tpu.memory_space<vmem_shared>> -> memref<10112x128xf32, #tpu.memory_space<vmem_shared>>
      %dma_wait3A_410 = tpu.memref_slice %arg15[%dma_wait3A_399] : memref<2x!tpu.dma_semaphore, #tpu.memory_space<semaphore_mem>> -> memref<1x!tpu.dma_semaphore, #tpu.memory_space<semaphore_mem>>
      %dma_wait3A_411 = tpu.memref_squeeze %dma_wait3A_410 : memref<1x!tpu.dma_semaphore, #tpu.memory_space<semaphore_mem>> -> memref<!tpu.dma_semaphore, #tpu.memory_space<semaphore_mem>>
      tpu.wait_indirect_dma semaphore(%dma_wait3A_411 : memref<!tpu.dma_semaphore, #tpu.memory_space<semaphore_mem>>) src(%dma_wait3A_403 : memref<80x128xf32, #tpu.memory_space<vmem>>) dst(%dma_wait3A_409 : memref<10112x128xf32, #tpu.memory_space<vmem_shared>>)
      %add3A_412 = arith.constant 2 : i32
      %add3A_413 = arith.addi %mul3A_183, %add3A_412 : i32
      %mul3A_414 = arith.constant 80 : i32
      %mul3A_415 = arith.muli %add3A_413, %mul3A_414 : i32
      %add3A_416 = arith.addi %mul3A_4, %mul3A_415 : i32
      %mul3A_417 = arith.constant 40 : i32
      %mul3A_418 = arith.muli %add3A_413, %mul3A_417 : i32
      %add3A_419 = arith.addi %mul3A_6, %mul3A_418 : i32
      %multiple_of3A_420 = tpu.assume_multiple %add3A_419, 8 : i32
      %dma_start3A_421 = arith.constant 0 : i32
      %dma_start3A_422 = arith.constant 0 : i32
      %dma_start3A_423 = arith.constant 0 : i32
      %dma_start3A_424 = tpu.memref_slice %arg8[%dma_start3A_421, %dma_start3A_423] : memref<2x80xi32, #tpu.memory_space<vmem>> -> memref<1x80xi32, #tpu.memory_space<vmem>>
      %dma_start3A_425 = tpu.memref_squeeze %dma_start3A_424 : memref<1x80xi32, #tpu.memory_space<vmem>> -> memref<80xi32, #tpu.memory_space<vmem>>
      %dma_start3A_426 = tpu.memref_slice %arg4[%add3A_416] : memref<320000xi32, #tpu.memory_space<hbm>> -> memref<80xi32, #tpu.memory_space<hbm>>
      %dma_start3A_427 = tpu.memref_slice %arg13[%dma_start3A_422] : memref<2x!tpu.dma_semaphore, #tpu.memory_space<semaphore_mem>> -> memref<1x!tpu.dma_semaphore, #tpu.memory_space<semaphore_mem>>
      %dma_start3A_428 = tpu.memref_squeeze %dma_start3A_427 : memref<1x!tpu.dma_semaphore, #tpu.memory_space<semaphore_mem>> -> memref<!tpu.dma_semaphore, #tpu.memory_space<semaphore_mem>>
      %dma_start3A_429 = arith.constant 0 : i32
      %dma_start3A_430 = tpu.memref_slice %arg8[%dma_start3A_421, %dma_start3A_429] : memref<2x80xi32, #tpu.memory_space<vmem>> -> memref<1x80xi32, #tpu.memory_space<vmem>>
      %dma_start3A_431 = tpu.memref_squeeze %dma_start3A_430 : memref<1x80xi32, #tpu.memory_space<vmem>> -> memref<80xi32, #tpu.memory_space<vmem>>
      %dma_start3A_432 = tpu.memref_slice %arg4[%add3A_416] : memref<320000xi32, #tpu.memory_space<hbm>> -> memref<80xi32, #tpu.memory_space<hbm>>
      tpu.enqueue_dma source(%dma_start3A_432 : memref<80xi32, #tpu.memory_space<hbm>>) target(%dma_start3A_431 : memref<80xi32, #tpu.memory_space<vmem>>) target_semaphore(%dma_start3A_428 : memref<!tpu.dma_semaphore, #tpu.memory_space<semaphore_mem>>)
      %dma_start3A_433 = arith.constant 0 : i32
      %dma_start3A_434 = arith.constant 0 : i32
      %dma_start3A_435 = arith.constant 0 : i32
      %dma_start3A_436 = tpu.memref_slice %arg9[%dma_start3A_433, %dma_start3A_435] : memref<2x80xi32, #tpu.memory_space<vmem>> -> memref<1x80xi32, #tpu.memory_space<vmem>>
      %dma_start3A_437 = tpu.memref_squeeze %dma_start3A_436 : memref<1x80xi32, #tpu.memory_space<vmem>> -> memref<80xi32, #tpu.memory_space<vmem>>
      %dma_start3A_438 = tpu.memref_slice %arg5[%add3A_416] : memref<320000xi32, #tpu.memory_space<hbm>> -> memref<80xi32, #tpu.memory_space<hbm>>
      %dma_start3A_439 = tpu.memref_slice %arg13[%dma_start3A_434] : memref<2x!tpu.dma_semaphore, #tpu.memory_space<semaphore_mem>> -> memref<1x!tpu.dma_semaphore, #tpu.memory_space<semaphore_mem>>
      %dma_start3A_440 = tpu.memref_squeeze %dma_start3A_439 : memref<1x!tpu.dma_semaphore, #tpu.memory_space<semaphore_mem>> -> memref<!tpu.dma_semaphore, #tpu.memory_space<semaphore_mem>>
      %dma_start3A_441 = arith.constant 0 : i32
      %dma_start3A_442 = tpu.memref_slice %arg9[%dma_start3A_433, %dma_start3A_441] : memref<2x80xi32, #tpu.memory_space<vmem>> -> memref<1x80xi32, #tpu.memory_space<vmem>>
      %dma_start3A_443 = tpu.memref_squeeze %dma_start3A_442 : memref<1x80xi32, #tpu.memory_space<vmem>> -> memref<80xi32, #tpu.memory_space<vmem>>
      %dma_start3A_444 = tpu.memref_slice %arg5[%add3A_416] : memref<320000xi32, #tpu.memory_space<hbm>> -> memref<80xi32, #tpu.memory_space<hbm>>
      tpu.enqueue_dma source(%dma_start3A_444 : memref<80xi32, #tpu.memory_space<hbm>>) target(%dma_start3A_443 : memref<80xi32, #tpu.memory_space<vmem>>) target_semaphore(%dma_start3A_440 : memref<!tpu.dma_semaphore, #tpu.memory_space<semaphore_mem>>)
      %dma_start3A_445 = arith.constant 0 : i32
      %dma_start3A_446 = arith.constant 0 : i32
      %dma_start3A_447 = arith.constant 0 : i32
      %dma_start3A_448 = arith.constant 0 : i32
      %dma_start3A_449 = tpu.memref_slice %arg10[%dma_start3A_445, %dma_start3A_447, %dma_start3A_448] : memref<2x40x128xi32, #tpu.memory_space<vmem>> -> memref<1x40x128xi32, #tpu.memory_space<vmem>>
      %dma_start3A_450 = tpu.memref_squeeze %dma_start3A_449 : memref<1x40x128xi32, #tpu.memory_space<vmem>> -> memref<40x128xi32, #tpu.memory_space<vmem>>
      %dma_start3A_451 = arith.constant 0 : i32
      %dma_start3A_452 = tpu.memref_slice %arg3[%multiple_of3A_420, %dma_start3A_451] : memref<160000x128xi32, #tpu.memory_space<hbm>> -> memref<40x128xi32, #tpu.memory_space<hbm>>
      %dma_start3A_453 = tpu.memref_slice %arg13[%dma_start3A_446] : memref<2x!tpu.dma_semaphore, #tpu.memory_space<semaphore_mem>> -> memref<1x!tpu.dma_semaphore, #tpu.memory_space<semaphore_mem>>
      %dma_start3A_454 = tpu.memref_squeeze %dma_start3A_453 : memref<1x!tpu.dma_semaphore, #tpu.memory_space<semaphore_mem>> -> memref<!tpu.dma_semaphore, #tpu.memory_space<semaphore_mem>>
      %dma_start3A_455 = arith.constant 0 : i32
      %dma_start3A_456 = arith.constant 0 : i32
      %dma_start3A_457 = tpu.memref_slice %arg10[%dma_start3A_445, %dma_start3A_455, %dma_start3A_456] : memref<2x40x128xi32, #tpu.memory_space<vmem>> -> memref<1x40x128xi32, #tpu.memory_space<vmem>>
      %dma_start3A_458 = tpu.memref_squeeze %dma_start3A_457 : memref<1x40x128xi32, #tpu.memory_space<vmem>> -> memref<40x128xi32, #tpu.memory_space<vmem>>
      %dma_start3A_459 = arith.constant 0 : i32
      %dma_start3A_460 = tpu.memref_slice %arg3[%multiple_of3A_420, %dma_start3A_459] : memref<160000x128xi32, #tpu.memory_space<hbm>> -> memref<40x128xi32, #tpu.memory_space<hbm>>
      tpu.enqueue_dma source(%dma_start3A_460 : memref<40x128xi32, #tpu.memory_space<hbm>>) target(%dma_start3A_458 : memref<40x128xi32, #tpu.memory_space<vmem>>) target_semaphore(%dma_start3A_454 : memref<!tpu.dma_semaphore, #tpu.memory_space<semaphore_mem>>)
      %dma_wait3A_461 = arith.constant 1 : i32
      %dma_wait3A_462 = arith.constant 1 : i32
      %dma_wait3A_463 = arith.constant 1 : i32
      %dma_wait3A_464 = arith.constant 0 : i32
      %dma_wait3A_465 = arith.constant 0 : i32
      %dma_wait3A_466 = tpu.memref_slice %arg11[%dma_wait3A_462, %dma_wait3A_464, %dma_wait3A_465] : memref<2x80x128xf32, #tpu.memory_space<vmem>> -> memref<1x80x128xf32, #tpu.memory_space<vmem>>
      %dma_wait3A_467 = tpu.memref_squeeze %dma_wait3A_466 : memref<1x80x128xf32, #tpu.memory_space<vmem>> -> memref<80x128xf32, #tpu.memory_space<vmem>>
      %dma_wait3A_468 = arith.constant 0 : i32
      %dma_wait3A_469 = tpu.memref_slice %arg8[%dma_wait3A_461, %dma_wait3A_468] : memref<2x80xi32, #tpu.memory_space<vmem>> -> memref<1x80xi32, #tpu.memory_space<vmem>>
      %dma_wait3A_470 = tpu.memref_squeeze %dma_wait3A_469 : memref<1x80xi32, #tpu.memory_space<vmem>> -> memref<80xi32, #tpu.memory_space<vmem>>
      %dma_wait3A_471 = arith.constant 0 : i32
      %dma_wait3A_472 = arith.constant 0 : i32
      %dma_wait3A_473 = tpu.memref_slice %arg2[%dma_wait3A_471, %dma_wait3A_472] : memref<10000x128xf32, #tpu.memory_space<hbm>> -> memref<10000x128xf32, #tpu.memory_space<hbm>>
      %dma_wait3A_474 = tpu.memref_slice %arg14[%dma_wait3A_463] : memref<2x!tpu.dma_semaphore, #tpu.memory_space<semaphore_mem>> -> memref<1x!tpu.dma_semaphore, #tpu.memory_space<semaphore_mem>>
      %dma_wait3A_475 = tpu.memref_squeeze %dma_wait3A_474 : memref<1x!tpu.dma_semaphore, #tpu.memory_space<semaphore_mem>> -> memref<!tpu.dma_semaphore, #tpu.memory_space<semaphore_mem>>
      tpu.wait_indirect_dma semaphore(%dma_wait3A_475 : memref<!tpu.dma_semaphore, #tpu.memory_space<semaphore_mem>>) src(%dma_wait3A_473 : memref<10000x128xf32, #tpu.memory_space<hbm>>) dst(%dma_wait3A_467 : memref<80x128xf32, #tpu.memory_space<vmem>>)
      %scan3A_476 = arith.constant 0 : i32
      %scan3A_477 = arith.constant 0 : i32
      %scan3A_478 = arith.constant 40 : i32
      %scan3A_479 = arith.addi %scan3A_477, %scan3A_478 : i32
      %scan3A_480 = arith.constant 1 : i32
      scf.for %scan3A_497 = %scan3A_477 to %scan3A_479 step %scan3A_480  : i32 {
        %mul3A_498 = arith.constant 2 : i32
        %mul3A_499 = arith.muli %scan3A_497, %mul3A_498 : i32
        %get3A = arith.constant 1 : i32
        %get3A_500 = arith.index_cast %get3A : i32 to index
        %get3A_501 = arith.index_cast %scan3A_497 : i32 to index
        %get3A_502 = arith.constant 0 : index
        %get3A_503 = tpu.vector_load %arg10[%get3A_500, %get3A_501, %get3A_502] {strides = array<i32>} : memref<2x40x128xi32, #tpu.memory_space<vmem>>, vector<1x1x16xi32>,
        %get3A_504 = vector.shape_cast %get3A_503 : vector<1x1x16xi32> to vector<16xi32>
        %shift_left3A = arith.constant 16 : i32
        %shift_left3A_505 = vector.broadcast %shift_left3A : i32 to vector<16xi32>
        %shift_left3A_506 = arith.shli %get3A_504, %shift_left3A_505 : vector<16xi32>
        %bitcast_convert_type3A = tpu.bitcast %shift_left3A_506 : vector<16xi32> -> vector<16xf32>
        %and3A = arith.constant -65536 : i32
        %and3A_507 = vector.broadcast %and3A : i32 to vector<16xi32>
        %and3A_508 = arith.andi %get3A_504, %and3A_507 : vector<16xi32>
        %bitcast_convert_type3A_509 = tpu.bitcast %and3A_508 : vector<16xi32> -> vector<16xf32>
        %get3A_510 = arith.constant 1 : i32
        %get3A_511 = arith.index_cast %get3A_510 : i32 to index
        %get3A_512 = arith.index_cast %mul3A_499 : i32 to index
        %get3A_513 = arith.constant 0 : index
        %get3A_514 = tpu.vector_load %arg11[%get3A_511, %get3A_512, %get3A_513] {strides = array<i32>} : memref<2x80x128xf32, #tpu.memory_space<vmem>>, vector<1x1x16xf32>,
        %get3A_515 = vector.shape_cast %get3A_514 : vector<1x1x16xf32> to vector<16xf32>
        %add3A_516 = arith.addf %get3A_515, %bitcast_convert_type3A : vector<16xf32>
        %max3A = arith.constant 0.000000e+00 : f32
        %max3A_517 = vector.broadcast %max3A : f32 to vector<16xf32>
        %max3A_518 = arith.maximumf %add3A_516, %max3A_517 : vector<16xf32>
        %swap3A = arith.constant 1 : i32
        %swap3A_519 = arith.index_cast %swap3A : i32 to index
        %swap3A_520 = arith.index_cast %mul3A_499 : i32 to index
        %swap3A_521 = arith.constant 0 : index
        %swap3A_522 = tpu.vector_load %arg11[%swap3A_519, %swap3A_520, %swap3A_521] {strides = array<i32>} : memref<2x80x128xf32, #tpu.memory_space<vmem>>, vector<1x1x16xf32>,
        %swap3A_523 = vector.shape_cast %swap3A_522 : vector<1x1x16xf32> to vector<16xf32>
        %swap3A_524 = vector.shape_cast %max3A_518 : vector<16xf32> to vector<1x1x16xf32>
        tpu.vector_store %arg11[%swap3A_519, %swap3A_520, %swap3A_521], %swap3A_524 {strides = array<i32>} : memref<2x80x128xf32, #tpu.memory_space<vmem>>, vector<1x1x16xf32>,
        %add3A_525 = arith.constant 1 : i32
        %add3A_526 = arith.addi %mul3A_499, %add3A_525 : i32
        %get3A_527 = arith.constant 1 : i32
        %get3A_528 = arith.index_cast %get3A_527 : i32 to index
        %get3A_529 = arith.index_cast %add3A_526 : i32 to index
        %get3A_530 = arith.constant 0 : index
        %get3A_531 = tpu.vector_load %arg11[%get3A_528, %get3A_529, %get3A_530] {strides = array<i32>} : memref<2x80x128xf32, #tpu.memory_space<vmem>>, vector<1x1x16xf32>,
        %get3A_532 = vector.shape_cast %get3A_531 : vector<1x1x16xf32> to vector<16xf32>
        %add3A_533 = arith.addf %get3A_532, %bitcast_convert_type3A_509 : vector<16xf32>
        %max3A_534 = arith.constant 0.000000e+00 : f32
        %max3A_535 = vector.broadcast %max3A_534 : f32 to vector<16xf32>
        %max3A_536 = arith.maximumf %add3A_533, %max3A_535 : vector<16xf32>
        %add3A_537 = arith.constant 1 : i32
        %add3A_538 = arith.addi %mul3A_499, %add3A_537 : i32
        %swap3A_539 = arith.constant 1 : i32
        %swap3A_540 = arith.index_cast %swap3A_539 : i32 to index
        %swap3A_541 = arith.index_cast %add3A_538 : i32 to index
        %swap3A_542 = arith.constant 0 : index
        %swap3A_543 = tpu.vector_load %arg11[%swap3A_540, %swap3A_541, %swap3A_542] {strides = array<i32>} : memref<2x80x128xf32, #tpu.memory_space<vmem>>, vector<1x1x16xf32>,
        %swap3A_544 = vector.shape_cast %swap3A_543 : vector<1x1x16xf32> to vector<16xf32>
        %swap3A_545 = vector.shape_cast %max3A_536 : vector<16xf32> to vector<1x1x16xf32>
        tpu.vector_store %arg11[%swap3A_540, %swap3A_541, %swap3A_542], %swap3A_545 {strides = array<i32>} : memref<2x80x128xf32, #tpu.memory_space<vmem>>, vector<1x1x16xf32>,
        %get3A_546 = arith.constant 1 : i32
        %get3A_547 = arith.index_cast %get3A_546 : i32 to index
        %get3A_548 = arith.index_cast %scan3A_497 : i32 to index
        %get3A_549 = arith.constant 16 : index
        %get3A_550 = tpu.vector_load %arg10[%get3A_547, %get3A_548, %get3A_549] {strides = array<i32>} : memref<2x40x128xi32, #tpu.memory_space<vmem>>, vector<1x1x16xi32>,
        %get3A_551 = vector.shape_cast %get3A_550 : vector<1x1x16xi32> to vector<16xi32>
        %shift_left3A_552 = arith.constant 16 : i32
        %shift_left3A_553 = vector.broadcast %shift_left3A_552 : i32 to vector<16xi32>
        %shift_left3A_554 = arith.shli %get3A_551, %shift_left3A_553 : vector<16xi32>
        %bitcast_convert_type3A_555 = tpu.bitcast %shift_left3A_554 : vector<16xi32> -> vector<16xf32>
        %and3A_556 = arith.constant -65536 : i32
        %and3A_557 = vector.broadcast %and3A_556 : i32 to vector<16xi32>
        %and3A_558 = arith.andi %get3A_551, %and3A_557 : vector<16xi32>
        %bitcast_convert_type3A_559 = tpu.bitcast %and3A_558 : vector<16xi32> -> vector<16xf32>
        %get3A_560 = arith.constant 1 : i32
        %get3A_561 = arith.index_cast %get3A_560 : i32 to index
        %get3A_562 = arith.index_cast %mul3A_499 : i32 to index
        %get3A_563 = arith.constant 16 : index
        %get3A_564 = tpu.vector_load %arg11[%get3A_561, %get3A_562, %get3A_563] {strides = array<i32>} : memref<2x80x128xf32, #tpu.memory_space<vmem>>, vector<1x1x16xf32>,
        %get3A_565 = vector.shape_cast %get3A_564 : vector<1x1x16xf32> to vector<16xf32>
        %add3A_566 = arith.addf %get3A_565, %bitcast_convert_type3A_555 : vector<16xf32>
        %max3A_567 = arith.constant 0.000000e+00 : f32
        %max3A_568 = vector.broadcast %max3A_567 : f32 to vector<16xf32>
        %max3A_569 = arith.maximumf %add3A_566, %max3A_568 : vector<16xf32>
        %swap3A_570 = arith.constant 1 : i32
        %swap3A_571 = arith.index_cast %swap3A_570 : i32 to index
        %swap3A_572 = arith.index_cast %mul3A_499 : i32 to index
        %swap3A_573 = arith.constant 16 : index
        %swap3A_574 = tpu.vector_load %arg11[%swap3A_571, %swap3A_572, %swap3A_573] {strides = array<i32>} : memref<2x80x128xf32, #tpu.memory_space<vmem>>, vector<1x1x16xf32>,
        %swap3A_575 = vector.shape_cast %swap3A_574 : vector<1x1x16xf32> to vector<16xf32>
        %swap3A_576 = vector.shape_cast %max3A_569 : vector<16xf32> to vector<1x1x16xf32>
        tpu.vector_store %arg11[%swap3A_571, %swap3A_572, %swap3A_573], %swap3A_576 {strides = array<i32>} : memref<2x80x128xf32, #tpu.memory_space<vmem>>, vector<1x1x16xf32>,
        %add3A_577 = arith.constant 1 : i32
        %add3A_578 = arith.addi %mul3A_499, %add3A_577 : i32
        %get3A_579 = arith.constant 1 : i32
        %get3A_580 = arith.index_cast %get3A_579 : i32 to index
        %get3A_581 = arith.index_cast %add3A_578 : i32 to index
        %get3A_582 = arith.constant 16 : index
        %get3A_583 = tpu.vector_load %arg11[%get3A_580, %get3A_581, %get3A_582] {strides = array<i32>} : memref<2x80x128xf32, #tpu.memory_space<vmem>>, vector<1x1x16xf32>,
        %get3A_584 = vector.shape_cast %get3A_583 : vector<1x1x16xf32> to vector<16xf32>
        %add3A_585 = arith.addf %get3A_584, %bitcast_convert_type3A_559 : vector<16xf32>
        %max3A_586 = arith.constant 0.000000e+00 : f32
        %max3A_587 = vector.broadcast %max3A_586 : f32 to vector<16xf32>
        %max3A_588 = arith.maximumf %add3A_585, %max3A_587 : vector<16xf32>
        %add3A_589 = arith.constant 1 : i32
        %add3A_590 = arith.addi %mul3A_499, %add3A_589 : i32
        %swap3A_591 = arith.constant 1 : i32
        %swap3A_592 = arith.index_cast %swap3A_591 : i32 to index
        %swap3A_593 = arith.index_cast %add3A_590 : i32 to index
        %swap3A_594 = arith.constant 16 : index
        %swap3A_595 = tpu.vector_load %arg11[%swap3A_592, %swap3A_593, %swap3A_594] {strides = array<i32>} : memref<2x80x128xf32, #tpu.memory_space<vmem>>, vector<1x1x16xf32>,
        %swap3A_596 = vector.shape_cast %swap3A_595 : vector<1x1x16xf32> to vector<16xf32>
        %swap3A_597 = vector.shape_cast %max3A_588 : vector<16xf32> to vector<1x1x16xf32>
        tpu.vector_store %arg11[%swap3A_592, %swap3A_593, %swap3A_594], %swap3A_597 {strides = array<i32>} : memref<2x80x128xf32, #tpu.memory_space<vmem>>, vector<1x1x16xf32>,
        %get3A_598 = arith.constant 1 : i32
        %get3A_599 = arith.index_cast %get3A_598 : i32 to index
        %get3A_600 = arith.index_cast %scan3A_497 : i32 to index
        %get3A_601 = arith.constant 32 : index
        %get3A_602 = tpu.vector_load %arg10[%get3A_599, %get3A_600, %get3A_601] {strides = array<i32>} : memref<2x40x128xi32, #tpu.memory_space<vmem>>, vector<1x1x16xi32>,
        %get3A_603 = vector.shape_cast %get3A_602 : vector<1x1x16xi32> to vector<16xi32>
        %shift_left3A_604 = arith.constant 16 : i32
        %shift_left3A_605 = vector.broadcast %shift_left3A_604 : i32 to vector<16xi32>
        %shift_left3A_606 = arith.shli %get3A_603, %shift_left3A_605 : vector<16xi32>
        %bitcast_convert_type3A_607 = tpu.bitcast %shift_left3A_606 : vector<16xi32> -> vector<16xf32>
        %and3A_608 = arith.constant -65536 : i32
        %and3A_609 = vector.broadcast %and3A_608 : i32 to vector<16xi32>
        %and3A_610 = arith.andi %get3A_603, %and3A_609 : vector<16xi32>
        %bitcast_convert_type3A_611 = tpu.bitcast %and3A_610 : vector<16xi32> -> vector<16xf32>
        %get3A_612 = arith.constant 1 : i32
        %get3A_613 = arith.index_cast %get3A_612 : i32 to index
        %get3A_614 = arith.index_cast %mul3A_499 : i32 to index
        %get3A_615 = arith.constant 32 : index
        %get3A_616 = tpu.vector_load %arg11[%get3A_613, %get3A_614, %get3A_615] {strides = array<i32>} : memref<2x80x128xf32, #tpu.memory_space<vmem>>, vector<1x1x16xf32>,
        %get3A_617 = vector.shape_cast %get3A_616 : vector<1x1x16xf32> to vector<16xf32>
        %add3A_618 = arith.addf %get3A_617, %bitcast_convert_type3A_607 : vector<16xf32>
        %max3A_619 = arith.constant 0.000000e+00 : f32
        %max3A_620 = vector.broadcast %max3A_619 : f32 to vector<16xf32>
        %max3A_621 = arith.maximumf %add3A_618, %max3A_620 : vector<16xf32>
        %swap3A_622 = arith.constant 1 : i32
        %swap3A_623 = arith.index_cast %swap3A_622 : i32 to index
        %swap3A_624 = arith.index_cast %mul3A_499 : i32 to index
        %swap3A_625 = arith.constant 32 : index
        %swap3A_626 = tpu.vector_load %arg11[%swap3A_623, %swap3A_624, %swap3A_625] {strides = array<i32>} : memref<2x80x128xf32, #tpu.memory_space<vmem>>, vector<1x1x16xf32>,
        %swap3A_627 = vector.shape_cast %swap3A_626 : vector<1x1x16xf32> to vector<16xf32>
        %swap3A_628 = vector.shape_cast %max3A_621 : vector<16xf32> to vector<1x1x16xf32>
        tpu.vector_store %arg11[%swap3A_623, %swap3A_624, %swap3A_625], %swap3A_628 {strides = array<i32>} : memref<2x80x128xf32, #tpu.memory_space<vmem>>, vector<1x1x16xf32>,
        %add3A_629 = arith.constant 1 : i32
        %add3A_630 = arith.addi %mul3A_499, %add3A_629 : i32
        %get3A_631 = arith.constant 1 : i32
        %get3A_632 = arith.index_cast %get3A_631 : i32 to index
        %get3A_633 = arith.index_cast %add3A_630 : i32 to index
        %get3A_634 = arith.constant 32 : index
        %get3A_635 = tpu.vector_load %arg11[%get3A_632, %get3A_633, %get3A_634] {strides = array<i32>} : memref<2x80x128xf32, #tpu.memory_space<vmem>>, vector<1x1x16xf32>,
        %get3A_636 = vector.shape_cast %get3A_635 : vector<1x1x16xf32> to vector<16xf32>
        %add3A_637 = arith.addf %get3A_636, %bitcast_convert_type3A_611 : vector<16xf32>
        %max3A_638 = arith.constant 0.000000e+00 : f32
        %max3A_639 = vector.broadcast %max3A_638 : f32 to vector<16xf32>
        %max3A_640 = arith.maximumf %add3A_637, %max3A_639 : vector<16xf32>
        %add3A_641 = arith.constant 1 : i32
        %add3A_642 = arith.addi %mul3A_499, %add3A_641 : i32
        %swap3A_643 = arith.constant 1 : i32
        %swap3A_644 = arith.index_cast %swap3A_643 : i32 to index
        %swap3A_645 = arith.index_cast %add3A_642 : i32 to index
        %swap3A_646 = arith.constant 32 : index
        %swap3A_647 = tpu.vector_load %arg11[%swap3A_644, %swap3A_645, %swap3A_646] {strides = array<i32>} : memref<2x80x128xf32, #tpu.memory_space<vmem>>, vector<1x1x16xf32>,
        %swap3A_648 = vector.shape_cast %swap3A_647 : vector<1x1x16xf32> to vector<16xf32>
        %swap3A_649 = vector.shape_cast %max3A_640 : vector<16xf32> to vector<1x1x16xf32>
        tpu.vector_store %arg11[%swap3A_644, %swap3A_645, %swap3A_646], %swap3A_649 {strides = array<i32>} : memref<2x80x128xf32, #tpu.memory_space<vmem>>, vector<1x1x16xf32>,
        %get3A_650 = arith.constant 1 : i32
        %get3A_651 = arith.index_cast %get3A_650 : i32 to index
        %get3A_652 = arith.index_cast %scan3A_497 : i32 to index
        %get3A_653 = arith.constant 48 : index
        %get3A_654 = tpu.vector_load %arg10[%get3A_651, %get3A_652, %get3A_653] {strides = array<i32>} : memref<2x40x128xi32, #tpu.memory_space<vmem>>, vector<1x1x16xi32>,
        %get3A_655 = vector.shape_cast %get3A_654 : vector<1x1x16xi32> to vector<16xi32>
        %shift_left3A_656 = arith.constant 16 : i32
        %shift_left3A_657 = vector.broadcast %shift_left3A_656 : i32 to vector<16xi32>
        %shift_left3A_658 = arith.shli %get3A_655, %shift_left3A_657 : vector<16xi32>
        %bitcast_convert_type3A_659 = tpu.bitcast %shift_left3A_658 : vector<16xi32> -> vector<16xf32>
        %and3A_660 = arith.constant -65536 : i32
        %and3A_661 = vector.broadcast %and3A_660 : i32 to vector<16xi32>
        %and3A_662 = arith.andi %get3A_655, %and3A_661 : vector<16xi32>
        %bitcast_convert_type3A_663 = tpu.bitcast %and3A_662 : vector<16xi32> -> vector<16xf32>
        %get3A_664 = arith.constant 1 : i32
        %get3A_665 = arith.index_cast %get3A_664 : i32 to index
        %get3A_666 = arith.index_cast %mul3A_499 : i32 to index
        %get3A_667 = arith.constant 48 : index
        %get3A_668 = tpu.vector_load %arg11[%get3A_665, %get3A_666, %get3A_667] {strides = array<i32>} : memref<2x80x128xf32, #tpu.memory_space<vmem>>, vector<1x1x16xf32>,
        %get3A_669 = vector.shape_cast %get3A_668 : vector<1x1x16xf32> to vector<16xf32>
        %add3A_670 = arith.addf %get3A_669, %bitcast_convert_type3A_659 : vector<16xf32>
        %max3A_671 = arith.constant 0.000000e+00 : f32
        %max3A_672 = vector.broadcast %max3A_671 : f32 to vector<16xf32>
        %max3A_673 = arith.maximumf %add3A_670, %max3A_672 : vector<16xf32>
        %swap3A_674 = arith.constant 1 : i32
        %swap3A_675 = arith.index_cast %swap3A_674 : i32 to index
        %swap3A_676 = arith.index_cast %mul3A_499 : i32 to index
        %swap3A_677 = arith.constant 48 : index
        %swap3A_678 = tpu.vector_load %arg11[%swap3A_675, %swap3A_676, %swap3A_677] {strides = array<i32>} : memref<2x80x128xf32, #tpu.memory_space<vmem>>, vector<1x1x16xf32>,
        %swap3A_679 = vector.shape_cast %swap3A_678 : vector<1x1x16xf32> to vector<16xf32>
        %swap3A_680 = vector.shape_cast %max3A_673 : vector<16xf32> to vector<1x1x16xf32>
        tpu.vector_store %arg11[%swap3A_675, %swap3A_676, %swap3A_677], %swap3A_680 {strides = array<i32>} : memref<2x80x128xf32, #tpu.memory_space<vmem>>, vector<1x1x16xf32>,
        %add3A_681 = arith.constant 1 : i32
        %add3A_682 = arith.addi %mul3A_499, %add3A_681 : i32
        %get3A_683 = arith.constant 1 : i32
        %get3A_684 = arith.index_cast %get3A_683 : i32 to index
        %get3A_685 = arith.index_cast %add3A_682 : i32 to index
        %get3A_686 = arith.constant 48 : index
        %get3A_687 = tpu.vector_load %arg11[%get3A_684, %get3A_685, %get3A_686] {strides = array<i32>} : memref<2x80x128xf32, #tpu.memory_space<vmem>>, vector<1x1x16xf32>,
        %get3A_688 = vector.shape_cast %get3A_687 : vector<1x1x16xf32> to vector<16xf32>
        %add3A_689 = arith.addf %get3A_688, %bitcast_convert_type3A_663 : vector<16xf32>
        %max3A_690 = arith.constant 0.000000e+00 : f32
        %max3A_691 = vector.broadcast %max3A_690 : f32 to vector<16xf32>
        %max3A_692 = arith.maximumf %add3A_689, %max3A_691 : vector<16xf32>
        %add3A_693 = arith.constant 1 : i32
        %add3A_694 = arith.addi %mul3A_499, %add3A_693 : i32
        %swap3A_695 = arith.constant 1 : i32
        %swap3A_696 = arith.index_cast %swap3A_695 : i32 to index
        %swap3A_697 = arith.index_cast %add3A_694 : i32 to index
        %swap3A_698 = arith.constant 48 : index
        %swap3A_699 = tpu.vector_load %arg11[%swap3A_696, %swap3A_697, %swap3A_698] {strides = array<i32>} : memref<2x80x128xf32, #tpu.memory_space<vmem>>, vector<1x1x16xf32>,
        %swap3A_700 = vector.shape_cast %swap3A_699 : vector<1x1x16xf32> to vector<16xf32>
        %swap3A_701 = vector.shape_cast %max3A_692 : vector<16xf32> to vector<1x1x16xf32>
        tpu.vector_store %arg11[%swap3A_696, %swap3A_697, %swap3A_698], %swap3A_701 {strides = array<i32>} : memref<2x80x128xf32, #tpu.memory_space<vmem>>, vector<1x1x16xf32>,
        %get3A_702 = arith.constant 1 : i32
        %get3A_703 = arith.index_cast %get3A_702 : i32 to index
        %get3A_704 = arith.index_cast %scan3A_497 : i32 to index
        %get3A_705 = arith.constant 64 : index
        %get3A_706 = tpu.vector_load %arg10[%get3A_703, %get3A_704, %get3A_705] {strides = array<i32>} : memref<2x40x128xi32, #tpu.memory_space<vmem>>, vector<1x1x16xi32>,
        %get3A_707 = vector.shape_cast %get3A_706 : vector<1x1x16xi32> to vector<16xi32>
        %shift_left3A_708 = arith.constant 16 : i32
        %shift_left3A_709 = vector.broadcast %shift_left3A_708 : i32 to vector<16xi32>
        %shift_left3A_710 = arith.shli %get3A_707, %shift_left3A_709 : vector<16xi32>
        %bitcast_convert_type3A_711 = tpu.bitcast %shift_left3A_710 : vector<16xi32> -> vector<16xf32>
        %and3A_712 = arith.constant -65536 : i32
        %and3A_713 = vector.broadcast %and3A_712 : i32 to vector<16xi32>
        %and3A_714 = arith.andi %get3A_707, %and3A_713 : vector<16xi32>
        %bitcast_convert_type3A_715 = tpu.bitcast %and3A_714 : vector<16xi32> -> vector<16xf32>
        %get3A_716 = arith.constant 1 : i32
        %get3A_717 = arith.index_cast %get3A_716 : i32 to index
        %get3A_718 = arith.index_cast %mul3A_499 : i32 to index
        %get3A_719 = arith.constant 64 : index
        %get3A_720 = tpu.vector_load %arg11[%get3A_717, %get3A_718, %get3A_719] {strides = array<i32>} : memref<2x80x128xf32, #tpu.memory_space<vmem>>, vector<1x1x16xf32>,
        %get3A_721 = vector.shape_cast %get3A_720 : vector<1x1x16xf32> to vector<16xf32>
        %add3A_722 = arith.addf %get3A_721, %bitcast_convert_type3A_711 : vector<16xf32>
        %max3A_723 = arith.constant 0.000000e+00 : f32
        %max3A_724 = vector.broadcast %max3A_723 : f32 to vector<16xf32>
        %max3A_725 = arith.maximumf %add3A_722, %max3A_724 : vector<16xf32>
        %swap3A_726 = arith.constant 1 : i32
        %swap3A_727 = arith.index_cast %swap3A_726 : i32 to index
        %swap3A_728 = arith.index_cast %mul3A_499 : i32 to index
        %swap3A_729 = arith.constant 64 : index
        %swap3A_730 = tpu.vector_load %arg11[%swap3A_727, %swap3A_728, %swap3A_729] {strides = array<i32>} : memref<2x80x128xf32, #tpu.memory_space<vmem>>, vector<1x1x16xf32>,
        %swap3A_731 = vector.shape_cast %swap3A_730 : vector<1x1x16xf32> to vector<16xf32>
        %swap3A_732 = vector.shape_cast %max3A_725 : vector<16xf32> to vector<1x1x16xf32>
        tpu.vector_store %arg11[%swap3A_727, %swap3A_728, %swap3A_729], %swap3A_732 {strides = array<i32>} : memref<2x80x128xf32, #tpu.memory_space<vmem>>, vector<1x1x16xf32>,
        %add3A_733 = arith.constant 1 : i32
        %add3A_734 = arith.addi %mul3A_499, %add3A_733 : i32
        %get3A_735 = arith.constant 1 : i32
        %get3A_736 = arith.index_cast %get3A_735 : i32 to index
        %get3A_737 = arith.index_cast %add3A_734 : i32 to index
        %get3A_738 = arith.constant 64 : index
        %get3A_739 = tpu.vector_load %arg11[%get3A_736, %get3A_737, %get3A_738] {strides = array<i32>} : memref<2x80x128xf32, #tpu.memory_space<vmem>>, vector<1x1x16xf32>,
        %get3A_740 = vector.shape_cast %get3A_739 : vector<1x1x16xf32> to vector<16xf32>
        %add3A_741 = arith.addf %get3A_740, %bitcast_convert_type3A_715 : vector<16xf32>
        %max3A_742 = arith.constant 0.000000e+00 : f32
        %max3A_743 = vector.broadcast %max3A_742 : f32 to vector<16xf32>
        %max3A_744 = arith.maximumf %add3A_741, %max3A_743 : vector<16xf32>
        %add3A_745 = arith.constant 1 : i32
        %add3A_746 = arith.addi %mul3A_499, %add3A_745 : i32
        %swap3A_747 = arith.constant 1 : i32
        %swap3A_748 = arith.index_cast %swap3A_747 : i32 to index
        %swap3A_749 = arith.index_cast %add3A_746 : i32 to index
        %swap3A_750 = arith.constant 64 : index
        %swap3A_751 = tpu.vector_load %arg11[%swap3A_748, %swap3A_749, %swap3A_750] {strides = array<i32>} : memref<2x80x128xf32, #tpu.memory_space<vmem>>, vector<1x1x16xf32>,
        %swap3A_752 = vector.shape_cast %swap3A_751 : vector<1x1x16xf32> to vector<16xf32>
        %swap3A_753 = vector.shape_cast %max3A_744 : vector<16xf32> to vector<1x1x16xf32>
        tpu.vector_store %arg11[%swap3A_748, %swap3A_749, %swap3A_750], %swap3A_753 {strides = array<i32>} : memref<2x80x128xf32, #tpu.memory_space<vmem>>, vector<1x1x16xf32>,
        %get3A_754 = arith.constant 1 : i32
        %get3A_755 = arith.index_cast %get3A_754 : i32 to index
        %get3A_756 = arith.index_cast %scan3A_497 : i32 to index
        %get3A_757 = arith.constant 80 : index
        %get3A_758 = tpu.vector_load %arg10[%get3A_755, %get3A_756, %get3A_757] {strides = array<i32>} : memref<2x40x128xi32, #tpu.memory_space<vmem>>, vector<1x1x16xi32>,
        %get3A_759 = vector.shape_cast %get3A_758 : vector<1x1x16xi32> to vector<16xi32>
        %shift_left3A_760 = arith.constant 16 : i32
        %shift_left3A_761 = vector.broadcast %shift_left3A_760 : i32 to vector<16xi32>
        %shift_left3A_762 = arith.shli %get3A_759, %shift_left3A_761 : vector<16xi32>
        %bitcast_convert_type3A_763 = tpu.bitcast %shift_left3A_762 : vector<16xi32> -> vector<16xf32>
        %and3A_764 = arith.constant -65536 : i32
        %and3A_765 = vector.broadcast %and3A_764 : i32 to vector<16xi32>
        %and3A_766 = arith.andi %get3A_759, %and3A_765 : vector<16xi32>
        %bitcast_convert_type3A_767 = tpu.bitcast %and3A_766 : vector<16xi32> -> vector<16xf32>
        %get3A_768 = arith.constant 1 : i32
        %get3A_769 = arith.index_cast %get3A_768 : i32 to index
        %get3A_770 = arith.index_cast %mul3A_499 : i32 to index
        %get3A_771 = arith.constant 80 : index
        %get3A_772 = tpu.vector_load %arg11[%get3A_769, %get3A_770, %get3A_771] {strides = array<i32>} : memref<2x80x128xf32, #tpu.memory_space<vmem>>, vector<1x1x16xf32>,
        %get3A_773 = vector.shape_cast %get3A_772 : vector<1x1x16xf32> to vector<16xf32>
        %add3A_774 = arith.addf %get3A_773, %bitcast_convert_type3A_763 : vector<16xf32>
        %max3A_775 = arith.constant 0.000000e+00 : f32
        %max3A_776 = vector.broadcast %max3A_775 : f32 to vector<16xf32>
        %max3A_777 = arith.maximumf %add3A_774, %max3A_776 : vector<16xf32>
        %swap3A_778 = arith.constant 1 : i32
        %swap3A_779 = arith.index_cast %swap3A_778 : i32 to index
        %swap3A_780 = arith.index_cast %mul3A_499 : i32 to index
        %swap3A_781 = arith.constant 80 : index
        %swap3A_782 = tpu.vector_load %arg11[%swap3A_779, %swap3A_780, %swap3A_781] {strides = array<i32>} : memref<2x80x128xf32, #tpu.memory_space<vmem>>, vector<1x1x16xf32>,
        %swap3A_783 = vector.shape_cast %swap3A_782 : vector<1x1x16xf32> to vector<16xf32>
        %swap3A_784 = vector.shape_cast %max3A_777 : vector<16xf32> to vector<1x1x16xf32>
        tpu.vector_store %arg11[%swap3A_779, %swap3A_780, %swap3A_781], %swap3A_784 {strides = array<i32>} : memref<2x80x128xf32, #tpu.memory_space<vmem>>, vector<1x1x16xf32>,
        %add3A_785 = arith.constant 1 : i32
        %add3A_786 = arith.addi %mul3A_499, %add3A_785 : i32
        %get3A_787 = arith.constant 1 : i32
        %get3A_788 = arith.index_cast %get3A_787 : i32 to index
        %get3A_789 = arith.index_cast %add3A_786 : i32 to index
        %get3A_790 = arith.constant 80 : index
        %get3A_791 = tpu.vector_load %arg11[%get3A_788, %get3A_789, %get3A_790] {strides = array<i32>} : memref<2x80x128xf32, #tpu.memory_space<vmem>>, vector<1x1x16xf32>,
        %get3A_792 = vector.shape_cast %get3A_791 : vector<1x1x16xf32> to vector<16xf32>
        %add3A_793 = arith.addf %get3A_792, %bitcast_convert_type3A_767 : vector<16xf32>
        %max3A_794 = arith.constant 0.000000e+00 : f32
        %max3A_795 = vector.broadcast %max3A_794 : f32 to vector<16xf32>
        %max3A_796 = arith.maximumf %add3A_793, %max3A_795 : vector<16xf32>
        %add3A_797 = arith.constant 1 : i32
        %add3A_798 = arith.addi %mul3A_499, %add3A_797 : i32
        %swap3A_799 = arith.constant 1 : i32
        %swap3A_800 = arith.index_cast %swap3A_799 : i32 to index
        %swap3A_801 = arith.index_cast %add3A_798 : i32 to index
        %swap3A_802 = arith.constant 80 : index
        %swap3A_803 = tpu.vector_load %arg11[%swap3A_800, %swap3A_801, %swap3A_802] {strides = array<i32>} : memref<2x80x128xf32, #tpu.memory_space<vmem>>, vector<1x1x16xf32>,
        %swap3A_804 = vector.shape_cast %swap3A_803 : vector<1x1x16xf32> to vector<16xf32>
        %swap3A_805 = vector.shape_cast %max3A_796 : vector<16xf32> to vector<1x1x16xf32>
        tpu.vector_store %arg11[%swap3A_800, %swap3A_801, %swap3A_802], %swap3A_805 {strides = array<i32>} : memref<2x80x128xf32, #tpu.memory_space<vmem>>, vector<1x1x16xf32>,
        %get3A_806 = arith.constant 1 : i32
        %get3A_807 = arith.index_cast %get3A_806 : i32 to index
        %get3A_808 = arith.index_cast %scan3A_497 : i32 to index
        %get3A_809 = arith.constant 96 : index
        %get3A_810 = tpu.vector_load %arg10[%get3A_807, %get3A_808, %get3A_809] {strides = array<i32>} : memref<2x40x128xi32, #tpu.memory_space<vmem>>, vector<1x1x16xi32>,
        %get3A_811 = vector.shape_cast %get3A_810 : vector<1x1x16xi32> to vector<16xi32>
        %shift_left3A_812 = arith.constant 16 : i32
        %shift_left3A_813 = vector.broadcast %shift_left3A_812 : i32 to vector<16xi32>
        %shift_left3A_814 = arith.shli %get3A_811, %shift_left3A_813 : vector<16xi32>
        %bitcast_convert_type3A_815 = tpu.bitcast %shift_left3A_814 : vector<16xi32> -> vector<16xf32>
        %and3A_816 = arith.constant -65536 : i32
        %and3A_817 = vector.broadcast %and3A_816 : i32 to vector<16xi32>
        %and3A_818 = arith.andi %get3A_811, %and3A_817 : vector<16xi32>
        %bitcast_convert_type3A_819 = tpu.bitcast %and3A_818 : vector<16xi32> -> vector<16xf32>
        %get3A_820 = arith.constant 1 : i32
        %get3A_821 = arith.index_cast %get3A_820 : i32 to index
        %get3A_822 = arith.index_cast %mul3A_499 : i32 to index
        %get3A_823 = arith.constant 96 : index
        %get3A_824 = tpu.vector_load %arg11[%get3A_821, %get3A_822, %get3A_823] {strides = array<i32>} : memref<2x80x128xf32, #tpu.memory_space<vmem>>, vector<1x1x16xf32>,
        %get3A_825 = vector.shape_cast %get3A_824 : vector<1x1x16xf32> to vector<16xf32>
        %add3A_826 = arith.addf %get3A_825, %bitcast_convert_type3A_815 : vector<16xf32>
        %max3A_827 = arith.constant 0.000000e+00 : f32
        %max3A_828 = vector.broadcast %max3A_827 : f32 to vector<16xf32>
        %max3A_829 = arith.maximumf %add3A_826, %max3A_828 : vector<16xf32>
        %swap3A_830 = arith.constant 1 : i32
        %swap3A_831 = arith.index_cast %swap3A_830 : i32 to index
        %swap3A_832 = arith.index_cast %mul3A_499 : i32 to index
        %swap3A_833 = arith.constant 96 : index
        %swap3A_834 = tpu.vector_load %arg11[%swap3A_831, %swap3A_832, %swap3A_833] {strides = array<i32>} : memref<2x80x128xf32, #tpu.memory_space<vmem>>, vector<1x1x16xf32>,
        %swap3A_835 = vector.shape_cast %swap3A_834 : vector<1x1x16xf32> to vector<16xf32>
        %swap3A_836 = vector.shape_cast %max3A_829 : vector<16xf32> to vector<1x1x16xf32>
        tpu.vector_store %arg11[%swap3A_831, %swap3A_832, %swap3A_833], %swap3A_836 {strides = array<i32>} : memref<2x80x128xf32, #tpu.memory_space<vmem>>, vector<1x1x16xf32>,
        %add3A_837 = arith.constant 1 : i32
        %add3A_838 = arith.addi %mul3A_499, %add3A_837 : i32
        %get3A_839 = arith.constant 1 : i32
        %get3A_840 = arith.index_cast %get3A_839 : i32 to index
        %get3A_841 = arith.index_cast %add3A_838 : i32 to index
        %get3A_842 = arith.constant 96 : index
        %get3A_843 = tpu.vector_load %arg11[%get3A_840, %get3A_841, %get3A_842] {strides = array<i32>} : memref<2x80x128xf32, #tpu.memory_space<vmem>>, vector<1x1x16xf32>,
        %get3A_844 = vector.shape_cast %get3A_843 : vector<1x1x16xf32> to vector<16xf32>
        %add3A_845 = arith.addf %get3A_844, %bitcast_convert_type3A_819 : vector<16xf32>
        %max3A_846 = arith.constant 0.000000e+00 : f32
        %max3A_847 = vector.broadcast %max3A_846 : f32 to vector<16xf32>
        %max3A_848 = arith.maximumf %add3A_845, %max3A_847 : vector<16xf32>
        %add3A_849 = arith.constant 1 : i32
        %add3A_850 = arith.addi %mul3A_499, %add3A_849 : i32
        %swap3A_851 = arith.constant 1 : i32
        %swap3A_852 = arith.index_cast %swap3A_851 : i32 to index
        %swap3A_853 = arith.index_cast %add3A_850 : i32 to index
        %swap3A_854 = arith.constant 96 : index
        %swap3A_855 = tpu.vector_load %arg11[%swap3A_852, %swap3A_853, %swap3A_854] {strides = array<i32>} : memref<2x80x128xf32, #tpu.memory_space<vmem>>, vector<1x1x16xf32>,
        %swap3A_856 = vector.shape_cast %swap3A_855 : vector<1x1x16xf32> to vector<16xf32>
        %swap3A_857 = vector.shape_cast %max3A_848 : vector<16xf32> to vector<1x1x16xf32>
        tpu.vector_store %arg11[%swap3A_852, %swap3A_853, %swap3A_854], %swap3A_857 {strides = array<i32>} : memref<2x80x128xf32, #tpu.memory_space<vmem>>, vector<1x1x16xf32>,
        %get3A_858 = arith.constant 1 : i32
        %get3A_859 = arith.index_cast %get3A_858 : i32 to index
        %get3A_860 = arith.index_cast %scan3A_497 : i32 to index
        %get3A_861 = arith.constant 112 : index
        %get3A_862 = tpu.vector_load %arg10[%get3A_859, %get3A_860, %get3A_861] {strides = array<i32>} : memref<2x40x128xi32, #tpu.memory_space<vmem>>, vector<1x1x16xi32>,
        %get3A_863 = vector.shape_cast %get3A_862 : vector<1x1x16xi32> to vector<16xi32>
        %shift_left3A_864 = arith.constant 16 : i32
        %shift_left3A_865 = vector.broadcast %shift_left3A_864 : i32 to vector<16xi32>
        %shift_left3A_866 = arith.shli %get3A_863, %shift_left3A_865 : vector<16xi32>
        %bitcast_convert_type3A_867 = tpu.bitcast %shift_left3A_866 : vector<16xi32> -> vector<16xf32>
        %and3A_868 = arith.constant -65536 : i32
        %and3A_869 = vector.broadcast %and3A_868 : i32 to vector<16xi32>
        %and3A_870 = arith.andi %get3A_863, %and3A_869 : vector<16xi32>
        %bitcast_convert_type3A_871 = tpu.bitcast %and3A_870 : vector<16xi32> -> vector<16xf32>
        %get3A_872 = arith.constant 1 : i32
        %get3A_873 = arith.index_cast %get3A_872 : i32 to index
        %get3A_874 = arith.index_cast %mul3A_499 : i32 to index
        %get3A_875 = arith.constant 112 : index
        %get3A_876 = tpu.vector_load %arg11[%get3A_873, %get3A_874, %get3A_875] {strides = array<i32>} : memref<2x80x128xf32, #tpu.memory_space<vmem>>, vector<1x1x16xf32>,
        %get3A_877 = vector.shape_cast %get3A_876 : vector<1x1x16xf32> to vector<16xf32>
        %add3A_878 = arith.addf %get3A_877, %bitcast_convert_type3A_867 : vector<16xf32>
        %max3A_879 = arith.constant 0.000000e+00 : f32
        %max3A_880 = vector.broadcast %max3A_879 : f32 to vector<16xf32>
        %max3A_881 = arith.maximumf %add3A_878, %max3A_880 : vector<16xf32>
        %swap3A_882 = arith.constant 1 : i32
        %swap3A_883 = arith.index_cast %swap3A_882 : i32 to index
        %swap3A_884 = arith.index_cast %mul3A_499 : i32 to index
        %swap3A_885 = arith.constant 112 : index
        %swap3A_886 = tpu.vector_load %arg11[%swap3A_883, %swap3A_884, %swap3A_885] {strides = array<i32>} : memref<2x80x128xf32, #tpu.memory_space<vmem>>, vector<1x1x16xf32>,
        %swap3A_887 = vector.shape_cast %swap3A_886 : vector<1x1x16xf32> to vector<16xf32>
        %swap3A_888 = vector.shape_cast %max3A_881 : vector<16xf32> to vector<1x1x16xf32>
        tpu.vector_store %arg11[%swap3A_883, %swap3A_884, %swap3A_885], %swap3A_888 {strides = array<i32>} : memref<2x80x128xf32, #tpu.memory_space<vmem>>, vector<1x1x16xf32>,
        %add3A_889 = arith.constant 1 : i32
        %add3A_890 = arith.addi %mul3A_499, %add3A_889 : i32
        %get3A_891 = arith.constant 1 : i32
        %get3A_892 = arith.index_cast %get3A_891 : i32 to index
        %get3A_893 = arith.index_cast %add3A_890 : i32 to index
        %get3A_894 = arith.constant 112 : index
        %get3A_895 = tpu.vector_load %arg11[%get3A_892, %get3A_893, %get3A_894] {strides = array<i32>} : memref<2x80x128xf32, #tpu.memory_space<vmem>>, vector<1x1x16xf32>,
        %get3A_896 = vector.shape_cast %get3A_895 : vector<1x1x16xf32> to vector<16xf32>
        %add3A_897 = arith.addf %get3A_896, %bitcast_convert_type3A_871 : vector<16xf32>
        %max3A_898 = arith.constant 0.000000e+00 : f32
        %max3A_899 = vector.broadcast %max3A_898 : f32 to vector<16xf32>
        %max3A_900 = arith.maximumf %add3A_897, %max3A_899 : vector<16xf32>
        %add3A_901 = arith.constant 1 : i32
        %add3A_902 = arith.addi %mul3A_499, %add3A_901 : i32
        %swap3A_903 = arith.constant 1 : i32
        %swap3A_904 = arith.index_cast %swap3A_903 : i32 to index
        %swap3A_905 = arith.index_cast %add3A_902 : i32 to index
        %swap3A_906 = arith.constant 112 : index
        %swap3A_907 = tpu.vector_load %arg11[%swap3A_904, %swap3A_905, %swap3A_906] {strides = array<i32>} : memref<2x80x128xf32, #tpu.memory_space<vmem>>, vector<1x1x16xf32>,
        %swap3A_908 = vector.shape_cast %swap3A_907 : vector<1x1x16xf32> to vector<16xf32>
        %swap3A_909 = vector.shape_cast %max3A_900 : vector<16xf32> to vector<1x1x16xf32>
        tpu.vector_store %arg11[%swap3A_904, %swap3A_905, %swap3A_906], %swap3A_909 {strides = array<i32>} : memref<2x80x128xf32, #tpu.memory_space<vmem>>, vector<1x1x16xf32>,
      }
      %scan3A_481 = arith.constant 40 : i32
      %dma_start3A_482 = arith.constant 1 : i32
      %dma_start3A_483 = arith.constant 1 : i32
      %dma_start3A_484 = arith.constant 1 : i32
      %dma_start3A_485 = arith.constant 0 : i32
      %dma_start3A_486 = arith.constant 0 : i32
      %dma_start3A_487 = tpu.memref_slice %arg11[%dma_start3A_482, %dma_start3A_485, %dma_start3A_486] : memref<2x80x128xf32, #tpu.memory_space<vmem>> -> memref<1x80x128xf32, #tpu.memory_space<vmem>>
      %dma_start3A_488 = tpu.memref_squeeze %dma_start3A_487 : memref<1x80x128xf32, #tpu.memory_space<vmem>> -> memref<80x128xf32, #tpu.memory_space<vmem>>
      %dma_start3A_489 = arith.constant 0 : i32
      %dma_start3A_490 = tpu.memref_slice %arg9[%dma_start3A_483, %dma_start3A_489] : memref<2x80xi32, #tpu.memory_space<vmem>> -> memref<1x80xi32, #tpu.memory_space<vmem>>
      %dma_start3A_491 = tpu.memref_squeeze %dma_start3A_490 : memref<1x80xi32, #tpu.memory_space<vmem>> -> memref<80xi32, #tpu.memory_space<vmem>>
      %dma_start3A_492 = arith.constant 0 : i32
      %dma_start3A_493 = arith.constant 0 : i32
      %dma_start3A_494 = tpu.memref_slice %arg12[%dma_start3A_492, %dma_start3A_493] : memref<10112x128xf32, #tpu.memory_space<vmem_shared>> -> memref<10112x128xf32, #tpu.memory_space<vmem_shared>>
      %dma_start3A_495 = tpu.memref_slice %arg15[%dma_start3A_484] : memref<2x!tpu.dma_semaphore, #tpu.memory_space<semaphore_mem>> -> memref<1x!tpu.dma_semaphore, #tpu.memory_space<semaphore_mem>>
      %dma_start3A_496 = tpu.memref_squeeze %dma_start3A_495 : memref<1x!tpu.dma_semaphore, #tpu.memory_space<semaphore_mem>> -> memref<!tpu.dma_semaphore, #tpu.memory_space<semaphore_mem>>
      tpu.enqueue_indirect_dma source(%dma_start3A_488 : memref<80x128xf32, #tpu.memory_space<vmem>>) target(%dma_start3A_494 : memref<10112x128xf32, #tpu.memory_space<vmem_shared>>) offsets(%dma_start3A_491 : memref<80xi32, #tpu.memory_space<vmem>>) semaphore(%dma_start3A_496 : memref<!tpu.dma_semaphore, #tpu.memory_space<semaphore_mem>>) {add = true}
    }
    %scan3A_54 = arith.constant 62 : i32
    %add3A_55 = arith.constant 9920 : i32
    %add3A_56 = arith.addi %mul3A_4, %add3A_55 : i32
    %add3A_57 = arith.constant 4960 : i32
    %add3A_58 = arith.addi %mul3A_6, %add3A_57 : i32
    %multiple_of3A_59 = tpu.assume_multiple %add3A_58, 8 : i32
    %dma_wait3A = arith.constant 0 : i32
    %dma_wait3A_60 = arith.constant 0 : i32
    %dma_wait3A_61 = arith.constant 0 : i32
    %dma_wait3A_62 = tpu.memref_slice %arg8[%dma_wait3A, %dma_wait3A_61] : memref<2x80xi32, #tpu.memory_space<vmem>> -> memref<1x80xi32, #tpu.memory_space<vmem>>
    %dma_wait3A_63 = tpu.memref_squeeze %dma_wait3A_62 : memref<1x80xi32, #tpu.memory_space<vmem>> -> memref<80xi32, #tpu.memory_space<vmem>>
    %dma_wait3A_64 = tpu.memref_slice %arg4[%add3A_56] : memref<320000xi32, #tpu.memory_space<hbm>> -> memref<80xi32, #tpu.memory_space<hbm>>
    %dma_wait3A_65 = tpu.memref_slice %arg13[%dma_wait3A_60] : memref<2x!tpu.dma_semaphore, #tpu.memory_space<semaphore_mem>> -> memref<1x!tpu.dma_semaphore, #tpu.memory_space<semaphore_mem>>
    %dma_wait3A_66 = tpu.memref_squeeze %dma_wait3A_65 : memref<1x!tpu.dma_semaphore, #tpu.memory_space<semaphore_mem>> -> memref<!tpu.dma_semaphore, #tpu.memory_space<semaphore_mem>>
    %dma_wait3A_67 = arith.constant 0 : i32
    %dma_wait3A_68 = tpu.memref_slice %arg8[%dma_wait3A, %dma_wait3A_67] : memref<2x80xi32, #tpu.memory_space<vmem>> -> memref<1x80xi32, #tpu.memory_space<vmem>>
    %dma_wait3A_69 = tpu.memref_squeeze %dma_wait3A_68 : memref<1x80xi32, #tpu.memory_space<vmem>> -> memref<80xi32, #tpu.memory_space<vmem>>
    %dma_wait3A_70 = tpu.memref_slice %arg4[%add3A_56] : memref<320000xi32, #tpu.memory_space<hbm>> -> memref<80xi32, #tpu.memory_space<hbm>>
    tpu.wait_dma2 semaphore(%dma_wait3A_66 : memref<!tpu.dma_semaphore, #tpu.memory_space<semaphore_mem>>) src(%dma_wait3A_70 : memref<80xi32, #tpu.memory_space<hbm>>) dst(%dma_wait3A_69 : memref<80xi32, #tpu.memory_space<vmem>>)
    %dma_wait3A_71 = arith.constant 0 : i32
    %dma_wait3A_72 = arith.constant 0 : i32
    %dma_wait3A_73 = arith.constant 0 : i32
    %dma_wait3A_74 = tpu.memref_slice %arg9[%dma_wait3A_71, %dma_wait3A_73] : memref<2x80xi32, #tpu.memory_space<vmem>> -> memref<1x80xi32, #tpu.memory_space<vmem>>
    %dma_wait3A_75 = tpu.memref_squeeze %dma_wait3A_74 : memref<1x80xi32, #tpu.memory_space<vmem>> -> memref<80xi32, #tpu.memory_space<vmem>>
    %dma_wait3A_76 = tpu.memref_slice %arg5[%add3A_56] : memref<320000xi32, #tpu.memory_space<hbm>> -> memref<80xi32, #tpu.memory_space<hbm>>
    %dma_wait3A_77 = tpu.memref_slice %arg13[%dma_wait3A_72] : memref<2x!tpu.dma_semaphore, #tpu.memory_space<semaphore_mem>> -> memref<1x!tpu.dma_semaphore, #tpu.memory_space<semaphore_mem>>
    %dma_wait3A_78 = tpu.memref_squeeze %dma_wait3A_77 : memref<1x!tpu.dma_semaphore, #tpu.memory_space<semaphore_mem>> -> memref<!tpu.dma_semaphore, #tpu.memory_space<semaphore_mem>>
    %dma_wait3A_79 = arith.constant 0 : i32
    %dma_wait3A_80 = tpu.memref_slice %arg9[%dma_wait3A_71, %dma_wait3A_79] : memref<2x80xi32, #tpu.memory_space<vmem>> -> memref<1x80xi32, #tpu.memory_space<vmem>>
    %dma_wait3A_81 = tpu.memref_squeeze %dma_wait3A_80 : memref<1x80xi32, #tpu.memory_space<vmem>> -> memref<80xi32, #tpu.memory_space<vmem>>
    %dma_wait3A_82 = tpu.memref_slice %arg5[%add3A_56] : memref<320000xi32, #tpu.memory_space<hbm>> -> memref<80xi32, #tpu.memory_space<hbm>>
    tpu.wait_dma2 semaphore(%dma_wait3A_78 : memref<!tpu.dma_semaphore, #tpu.memory_space<semaphore_mem>>) src(%dma_wait3A_82 : memref<80xi32, #tpu.memory_space<hbm>>) dst(%dma_wait3A_81 : memref<80xi32, #tpu.memory_space<vmem>>)
    %dma_wait3A_83 = arith.constant 0 : i32
    %dma_wait3A_84 = arith.constant 0 : i32
    %dma_wait3A_85 = arith.constant 0 : i32
    %dma_wait3A_86 = arith.constant 0 : i32
    %dma_wait3A_87 = tpu.memref_slice %arg10[%dma_wait3A_83, %dma_wait3A_85, %dma_wait3A_86] : memref<2x40x128xi32, #tpu.memory_space<vmem>> -> memref<1x40x128xi32, #tpu.memory_space<vmem>>
    %dma_wait3A_88 = tpu.memref_squeeze %dma_wait3A_87 : memref<1x40x128xi32, #tpu.memory_space<vmem>> -> memref<40x128xi32, #tpu.memory_space<vmem>>
    %dma_wait3A_89 = arith.constant 0 : i32
    %dma_wait3A_90 = tpu.memref_slice %arg3[%multiple_of3A_59, %dma_wait3A_89] : memref<160000x128xi32, #tpu.memory_space<hbm>> -> memref<40x128xi32, #tpu.memory_space<hbm>>
    %dma_wait3A_91 = tpu.memref_slice %arg13[%dma_wait3A_84] : memref<2x!tpu.dma_semaphore, #tpu.memory_space<semaphore_mem>> -> memref<1x!tpu.dma_semaphore, #tpu.memory_space<semaphore_mem>>
    %dma_wait3A_92 = tpu.memref_squeeze %dma_wait3A_91 : memref<1x!tpu.dma_semaphore, #tpu.memory_space<semaphore_mem>> -> memref<!tpu.dma_semaphore, #tpu.memory_space<semaphore_mem>>
    %dma_wait3A_93 = arith.constant 0 : i32
    %dma_wait3A_94 = arith.constant 0 : i32
    %dma_wait3A_95 = tpu.memref_slice %arg10[%dma_wait3A_83, %dma_wait3A_93, %dma_wait3A_94] : memref<2x40x128xi32, #tpu.memory_space<vmem>> -> memref<1x40x128xi32, #tpu.memory_space<vmem>>
    %dma_wait3A_96 = tpu.memref_squeeze %dma_wait3A_95 : memref<1x40x128xi32, #tpu.memory_space<vmem>> -> memref<40x128xi32, #tpu.memory_space<vmem>>
    %dma_wait3A_97 = arith.constant 0 : i32
    %dma_wait3A_98 = tpu.memref_slice %arg3[%multiple_of3A_59, %dma_wait3A_97] : memref<160000x128xi32, #tpu.memory_space<hbm>> -> memref<40x128xi32, #tpu.memory_space<hbm>>
    tpu.wait_dma2 semaphore(%dma_wait3A_92 : memref<!tpu.dma_semaphore, #tpu.memory_space<semaphore_mem>>) src(%dma_wait3A_98 : memref<40x128xi32, #tpu.memory_space<hbm>>) dst(%dma_wait3A_96 : memref<40x128xi32, #tpu.memory_space<vmem>>)
    %dma_start3A_99 = arith.constant 0 : i32
    %dma_start3A_100 = arith.constant 0 : i32
    %dma_start3A_101 = arith.constant 0 : i32
    %dma_start3A_102 = arith.constant 0 : i32
    %dma_start3A_103 = arith.constant 0 : i32
    %dma_start3A_104 = tpu.memref_slice %arg11[%dma_start3A_100, %dma_start3A_102, %dma_start3A_103] : memref<2x80x128xf32, #tpu.memory_space<vmem>> -> memref<1x80x128xf32, #tpu.memory_space<vmem>>
    %dma_start3A_105 = tpu.memref_squeeze %dma_start3A_104 : memref<1x80x128xf32, #tpu.memory_space<vmem>> -> memref<80x128xf32, #tpu.memory_space<vmem>>
    %dma_start3A_106 = arith.constant 0 : i32
    %dma_start3A_107 = tpu.memref_slice %arg8[%dma_start3A_99, %dma_start3A_106] : memref<2x80xi32, #tpu.memory_space<vmem>> -> memref<1x80xi32, #tpu.memory_space<vmem>>
    %dma_start3A_108 = tpu.memref_squeeze %dma_start3A_107 : memref<1x80xi32, #tpu.memory_space<vmem>> -> memref<80xi32, #tpu.memory_space<vmem>>
    %dma_start3A_109 = arith.constant 0 : i32
    %dma_start3A_110 = arith.constant 0 : i32
    %dma_start3A_111 = tpu.memref_slice %arg2[%dma_start3A_109, %dma_start3A_110] : memref<10000x128xf32, #tpu.memory_space<hbm>> -> memref<10000x128xf32, #tpu.memory_space<hbm>>
    %dma_start3A_112 = tpu.memref_slice %arg14[%dma_start3A_101] : memref<2x!tpu.dma_semaphore, #tpu.memory_space<semaphore_mem>> -> memref<1x!tpu.dma_semaphore, #tpu.memory_space<semaphore_mem>>
    %dma_start3A_113 = tpu.memref_squeeze %dma_start3A_112 : memref<1x!tpu.dma_semaphore, #tpu.memory_space<semaphore_mem>> -> memref<!tpu.dma_semaphore, #tpu.memory_space<semaphore_mem>>
    tpu.enqueue_indirect_dma source(%dma_start3A_111 : memref<10000x128xf32, #tpu.memory_space<hbm>>) target(%dma_start3A_105 : memref<80x128xf32, #tpu.memory_space<vmem>>) offsets(%dma_start3A_108 : memref<80xi32, #tpu.memory_space<vmem>>) semaphore(%dma_start3A_113 : memref<!tpu.dma_semaphore, #tpu.memory_space<semaphore_mem>>)
    %dma_wait3A_114 = arith.constant 1 : i32
    %dma_wait3A_115 = arith.constant 1 : i32
    %dma_wait3A_116 = arith.constant 1 : i32
    %dma_wait3A_117 = arith.constant 0 : i32
    %dma_wait3A_118 = arith.constant 0 : i32
    %dma_wait3A_119 = tpu.memref_slice %arg11[%dma_wait3A_114, %dma_wait3A_117, %dma_wait3A_118] : memref<2x80x128xf32, #tpu.memory_space<vmem>> -> memref<1x80x128xf32, #tpu.memory_space<vmem>>
    %dma_wait3A_120 = tpu.memref_squeeze %dma_wait3A_119 : memref<1x80x128xf32, #tpu.memory_space<vmem>> -> memref<80x128xf32, #tpu.memory_space<vmem>>
    %dma_wait3A_121 = arith.constant 0 : i32
    %dma_wait3A_122 = tpu.memref_slice %arg9[%dma_wait3A_115, %dma_wait3A_121] : memref<2x80xi32, #tpu.memory_space<vmem>> -> memref<1x80xi32, #tpu.memory_space<vmem>>
    %dma_wait3A_123 = tpu.memref_squeeze %dma_wait3A_122 : memref<1x80xi32, #tpu.memory_space<vmem>> -> memref<80xi32, #tpu.memory_space<vmem>>
    %dma_wait3A_124 = arith.constant 0 : i32
    %dma_wait3A_125 = arith.constant 0 : i32
    %dma_wait3A_126 = tpu.memref_slice %arg12[%dma_wait3A_124, %dma_wait3A_125] : memref<10112x128xf32, #tpu.memory_space<vmem_shared>> -> memref<10112x128xf32, #tpu.memory_space<vmem_shared>>
    %dma_wait3A_127 = tpu.memref_slice %arg15[%dma_wait3A_116] : memref<2x!tpu.dma_semaphore, #tpu.memory_space<semaphore_mem>> -> memref<1x!tpu.dma_semaphore, #tpu.memory_space<semaphore_mem>>
    %dma_wait3A_128 = tpu.memref_squeeze %dma_wait3A_127 : memref<1x!tpu.dma_semaphore, #tpu.memory_space<semaphore_mem>> -> memref<!tpu.dma_semaphore, #tpu.memory_space<semaphore_mem>>
    tpu.wait_indirect_dma semaphore(%dma_wait3A_128 : memref<!tpu.dma_semaphore, #tpu.memory_space<semaphore_mem>>) src(%dma_wait3A_120 : memref<80x128xf32, #tpu.memory_space<vmem>>) dst(%dma_wait3A_126 : memref<10112x128xf32, #tpu.memory_space<vmem_shared>>)
    %dma_wait3A_129 = arith.constant 0 : i32
    %dma_wait3A_130 = arith.constant 0 : i32
    %dma_wait3A_131 = arith.constant 0 : i32
    %dma_wait3A_132 = arith.constant 0 : i32
    %dma_wait3A_133 = arith.constant 0 : i32
    %dma_wait3A_134 = tpu.memref_slice %arg11[%dma_wait3A_130, %dma_wait3A_132, %dma_wait3A_133] : memref<2x80x128xf32, #tpu.memory_space<vmem>> -> memref<1x80x128xf32, #tpu.memory_space<vmem>>
    %dma_wait3A_135 = tpu.memref_squeeze %dma_wait3A_134 : memref<1x80x128xf32, #tpu.memory_space<vmem>> -> memref<80x128xf32, #tpu.memory_space<vmem>>
    %dma_wait3A_136 = arith.constant 0 : i32
    %dma_wait3A_137 = tpu.memref_slice %arg8[%dma_wait3A_129, %dma_wait3A_136] : memref<2x80xi32, #tpu.memory_space<vmem>> -> memref<1x80xi32, #tpu.memory_space<vmem>>
    %dma_wait3A_138 = tpu.memref_squeeze %dma_wait3A_137 : memref<1x80xi32, #tpu.memory_space<vmem>> -> memref<80xi32, #tpu.memory_space<vmem>>
    %dma_wait3A_139 = arith.constant 0 : i32
    %dma_wait3A_140 = arith.constant 0 : i32
    %dma_wait3A_141 = tpu.memref_slice %arg2[%dma_wait3A_139, %dma_wait3A_140] : memref<10000x128xf32, #tpu.memory_space<hbm>> -> memref<10000x128xf32, #tpu.memory_space<hbm>>
    %dma_wait3A_142 = tpu.memref_slice %arg14[%dma_wait3A_131] : memref<2x!tpu.dma_semaphore, #tpu.memory_space<semaphore_mem>> -> memref<1x!tpu.dma_semaphore, #tpu.memory_space<semaphore_mem>>
    %dma_wait3A_143 = tpu.memref_squeeze %dma_wait3A_142 : memref<1x!tpu.dma_semaphore, #tpu.memory_space<semaphore_mem>> -> memref<!tpu.dma_semaphore, #tpu.memory_space<semaphore_mem>>
    tpu.wait_indirect_dma semaphore(%dma_wait3A_143 : memref<!tpu.dma_semaphore, #tpu.memory_space<semaphore_mem>>) src(%dma_wait3A_141 : memref<10000x128xf32, #tpu.memory_space<hbm>>) dst(%dma_wait3A_135 : memref<80x128xf32, #tpu.memory_space<vmem>>)
    %scan3A_144 = arith.constant 0 : i32
    %scan3A_145 = arith.constant 0 : i32
    %scan3A_146 = arith.constant 40 : i32
    %scan3A_147 = arith.addi %scan3A_145, %scan3A_146 : i32
    %scan3A_148 = arith.constant 1 : i32
    scf.for %scan3A_181 = %scan3A_145 to %scan3A_147 step %scan3A_148  : i32 {
      %mul3A_182 = arith.constant 2 : i32
      %mul3A_183 = arith.muli %scan3A_181, %mul3A_182 : i32
      %get3A = arith.constant 0 : i32
      %get3A_184 = arith.index_cast %get3A : i32 to index
      %get3A_185 = arith.index_cast %scan3A_181 : i32 to index
      %get3A_186 = arith.constant 0 : index
      %get3A_187 = tpu.vector_load %arg10[%get3A_184, %get3A_185, %get3A_186] {strides = array<i32>} : memref<2x40x128xi32, #tpu.memory_space<vmem>>, vector<1x1x16xi32>,
      %get3A_188 = vector.shape_cast %get3A_187 : vector<1x1x16xi32> to vector<16xi32>
      %shift_left3A = arith.constant 16 : i32
      %shift_left3A_189 = vector.broadcast %shift_left3A : i32 to vector<16xi32>
      %shift_left3A_190 = arith.shli %get3A_188, %shift_left3A_189 : vector<16xi32>
      %bitcast_convert_type3A = tpu.bitcast %shift_left3A_190 : vector<16xi32> -> vector<16xf32>
      %and3A = arith.constant -65536 : i32
      %and3A_191 = vector.broadcast %and3A : i32 to vector<16xi32>
      %and3A_192 = arith.andi %get3A_188, %and3A_191 : vector<16xi32>
      %bitcast_convert_type3A_193 = tpu.bitcast %and3A_192 : vector<16xi32> -> vector<16xf32>
      %get3A_194 = arith.constant 0 : i32
      %get3A_195 = arith.index_cast %get3A_194 : i32 to index
      %get3A_196 = arith.index_cast %mul3A_183 : i32 to index
      %get3A_197 = arith.constant 0 : index
      %get3A_198 = tpu.vector_load %arg11[%get3A_195, %get3A_196, %get3A_197] {strides = array<i32>} : memref<2x80x128xf32, #tpu.memory_space<vmem>>, vector<1x1x16xf32>,
      %get3A_199 = vector.shape_cast %get3A_198 : vector<1x1x16xf32> to vector<16xf32>
      %add3A_200 = arith.addf %get3A_199, %bitcast_convert_type3A : vector<16xf32>
      %max3A = arith.constant 0.000000e+00 : f32
      %max3A_201 = vector.broadcast %max3A : f32 to vector<16xf32>
      %max3A_202 = arith.maximumf %add3A_200, %max3A_201 : vector<16xf32>
      %swap3A = arith.constant 0 : i32
      %swap3A_203 = arith.index_cast %swap3A : i32 to index
      %swap3A_204 = arith.index_cast %mul3A_183 : i32 to index
      %swap3A_205 = arith.constant 0 : index
      %swap3A_206 = tpu.vector_load %arg11[%swap3A_203, %swap3A_204, %swap3A_205] {strides = array<i32>} : memref<2x80x128xf32, #tpu.memory_space<vmem>>, vector<1x1x16xf32>,
      %swap3A_207 = vector.shape_cast %swap3A_206 : vector<1x1x16xf32> to vector<16xf32>
      %swap3A_208 = vector.shape_cast %max3A_202 : vector<16xf32> to vector<1x1x16xf32>
      tpu.vector_store %arg11[%swap3A_203, %swap3A_204, %swap3A_205], %swap3A_208 {strides = array<i32>} : memref<2x80x128xf32, #tpu.memory_space<vmem>>, vector<1x1x16xf32>,
      %add3A_209 = arith.constant 1 : i32
      %add3A_210 = arith.addi %mul3A_183, %add3A_209 : i32
      %get3A_211 = arith.constant 0 : i32
      %get3A_212 = arith.index_cast %get3A_211 : i32 to index
      %get3A_213 = arith.index_cast %add3A_210 : i32 to index
      %get3A_214 = arith.constant 0 : index
      %get3A_215 = tpu.vector_load %arg11[%get3A_212, %get3A_213, %get3A_214] {strides = array<i32>} : memref<2x80x128xf32, #tpu.memory_space<vmem>>, vector<1x1x16xf32>,
      %get3A_216 = vector.shape_cast %get3A_215 : vector<1x1x16xf32> to vector<16xf32>
      %add3A_217 = arith.addf %get3A_216, %bitcast_convert_type3A_193 : vector<16xf32>
      %max3A_218 = arith.constant 0.000000e+00 : f32
      %max3A_219 = vector.broadcast %max3A_218 : f32 to vector<16xf32>
      %max3A_220 = arith.maximumf %add3A_217, %max3A_219 : vector<16xf32>
      %add3A_221 = arith.constant 1 : i32
      %add3A_222 = arith.addi %mul3A_183, %add3A_221 : i32
      %swap3A_223 = arith.constant 0 : i32
      %swap3A_224 = arith.index_cast %swap3A_223 : i32 to index
      %swap3A_225 = arith.index_cast %add3A_222 : i32 to index
      %swap3A_226 = arith.constant 0 : index
      %swap3A_227 = tpu.vector_load %arg11[%swap3A_224, %swap3A_225, %swap3A_226] {strides = array<i32>} : memref<2x80x128xf32, #tpu.memory_space<vmem>>, vector<1x1x16xf32>,
      %swap3A_228 = vector.shape_cast %swap3A_227 : vector<1x1x16xf32> to vector<16xf32>
      %swap3A_229 = vector.shape_cast %max3A_220 : vector<16xf32> to vector<1x1x16xf32>
      tpu.vector_store %arg11[%swap3A_224, %swap3A_225, %swap3A_226], %swap3A_229 {strides = array<i32>} : memref<2x80x128xf32, #tpu.memory_space<vmem>>, vector<1x1x16xf32>,
      %get3A_230 = arith.constant 0 : i32
      %get3A_231 = arith.index_cast %get3A_230 : i32 to index
      %get3A_232 = arith.index_cast %scan3A_181 : i32 to index
      %get3A_233 = arith.constant 16 : index
      %get3A_234 = tpu.vector_load %arg10[%get3A_231, %get3A_232, %get3A_233] {strides = array<i32>} : memref<2x40x128xi32, #tpu.memory_space<vmem>>, vector<1x1x16xi32>,
      %get3A_235 = vector.shape_cast %get3A_234 : vector<1x1x16xi32> to vector<16xi32>
      %shift_left3A_236 = arith.constant 16 : i32
      %shift_left3A_237 = vector.broadcast %shift_left3A_236 : i32 to vector<16xi32>
      %shift_left3A_238 = arith.shli %get3A_235, %shift_left3A_237 : vector<16xi32>
      %bitcast_convert_type3A_239 = tpu.bitcast %shift_left3A_238 : vector<16xi32> -> vector<16xf32>
      %and3A_240 = arith.constant -65536 : i32
      %and3A_241 = vector.broadcast %and3A_240 : i32 to vector<16xi32>
      %and3A_242 = arith.andi %get3A_235, %and3A_241 : vector<16xi32>
      %bitcast_convert_type3A_243 = tpu.bitcast %and3A_242 : vector<16xi32> -> vector<16xf32>
      %get3A_244 = arith.constant 0 : i32
      %get3A_245 = arith.index_cast %get3A_244 : i32 to index
      %get3A_246 = arith.index_cast %mul3A_183 : i32 to index
      %get3A_247 = arith.constant 16 : index
      %get3A_248 = tpu.vector_load %arg11[%get3A_245, %get3A_246, %get3A_247] {strides = array<i32>} : memref<2x80x128xf32, #tpu.memory_space<vmem>>, vector<1x1x16xf32>,
      %get3A_249 = vector.shape_cast %get3A_248 : vector<1x1x16xf32> to vector<16xf32>
      %add3A_250 = arith.addf %get3A_249, %bitcast_convert_type3A_239 : vector<16xf32>
      %max3A_251 = arith.constant 0.000000e+00 : f32
      %max3A_252 = vector.broadcast %max3A_251 : f32 to vector<16xf32>
      %max3A_253 = arith.maximumf %add3A_250, %max3A_252 : vector<16xf32>
      %swap3A_254 = arith.constant 0 : i32
      %swap3A_255 = arith.index_cast %swap3A_254 : i32 to index
      %swap3A_256 = arith.index_cast %mul3A_183 : i32 to index
      %swap3A_257 = arith.constant 16 : index
      %swap3A_258 = tpu.vector_load %arg11[%swap3A_255, %swap3A_256, %swap3A_257] {strides = array<i32>} : memref<2x80x128xf32, #tpu.memory_space<vmem>>, vector<1x1x16xf32>,
      %swap3A_259 = vector.shape_cast %swap3A_258 : vector<1x1x16xf32> to vector<16xf32>
      %swap3A_260 = vector.shape_cast %max3A_253 : vector<16xf32> to vector<1x1x16xf32>
      tpu.vector_store %arg11[%swap3A_255, %swap3A_256, %swap3A_257], %swap3A_260 {strides = array<i32>} : memref<2x80x128xf32, #tpu.memory_space<vmem>>, vector<1x1x16xf32>,
      %add3A_261 = arith.constant 1 : i32
      %add3A_262 = arith.addi %mul3A_183, %add3A_261 : i32
      %get3A_263 = arith.constant 0 : i32
      %get3A_264 = arith.index_cast %get3A_263 : i32 to index
      %get3A_265 = arith.index_cast %add3A_262 : i32 to index
      %get3A_266 = arith.constant 16 : index
      %get3A_267 = tpu.vector_load %arg11[%get3A_264, %get3A_265, %get3A_266] {strides = array<i32>} : memref<2x80x128xf32, #tpu.memory_space<vmem>>, vector<1x1x16xf32>,
      %get3A_268 = vector.shape_cast %get3A_267 : vector<1x1x16xf32> to vector<16xf32>
      %add3A_269 = arith.addf %get3A_268, %bitcast_convert_type3A_243 : vector<16xf32>
      %max3A_270 = arith.constant 0.000000e+00 : f32
      %max3A_271 = vector.broadcast %max3A_270 : f32 to vector<16xf32>
      %max3A_272 = arith.maximumf %add3A_269, %max3A_271 : vector<16xf32>
      %add3A_273 = arith.constant 1 : i32
      %add3A_274 = arith.addi %mul3A_183, %add3A_273 : i32
      %swap3A_275 = arith.constant 0 : i32
      %swap3A_276 = arith.index_cast %swap3A_275 : i32 to index
      %swap3A_277 = arith.index_cast %add3A_274 : i32 to index
      %swap3A_278 = arith.constant 16 : index
      %swap3A_279 = tpu.vector_load %arg11[%swap3A_276, %swap3A_277, %swap3A_278] {strides = array<i32>} : memref<2x80x128xf32, #tpu.memory_space<vmem>>, vector<1x1x16xf32>,
      %swap3A_280 = vector.shape_cast %swap3A_279 : vector<1x1x16xf32> to vector<16xf32>
      %swap3A_281 = vector.shape_cast %max3A_272 : vector<16xf32> to vector<1x1x16xf32>
      tpu.vector_store %arg11[%swap3A_276, %swap3A_277, %swap3A_278], %swap3A_281 {strides = array<i32>} : memref<2x80x128xf32, #tpu.memory_space<vmem>>, vector<1x1x16xf32>,
      %get3A_282 = arith.constant 0 : i32
      %get3A_283 = arith.index_cast %get3A_282 : i32 to index
      %get3A_284 = arith.index_cast %scan3A_181 : i32 to index
      %get3A_285 = arith.constant 32 : index
      %get3A_286 = tpu.vector_load %arg10[%get3A_283, %get3A_284, %get3A_285] {strides = array<i32>} : memref<2x40x128xi32, #tpu.memory_space<vmem>>, vector<1x1x16xi32>,
      %get3A_287 = vector.shape_cast %get3A_286 : vector<1x1x16xi32> to vector<16xi32>
      %shift_left3A_288 = arith.constant 16 : i32
      %shift_left3A_289 = vector.broadcast %shift_left3A_288 : i32 to vector<16xi32>
      %shift_left3A_290 = arith.shli %get3A_287, %shift_left3A_289 : vector<16xi32>
      %bitcast_convert_type3A_291 = tpu.bitcast %shift_left3A_290 : vector<16xi32> -> vector<16xf32>
      %and3A_292 = arith.constant -65536 : i32
      %and3A_293 = vector.broadcast %and3A_292 : i32 to vector<16xi32>
      %and3A_294 = arith.andi %get3A_287, %and3A_293 : vector<16xi32>
      %bitcast_convert_type3A_295 = tpu.bitcast %and3A_294 : vector<16xi32> -> vector<16xf32>
      %get3A_296 = arith.constant 0 : i32
      %get3A_297 = arith.index_cast %get3A_296 : i32 to index
      %get3A_298 = arith.index_cast %mul3A_183 : i32 to index
      %get3A_299 = arith.constant 32 : index
      %get3A_300 = tpu.vector_load %arg11[%get3A_297, %get3A_298, %get3A_299] {strides = array<i32>} : memref<2x80x128xf32, #tpu.memory_space<vmem>>, vector<1x1x16xf32>,
      %get3A_301 = vector.shape_cast %get3A_300 : vector<1x1x16xf32> to vector<16xf32>
      %add3A_302 = arith.addf %get3A_301, %bitcast_convert_type3A_291 : vector<16xf32>
      %max3A_303 = arith.constant 0.000000e+00 : f32
      %max3A_304 = vector.broadcast %max3A_303 : f32 to vector<16xf32>
      %max3A_305 = arith.maximumf %add3A_302, %max3A_304 : vector<16xf32>
      %swap3A_306 = arith.constant 0 : i32
      %swap3A_307 = arith.index_cast %swap3A_306 : i32 to index
      %swap3A_308 = arith.index_cast %mul3A_183 : i32 to index
      %swap3A_309 = arith.constant 32 : index
      %swap3A_310 = tpu.vector_load %arg11[%swap3A_307, %swap3A_308, %swap3A_309] {strides = array<i32>} : memref<2x80x128xf32, #tpu.memory_space<vmem>>, vector<1x1x16xf32>,
      %swap3A_311 = vector.shape_cast %swap3A_310 : vector<1x1x16xf32> to vector<16xf32>
      %swap3A_312 = vector.shape_cast %max3A_305 : vector<16xf32> to vector<1x1x16xf32>
      tpu.vector_store %arg11[%swap3A_307, %swap3A_308, %swap3A_309], %swap3A_312 {strides = array<i32>} : memref<2x80x128xf32, #tpu.memory_space<vmem>>, vector<1x1x16xf32>,
      %add3A_313 = arith.constant 1 : i32
      %add3A_314 = arith.addi %mul3A_183, %add3A_313 : i32
      %get3A_315 = arith.constant 0 : i32
      %get3A_316 = arith.index_cast %get3A_315 : i32 to index
      %get3A_317 = arith.index_cast %add3A_314 : i32 to index
      %get3A_318 = arith.constant 32 : index
      %get3A_319 = tpu.vector_load %arg11[%get3A_316, %get3A_317, %get3A_318] {strides = array<i32>} : memref<2x80x128xf32, #tpu.memory_space<vmem>>, vector<1x1x16xf32>,
      %get3A_320 = vector.shape_cast %get3A_319 : vector<1x1x16xf32> to vector<16xf32>
      %add3A_321 = arith.addf %get3A_320, %bitcast_convert_type3A_295 : vector<16xf32>
      %max3A_322 = arith.constant 0.000000e+00 : f32
      %max3A_323 = vector.broadcast %max3A_322 : f32 to vector<16xf32>
      %max3A_324 = arith.maximumf %add3A_321, %max3A_323 : vector<16xf32>
      %add3A_325 = arith.constant 1 : i32
      %add3A_326 = arith.addi %mul3A_183, %add3A_325 : i32
      %swap3A_327 = arith.constant 0 : i32
      %swap3A_328 = arith.index_cast %swap3A_327 : i32 to index
      %swap3A_329 = arith.index_cast %add3A_326 : i32 to index
      %swap3A_330 = arith.constant 32 : index
      %swap3A_331 = tpu.vector_load %arg11[%swap3A_328, %swap3A_329, %swap3A_330] {strides = array<i32>} : memref<2x80x128xf32, #tpu.memory_space<vmem>>, vector<1x1x16xf32>,
      %swap3A_332 = vector.shape_cast %swap3A_331 : vector<1x1x16xf32> to vector<16xf32>
      %swap3A_333 = vector.shape_cast %max3A_324 : vector<16xf32> to vector<1x1x16xf32>
      tpu.vector_store %arg11[%swap3A_328, %swap3A_329, %swap3A_330], %swap3A_333 {strides = array<i32>} : memref<2x80x128xf32, #tpu.memory_space<vmem>>, vector<1x1x16xf32>,
      %get3A_334 = arith.constant 0 : i32
      %get3A_335 = arith.index_cast %get3A_334 : i32 to index
      %get3A_336 = arith.index_cast %scan3A_181 : i32 to index
      %get3A_337 = arith.constant 48 : index
      %get3A_338 = tpu.vector_load %arg10[%get3A_335, %get3A_336, %get3A_337] {strides = array<i32>} : memref<2x40x128xi32, #tpu.memory_space<vmem>>, vector<1x1x16xi32>,
      %get3A_339 = vector.shape_cast %get3A_338 : vector<1x1x16xi32> to vector<16xi32>
      %shift_left3A_340 = arith.constant 16 : i32
      %shift_left3A_341 = vector.broadcast %shift_left3A_340 : i32 to vector<16xi32>
      %shift_left3A_342 = arith.shli %get3A_339, %shift_left3A_341 : vector<16xi32>
      %bitcast_convert_type3A_343 = tpu.bitcast %shift_left3A_342 : vector<16xi32> -> vector<16xf32>
      %and3A_344 = arith.constant -65536 : i32
      %and3A_345 = vector.broadcast %and3A_344 : i32 to vector<16xi32>
      %and3A_346 = arith.andi %get3A_339, %and3A_345 : vector<16xi32>
      %bitcast_convert_type3A_347 = tpu.bitcast %and3A_346 : vector<16xi32> -> vector<16xf32>
      %get3A_348 = arith.constant 0 : i32
      %get3A_349 = arith.index_cast %get3A_348 : i32 to index
      %get3A_350 = arith.index_cast %mul3A_183 : i32 to index
      %get3A_351 = arith.constant 48 : index
      %get3A_352 = tpu.vector_load %arg11[%get3A_349, %get3A_350, %get3A_351] {strides = array<i32>} : memref<2x80x128xf32, #tpu.memory_space<vmem>>, vector<1x1x16xf32>,
      %get3A_353 = vector.shape_cast %get3A_352 : vector<1x1x16xf32> to vector<16xf32>
      %add3A_354 = arith.addf %get3A_353, %bitcast_convert_type3A_343 : vector<16xf32>
      %max3A_355 = arith.constant 0.000000e+00 : f32
      %max3A_356 = vector.broadcast %max3A_355 : f32 to vector<16xf32>
      %max3A_357 = arith.maximumf %add3A_354, %max3A_356 : vector<16xf32>
      %swap3A_358 = arith.constant 0 : i32
      %swap3A_359 = arith.index_cast %swap3A_358 : i32 to index
      %swap3A_360 = arith.index_cast %mul3A_183 : i32 to index
      %swap3A_361 = arith.constant 48 : index
      %swap3A_362 = tpu.vector_load %arg11[%swap3A_359, %swap3A_360, %swap3A_361] {strides = array<i32>} : memref<2x80x128xf32, #tpu.memory_space<vmem>>, vector<1x1x16xf32>,
      %swap3A_363 = vector.shape_cast %swap3A_362 : vector<1x1x16xf32> to vector<16xf32>
      %swap3A_364 = vector.shape_cast %max3A_357 : vector<16xf32> to vector<1x1x16xf32>
      tpu.vector_store %arg11[%swap3A_359, %swap3A_360, %swap3A_361], %swap3A_364 {strides = array<i32>} : memref<2x80x128xf32, #tpu.memory_space<vmem>>, vector<1x1x16xf32>,
      %add3A_365 = arith.constant 1 : i32
      %add3A_366 = arith.addi %mul3A_183, %add3A_365 : i32
      %get3A_367 = arith.constant 0 : i32
      %get3A_368 = arith.index_cast %get3A_367 : i32 to index
      %get3A_369 = arith.index_cast %add3A_366 : i32 to index
      %get3A_370 = arith.constant 48 : index
      %get3A_371 = tpu.vector_load %arg11[%get3A_368, %get3A_369, %get3A_370] {strides = array<i32>} : memref<2x80x128xf32, #tpu.memory_space<vmem>>, vector<1x1x16xf32>,
      %get3A_372 = vector.shape_cast %get3A_371 : vector<1x1x16xf32> to vector<16xf32>
      %add3A_373 = arith.addf %get3A_372, %bitcast_convert_type3A_347 : vector<16xf32>
      %max3A_374 = arith.constant 0.000000e+00 : f32
      %max3A_375 = vector.broadcast %max3A_374 : f32 to vector<16xf32>
      %max3A_376 = arith.maximumf %add3A_373, %max3A_375 : vector<16xf32>
      %add3A_377 = arith.constant 1 : i32
      %add3A_378 = arith.addi %mul3A_183, %add3A_377 : i32
      %swap3A_379 = arith.constant 0 : i32
      %swap3A_380 = arith.index_cast %swap3A_379 : i32 to index
      %swap3A_381 = arith.index_cast %add3A_378 : i32 to index
      %swap3A_382 = arith.constant 48 : index
      %swap3A_383 = tpu.vector_load %arg11[%swap3A_380, %swap3A_381, %swap3A_382] {strides = array<i32>} : memref<2x80x128xf32, #tpu.memory_space<vmem>>, vector<1x1x16xf32>,
      %swap3A_384 = vector.shape_cast %swap3A_383 : vector<1x1x16xf32> to vector<16xf32>
      %swap3A_385 = vector.shape_cast %max3A_376 : vector<16xf32> to vector<1x1x16xf32>
      tpu.vector_store %arg11[%swap3A_380, %swap3A_381, %swap3A_382], %swap3A_385 {strides = array<i32>} : memref<2x80x128xf32, #tpu.memory_space<vmem>>, vector<1x1x16xf32>,
      %get3A_386 = arith.constant 0 : i32
      %get3A_387 = arith.index_cast %get3A_386 : i32 to index
      %get3A_388 = arith.index_cast %scan3A_181 : i32 to index
      %get3A_389 = arith.constant 64 : index
      %get3A_390 = tpu.vector_load %arg10[%get3A_387, %get3A_388, %get3A_389] {strides = array<i32>} : memref<2x40x128xi32, #tpu.memory_space<vmem>>, vector<1x1x16xi32>,
      %get3A_391 = vector.shape_cast %get3A_390 : vector<1x1x16xi32> to vector<16xi32>
      %shift_left3A_392 = arith.constant 16 : i32
      %shift_left3A_393 = vector.broadcast %shift_left3A_392 : i32 to vector<16xi32>
      %shift_left3A_394 = arith.shli %get3A_391, %shift_left3A_393 : vector<16xi32>
      %bitcast_convert_type3A_395 = tpu.bitcast %shift_left3A_394 : vector<16xi32> -> vector<16xf32>
      %and3A_396 = arith.constant -65536 : i32
      %and3A_397 = vector.broadcast %and3A_396 : i32 to vector<16xi32>
      %and3A_398 = arith.andi %get3A_391, %and3A_397 : vector<16xi32>
      %bitcast_convert_type3A_399 = tpu.bitcast %and3A_398 : vector<16xi32> -> vector<16xf32>
      %get3A_400 = arith.constant 0 : i32
      %get3A_401 = arith.index_cast %get3A_400 : i32 to index
      %get3A_402 = arith.index_cast %mul3A_183 : i32 to index
      %get3A_403 = arith.constant 64 : index
      %get3A_404 = tpu.vector_load %arg11[%get3A_401, %get3A_402, %get3A_403] {strides = array<i32>} : memref<2x80x128xf32, #tpu.memory_space<vmem>>, vector<1x1x16xf32>,
      %get3A_405 = vector.shape_cast %get3A_404 : vector<1x1x16xf32> to vector<16xf32>
      %add3A_406 = arith.addf %get3A_405, %bitcast_convert_type3A_395 : vector<16xf32>
      %max3A_407 = arith.constant 0.000000e+00 : f32
      %max3A_408 = vector.broadcast %max3A_407 : f32 to vector<16xf32>
      %max3A_409 = arith.maximumf %add3A_406, %max3A_408 : vector<16xf32>
      %swap3A_410 = arith.constant 0 : i32
      %swap3A_411 = arith.index_cast %swap3A_410 : i32 to index
      %swap3A_412 = arith.index_cast %mul3A_183 : i32 to index
      %swap3A_413 = arith.constant 64 : index
      %swap3A_414 = tpu.vector_load %arg11[%swap3A_411, %swap3A_412, %swap3A_413] {strides = array<i32>} : memref<2x80x128xf32, #tpu.memory_space<vmem>>, vector<1x1x16xf32>,
      %swap3A_415 = vector.shape_cast %swap3A_414 : vector<1x1x16xf32> to vector<16xf32>
      %swap3A_416 = vector.shape_cast %max3A_409 : vector<16xf32> to vector<1x1x16xf32>
      tpu.vector_store %arg11[%swap3A_411, %swap3A_412, %swap3A_413], %swap3A_416 {strides = array<i32>} : memref<2x80x128xf32, #tpu.memory_space<vmem>>, vector<1x1x16xf32>,
      %add3A_417 = arith.constant 1 : i32
      %add3A_418 = arith.addi %mul3A_183, %add3A_417 : i32
      %get3A_419 = arith.constant 0 : i32
      %get3A_420 = arith.index_cast %get3A_419 : i32 to index
      %get3A_421 = arith.index_cast %add3A_418 : i32 to index
      %get3A_422 = arith.constant 64 : index
      %get3A_423 = tpu.vector_load %arg11[%get3A_420, %get3A_421, %get3A_422] {strides = array<i32>} : memref<2x80x128xf32, #tpu.memory_space<vmem>>, vector<1x1x16xf32>,
      %get3A_424 = vector.shape_cast %get3A_423 : vector<1x1x16xf32> to vector<16xf32>
      %add3A_425 = arith.addf %get3A_424, %bitcast_convert_type3A_399 : vector<16xf32>
      %max3A_426 = arith.constant 0.000000e+00 : f32
      %max3A_427 = vector.broadcast %max3A_426 : f32 to vector<16xf32>
      %max3A_428 = arith.maximumf %add3A_425, %max3A_427 : vector<16xf32>
      %add3A_429 = arith.constant 1 : i32
      %add3A_430 = arith.addi %mul3A_183, %add3A_429 : i32
      %swap3A_431 = arith.constant 0 : i32
      %swap3A_432 = arith.index_cast %swap3A_431 : i32 to index
      %swap3A_433 = arith.index_cast %add3A_430 : i32 to index
      %swap3A_434 = arith.constant 64 : index
      %swap3A_435 = tpu.vector_load %arg11[%swap3A_432, %swap3A_433, %swap3A_434] {strides = array<i32>} : memref<2x80x128xf32, #tpu.memory_space<vmem>>, vector<1x1x16xf32>,
      %swap3A_436 = vector.shape_cast %swap3A_435 : vector<1x1x16xf32> to vector<16xf32>
      %swap3A_437 = vector.shape_cast %max3A_428 : vector<16xf32> to vector<1x1x16xf32>
      tpu.vector_store %arg11[%swap3A_432, %swap3A_433, %swap3A_434], %swap3A_437 {strides = array<i32>} : memref<2x80x128xf32, #tpu.memory_space<vmem>>, vector<1x1x16xf32>,
      %get3A_438 = arith.constant 0 : i32
      %get3A_439 = arith.index_cast %get3A_438 : i32 to index
      %get3A_440 = arith.index_cast %scan3A_181 : i32 to index
      %get3A_441 = arith.constant 80 : index
      %get3A_442 = tpu.vector_load %arg10[%get3A_439, %get3A_440, %get3A_441] {strides = array<i32>} : memref<2x40x128xi32, #tpu.memory_space<vmem>>, vector<1x1x16xi32>,
      %get3A_443 = vector.shape_cast %get3A_442 : vector<1x1x16xi32> to vector<16xi32>
      %shift_left3A_444 = arith.constant 16 : i32
      %shift_left3A_445 = vector.broadcast %shift_left3A_444 : i32 to vector<16xi32>
      %shift_left3A_446 = arith.shli %get3A_443, %shift_left3A_445 : vector<16xi32>
      %bitcast_convert_type3A_447 = tpu.bitcast %shift_left3A_446 : vector<16xi32> -> vector<16xf32>
      %and3A_448 = arith.constant -65536 : i32
      %and3A_449 = vector.broadcast %and3A_448 : i32 to vector<16xi32>
      %and3A_450 = arith.andi %get3A_443, %and3A_449 : vector<16xi32>
      %bitcast_convert_type3A_451 = tpu.bitcast %and3A_450 : vector<16xi32> -> vector<16xf32>
      %get3A_452 = arith.constant 0 : i32
      %get3A_453 = arith.index_cast %get3A_452 : i32 to index
      %get3A_454 = arith.index_cast %mul3A_183 : i32 to index
      %get3A_455 = arith.constant 80 : index
      %get3A_456 = tpu.vector_load %arg11[%get3A_453, %get3A_454, %get3A_455] {strides = array<i32>} : memref<2x80x128xf32, #tpu.memory_space<vmem>>, vector<1x1x16xf32>,
      %get3A_457 = vector.shape_cast %get3A_456 : vector<1x1x16xf32> to vector<16xf32>
      %add3A_458 = arith.addf %get3A_457, %bitcast_convert_type3A_447 : vector<16xf32>
      %max3A_459 = arith.constant 0.000000e+00 : f32
      %max3A_460 = vector.broadcast %max3A_459 : f32 to vector<16xf32>
      %max3A_461 = arith.maximumf %add3A_458, %max3A_460 : vector<16xf32>
      %swap3A_462 = arith.constant 0 : i32
      %swap3A_463 = arith.index_cast %swap3A_462 : i32 to index
      %swap3A_464 = arith.index_cast %mul3A_183 : i32 to index
      %swap3A_465 = arith.constant 80 : index
      %swap3A_466 = tpu.vector_load %arg11[%swap3A_463, %swap3A_464, %swap3A_465] {strides = array<i32>} : memref<2x80x128xf32, #tpu.memory_space<vmem>>, vector<1x1x16xf32>,
      %swap3A_467 = vector.shape_cast %swap3A_466 : vector<1x1x16xf32> to vector<16xf32>
      %swap3A_468 = vector.shape_cast %max3A_461 : vector<16xf32> to vector<1x1x16xf32>
      tpu.vector_store %arg11[%swap3A_463, %swap3A_464, %swap3A_465], %swap3A_468 {strides = array<i32>} : memref<2x80x128xf32, #tpu.memory_space<vmem>>, vector<1x1x16xf32>,
      %add3A_469 = arith.constant 1 : i32
      %add3A_470 = arith.addi %mul3A_183, %add3A_469 : i32
      %get3A_471 = arith.constant 0 : i32
      %get3A_472 = arith.index_cast %get3A_471 : i32 to index
      %get3A_473 = arith.index_cast %add3A_470 : i32 to index
      %get3A_474 = arith.constant 80 : index
      %get3A_475 = tpu.vector_load %arg11[%get3A_472, %get3A_473, %get3A_474] {strides = array<i32>} : memref<2x80x128xf32, #tpu.memory_space<vmem>>, vector<1x1x16xf32>,
      %get3A_476 = vector.shape_cast %get3A_475 : vector<1x1x16xf32> to vector<16xf32>
      %add3A_477 = arith.addf %get3A_476, %bitcast_convert_type3A_451 : vector<16xf32>
      %max3A_478 = arith.constant 0.000000e+00 : f32
      %max3A_479 = vector.broadcast %max3A_478 : f32 to vector<16xf32>
      %max3A_480 = arith.maximumf %add3A_477, %max3A_479 : vector<16xf32>
      %add3A_481 = arith.constant 1 : i32
      %add3A_482 = arith.addi %mul3A_183, %add3A_481 : i32
      %swap3A_483 = arith.constant 0 : i32
      %swap3A_484 = arith.index_cast %swap3A_483 : i32 to index
      %swap3A_485 = arith.index_cast %add3A_482 : i32 to index
      %swap3A_486 = arith.constant 80 : index
      %swap3A_487 = tpu.vector_load %arg11[%swap3A_484, %swap3A_485, %swap3A_486] {strides = array<i32>} : memref<2x80x128xf32, #tpu.memory_space<vmem>>, vector<1x1x16xf32>,
      %swap3A_488 = vector.shape_cast %swap3A_487 : vector<1x1x16xf32> to vector<16xf32>
      %swap3A_489 = vector.shape_cast %max3A_480 : vector<16xf32> to vector<1x1x16xf32>
      tpu.vector_store %arg11[%swap3A_484, %swap3A_485, %swap3A_486], %swap3A_489 {strides = array<i32>} : memref<2x80x128xf32, #tpu.memory_space<vmem>>, vector<1x1x16xf32>,
      %get3A_490 = arith.constant 0 : i32
      %get3A_491 = arith.index_cast %get3A_490 : i32 to index
      %get3A_492 = arith.index_cast %scan3A_181 : i32 to index
      %get3A_493 = arith.constant 96 : index
      %get3A_494 = tpu.vector_load %arg10[%get3A_491, %get3A_492, %get3A_493] {strides = array<i32>} : memref<2x40x128xi32, #tpu.memory_space<vmem>>, vector<1x1x16xi32>,
      %get3A_495 = vector.shape_cast %get3A_494 : vector<1x1x16xi32> to vector<16xi32>
      %shift_left3A_496 = arith.constant 16 : i32
      %shift_left3A_497 = vector.broadcast %shift_left3A_496 : i32 to vector<16xi32>
      %shift_left3A_498 = arith.shli %get3A_495, %shift_left3A_497 : vector<16xi32>
      %bitcast_convert_type3A_499 = tpu.bitcast %shift_left3A_498 : vector<16xi32> -> vector<16xf32>
      %and3A_500 = arith.constant -65536 : i32
      %and3A_501 = vector.broadcast %and3A_500 : i32 to vector<16xi32>
      %and3A_502 = arith.andi %get3A_495, %and3A_501 : vector<16xi32>
      %bitcast_convert_type3A_503 = tpu.bitcast %and3A_502 : vector<16xi32> -> vector<16xf32>
      %get3A_504 = arith.constant 0 : i32
      %get3A_505 = arith.index_cast %get3A_504 : i32 to index
      %get3A_506 = arith.index_cast %mul3A_183 : i32 to index
      %get3A_507 = arith.constant 96 : index
      %get3A_508 = tpu.vector_load %arg11[%get3A_505, %get3A_506, %get3A_507] {strides = array<i32>} : memref<2x80x128xf32, #tpu.memory_space<vmem>>, vector<1x1x16xf32>,
      %get3A_509 = vector.shape_cast %get3A_508 : vector<1x1x16xf32> to vector<16xf32>
      %add3A_510 = arith.addf %get3A_509, %bitcast_convert_type3A_499 : vector<16xf32>
      %max3A_511 = arith.constant 0.000000e+00 : f32
      %max3A_512 = vector.broadcast %max3A_511 : f32 to vector<16xf32>
      %max3A_513 = arith.maximumf %add3A_510, %max3A_512 : vector<16xf32>
      %swap3A_514 = arith.constant 0 : i32
      %swap3A_515 = arith.index_cast %swap3A_514 : i32 to index
      %swap3A_516 = arith.index_cast %mul3A_183 : i32 to index
      %swap3A_517 = arith.constant 96 : index
      %swap3A_518 = tpu.vector_load %arg11[%swap3A_515, %swap3A_516, %swap3A_517] {strides = array<i32>} : memref<2x80x128xf32, #tpu.memory_space<vmem>>, vector<1x1x16xf32>,
      %swap3A_519 = vector.shape_cast %swap3A_518 : vector<1x1x16xf32> to vector<16xf32>
      %swap3A_520 = vector.shape_cast %max3A_513 : vector<16xf32> to vector<1x1x16xf32>
      tpu.vector_store %arg11[%swap3A_515, %swap3A_516, %swap3A_517], %swap3A_520 {strides = array<i32>} : memref<2x80x128xf32, #tpu.memory_space<vmem>>, vector<1x1x16xf32>,
      %add3A_521 = arith.constant 1 : i32
      %add3A_522 = arith.addi %mul3A_183, %add3A_521 : i32
      %get3A_523 = arith.constant 0 : i32
      %get3A_524 = arith.index_cast %get3A_523 : i32 to index
      %get3A_525 = arith.index_cast %add3A_522 : i32 to index
      %get3A_526 = arith.constant 96 : index
      %get3A_527 = tpu.vector_load %arg11[%get3A_524, %get3A_525, %get3A_526] {strides = array<i32>} : memref<2x80x128xf32, #tpu.memory_space<vmem>>, vector<1x1x16xf32>,
      %get3A_528 = vector.shape_cast %get3A_527 : vector<1x1x16xf32> to vector<16xf32>
      %add3A_529 = arith.addf %get3A_528, %bitcast_convert_type3A_503 : vector<16xf32>
      %max3A_530 = arith.constant 0.000000e+00 : f32
      %max3A_531 = vector.broadcast %max3A_530 : f32 to vector<16xf32>
      %max3A_532 = arith.maximumf %add3A_529, %max3A_531 : vector<16xf32>
      %add3A_533 = arith.constant 1 : i32
      %add3A_534 = arith.addi %mul3A_183, %add3A_533 : i32
      %swap3A_535 = arith.constant 0 : i32
      %swap3A_536 = arith.index_cast %swap3A_535 : i32 to index
      %swap3A_537 = arith.index_cast %add3A_534 : i32 to index
      %swap3A_538 = arith.constant 96 : index
      %swap3A_539 = tpu.vector_load %arg11[%swap3A_536, %swap3A_537, %swap3A_538] {strides = array<i32>} : memref<2x80x128xf32, #tpu.memory_space<vmem>>, vector<1x1x16xf32>,
      %swap3A_540 = vector.shape_cast %swap3A_539 : vector<1x1x16xf32> to vector<16xf32>
      %swap3A_541 = vector.shape_cast %max3A_532 : vector<16xf32> to vector<1x1x16xf32>
      tpu.vector_store %arg11[%swap3A_536, %swap3A_537, %swap3A_538], %swap3A_541 {strides = array<i32>} : memref<2x80x128xf32, #tpu.memory_space<vmem>>, vector<1x1x16xf32>,
      %get3A_542 = arith.constant 0 : i32
      %get3A_543 = arith.index_cast %get3A_542 : i32 to index
      %get3A_544 = arith.index_cast %scan3A_181 : i32 to index
      %get3A_545 = arith.constant 112 : index
      %get3A_546 = tpu.vector_load %arg10[%get3A_543, %get3A_544, %get3A_545] {strides = array<i32>} : memref<2x40x128xi32, #tpu.memory_space<vmem>>, vector<1x1x16xi32>,
      %get3A_547 = vector.shape_cast %get3A_546 : vector<1x1x16xi32> to vector<16xi32>
      %shift_left3A_548 = arith.constant 16 : i32
      %shift_left3A_549 = vector.broadcast %shift_left3A_548 : i32 to vector<16xi32>
      %shift_left3A_550 = arith.shli %get3A_547, %shift_left3A_549 : vector<16xi32>
      %bitcast_convert_type3A_551 = tpu.bitcast %shift_left3A_550 : vector<16xi32> -> vector<16xf32>
      %and3A_552 = arith.constant -65536 : i32
      %and3A_553 = vector.broadcast %and3A_552 : i32 to vector<16xi32>
      %and3A_554 = arith.andi %get3A_547, %and3A_553 : vector<16xi32>
      %bitcast_convert_type3A_555 = tpu.bitcast %and3A_554 : vector<16xi32> -> vector<16xf32>
      %get3A_556 = arith.constant 0 : i32
      %get3A_557 = arith.index_cast %get3A_556 : i32 to index
      %get3A_558 = arith.index_cast %mul3A_183 : i32 to index
      %get3A_559 = arith.constant 112 : index
      %get3A_560 = tpu.vector_load %arg11[%get3A_557, %get3A_558, %get3A_559] {strides = array<i32>} : memref<2x80x128xf32, #tpu.memory_space<vmem>>, vector<1x1x16xf32>,
      %get3A_561 = vector.shape_cast %get3A_560 : vector<1x1x16xf32> to vector<16xf32>
      %add3A_562 = arith.addf %get3A_561, %bitcast_convert_type3A_551 : vector<16xf32>
      %max3A_563 = arith.constant 0.000000e+00 : f32
      %max3A_564 = vector.broadcast %max3A_563 : f32 to vector<16xf32>
      %max3A_565 = arith.maximumf %add3A_562, %max3A_564 : vector<16xf32>
      %swap3A_566 = arith.constant 0 : i32
      %swap3A_567 = arith.index_cast %swap3A_566 : i32 to index
      %swap3A_568 = arith.index_cast %mul3A_183 : i32 to index
      %swap3A_569 = arith.constant 112 : index
      %swap3A_570 = tpu.vector_load %arg11[%swap3A_567, %swap3A_568, %swap3A_569] {strides = array<i32>} : memref<2x80x128xf32, #tpu.memory_space<vmem>>, vector<1x1x16xf32>,
      %swap3A_571 = vector.shape_cast %swap3A_570 : vector<1x1x16xf32> to vector<16xf32>
      %swap3A_572 = vector.shape_cast %max3A_565 : vector<16xf32> to vector<1x1x16xf32>
      tpu.vector_store %arg11[%swap3A_567, %swap3A_568, %swap3A_569], %swap3A_572 {strides = array<i32>} : memref<2x80x128xf32, #tpu.memory_space<vmem>>, vector<1x1x16xf32>,
      %add3A_573 = arith.constant 1 : i32
      %add3A_574 = arith.addi %mul3A_183, %add3A_573 : i32
      %get3A_575 = arith.constant 0 : i32
      %get3A_576 = arith.index_cast %get3A_575 : i32 to index
      %get3A_577 = arith.index_cast %add3A_574 : i32 to index
      %get3A_578 = arith.constant 112 : index
      %get3A_579 = tpu.vector_load %arg11[%get3A_576, %get3A_577, %get3A_578] {strides = array<i32>} : memref<2x80x128xf32, #tpu.memory_space<vmem>>, vector<1x1x16xf32>,
      %get3A_580 = vector.shape_cast %get3A_579 : vector<1x1x16xf32> to vector<16xf32>
      %add3A_581 = arith.addf %get3A_580, %bitcast_convert_type3A_555 : vector<16xf32>
      %max3A_582 = arith.constant 0.000000e+00 : f32
      %max3A_583 = vector.broadcast %max3A_582 : f32 to vector<16xf32>
      %max3A_584 = arith.maximumf %add3A_581, %max3A_583 : vector<16xf32>
      %add3A_585 = arith.constant 1 : i32
      %add3A_586 = arith.addi %mul3A_183, %add3A_585 : i32
      %swap3A_587 = arith.constant 0 : i32
      %swap3A_588 = arith.index_cast %swap3A_587 : i32 to index
      %swap3A_589 = arith.index_cast %add3A_586 : i32 to index
      %swap3A_590 = arith.constant 112 : index
      %swap3A_591 = tpu.vector_load %arg11[%swap3A_588, %swap3A_589, %swap3A_590] {strides = array<i32>} : memref<2x80x128xf32, #tpu.memory_space<vmem>>, vector<1x1x16xf32>,
      %swap3A_592 = vector.shape_cast %swap3A_591 : vector<1x1x16xf32> to vector<16xf32>
      %swap3A_593 = vector.shape_cast %max3A_584 : vector<16xf32> to vector<1x1x16xf32>
      tpu.vector_store %arg11[%swap3A_588, %swap3A_589, %swap3A_590], %swap3A_593 {strides = array<i32>} : memref<2x80x128xf32, #tpu.memory_space<vmem>>, vector<1x1x16xf32>,
    }
    %scan3A_149 = arith.constant 40 : i32
    %dma_start3A_150 = arith.constant 0 : i32
    %dma_start3A_151 = arith.constant 0 : i32
    %dma_start3A_152 = arith.constant 0 : i32
    %dma_start3A_153 = arith.constant 0 : i32
    %dma_start3A_154 = arith.constant 0 : i32
    %dma_start3A_155 = tpu.memref_slice %arg11[%dma_start3A_150, %dma_start3A_153, %dma_start3A_154] : memref<2x80x128xf32, #tpu.memory_space<vmem>> -> memref<1x80x128xf32, #tpu.memory_space<vmem>>
    %dma_start3A_156 = tpu.memref_squeeze %dma_start3A_155 : memref<1x80x128xf32, #tpu.memory_space<vmem>> -> memref<80x128xf32, #tpu.memory_space<vmem>>
    %dma_start3A_157 = arith.constant 0 : i32
    %dma_start3A_158 = tpu.memref_slice %arg9[%dma_start3A_151, %dma_start3A_157] : memref<2x80xi32, #tpu.memory_space<vmem>> -> memref<1x80xi32, #tpu.memory_space<vmem>>
    %dma_start3A_159 = tpu.memref_squeeze %dma_start3A_158 : memref<1x80xi32, #tpu.memory_space<vmem>> -> memref<80xi32, #tpu.memory_space<vmem>>
    %dma_start3A_160 = arith.constant 0 : i32
    %dma_start3A_161 = arith.constant 0 : i32
    %dma_start3A_162 = tpu.memref_slice %arg12[%dma_start3A_160, %dma_start3A_161] : memref<10112x128xf32, #tpu.memory_space<vmem_shared>> -> memref<10112x128xf32, #tpu.memory_space<vmem_shared>>
    %dma_start3A_163 = tpu.memref_slice %arg15[%dma_start3A_152] : memref<2x!tpu.dma_semaphore, #tpu.memory_space<semaphore_mem>> -> memref<1x!tpu.dma_semaphore, #tpu.memory_space<semaphore_mem>>
    %dma_start3A_164 = tpu.memref_squeeze %dma_start3A_163 : memref<1x!tpu.dma_semaphore, #tpu.memory_space<semaphore_mem>> -> memref<!tpu.dma_semaphore, #tpu.memory_space<semaphore_mem>>
    tpu.enqueue_indirect_dma source(%dma_start3A_156 : memref<80x128xf32, #tpu.memory_space<vmem>>) target(%dma_start3A_162 : memref<10112x128xf32, #tpu.memory_space<vmem_shared>>) offsets(%dma_start3A_159 : memref<80xi32, #tpu.memory_space<vmem>>) semaphore(%dma_start3A_164 : memref<!tpu.dma_semaphore, #tpu.memory_space<semaphore_mem>>) {add = true}
    %dma_wait3A_165 = arith.constant 0 : i32
    %dma_wait3A_166 = arith.constant 0 : i32
    %dma_wait3A_167 = arith.constant 0 : i32
    %dma_wait3A_168 = arith.constant 0 : i32
    %dma_wait3A_169 = arith.constant 0 : i32
    %dma_wait3A_170 = tpu.memref_slice %arg11[%dma_wait3A_165, %dma_wait3A_168, %dma_wait3A_169] : memref<2x80x128xf32, #tpu.memory_space<vmem>> -> memref<1x80x128xf32, #tpu.memory_space<vmem>>
    %dma_wait3A_171 = tpu.memref_squeeze %dma_wait3A_170 : memref<1x80x128xf32, #tpu.memory_space<vmem>> -> memref<80x128xf32, #tpu.memory_space<vmem>>
    %dma_wait3A_172 = arith.constant 0 : i32
    %dma_wait3A_173 = tpu.memref_slice %arg9[%dma_wait3A_166, %dma_wait3A_172] : memref<2x80xi32, #tpu.memory_space<vmem>> -> memref<1x80xi32, #tpu.memory_space<vmem>>
    %dma_wait3A_174 = tpu.memref_squeeze %dma_wait3A_173 : memref<1x80xi32, #tpu.memory_space<vmem>> -> memref<80xi32, #tpu.memory_space<vmem>>
    %dma_wait3A_175 = arith.constant 0 : i32
    %dma_wait3A_176 = arith.constant 0 : i32
    %dma_wait3A_177 = tpu.memref_slice %arg12[%dma_wait3A_175, %dma_wait3A_176] : memref<10112x128xf32, #tpu.memory_space<vmem_shared>> -> memref<10112x128xf32, #tpu.memory_space<vmem_shared>>
    %dma_wait3A_178 = tpu.memref_slice %arg15[%dma_wait3A_167] : memref<2x!tpu.dma_semaphore, #tpu.memory_space<semaphore_mem>> -> memref<1x!tpu.dma_semaphore, #tpu.memory_space<semaphore_mem>>
    %dma_wait3A_179 = tpu.memref_squeeze %dma_wait3A_178 : memref<1x!tpu.dma_semaphore, #tpu.memory_space<semaphore_mem>> -> memref<!tpu.dma_semaphore, #tpu.memory_space<semaphore_mem>>
    tpu.wait_indirect_dma semaphore(%dma_wait3A_179 : memref<!tpu.dma_semaphore, #tpu.memory_space<semaphore_mem>>) src(%dma_wait3A_171 : memref<80x128xf32, #tpu.memory_space<vmem>>) dst(%dma_wait3A_177 : memref<10112x128xf32, #tpu.memory_space<vmem_shared>>)
    %barrier3A_180 = arith.constant 0 : index
    tpu.barrier barrier_id(%barrier3A_180)
    "tpu.region"() ({
      %run_scoped3A = tpu.sem_alloc : memref<!tpu.dma_semaphore, #tpu.memory_space<semaphore_mem>>
      %dma_start3A_181 = arith.constant 0 : i32
      %dma_start3A_182 = tpu.memref_slice %arg7[%arg0, %mul3A_2, %dma_start3A_181] : memref<2x10112x128xf32, #tpu.memory_space<hbm>> -> memref<1x632x128xf32, #tpu.memory_space<hbm>>
      %dma_start3A_183 = tpu.memref_squeeze %dma_start3A_182 : memref<1x632x128xf32, #tpu.memory_space<hbm>> -> memref<632x128xf32, #tpu.memory_space<hbm>>
      %dma_start3A_184 = arith.constant 0 : i32
      %dma_start3A_185 = tpu.memref_slice %arg12[%mul3A_2, %dma_start3A_184] : memref<10112x128xf32, #tpu.memory_space<vmem_shared>> -> memref<632x128xf32, #tpu.memory_space<vmem_shared>>
      tpu.enqueue_dma source(%dma_start3A_185 : memref<632x128xf32, #tpu.memory_space<vmem_shared>>) target(%dma_start3A_183 : memref<632x128xf32, #tpu.memory_space<hbm>>) target_semaphore(%run_scoped3A : memref<!tpu.dma_semaphore, #tpu.memory_space<semaphore_mem>>)
      %dma_wait3A_186 = arith.constant 0 : i32
      %dma_wait3A_187 = tpu.memref_slice %arg7[%arg0, %mul3A_2, %dma_wait3A_186] : memref<2x10112x128xf32, #tpu.memory_space<hbm>> -> memref<1x632x128xf32, #tpu.memory_space<hbm>>
      %dma_wait3A_188 = tpu.memref_squeeze %dma_wait3A_187 : memref<1x632x128xf32, #tpu.memory_space<hbm>> -> memref<632x128xf32, #tpu.memory_space<hbm>>
      %dma_wait3A_189 = arith.constant 0 : i32
      %dma_wait3A_190 = tpu.memref_slice %arg12[%mul3A_2, %dma_wait3A_189] : memref<10112x128xf32, #tpu.memory_space<vmem_shared>> -> memref<632x128xf32, #tpu.memory_space<vmem_shared>>
      tpu.wait_dma2 semaphore(%run_scoped3A : memref<!tpu.dma_semaphore, #tpu.memory_space<semaphore_mem>>) src(%dma_wait3A_190 : memref<632x128xf32, #tpu.memory_space<vmem_shared>>) dst(%dma_wait3A_188 : memref<632x128xf32, #tpu.memory_space<hbm>>)
      tpu.yield
    }) : () -> ()
    return
  }
}

module attributes {stable_mosaic.version = 14 : i64} {
  func.func @_emb_body(%arg0: i32, %arg1: memref<1000x128xf32, #tpu.memory_space<vmem>>, %arg2: memref<128x128xf32, #tpu.memory_space<vmem>>, %arg3: memref<1x128xf32, #tpu.memory_space<vmem>>, %arg4: memref<1000x128xf32, #tpu.memory_space<vmem>>) attributes {dimension_semantics = [#tpu.dimension_semantics<arbitrary>], iteration_bounds = array<i64: 10>, scalar_prefetch = 0 : i64, scratch_operands = 0 : i64, tpu.core_type = #tpu.core_type<tc>, window_params = [{transform_indices = @transform_0, window_bounds = array<i64: 1000, 128>}, {pipeline_mode = #tpu.pipeline_mode<synchronous>, transform_indices = @transform_1, window_bounds = array<i64: 128, 128>}, {pipeline_mode = #tpu.pipeline_mode<synchronous>, transform_indices = @transform_2, window_bounds = array<i64: 1, 128>}, {transform_indices = @transform_3, window_bounds = array<i64: 1000, 128>}]} {
    %get3A = arith.constant 0 : index
    %get3A_0 = arith.constant 0 : index
    %get3A_1 = vector.load %arg1[%get3A, %get3A_0] : memref<1000x128xf32, #tpu.memory_space<vmem>>, vector<1000x128xf32>
    %get3A_2 = arith.constant 0 : index
    %get3A_3 = arith.constant 0 : index
    %get3A_4 = vector.load %arg2[%get3A_2, %get3A_3] : memref<128x128xf32, #tpu.memory_space<vmem>>, vector<128x128xf32>
    %dot_general3A = arith.constant dense<0.000000e+00> : vector<1000x128xf32>
    %dot_general3A_5 = tpu.matmul %get3A_1, %get3A_4, %dot_general3A {dimension_numbers = #tpu.dot_dimension_numbers<[1], [0], [0], [1], [0, 0, 1, 1], [], []>, transpose_lhs_hint = false} : vector<1000x128xf32>, vector<128x128xf32>, vector<1000x128xf32> -> vector<1000x128xf32>
    %get3A_6 = arith.constant 0 : index
    %get3A_7 = arith.constant 0 : index
    %get3A_8 = vector.load %arg3[%get3A_6, %get3A_7] : memref<1x128xf32, #tpu.memory_space<vmem>>, vector<1x128xf32>
    %add3A = vector.broadcast %get3A_8 : vector<1x128xf32> to vector<1000x128xf32>
    %add3A_9 = arith.addf %dot_general3A_5, %add3A : vector<1000x128xf32>
    %logistic3A = arith.negf %add3A_9 : vector<1000x128xf32>
    %logistic3A_10 = math.exp %logistic3A : vector<1000x128xf32>
    %logistic3A_11 = arith.constant 1.000000e+00 : f32
    %logistic3A_12 = vector.broadcast %logistic3A_11 : f32 to vector<1000x128xf32>
    %logistic3A_13 = arith.addf %logistic3A_12, %logistic3A_10 : vector<1000x128xf32>
    %logistic3A_14 = arith.divf %logistic3A_12, %logistic3A_13 : vector<1000x128xf32>
    %mul3A = arith.mulf %add3A_9, %logistic3A_14 : vector<1000x128xf32>
    %swap3A = arith.constant 0 : index
    %swap3A_15 = arith.constant 0 : index
    %swap3A_16 = vector.load %arg4[%swap3A, %swap3A_15] : memref<1000x128xf32, #tpu.memory_space<vmem>>, vector<1000x128xf32>
    tpu.vector_store %arg4[%swap3A, %swap3A_15], %mul3A {strides = array<i32>} : memref<1000x128xf32, #tpu.memory_space<vmem>>, vector<1000x128xf32>,
    return
  }
  func.func @transform_0(%arg0: i32) -> (i32, i32) {
    %c0_i32 = arith.constant 0 : i32
    %c0_i32_0 = arith.constant 0 : i32
    return %arg0, %c0_i32 : i32, i32
  }
  func.func @transform_1(%arg0: i32) -> (i32, i32) {
    %c0_i32 = arith.constant 0 : i32
    %c0_i32_0 = arith.constant 0 : i32
    %c0_i32_1 = arith.constant 0 : i32
    return %c0_i32, %c0_i32_0 : i32, i32
  }
  func.func @transform_2(%arg0: i32) -> (i32, i32) {
    %c0_i32 = arith.constant 0 : i32
    %c0_i32_0 = arith.constant 0 : i32
    %c0_i32_1 = arith.constant 0 : i32
    return %c0_i32, %c0_i32_0 : i32, i32
  }
  func.func @transform_3(%arg0: i32) -> (i32, i32) {
    %c0_i32 = arith.constant 0 : i32
    %c0_i32_0 = arith.constant 0 : i32
    return %arg0, %c0_i32 : i32, i32
  }
}

module attributes {stable_mosaic.version = 14 : i64} {
  func.func @_edge_mlp_body(%arg0: i32, %arg1: memref<2000x16xf32, #tpu.memory_space<vmem>>, %arg2: memref<16x128xf32, #tpu.memory_space<vmem>>, %arg3: memref<1x128xf32, #tpu.memory_space<vmem>>, %arg4: memref<128x256xbf16, #tpu.memory_space<vmem>>, %arg5: memref<1x256xf32, #tpu.memory_space<vmem>>, %arg6: memref<1000x128xi32, #tpu.memory_space<vmem>>, %arg7: memref<1000x128xi32, #tpu.memory_space<vmem>>) attributes {dimension_semantics = [#tpu.dimension_semantics<arbitrary>], iteration_bounds = array<i64: 160>, scalar_prefetch = 0 : i64, scratch_operands = 0 : i64, tpu.core_type = #tpu.core_type<tc>, window_params = [{transform_indices = @transform_0, window_bounds = array<i64: 2000, 16>}, {pipeline_mode = #tpu.pipeline_mode<synchronous>, transform_indices = @transform_1, window_bounds = array<i64: 16, 128>}, {pipeline_mode = #tpu.pipeline_mode<synchronous>, transform_indices = @transform_2, window_bounds = array<i64: 1, 128>}, {pipeline_mode = #tpu.pipeline_mode<synchronous>, transform_indices = @transform_3, window_bounds = array<i64: 128, 256>}, {pipeline_mode = #tpu.pipeline_mode<synchronous>, transform_indices = @transform_4, window_bounds = array<i64: 1, 256>}, {transform_indices = @transform_5, window_bounds = array<i64: 1000, 128>}, {transform_indices = @transform_6, window_bounds = array<i64: 1000, 128>}]} {
    %get3A = arith.constant 0 : index
    %get3A_0 = arith.constant 0 : index
    %get3A_1 = vector.load %arg1[%get3A, %get3A_0] : memref<2000x16xf32, #tpu.memory_space<vmem>>, vector<2000x16xf32>
    %get3A_2 = arith.constant 0 : index
    %get3A_3 = arith.constant 0 : index
    %get3A_4 = vector.load %arg2[%get3A_2, %get3A_3] : memref<16x128xf32, #tpu.memory_space<vmem>>, vector<16x128xf32>
    %dot_general3A = arith.constant dense<0.000000e+00> : vector<2000x128xf32>
    %dot_general3A_5 = tpu.matmul %get3A_1, %get3A_4, %dot_general3A {dimension_numbers = #tpu.dot_dimension_numbers<[1], [0], [0], [1], [0, 0, 1, 1], [], []>, transpose_lhs_hint = false} : vector<2000x16xf32>, vector<16x128xf32>, vector<2000x128xf32> -> vector<2000x128xf32>
    %get3A_6 = arith.constant 0 : index
    %get3A_7 = arith.constant 0 : index
    %get3A_8 = vector.load %arg3[%get3A_6, %get3A_7] : memref<1x128xf32, #tpu.memory_space<vmem>>, vector<1x128xf32>
    %add3A = vector.broadcast %get3A_8 : vector<1x128xf32> to vector<2000x128xf32>
    %add3A_9 = arith.addf %dot_general3A_5, %add3A : vector<2000x128xf32>
    %logistic3A = arith.negf %add3A_9 : vector<2000x128xf32>
    %logistic3A_10 = math.exp %logistic3A : vector<2000x128xf32>
    %logistic3A_11 = arith.constant 1.000000e+00 : f32
    %logistic3A_12 = vector.broadcast %logistic3A_11 : f32 to vector<2000x128xf32>
    %logistic3A_13 = arith.addf %logistic3A_12, %logistic3A_10 : vector<2000x128xf32>
    %logistic3A_14 = arith.divf %logistic3A_12, %logistic3A_13 : vector<2000x128xf32>
    %mul3A = arith.mulf %add3A_9, %logistic3A_14 : vector<2000x128xf32>
    %convert_element_type3A = arith.truncf %mul3A : vector<2000x128xf32> to vector<2000x128xbf16>
    %get3A_15 = arith.constant 0 : index
    %get3A_16 = arith.constant 0 : index
    %get3A_17 = vector.load %arg4[%get3A_15, %get3A_16] : memref<128x256xbf16, #tpu.memory_space<vmem>>, vector<128x256xbf16>
    %dot_general3A_18 = arith.constant dense<0.000000e+00> : vector<2000x256xf32>
    %dot_general3A_19 = tpu.matmul %convert_element_type3A, %get3A_17, %dot_general3A_18 {dimension_numbers = #tpu.dot_dimension_numbers<[1], [0], [0], [1], [0, 0, 1, 1], [], []>, transpose_lhs_hint = false} : vector<2000x128xbf16>, vector<128x256xbf16>, vector<2000x256xf32> -> vector<2000x256xf32>
    %get3A_20 = arith.constant 0 : index
    %get3A_21 = arith.constant 0 : index
    %get3A_22 = vector.load %arg5[%get3A_20, %get3A_21] : memref<1x256xf32, #tpu.memory_space<vmem>>, vector<1x256xf32>
    %add3A_23 = vector.broadcast %get3A_22 : vector<1x256xf32> to vector<2000x256xf32>
    %add3A_24 = arith.addf %dot_general3A_19, %add3A_23 : vector<2000x256xf32>
    %logistic3A_25 = arith.negf %add3A_24 : vector<2000x256xf32>
    %logistic3A_26 = math.exp %logistic3A_25 : vector<2000x256xf32>
    %logistic3A_27 = arith.constant 1.000000e+00 : f32
    %logistic3A_28 = vector.broadcast %logistic3A_27 : f32 to vector<2000x256xf32>
    %logistic3A_29 = arith.addf %logistic3A_28, %logistic3A_26 : vector<2000x256xf32>
    %logistic3A_30 = arith.divf %logistic3A_28, %logistic3A_29 : vector<2000x256xf32>
    %mul3A_31 = arith.mulf %add3A_24, %logistic3A_30 : vector<2000x256xf32>
    %slice3A = vector.extract_strided_slice %mul3A_31 {offsets = [0, 0], sizes = [2000, 128], strides = [1, 1]} : vector<2000x256xf32> to vector<2000x128xf32>
    %convert_element_type3A_32 = arith.truncf %slice3A : vector<2000x128xf32> to vector<2000x128xbf16>
    %bitcast3A = tpu.bitcast %convert_element_type3A_32 : vector<2000x128xbf16> -> vector<1000x128xi32>
    %swap3A = arith.constant 0 : index
    %swap3A_33 = arith.constant 0 : index
    %swap3A_34 = vector.load %arg6[%swap3A, %swap3A_33] : memref<1000x128xi32, #tpu.memory_space<vmem>>, vector<1000x128xi32>
    tpu.vector_store %arg6[%swap3A, %swap3A_33], %bitcast3A {strides = array<i32>} : memref<1000x128xi32, #tpu.memory_space<vmem>>, vector<1000x128xi32>,
    %slice3A_35 = vector.extract_strided_slice %mul3A_31 {offsets = [0, 128], sizes = [2000, 128], strides = [1, 1]} : vector<2000x256xf32> to vector<2000x128xf32>
    %convert_element_type3A_36 = arith.truncf %slice3A_35 : vector<2000x128xf32> to vector<2000x128xbf16>
    %bitcast3A_37 = tpu.bitcast %convert_element_type3A_36 : vector<2000x128xbf16> -> vector<1000x128xi32>
    %swap3A_38 = arith.constant 0 : index
    %swap3A_39 = arith.constant 0 : index
    %swap3A_40 = vector.load %arg7[%swap3A_38, %swap3A_39] : memref<1000x128xi32, #tpu.memory_space<vmem>>, vector<1000x128xi32>
    tpu.vector_store %arg7[%swap3A_38, %swap3A_39], %bitcast3A_37 {strides = array<i32>} : memref<1000x128xi32, #tpu.memory_space<vmem>>, vector<1000x128xi32>,
    return
  }
  func.func @transform_0(%arg0: i32) -> (i32, i32) {
    %c0_i32 = arith.constant 0 : i32
    %c0_i32_0 = arith.constant 0 : i32
    return %arg0, %c0_i32 : i32, i32
  }
  func.func @transform_1(%arg0: i32) -> (i32, i32) {
    %c0_i32 = arith.constant 0 : i32
    %c0_i32_0 = arith.constant 0 : i32
    %c0_i32_1 = arith.constant 0 : i32
    return %c0_i32, %c0_i32_0 : i32, i32
  }
  func.func @transform_2(%arg0: i32) -> (i32, i32) {
    %c0_i32 = arith.constant 0 : i32
    %c0_i32_0 = arith.constant 0 : i32
    %c0_i32_1 = arith.constant 0 : i32
    return %c0_i32, %c0_i32_0 : i32, i32
  }
  func.func @transform_3(%arg0: i32) -> (i32, i32) {
    %c0_i32 = arith.constant 0 : i32
    %c0_i32_0 = arith.constant 0 : i32
    %c0_i32_1 = arith.constant 0 : i32
    return %c0_i32, %c0_i32_0 : i32, i32
  }
  func.func @transform_4(%arg0: i32) -> (i32, i32) {
    %c0_i32 = arith.constant 0 : i32
    %c0_i32_0 = arith.constant 0 : i32
    %c0_i32_1 = arith.constant 0 : i32
    return %c0_i32, %c0_i32_0 : i32, i32
  }
  func.func @transform_5(%arg0: i32) -> (i32, i32) {
    %c0_i32 = arith.constant 0 : i32
    %c0_i32_0 = arith.constant 0 : i32
    return %arg0, %c0_i32 : i32, i32
  }
  func.func @transform_6(%arg0: i32) -> (i32, i32) {
    %c0_i32 = arith.constant 0 : i32
    %c0_i32_0 = arith.constant 0 : i32
    return %arg0, %c0_i32 : i32, i32
  }
}

module attributes {stable_mosaic.version = 14 : i64} {
  func.func @_mlp_stats_body(%arg0: i32, %arg1: memref<1x1xf32, #tpu.memory_space<vmem>>, %arg2: memref<2x1000x128xf32, #tpu.memory_space<vmem>>, %arg3: memref<1000x128xf32, #tpu.memory_space<vmem>>, %arg4: memref<128x128xf32, #tpu.memory_space<vmem>>, %arg5: memref<1x128xf32, #tpu.memory_space<vmem>>, %arg6: memref<128x128xf32, #tpu.memory_space<vmem>>, %arg7: memref<1x128xf32, #tpu.memory_space<vmem>>, %arg8: memref<1x1x1000xi32, #tpu.memory_space<vmem>>, %arg9: memref<1000x128xf32, #tpu.memory_space<vmem>>, %arg10: memref<8x64xf32, #tpu.memory_space<vmem>>) attributes {dimension_semantics = [#tpu.dimension_semantics<arbitrary>], iteration_bounds = array<i64: 10>, scalar_prefetch = 0 : i64, scratch_operands = 0 : i64, tpu.core_type = #tpu.core_type<tc>, window_params = [{pipeline_mode = #tpu.pipeline_mode<synchronous>, transform_indices = @transform_0, window_bounds = array<i64: 1, 1>}, {transform_indices = @transform_1, window_bounds = array<i64: 2, 1000, 128>}, {transform_indices = @transform_2, window_bounds = array<i64: 1000, 128>}, {pipeline_mode = #tpu.pipeline_mode<synchronous>, transform_indices = @transform_3, window_bounds = array<i64: 128, 128>}, {pipeline_mode = #tpu.pipeline_mode<synchronous>, transform_indices = @transform_4, window_bounds = array<i64: 1, 128>}, {pipeline_mode = #tpu.pipeline_mode<synchronous>, transform_indices = @transform_5, window_bounds = array<i64: 128, 128>}, {pipeline_mode = #tpu.pipeline_mode<synchronous>, transform_indices = @transform_6, window_bounds = array<i64: 1, 128>}, {transform_indices = @transform_7, window_bounds = array<i64: 1, 1, 1000>}, {transform_indices = @transform_8, window_bounds = array<i64: 1000, 128>}, {pipeline_mode = #tpu.pipeline_mode<synchronous>, transform_indices = @transform_9, window_bounds = array<i64: 8, 64>}]} {
    %get3A = arith.constant 0 : index
    %get3A_0 = arith.constant 0 : index
    %get3A_1 = arith.constant 0 : index
    %get3A_2 = vector.load %arg2[%get3A, %get3A_0, %get3A_1] : memref<2x1000x128xf32, #tpu.memory_space<vmem>>, vector<1x1000x128xf32>
    %get3A_3 = vector.shape_cast %get3A_2 : vector<1x1000x128xf32> to vector<1000x128xf32>
    %get3A_4 = arith.constant 1 : index
    %get3A_5 = arith.constant 0 : index
    %get3A_6 = arith.constant 0 : index
    %get3A_7 = vector.load %arg2[%get3A_4, %get3A_5, %get3A_6] : memref<2x1000x128xf32, #tpu.memory_space<vmem>>, vector<1x1000x128xf32>
    %get3A_8 = vector.shape_cast %get3A_7 : vector<1x1000x128xf32> to vector<1000x128xf32>
    %add3A = arith.addf %get3A_3, %get3A_8 : vector<1000x128xf32>
    %get3A_9 = arith.constant 0 : index
    %get3A_10 = arith.constant 0 : index
    %get3A_11 = vector.load %arg1[%get3A_9, %get3A_10] : memref<1x1xf32, #tpu.memory_space<vmem>>, vector<1x1xf32>
    %get3A_12 = vector.extract %get3A_11[0, 0] : f32 from vector<1x1xf32>
    %get3A_13 = arith.constant 0 : index
    %get3A_14 = arith.constant 0 : index
    %get3A_15 = vector.load %arg3[%get3A_13, %get3A_14] : memref<1000x128xf32, #tpu.memory_space<vmem>>, vector<1000x128xf32>
    %mul3A = vector.broadcast %get3A_12 : f32 to vector<1000x128xf32>
    %mul3A_16 = arith.mulf %mul3A, %get3A_15 : vector<1000x128xf32>
    %add3A_17 = arith.addf %add3A, %mul3A_16 : vector<1000x128xf32>
    %get3A_18 = arith.constant 0 : index
    %get3A_19 = arith.constant 0 : index
    %get3A_20 = vector.load %arg4[%get3A_18, %get3A_19] : memref<128x128xf32, #tpu.memory_space<vmem>>, vector<128x128xf32>
    %dot_general3A = arith.constant dense<0.000000e+00> : vector<1000x128xf32>
    %dot_general3A_21 = tpu.matmul %add3A_17, %get3A_20, %dot_general3A {dimension_numbers = #tpu.dot_dimension_numbers<[1], [0], [0], [1], [0, 0, 1, 1], [], []>, transpose_lhs_hint = false} : vector<1000x128xf32>, vector<128x128xf32>, vector<1000x128xf32> -> vector<1000x128xf32>
    %get3A_22 = arith.constant 0 : index
    %get3A_23 = arith.constant 0 : index
    %get3A_24 = vector.load %arg5[%get3A_22, %get3A_23] : memref<1x128xf32, #tpu.memory_space<vmem>>, vector<1x128xf32>
    %add3A_25 = vector.broadcast %get3A_24 : vector<1x128xf32> to vector<1000x128xf32>
    %add3A_26 = arith.addf %dot_general3A_21, %add3A_25 : vector<1000x128xf32>
    %logistic3A = arith.negf %add3A_26 : vector<1000x128xf32>
    %logistic3A_27 = math.exp %logistic3A : vector<1000x128xf32>
    %logistic3A_28 = arith.constant 1.000000e+00 : f32
    %logistic3A_29 = vector.broadcast %logistic3A_28 : f32 to vector<1000x128xf32>
    %logistic3A_30 = arith.addf %logistic3A_29, %logistic3A_27 : vector<1000x128xf32>
    %logistic3A_31 = arith.divf %logistic3A_29, %logistic3A_30 : vector<1000x128xf32>
    %mul3A_32 = arith.mulf %add3A_26, %logistic3A_31 : vector<1000x128xf32>
    %get3A_33 = arith.constant 0 : index
    %get3A_34 = arith.constant 0 : index
    %get3A_35 = vector.load %arg6[%get3A_33, %get3A_34] : memref<128x128xf32, #tpu.memory_space<vmem>>, vector<128x128xf32>
    %dot_general3A_36 = arith.constant dense<0.000000e+00> : vector<1000x128xf32>
    %dot_general3A_37 = tpu.matmul %mul3A_32, %get3A_35, %dot_general3A_36 {dimension_numbers = #tpu.dot_dimension_numbers<[1], [0], [0], [1], [0, 0, 1, 1], [], []>, transpose_lhs_hint = false} : vector<1000x128xf32>, vector<128x128xf32>, vector<1000x128xf32> -> vector<1000x128xf32>
    %get3A_38 = arith.constant 0 : index
    %get3A_39 = arith.constant 0 : index
    %get3A_40 = vector.load %arg7[%get3A_38, %get3A_39] : memref<1x128xf32, #tpu.memory_space<vmem>>, vector<1x128xf32>
    %add3A_41 = vector.broadcast %get3A_40 : vector<1x128xf32> to vector<1000x128xf32>
    %add3A_42 = arith.addf %dot_general3A_37, %add3A_41 : vector<1000x128xf32>
    %logistic3A_43 = arith.negf %add3A_42 : vector<1000x128xf32>
    %logistic3A_44 = math.exp %logistic3A_43 : vector<1000x128xf32>
    %logistic3A_45 = arith.constant 1.000000e+00 : f32
    %logistic3A_46 = vector.broadcast %logistic3A_45 : f32 to vector<1000x128xf32>
    %logistic3A_47 = arith.addf %logistic3A_46, %logistic3A_44 : vector<1000x128xf32>
    %logistic3A_48 = arith.divf %logistic3A_46, %logistic3A_47 : vector<1000x128xf32>
    %mul3A_49 = arith.mulf %add3A_42, %logistic3A_48 : vector<1000x128xf32>
    %swap3A = arith.constant 0 : index
    %swap3A_50 = arith.constant 0 : index
    %swap3A_51 = vector.load %arg9[%swap3A, %swap3A_50] : memref<1000x128xf32, #tpu.memory_space<vmem>>, vector<1000x128xf32>
    tpu.vector_store %arg9[%swap3A, %swap3A_50], %mul3A_49 {strides = array<i32>} : memref<1000x128xf32, #tpu.memory_space<vmem>>, vector<1000x128xf32>,
    %get3A_52 = arith.constant 0 : index
    %get3A_53 = arith.constant 0 : index
    %get3A_54 = arith.constant 0 : index
    %get3A_55 = vector.load %arg8[%get3A_52, %get3A_53, %get3A_54] : memref<1x1x1000xi32, #tpu.memory_space<vmem>>, vector<1x1x1000xi32>
    %get3A_56 = vector.shape_cast %get3A_55 : vector<1x1x1000xi32> to vector<1000xi32>
    %iota3A = tpu.iota {dimensions = array<i32: 1>} : vector<1x64xi32>
    %broadcast_in_dim3A = vector.shape_cast %get3A_56 : vector<1000xi32> to vector<1000x1xi32>
    %eq3A = vector.broadcast %broadcast_in_dim3A : vector<1000x1xi32> to vector<1000x64xi32>
    %eq3A_57 = vector.broadcast %iota3A : vector<1x64xi32> to vector<1000x64xi32>
    %eq3A_58 = arith.cmpi eq, %eq3A, %eq3A_57 : vector<1000x64xi32>
    %convert_element_type3A = arith.extui %eq3A_58 : vector<1000x64xi1> to vector<1000x64xi32>
    %convert_element_type3A_59 = arith.sitofp %convert_element_type3A : vector<1000x64xi32> to vector<1000x64xf32>
    %dot_general3A_60 = arith.constant dense<0.000000e+00> : vector<64x128xf32>
    %dot_general3A_61 = tpu.matmul %convert_element_type3A_59, %mul3A_49, %dot_general3A_60 {dimension_numbers = #tpu.dot_dimension_numbers<[0], [0], [1], [1], [0, 1, 1, 1], [], []>, transpose_lhs_hint = false} : vector<1000x64xf32>, vector<1000x128xf32>, vector<64x128xf32> -> vector<64x128xf32>
    %reduce_sum3A = arith.constant dense<0.000000e+00> : vector<64xf32>
    %reduce_sum3A_62 = vector.multi_reduction <add>, %dot_general3A_61, %reduce_sum3A [1] : vector<64x128xf32> to vector<64xf32>
    %mul3A_63 = arith.mulf %mul3A_49, %mul3A_49 : vector<1000x128xf32>
    %dot_general3A_64 = arith.constant dense<0.000000e+00> : vector<64x128xf32>
    %dot_general3A_65 = tpu.matmul %convert_element_type3A_59, %mul3A_63, %dot_general3A_64 {dimension_numbers = #tpu.dot_dimension_numbers<[0], [0], [1], [1], [0, 1, 1, 1], [], []>, transpose_lhs_hint = false} : vector<1000x64xf32>, vector<1000x128xf32>, vector<64x128xf32> -> vector<64x128xf32>
    %reduce_sum3A_66 = arith.constant dense<0.000000e+00> : vector<64xf32>
    %reduce_sum3A_67 = vector.multi_reduction <add>, %dot_general3A_65, %reduce_sum3A_66 [1] : vector<64x128xf32> to vector<64xf32>
    %reduce_sum3A_68 = arith.constant dense<0.000000e+00> : vector<64xf32>
    %reduce_sum3A_69 = vector.multi_reduction <add>, %convert_element_type3A_59, %reduce_sum3A_68 [0] : vector<1000x64xf32> to vector<64xf32>
    %broadcast_in_dim3A_70 = vector.shape_cast %reduce_sum3A_69 : vector<64xf32> to vector<1x64xf32>
    %broadcast_in_dim3A_71 = vector.shape_cast %reduce_sum3A_62 : vector<64xf32> to vector<1x64xf32>
    %broadcast_in_dim3A_72 = vector.shape_cast %reduce_sum3A_67 : vector<64xf32> to vector<1x64xf32>
    %broadcast_in_dim3A_73 = arith.constant 0.000000e+00 : f32
    %broadcast_in_dim3A_74 = vector.broadcast %broadcast_in_dim3A_73 : f32 to vector<5x64xf32>
    %concatenate3A = tpu.concatenate %broadcast_in_dim3A_70, %broadcast_in_dim3A_71, %broadcast_in_dim3A_72, %broadcast_in_dim3A_74 in 0 : vector<1x64xf32>, vector<1x64xf32>, vector<1x64xf32>, vector<5x64xf32> -> vector<8x64xf32>
    %eq3A_75 = arith.constant 0 : i32
    %eq3A_76 = arith.cmpi eq, %arg0, %eq3A_75 : i32
    %convert_element_type3A_77 = arith.extui %eq3A_76 : i1 to i32
    %cond3A = arith.constant 0 : i32
    %cond3A_78 = arith.cmpi ne, %convert_element_type3A_77, %cond3A : i32
    scf.if %cond3A_78 {
      %broadcast_in_dim3A_86 = arith.constant 0.000000e+00 : f32
      %broadcast_in_dim3A_87 = vector.broadcast %broadcast_in_dim3A_86 : f32 to vector<8x64xf32>
      %swap3A_88 = arith.constant 0 : index
      %swap3A_89 = arith.constant 0 : index
      %swap3A_90 = vector.load %arg10[%swap3A_88, %swap3A_89] : memref<8x64xf32, #tpu.memory_space<vmem>>, vector<8x64xf32>
      tpu.vector_store %arg10[%swap3A_88, %swap3A_89], %broadcast_in_dim3A_87 {strides = array<i32>} : memref<8x64xf32, #tpu.memory_space<vmem>>, vector<8x64xf32>,
    } else {
    }
    %get3A_79 = arith.constant 0 : index
    %get3A_80 = arith.constant 0 : index
    %get3A_81 = vector.load %arg10[%get3A_79, %get3A_80] : memref<8x64xf32, #tpu.memory_space<vmem>>, vector<8x64xf32>
    %add3A_82 = arith.addf %get3A_81, %concatenate3A : vector<8x64xf32>
    %swap3A_83 = arith.constant 0 : index
    %swap3A_84 = arith.constant 0 : index
    %swap3A_85 = vector.load %arg10[%swap3A_83, %swap3A_84] : memref<8x64xf32, #tpu.memory_space<vmem>>, vector<8x64xf32>
    tpu.vector_store %arg10[%swap3A_83, %swap3A_84], %add3A_82 {strides = array<i32>} : memref<8x64xf32, #tpu.memory_space<vmem>>, vector<8x64xf32>,
    return
  }
  func.func @transform_0(%arg0: i32) -> (i32, i32) {
    %c0_i32 = arith.constant 0 : i32
    %c0_i32_0 = arith.constant 0 : i32
    %c0_i32_1 = arith.constant 0 : i32
    return %c0_i32, %c0_i32_0 : i32, i32
  }
  func.func @transform_1(%arg0: i32) -> (i32, i32, i32) {
    %c0_i32 = arith.constant 0 : i32
    %c0_i32_0 = arith.constant 0 : i32
    %c0_i32_1 = arith.constant 0 : i32
    return %c0_i32, %arg0, %c0_i32_0 : i32, i32, i32
  }
  func.func @transform_2(%arg0: i32) -> (i32, i32) {
    %c0_i32 = arith.constant 0 : i32
    %c0_i32_0 = arith.constant 0 : i32
    return %arg0, %c0_i32 : i32, i32
  }
  func.func @transform_3(%arg0: i32) -> (i32, i32) {
    %c0_i32 = arith.constant 0 : i32
    %c0_i32_0 = arith.constant 0 : i32
    %c0_i32_1 = arith.constant 0 : i32
    return %c0_i32, %c0_i32_0 : i32, i32
  }
  func.func @transform_4(%arg0: i32) -> (i32, i32) {
    %c0_i32 = arith.constant 0 : i32
    %c0_i32_0 = arith.constant 0 : i32
    %c0_i32_1 = arith.constant 0 : i32
    return %c0_i32, %c0_i32_0 : i32, i32
  }
  func.func @transform_5(%arg0: i32) -> (i32, i32) {
    %c0_i32 = arith.constant 0 : i32
    %c0_i32_0 = arith.constant 0 : i32
    %c0_i32_1 = arith.constant 0 : i32
    return %c0_i32, %c0_i32_0 : i32, i32
  }
  func.func @transform_6(%arg0: i32) -> (i32, i32) {
    %c0_i32 = arith.constant 0 : i32
    %c0_i32_0 = arith.constant 0 : i32
    %c0_i32_1 = arith.constant 0 : i32
    return %c0_i32, %c0_i32_0 : i32, i32
  }
  func.func @transform_7(%arg0: i32) -> (i32, i32, i32) {
    %c0_i32 = arith.constant 0 : i32
    %c0_i32_0 = arith.constant 0 : i32
    %c0_i32_1 = arith.constant 0 : i32
    return %arg0, %c0_i32, %c0_i32_0 : i32, i32, i32
  }
  func.func @transform_8(%arg0: i32) -> (i32, i32) {
    %c0_i32 = arith.constant 0 : i32
    %c0_i32_0 = arith.constant 0 : i32
    return %arg0, %c0_i32 : i32, i32
  }
  func.func @transform_9(%arg0: i32) -> (i32, i32) {
    %c0_i32 = arith.constant 0 : i32
    %c0_i32_0 = arith.constant 0 : i32
    %c0_i32_1 = arith.constant 0 : i32
    return %c0_i32, %c0_i32_0 : i32, i32
  }
}

module attributes {stable_mosaic.version = 14 : i64} {
  func.func @_norm_body(%arg0: i32, %arg1: memref<1000x128xf32, #tpu.memory_space<vmem>>, %arg2: memref<1000x128xf32, #tpu.memory_space<vmem>>, %arg3: memref<8x64xf32, #tpu.memory_space<vmem>>, %arg4: memref<1x1x1000xi32, #tpu.memory_space<vmem>>, %arg5: memref<1x128xf32, #tpu.memory_space<vmem>>, %arg6: memref<1x128xf32, #tpu.memory_space<vmem>>, %arg7: memref<1000x128xf32, #tpu.memory_space<vmem>>) attributes {dimension_semantics = [#tpu.dimension_semantics<arbitrary>], iteration_bounds = array<i64: 10>, scalar_prefetch = 0 : i64, scratch_operands = 0 : i64, tpu.core_type = #tpu.core_type<tc>, window_params = [{transform_indices = @transform_0, window_bounds = array<i64: 1000, 128>}, {transform_indices = @transform_1, window_bounds = array<i64: 1000, 128>}, {pipeline_mode = #tpu.pipeline_mode<synchronous>, transform_indices = @transform_2, window_bounds = array<i64: 8, 64>}, {transform_indices = @transform_3, window_bounds = array<i64: 1, 1, 1000>}, {pipeline_mode = #tpu.pipeline_mode<synchronous>, transform_indices = @transform_4, window_bounds = array<i64: 1, 128>}, {pipeline_mode = #tpu.pipeline_mode<synchronous>, transform_indices = @transform_5, window_bounds = array<i64: 1, 128>}, {transform_indices = @transform_6, window_bounds = array<i64: 1000, 128>}]} {
    %get3A = arith.constant 0 : index
    %get3A_0 = arith.constant 0 : index
    %get3A_1 = vector.load %arg3[%get3A, %get3A_0] : memref<8x64xf32, #tpu.memory_space<vmem>>, vector<1x64xf32>
    %get3A_2 = vector.shape_cast %get3A_1 : vector<1x64xf32> to vector<64xf32>
    %get3A_3 = arith.constant 1 : index
    %get3A_4 = arith.constant 0 : index
    %get3A_5 = vector.load %arg3[%get3A_3, %get3A_4] : memref<8x64xf32, #tpu.memory_space<vmem>>, vector<1x64xf32>
    %get3A_6 = vector.shape_cast %get3A_5 : vector<1x64xf32> to vector<64xf32>
    %get3A_7 = arith.constant 2 : index
    %get3A_8 = arith.constant 0 : index
    %get3A_9 = vector.load %arg3[%get3A_7, %get3A_8] : memref<8x64xf32, #tpu.memory_space<vmem>>, vector<1x64xf32>
    %get3A_10 = vector.shape_cast %get3A_9 : vector<1x64xf32> to vector<64xf32>
    %max3A = arith.constant 1.000000e+00 : f32
    %max3A_11 = vector.broadcast %max3A : f32 to vector<64xf32>
    %max3A_12 = arith.maximumf %get3A_2, %max3A_11 : vector<64xf32>
    %mul3A = arith.constant 1.280000e+02 : f32
    %mul3A_13 = vector.broadcast %mul3A : f32 to vector<64xf32>
    %mul3A_14 = arith.mulf %max3A_12, %mul3A_13 : vector<64xf32>
    %div3A = arith.divf %get3A_6, %mul3A_14 : vector<64xf32>
    %mul3A_15 = arith.constant 1.280000e+02 : f32
    %mul3A_16 = vector.broadcast %mul3A_15 : f32 to vector<64xf32>
    %mul3A_17 = arith.mulf %get3A_2, %mul3A_16 : vector<64xf32>
    %mul3A_18 = arith.constant 2.000000e+00 : f32
    %mul3A_19 = vector.broadcast %mul3A_18 : f32 to vector<64xf32>
    %mul3A_20 = arith.mulf %mul3A_19, %div3A : vector<64xf32>
    %mul3A_21 = arith.mulf %mul3A_20, %get3A_6 : vector<64xf32>
    %sub3A = arith.subf %get3A_10, %mul3A_21 : vector<64xf32>
    %mul3A_22 = arith.mulf %div3A, %div3A : vector<64xf32>
    %mul3A_23 = arith.mulf %mul3A_22, %mul3A_17 : vector<64xf32>
    %add3A = arith.addf %sub3A, %mul3A_23 : vector<64xf32>
    %div3A_24 = arith.divf %add3A, %mul3A_14 : vector<64xf32>
    %add3A_25 = arith.constant 9.99999974E-6 : f32
    %add3A_26 = vector.broadcast %add3A_25 : f32 to vector<64xf32>
    %add3A_27 = arith.addf %div3A_24, %add3A_26 : vector<64xf32>
    %rsqrt3A = math.rsqrt %add3A_27 : vector<64xf32>
    %get3A_28 = arith.constant 0 : index
    %get3A_29 = arith.constant 0 : index
    %get3A_30 = arith.constant 0 : index
    %get3A_31 = vector.load %arg4[%get3A_28, %get3A_29, %get3A_30] : memref<1x1x1000xi32, #tpu.memory_space<vmem>>, vector<1x1x1000xi32>
    %get3A_32 = vector.shape_cast %get3A_31 : vector<1x1x1000xi32> to vector<1000xi32>
    %iota3A = tpu.iota {dimensions = array<i32: 1>} : vector<1x64xi32>
    %broadcast_in_dim3A = vector.shape_cast %get3A_32 : vector<1000xi32> to vector<1000x1xi32>
    %eq3A = vector.broadcast %broadcast_in_dim3A : vector<1000x1xi32> to vector<1000x64xi32>
    %eq3A_33 = vector.broadcast %iota3A : vector<1x64xi32> to vector<1000x64xi32>
    %eq3A_34 = arith.cmpi eq, %eq3A, %eq3A_33 : vector<1000x64xi32>
    %convert_element_type3A = arith.extui %eq3A_34 : vector<1000x64xi1> to vector<1000x64xi32>
    %convert_element_type3A_35 = arith.sitofp %convert_element_type3A : vector<1000x64xi32> to vector<1000x64xf32>
    %broadcast_in_dim3A_36 = vector.shape_cast %div3A : vector<64xf32> to vector<1x64xf32>
    %mul3A_37 = vector.broadcast %broadcast_in_dim3A_36 : vector<1x64xf32> to vector<1000x64xf32>
    %mul3A_38 = arith.mulf %convert_element_type3A_35, %mul3A_37 : vector<1000x64xf32>
    %reduce_sum3A = arith.constant dense<0.000000e+00> : vector<1000xf32>
    %reduce_sum3A_39 = vector.multi_reduction <add>, %mul3A_38, %reduce_sum3A [1] : vector<1000x64xf32> to vector<1000xf32>
    %broadcast_in_dim3A_40 = vector.shape_cast %rsqrt3A : vector<64xf32> to vector<1x64xf32>
    %mul3A_41 = vector.broadcast %broadcast_in_dim3A_40 : vector<1x64xf32> to vector<1000x64xf32>
    %mul3A_42 = arith.mulf %convert_element_type3A_35, %mul3A_41 : vector<1000x64xf32>
    %reduce_sum3A_43 = arith.constant dense<0.000000e+00> : vector<1000xf32>
    %reduce_sum3A_44 = vector.multi_reduction <add>, %mul3A_42, %reduce_sum3A_43 [1] : vector<1000x64xf32> to vector<1000xf32>
    %get3A_45 = arith.constant 0 : index
    %get3A_46 = arith.constant 0 : index
    %get3A_47 = vector.load %arg1[%get3A_45, %get3A_46] : memref<1000x128xf32, #tpu.memory_space<vmem>>, vector<1000x128xf32>
    %broadcast_in_dim3A_48 = vector.shape_cast %reduce_sum3A_39 : vector<1000xf32> to vector<1000x1xf32>
    %sub3A_49 = vector.broadcast %broadcast_in_dim3A_48 : vector<1000x1xf32> to vector<1000x128xf32>
    %sub3A_50 = arith.subf %get3A_47, %sub3A_49 : vector<1000x128xf32>
    %broadcast_in_dim3A_51 = vector.shape_cast %reduce_sum3A_44 : vector<1000xf32> to vector<1000x1xf32>
    %mul3A_52 = vector.broadcast %broadcast_in_dim3A_51 : vector<1000x1xf32> to vector<1000x128xf32>
    %mul3A_53 = arith.mulf %sub3A_50, %mul3A_52 : vector<1000x128xf32>
    %get3A_54 = arith.constant 0 : index
    %get3A_55 = arith.constant 0 : index
    %get3A_56 = vector.load %arg5[%get3A_54, %get3A_55] : memref<1x128xf32, #tpu.memory_space<vmem>>, vector<1x128xf32>
    %mul3A_57 = vector.broadcast %get3A_56 : vector<1x128xf32> to vector<1000x128xf32>
    %mul3A_58 = arith.mulf %mul3A_53, %mul3A_57 : vector<1000x128xf32>
    %get3A_59 = arith.constant 0 : index
    %get3A_60 = arith.constant 0 : index
    %get3A_61 = vector.load %arg6[%get3A_59, %get3A_60] : memref<1x128xf32, #tpu.memory_space<vmem>>, vector<1x128xf32>
    %add3A_62 = vector.broadcast %get3A_61 : vector<1x128xf32> to vector<1000x128xf32>
    %add3A_63 = arith.addf %mul3A_58, %add3A_62 : vector<1000x128xf32>
    %get3A_64 = arith.constant 0 : index
    %get3A_65 = arith.constant 0 : index
    %get3A_66 = vector.load %arg2[%get3A_64, %get3A_65] : memref<1000x128xf32, #tpu.memory_space<vmem>>, vector<1000x128xf32>
    %add3A_67 = arith.addf %add3A_63, %get3A_66 : vector<1000x128xf32>
    %mul3A_68 = arith.constant 5.000000e-01 : f32
    %mul3A_69 = vector.broadcast %mul3A_68 : f32 to vector<1000x128xf32>
    %mul3A_70 = arith.mulf %add3A_67, %mul3A_69 : vector<1000x128xf32>
    %max3A_71 = arith.constant 0.000000e+00 : f32
    %max3A_72 = vector.broadcast %max3A_71 : f32 to vector<1000x128xf32>
    %max3A_73 = arith.maximumf %mul3A_70, %max3A_72 : vector<1000x128xf32>
    %swap3A = arith.constant 0 : index
    %swap3A_74 = arith.constant 0 : index
    %swap3A_75 = vector.load %arg7[%swap3A, %swap3A_74] : memref<1000x128xf32, #tpu.memory_space<vmem>>, vector<1000x128xf32>
    tpu.vector_store %arg7[%swap3A, %swap3A_74], %max3A_73 {strides = array<i32>} : memref<1000x128xf32, #tpu.memory_space<vmem>>, vector<1000x128xf32>,
    return
  }
  func.func @transform_0(%arg0: i32) -> (i32, i32) {
    %c0_i32 = arith.constant 0 : i32
    %c0_i32_0 = arith.constant 0 : i32
    return %arg0, %c0_i32 : i32, i32
  }
  func.func @transform_1(%arg0: i32) -> (i32, i32) {
    %c0_i32 = arith.constant 0 : i32
    %c0_i32_0 = arith.constant 0 : i32
    return %arg0, %c0_i32 : i32, i32
  }
  func.func @transform_2(%arg0: i32) -> (i32, i32) {
    %c0_i32 = arith.constant 0 : i32
    %c0_i32_0 = arith.constant 0 : i32
    %c0_i32_1 = arith.constant 0 : i32
    return %c0_i32, %c0_i32_0 : i32, i32
  }
  func.func @transform_3(%arg0: i32) -> (i32, i32, i32) {
    %c0_i32 = arith.constant 0 : i32
    %c0_i32_0 = arith.constant 0 : i32
    %c0_i32_1 = arith.constant 0 : i32
    return %arg0, %c0_i32, %c0_i32_0 : i32, i32, i32
  }
  func.func @transform_4(%arg0: i32) -> (i32, i32) {
    %c0_i32 = arith.constant 0 : i32
    %c0_i32_0 = arith.constant 0 : i32
    %c0_i32_1 = arith.constant 0 : i32
    return %c0_i32, %c0_i32_0 : i32, i32
  }
  func.func @transform_5(%arg0: i32) -> (i32, i32) {
    %c0_i32 = arith.constant 0 : i32
    %c0_i32_0 = arith.constant 0 : i32
    %c0_i32_1 = arith.constant 0 : i32
    return %c0_i32, %c0_i32_0 : i32, i32
  }
  func.func @transform_6(%arg0: i32) -> (i32, i32) {
    %c0_i32 = arith.constant 0 : i32
    %c0_i32_0 = arith.constant 0 : i32
    return %arg0, %c0_i32 : i32, i32
  }
}

module attributes {stable_mosaic.version = 14 : i64} {
  func.func @_final_body(%arg0: i32, %arg1: memref<1000x128xf32, #tpu.memory_space<vmem>>, %arg2: memref<1000x128xf32, #tpu.memory_space<vmem>>, %arg3: memref<256x128xf32, #tpu.memory_space<vmem>>, %arg4: memref<1x128xf32, #tpu.memory_space<vmem>>, %arg5: memref<128x128xf32, #tpu.memory_space<vmem>>, %arg6: memref<1x128xf32, #tpu.memory_space<vmem>>, %arg7: memref<128x128xf32, #tpu.memory_space<vmem>>, %arg8: memref<1x128xf32, #tpu.memory_space<vmem>>, %arg9: memref<1x1x1000xi32, #tpu.memory_space<vmem>>, %arg10: memref<8x64xf32, #tpu.memory_space<vmem>>, %arg11: memref<256x128xf32, #tpu.memory_space<vmem>>, %arg12: memref<1x128xf32, #tpu.memory_space<vmem>>, %arg13: memref<1000x128xf32, #tpu.memory_space<vmem>>, %arg14: memref<64x128xf32, #tpu.memory_space<vmem>>, %arg15: memref<64x128xf32, #tpu.memory_space<vmem>>) attributes {dimension_semantics = [#tpu.dimension_semantics<arbitrary>], iteration_bounds = array<i64: 10>, scalar_prefetch = 0 : i64, scratch_operands = 0 : i64, tpu.core_type = #tpu.core_type<tc>, window_params = [{transform_indices = @transform_0, window_bounds = array<i64: 1000, 128>}, {transform_indices = @transform_1, window_bounds = array<i64: 1000, 128>}, {pipeline_mode = #tpu.pipeline_mode<synchronous>, transform_indices = @transform_2, window_bounds = array<i64: 256, 128>}, {pipeline_mode = #tpu.pipeline_mode<synchronous>, transform_indices = @transform_3, window_bounds = array<i64: 1, 128>}, {pipeline_mode = #tpu.pipeline_mode<synchronous>, transform_indices = @transform_4, window_bounds = array<i64: 128, 128>}, {pipeline_mode = #tpu.pipeline_mode<synchronous>, transform_indices = @transform_5, window_bounds = array<i64: 1, 128>}, {pipeline_mode = #tpu.pipeline_mode<synchronous>, transform_indices = @transform_6, window_bounds = array<i64: 128, 128>}, {pipeline_mode = #tpu.pipeline_mode<synchronous>, transform_indices = @transform_7, window_bounds = array<i64: 1, 128>}, {transform_indices = @transform_8, window_bounds = array<i64: 1, 1, 1000>}, {pipeline_mode = #tpu.pipeline_mode<synchronous>, transform_indices = @transform_9, window_bounds = array<i64: 8, 64>}, {pipeline_mode = #tpu.pipeline_mode<synchronous>, transform_indices = @transform_10, window_bounds = array<i64: 256, 128>}, {pipeline_mode = #tpu.pipeline_mode<synchronous>, transform_indices = @transform_11, window_bounds = array<i64: 1, 128>}, {transform_indices = @transform_12, window_bounds = array<i64: 1000, 128>}, {pipeline_mode = #tpu.pipeline_mode<synchronous>, transform_indices = @transform_13, window_bounds = array<i64: 64, 128>}, {pipeline_mode = #tpu.pipeline_mode<synchronous>, transform_indices = @transform_14, window_bounds = array<i64: 64, 128>}]} {
    %get3A = arith.constant 0 : index
    %get3A_0 = arith.constant 0 : index
    %get3A_1 = vector.load %arg1[%get3A, %get3A_0] : memref<1000x128xf32, #tpu.memory_space<vmem>>, vector<1000x128xf32>
    %get3A_2 = arith.constant 0 : index
    %get3A_3 = arith.constant 0 : index
    %get3A_4 = vector.load %arg3[%get3A_2, %get3A_3] : memref<256x128xf32, #tpu.memory_space<vmem>>, vector<128x128xf32>
    %dot_general3A = arith.constant dense<0.000000e+00> : vector<1000x128xf32>
    %dot_general3A_5 = tpu.matmul %get3A_1, %get3A_4, %dot_general3A {dimension_numbers = #tpu.dot_dimension_numbers<[1], [0], [0], [1], [0, 0, 1, 1], [], []>, transpose_lhs_hint = false} : vector<1000x128xf32>, vector<128x128xf32>, vector<1000x128xf32> -> vector<1000x128xf32>
    %get3A_6 = arith.constant 0 : index
    %get3A_7 = arith.constant 0 : index
    %get3A_8 = vector.load %arg2[%get3A_6, %get3A_7] : memref<1000x128xf32, #tpu.memory_space<vmem>>, vector<1000x128xf32>
    %get3A_9 = arith.constant 128 : index
    %get3A_10 = arith.constant 0 : index
    %get3A_11 = vector.load %arg3[%get3A_9, %get3A_10] : memref<256x128xf32, #tpu.memory_space<vmem>>, vector<128x128xf32>
    %dot_general3A_12 = arith.constant dense<0.000000e+00> : vector<1000x128xf32>
    %dot_general3A_13 = tpu.matmul %get3A_8, %get3A_11, %dot_general3A_12 {dimension_numbers = #tpu.dot_dimension_numbers<[1], [0], [0], [1], [0, 0, 1, 1], [], []>, transpose_lhs_hint = false} : vector<1000x128xf32>, vector<128x128xf32>, vector<1000x128xf32> -> vector<1000x128xf32>
    %add3A = arith.addf %dot_general3A_5, %dot_general3A_13 : vector<1000x128xf32>
    %get3A_14 = arith.constant 0 : index
    %get3A_15 = arith.constant 0 : index
    %get3A_16 = vector.load %arg4[%get3A_14, %get3A_15] : memref<1x128xf32, #tpu.memory_space<vmem>>, vector<1x128xf32>
    %add3A_17 = vector.broadcast %get3A_16 : vector<1x128xf32> to vector<1000x128xf32>
    %add3A_18 = arith.addf %add3A, %add3A_17 : vector<1000x128xf32>
    %logistic3A = arith.negf %add3A_18 : vector<1000x128xf32>
    %logistic3A_19 = math.exp %logistic3A : vector<1000x128xf32>
    %logistic3A_20 = arith.constant 1.000000e+00 : f32
    %logistic3A_21 = vector.broadcast %logistic3A_20 : f32 to vector<1000x128xf32>
    %logistic3A_22 = arith.addf %logistic3A_21, %logistic3A_19 : vector<1000x128xf32>
    %logistic3A_23 = arith.divf %logistic3A_21, %logistic3A_22 : vector<1000x128xf32>
    %mul3A = arith.mulf %add3A_18, %logistic3A_23 : vector<1000x128xf32>
    %swap3A = arith.constant 0 : index
    %swap3A_24 = arith.constant 0 : index
    %swap3A_25 = vector.load %arg13[%swap3A, %swap3A_24] : memref<1000x128xf32, #tpu.memory_space<vmem>>, vector<1000x128xf32>
    tpu.vector_store %arg13[%swap3A, %swap3A_24], %mul3A {strides = array<i32>} : memref<1000x128xf32, #tpu.memory_space<vmem>>, vector<1000x128xf32>,
    %get3A_26 = arith.constant 0 : index
    %get3A_27 = arith.constant 0 : index
    %get3A_28 = vector.load %arg5[%get3A_26, %get3A_27] : memref<128x128xf32, #tpu.memory_space<vmem>>, vector<128x128xf32>
    %dot_general3A_29 = arith.constant dense<0.000000e+00> : vector<1000x128xf32>
    %dot_general3A_30 = tpu.matmul %mul3A, %get3A_28, %dot_general3A_29 {dimension_numbers = #tpu.dot_dimension_numbers<[1], [0], [0], [1], [0, 0, 1, 1], [], []>, transpose_lhs_hint = false} : vector<1000x128xf32>, vector<128x128xf32>, vector<1000x128xf32> -> vector<1000x128xf32>
    %get3A_31 = arith.constant 0 : index
    %get3A_32 = arith.constant 0 : index
    %get3A_33 = vector.load %arg6[%get3A_31, %get3A_32] : memref<1x128xf32, #tpu.memory_space<vmem>>, vector<1x128xf32>
    %add3A_34 = vector.broadcast %get3A_33 : vector<1x128xf32> to vector<1000x128xf32>
    %add3A_35 = arith.addf %dot_general3A_30, %add3A_34 : vector<1000x128xf32>
    %get3A_36 = arith.constant 0 : index
    %get3A_37 = arith.constant 0 : index
    %get3A_38 = vector.load %arg7[%get3A_36, %get3A_37] : memref<128x128xf32, #tpu.memory_space<vmem>>, vector<128x128xf32>
    %dot_general3A_39 = arith.constant dense<0.000000e+00> : vector<1000x128xf32>
    %dot_general3A_40 = tpu.matmul %mul3A, %get3A_38, %dot_general3A_39 {dimension_numbers = #tpu.dot_dimension_numbers<[1], [0], [0], [1], [0, 0, 1, 1], [], []>, transpose_lhs_hint = false} : vector<1000x128xf32>, vector<128x128xf32>, vector<1000x128xf32> -> vector<1000x128xf32>
    %get3A_41 = arith.constant 0 : index
    %get3A_42 = arith.constant 0 : index
    %get3A_43 = vector.load %arg8[%get3A_41, %get3A_42] : memref<1x128xf32, #tpu.memory_space<vmem>>, vector<1x128xf32>
    %add3A_44 = vector.broadcast %get3A_43 : vector<1x128xf32> to vector<1000x128xf32>
    %add3A_45 = arith.addf %dot_general3A_40, %add3A_44 : vector<1000x128xf32>
    %logistic3A_46 = arith.negf %add3A_45 : vector<1000x128xf32>
    %logistic3A_47 = math.exp %logistic3A_46 : vector<1000x128xf32>
    %logistic3A_48 = arith.constant 1.000000e+00 : f32
    %logistic3A_49 = vector.broadcast %logistic3A_48 : f32 to vector<1000x128xf32>
    %logistic3A_50 = arith.addf %logistic3A_49, %logistic3A_47 : vector<1000x128xf32>
    %logistic3A_51 = arith.divf %logistic3A_49, %logistic3A_50 : vector<1000x128xf32>
    %mul3A_52 = arith.mulf %add3A_35, %logistic3A_51 : vector<1000x128xf32>
    %get3A_53 = arith.constant 0 : index
    %get3A_54 = arith.constant 0 : index
    %get3A_55 = arith.constant 0 : index
    %get3A_56 = vector.load %arg9[%get3A_53, %get3A_54, %get3A_55] : memref<1x1x1000xi32, #tpu.memory_space<vmem>>, vector<1x1x1000xi32>
    %get3A_57 = vector.shape_cast %get3A_56 : vector<1x1x1000xi32> to vector<1000xi32>
    %iota3A = tpu.iota {dimensions = array<i32: 1>} : vector<1x64xi32>
    %broadcast_in_dim3A = vector.shape_cast %get3A_57 : vector<1000xi32> to vector<1000x1xi32>
    %eq3A = vector.broadcast %broadcast_in_dim3A : vector<1000x1xi32> to vector<1000x64xi32>
    %eq3A_58 = vector.broadcast %iota3A : vector<1x64xi32> to vector<1000x64xi32>
    %eq3A_59 = arith.cmpi eq, %eq3A, %eq3A_58 : vector<1000x64xi32>
    %convert_element_type3A = arith.extui %eq3A_59 : vector<1000x64xi1> to vector<1000x64xi32>
    %convert_element_type3A_60 = arith.sitofp %convert_element_type3A : vector<1000x64xi32> to vector<1000x64xf32>
    %dot_general3A_61 = arith.constant dense<0.000000e+00> : vector<64x128xf32>
    %dot_general3A_62 = tpu.matmul %convert_element_type3A_60, %mul3A_52, %dot_general3A_61 {dimension_numbers = #tpu.dot_dimension_numbers<[0], [0], [1], [1], [0, 1, 1, 1], [], []>, transpose_lhs_hint = false} : vector<1000x64xf32>, vector<1000x128xf32>, vector<64x128xf32> -> vector<64x128xf32>
    %eq3A_63 = arith.constant 0 : i32
    %eq3A_64 = arith.cmpi eq, %arg0, %eq3A_63 : i32
    %convert_element_type3A_65 = arith.extui %eq3A_64 : i1 to i32
    %cond3A = arith.constant 0 : i32
    %cond3A_66 = arith.cmpi ne, %convert_element_type3A_65, %cond3A : i32
    scf.if %cond3A_66 {
      %broadcast_in_dim3A_79 = arith.constant 0.000000e+00 : f32
      %broadcast_in_dim3A_80 = vector.broadcast %broadcast_in_dim3A_79 : f32 to vector<64x128xf32>
      %swap3A_81 = arith.constant 0 : index
      %swap3A_82 = arith.constant 0 : index
      %swap3A_83 = vector.load %arg15[%swap3A_81, %swap3A_82] : memref<64x128xf32, #tpu.memory_space<vmem>>, vector<64x128xf32>
      tpu.vector_store %arg15[%swap3A_81, %swap3A_82], %broadcast_in_dim3A_80 {strides = array<i32>} : memref<64x128xf32, #tpu.memory_space<vmem>>, vector<64x128xf32>,
    } else {
    }
    %get3A_67 = arith.constant 0 : index
    %get3A_68 = arith.constant 0 : index
    %get3A_69 = vector.load %arg15[%get3A_67, %get3A_68] : memref<64x128xf32, #tpu.memory_space<vmem>>, vector<64x128xf32>
    %add3A_70 = arith.addf %get3A_69, %dot_general3A_62 : vector<64x128xf32>
    %swap3A_71 = arith.constant 0 : index
    %swap3A_72 = arith.constant 0 : index
    %swap3A_73 = vector.load %arg15[%swap3A_71, %swap3A_72] : memref<64x128xf32, #tpu.memory_space<vmem>>, vector<64x128xf32>
    tpu.vector_store %arg15[%swap3A_71, %swap3A_72], %add3A_70 {strides = array<i32>} : memref<64x128xf32, #tpu.memory_space<vmem>>, vector<64x128xf32>,
    %eq3A_74 = arith.constant 9 : i32
    %eq3A_75 = arith.cmpi eq, %arg0, %eq3A_74 : i32
    %convert_element_type3A_76 = arith.extui %eq3A_75 : i1 to i32
    %cond3A_77 = arith.constant 0 : i32
    %cond3A_78 = arith.cmpi ne, %convert_element_type3A_76, %cond3A_77 : i32
    scf.if %cond3A_78 {
      %get3A_79 = arith.constant 0 : index
      %get3A_80 = arith.constant 0 : index
      %get3A_81 = vector.load %arg10[%get3A_79, %get3A_80] : memref<8x64xf32, #tpu.memory_space<vmem>>, vector<1x64xf32>
      %get3A_82 = vector.shape_cast %get3A_81 : vector<1x64xf32> to vector<64xf32>
      %max3A = arith.constant 1.000000e+00 : f32
      %max3A_83 = vector.broadcast %max3A : f32 to vector<64xf32>
      %max3A_84 = arith.maximumf %get3A_82, %max3A_83 : vector<64xf32>
      %get3A_85 = arith.constant 0 : index
      %get3A_86 = arith.constant 0 : index
      %get3A_87 = vector.load %arg15[%get3A_85, %get3A_86] : memref<64x128xf32, #tpu.memory_space<vmem>>, vector<64x128xf32>
      %broadcast_in_dim3A_88 = vector.shape_cast %max3A_84 : vector<64xf32> to vector<64x1xf32>
      %div3A = vector.broadcast %broadcast_in_dim3A_88 : vector<64x1xf32> to vector<64x128xf32>
      %div3A_89 = arith.divf %get3A_87, %div3A : vector<64x128xf32>
      %get3A_90 = arith.constant 0 : index
      %get3A_91 = arith.constant 0 : index
      %get3A_92 = vector.load %arg11[%get3A_90, %get3A_91] : memref<256x128xf32, #tpu.memory_space<vmem>>, vector<128x128xf32>
      %dot_general3A_93 = arith.constant dense<0.000000e+00> : vector<64x128xf32>
      %dot_general3A_94 = tpu.matmul %get3A_87, %get3A_92, %dot_general3A_93 {dimension_numbers = #tpu.dot_dimension_numbers<[1], [0], [0], [1], [0, 0, 1, 1], [], []>, transpose_lhs_hint = false} : vector<64x128xf32>, vector<128x128xf32>, vector<64x128xf32> -> vector<64x128xf32>
      %get3A_95 = arith.constant 128 : index
      %get3A_96 = arith.constant 0 : index
      %get3A_97 = vector.load %arg11[%get3A_95, %get3A_96] : memref<256x128xf32, #tpu.memory_space<vmem>>, vector<128x128xf32>
      %dot_general3A_98 = arith.constant dense<0.000000e+00> : vector<64x128xf32>
      %dot_general3A_99 = tpu.matmul %div3A_89, %get3A_97, %dot_general3A_98 {dimension_numbers = #tpu.dot_dimension_numbers<[1], [0], [0], [1], [0, 0, 1, 1], [], []>, transpose_lhs_hint = false} : vector<64x128xf32>, vector<128x128xf32>, vector<64x128xf32> -> vector<64x128xf32>
      %add3A_100 = arith.addf %dot_general3A_94, %dot_general3A_99 : vector<64x128xf32>
      %get3A_101 = arith.constant 0 : index
      %get3A_102 = arith.constant 0 : index
      %get3A_103 = vector.load %arg12[%get3A_101, %get3A_102] : memref<1x128xf32, #tpu.memory_space<vmem>>, vector<1x128xf32>
      %add3A_104 = vector.broadcast %get3A_103 : vector<1x128xf32> to vector<64x128xf32>
      %add3A_105 = arith.addf %add3A_100, %add3A_104 : vector<64x128xf32>
      %logistic3A_106 = arith.negf %add3A_105 : vector<64x128xf32>
      %logistic3A_107 = math.exp %logistic3A_106 : vector<64x128xf32>
      %logistic3A_108 = arith.constant 1.000000e+00 : f32
      %logistic3A_109 = vector.broadcast %logistic3A_108 : f32 to vector<64x128xf32>
      %logistic3A_110 = arith.addf %logistic3A_109, %logistic3A_107 : vector<64x128xf32>
      %logistic3A_111 = arith.divf %logistic3A_109, %logistic3A_110 : vector<64x128xf32>
      %mul3A_112 = arith.mulf %add3A_105, %logistic3A_111 : vector<64x128xf32>
      %swap3A_113 = arith.constant 0 : index
      %swap3A_114 = arith.constant 0 : index
      %swap3A_115 = vector.load %arg14[%swap3A_113, %swap3A_114] : memref<64x128xf32, #tpu.memory_space<vmem>>, vector<64x128xf32>
      tpu.vector_store %arg14[%swap3A_113, %swap3A_114], %mul3A_112 {strides = array<i32>} : memref<64x128xf32, #tpu.memory_space<vmem>>, vector<64x128xf32>,
    } else {
    }
    return
  }
  func.func @transform_0(%arg0: i32) -> (i32, i32) {
    %c0_i32 = arith.constant 0 : i32
    %c0_i32_0 = arith.constant 0 : i32
    return %arg0, %c0_i32 : i32, i32
  }
  func.func @transform_1(%arg0: i32) -> (i32, i32) {
    %c0_i32 = arith.constant 0 : i32
    %c0_i32_0 = arith.constant 0 : i32
    return %arg0, %c0_i32 : i32, i32
  }
  func.func @transform_2(%arg0: i32) -> (i32, i32) {
    %c0_i32 = arith.constant 0 : i32
    %c0_i32_0 = arith.constant 0 : i32
    %c0_i32_1 = arith.constant 0 : i32
    return %c0_i32, %c0_i32_0 : i32, i32
  }
  func.func @transform_3(%arg0: i32) -> (i32, i32) {
    %c0_i32 = arith.constant 0 : i32
    %c0_i32_0 = arith.constant 0 : i32
    %c0_i32_1 = arith.constant 0 : i32
    return %c0_i32, %c0_i32_0 : i32, i32
  }
  func.func @transform_4(%arg0: i32) -> (i32, i32) {
    %c0_i32 = arith.constant 0 : i32
    %c0_i32_0 = arith.constant 0 : i32
    %c0_i32_1 = arith.constant 0 : i32
    return %c0_i32, %c0_i32_0 : i32, i32
  }
  func.func @transform_5(%arg0: i32) -> (i32, i32) {
    %c0_i32 = arith.constant 0 : i32
    %c0_i32_0 = arith.constant 0 : i32
    %c0_i32_1 = arith.constant 0 : i32
    return %c0_i32, %c0_i32_0 : i32, i32
  }
  func.func @transform_6(%arg0: i32) -> (i32, i32) {
    %c0_i32 = arith.constant 0 : i32
    %c0_i32_0 = arith.constant 0 : i32
    %c0_i32_1 = arith.constant 0 : i32
    return %c0_i32, %c0_i32_0 : i32, i32
  }
  func.func @transform_7(%arg0: i32) -> (i32, i32) {
    %c0_i32 = arith.constant 0 : i32
    %c0_i32_0 = arith.constant 0 : i32
    %c0_i32_1 = arith.constant 0 : i32
    return %c0_i32, %c0_i32_0 : i32, i32
  }
  func.func @transform_8(%arg0: i32) -> (i32, i32, i32) {
    %c0_i32 = arith.constant 0 : i32
    %c0_i32_0 = arith.constant 0 : i32
    %c0_i32_1 = arith.constant 0 : i32
    return %arg0, %c0_i32, %c0_i32_0 : i32, i32, i32
  }
  func.func @transform_9(%arg0: i32) -> (i32, i32) {
    %c0_i32 = arith.constant 0 : i32
    %c0_i32_0 = arith.constant 0 : i32
    %c0_i32_1 = arith.constant 0 : i32
    return %c0_i32, %c0_i32_0 : i32, i32
  }
  func.func @transform_10(%arg0: i32) -> (i32, i32) {
    %c0_i32 = arith.constant 0 : i32
    %c0_i32_0 = arith.constant 0 : i32
    %c0_i32_1 = arith.constant 0 : i32
    return %c0_i32, %c0_i32_0 : i32, i32
  }
  func.func @transform_11(%arg0: i32) -> (i32, i32) {
    %c0_i32 = arith.constant 0 : i32
    %c0_i32_0 = arith.constant 0 : i32
    %c0_i32_1 = arith.constant 0 : i32
    return %c0_i32, %c0_i32_0 : i32, i32
  }
  func.func @transform_12(%arg0: i32) -> (i32, i32) {
    %c0_i32 = arith.constant 0 : i32
    %c0_i32_0 = arith.constant 0 : i32
    return %arg0, %c0_i32 : i32, i32
  }
  func.func @transform_13(%arg0: i32) -> (i32, i32) {
    %c0_i32 = arith.constant 0 : i32
    %c0_i32_0 = arith.constant 0 : i32
    %c0_i32_1 = arith.constant 0 : i32
    return %c0_i32, %c0_i32_0 : i32, i32
  }
  func.func @transform_14(%arg0: i32) -> (i32, i32) {
    %c0_i32 = arith.constant 0 : i32
    %c0_i32_0 = arith.constant 0 : i32
    %c0_i32_1 = arith.constant 0 : i32
    return %c0_i32, %c0_i32_0 : i32, i32
  }
}

</mosaic_0001>

<sc_bundles>
// kernel: kernel.11.cloned.1.call-start
scs
__scs_entry_jumppad:
0x0: {  	(pc) =	sbr.rel $0x88, $3  }
0x1: {  	(tag) =	ssettag $0x0;
	lr =	simm.s32 $0x1  }
0x2: {  	[smem:$0x3F7F] =	sst lr;
	_ =	strace $0xD0000000  }
0x3: {  	_ = 	snop  }
0x4: {  	_ = 	snop  }
0x5: {  	_ = 	snop  }
0x6: {  	_ = 	snop  }
0x7: {  	_ = 	snop  }
__scs_overlays_trampoline_lowered:
0x8: {  	[smem:$0x3F8E] =	sst s0  }
0x9: {  	[smem:$0x3F8F] =	sst s1  }
0xa: {  	[smem:$0x3F90] =	sst s2  }
0xb: {  	[smem:$0x3F91] =	sst s3  }
0xc: {  	[smem:$0x3F92] =	sst s4  }
0xd: {  	[smem:$0x3F93] =	sst s5  }
0xe: {  	[smem:$0x3F94] =	sst s6  }
0xf: {  	[smem:$0x3F95] =	sst s7  }
0x10: {  	[smem:$0x3F96] =	sst s8  }
0x11: {  	[smem:$0x3F97] =	sst s9;
	s0 =	simm.s32 @!p0 $0x0  }
0x12: {  	s1 =	sld [smem:$0x3F7D];
	s0 =	simm.s32 @p0 $0x1  }
0x13: {  	[smem:$0x3F98] =	sst s0;
	s0 =	simm.s32 @!p1 $0x0  }
0x14: {  	s2 =	sld [smem:$0x3F7C];
	s0 =	simm.s32 @p1 $0x1  }
0x15: {  	[smem:$0x3F99] =	sst s0;
	s0 =	simm.s32 @!p2 $0x0  }
0x16: {  	s3 =	sld [smem:$0x3FDB];
	s0 =	simm.s32 @p2 $0x1  }
0x17: {  	s4 =	simm.s32 $0x1BF5;
	[smem:$0x3F9B] =	sst s0  }
0x18: {  	s0 =	sld [smem:$0x3F7E];
	_ =	swait.ge [sflag:s4], $0x0  }
0x19: {  	s7 =	sld [smem:$0x3F7F]  }
0x1a: {  	s8 =	sadd.s32 $0xFFFFE003, lr  }
0x1b: {  	s9 =	sadd.s32 $0xFFFFFEF7, lr;
	s5 =	simm.s32 $0xFFFFFFFF;
	p2 =	slt.u32 s8, $0xFFFFF086  }
0x1c: {  	p1 =	slt.u32 s9, $0xF7A;
	s5 =	simm.s32 @!p2 $0x0  }
0x1d: {  	s5 =	simm.s32 @p1 $0x1;
	p0 =	seq.s32 s7, s2  }
0x1e: {  	s7 =	smul.u32 @!p0 $0xF7A, s2;
	p2 =	seq.s32 @!p0 s5, $0x0  }
0x1f: {  	s9 =	smul.u32 $0xF7A, s1;
	s8 =	simm.s32 @!p0 $0x1BF5;
	p2 =	por !p2, p0  }
0x20: {  	[sflag:s8] =	ssyncset.s32 @!p0 $0xFFFFF086;
	s6 =	sadd.s32 @!p0 s3, s7;
	s7 =	simm.s32 @!p0 $0x108  }
0x21: {  	s3 =	sadd.s32 s3, s9;
	s6 =	sadd.s32 @!p0 $0x88, s6;
	s7 =	simm.s32 @p2 $0x1082  }
0x22: {  	[simem:s7], [sflag:s8] =	dma.local @!p0 [hbm:s6], $0xF7A  }
0x23: {  	s9 =	sor.u32 $0xD0000000, s2;
	s6 =	simm.s32 $0x108;
	_ =	swait.ge @!p0 [sflag:s8], $0x0  }
0x24: {  	s3 =	sadd.s32 $0x88, s3;
	s6 =	simm.s32 @!p1 $0x1082;
	[sflag:s4] =	ssyncset.s32 $0xFFFFF086  }
0x25: {  	[simem:s6], [sflag:s4] =	dma.local [hbm:s3], $0xF7A  }
0x26: {  	[smem:$0x3F7F] =	sst s1;
	(tag) =	ssettag s2;
	_ =	strace s9  }
0x27: {  	s1 =	sld [smem:$0x3F8F]  }
0x28: {  	s2 =	sld [smem:$0x3F90]  }
0x29: {  	s4 =	sld [smem:$0x3F92]  }
0x2a: {  	p0 =	seq.s32 s5, $0x0;
	s5 =	sld [smem:$0x3F93]  }
0x2b: {  	s6 =	sld [smem:$0x3F94]  }
0x2c: {  	s7 =	sld [smem:$0x3F95]  }
0x2d: {  	s3 =	simm.s32 $0x108;
	s8 =	sld [smem:$0x3F96]  }
0x2e: {  	s3 =	simm.s32 @!p0 $0x1082;
	s9 =	sld [smem:$0x3F97]  }
0x2f: {  	lr =	sadd.s32 s0, s3;
	s0 =	sld [smem:$0x3F8E]  }
0x30: {  	s3 =	sld [smem:$0x3F91]  }
0x31: {  	[smem:$0x3F9A] =	sst s10  }
0x32: {  	s10 =	sld [smem:$0x3F98];
	_ =	sdelay $0x3  }
0x33: {  	p0 =	seq.s32 s10, $0x1;
	s10 =	sld [smem:$0x3F9A];
	_ =	sdelay $0x3  }
0x34: {  	[smem:$0x3F9A] =	sst s10  }
0x35: {  	s10 =	sld [smem:$0x3F99];
	_ =	sdelay $0x3  }
0x36: {  	p1 =	seq.s32 s10, $0x1;
	s10 =	sld [smem:$0x3F9A];
	_ =	sdelay $0x3  }
0x37: {  	[smem:$0x3F9A] =	sst s10  }
0x38: {  	s10 =	sld [smem:$0x3F9B]  }
0x39: {  	_ = 	snop;
	(pc) =	sbr.ind lr, $3  }
0x3a: {  	_ = 	snop  }
0x3b: {  	_ = 	snop  }
0x3c: {  	p2 =	seq.s32 s10, $0x1;
	s10 =	sld [smem:$0x3F9A]  }
0x3d: {  	_ =	shalt  }
0x3e: {  	_ =	shalt  }
0x3f: {  	_ =	shalt  }
0x40: {  	_ =	shalt  }
0x41: {  	_ =	shalt  }
0x42: {  	_ =	shalt  }
0x43: {  	_ =	shalt  }
0x44: {  	_ =	shalt  }
0x45: {  	_ =	shalt  }
0x46: {  	_ =	shalt  }
0x47: {  	_ =	shalt  }
0x48: {  	_ =	shalt  }
0x49: {  	_ =	shalt  }
0x4a: {  	_ =	shalt  }
0x4b: {  	_ =	shalt  }
0x4c: {  	_ =	shalt  }
0x4d: {  	_ =	shalt  }
0x4e: {  	_ =	shalt  }
0x4f: {  	_ =	shalt  }
0x50: {  	_ =	shalt  }
0x51: {  	_ =	shalt  }
0x52: {  	_ =	shalt  }
0x53: {  	_ =	shalt  }
0x54: {  	_ =	shalt  }
0x55: {  	_ =	shalt  }
0x56: {  	_ =	shalt  }
0x57: {  	_ =	shalt  }
0x58: {  	_ =	shalt  }
0x59: {  	_ =	shalt  }
0x5a: {  	_ =	shalt  }
0x5b: {  	_ =	shalt  }
0x5c: {  	_ =	shalt  }
0x5d: {  	_ =	shalt  }
0x5e: {  	_ =	shalt  }
0x5f: {  	_ =	shalt  }
0x60: {  	_ =	shalt  }
0x61: {  	_ =	shalt  }
0x62: {  	_ =	shalt  }
0x63: {  	_ =	shalt  }
0x64: {  	_ =	shalt  }
0x65: {  	_ =	shalt  }
0x66: {  	_ =	shalt  }
0x67: {  	_ =	shalt  }
0x68: {  	_ =	shalt  }
0x69: {  	_ =	shalt  }
0x6a: {  	_ =	shalt  }
0x6b: {  	_ =	shalt  }
0x6c: {  	_ =	shalt  }
0x6d: {  	_ =	shalt  }
0x6e: {  	_ =	shalt  }
0x6f: {  	_ =	shalt  }
0x70: {  	_ =	shalt  }
0x71: {  	_ =	shalt  }
0x72: {  	_ =	shalt  }
0x73: {  	_ =	shalt  }
0x74: {  	_ =	shalt  }
0x75: {  	_ =	shalt  }
0x76: {  	_ =	shalt  }
0x77: {  	_ =	shalt  }
0x78: {  	_ =	shalt  }
0x79: {  	_ =	shalt  }
0x7a: {  	_ =	shalt  }
0x7b: {  	_ =	shalt  }
0x7c: {  	_ =	shalt  }
0x7d: {  	_ =	shalt  }
0x7e: {  	_ =	shalt  }
0x7f: {  	_ =	shalt  }
0x80: {  	_ =	shalt  }
0x81: {  	_ =	shalt  }
0x82: {  	_ =	shalt  }
0x83: {  	_ =	shalt  }
0x84: {  	_ =	shalt  }
0x85: {  	_ =	shalt  }
0x86: {  	_ =	shalt  }
0x87: {  	_ =	shalt  }
.Lfunc_end0:
.L_simem_size_0:
called_computation_lowered:
.L_overlay_start_0:
0x88: {  	s2 =	sld [smem:$0x3FD9]  }
0x89: {  	s3 =	sld [smem:$0x3FFE];
	_ =	sdelay $0x1  }
0x8a: {  	s1 =	srdreg.scid  }
0x8b: {  	s0 =	sand.u32 $0x1, s1  }
0x8c: {  	s14 =	sshll.u32 s0, $0xA;
	s2 =	sadd.s32 s3, s2  }
0x8d: {  	s2 =	sadd.s32 s2, s14  }
0x8e: {  	[smem:$0x3FA6] =	sst s2  }
0x8f: {  	_ = 	snop  }
0x90: {  	s2 =	sld [smem:$0x3FD0];
	_ =	sdelay $0x2  }
0x91: {  	s15 =	simm.s32 $0xA;
	s4 =	simm.s32 $0x10  }
0x92: {  	[smem:s4], [sflag:s15] =	dma.local [hbm:s2], $0x1  }
0x93: {  	_ =	swait.eq [sflag:s15], $0x1  }
0x94: {  	[sflag:s15] =	ssyncset.done $0x0  }
0x95: {  	[sflag:s15] =	ssyncadd.s32 $0xFFFFFFFF  }
0x96: {  	s16 =	sld [smem:$0x10];
	(tm) =	ssettm $0x1  }
0x97: {  	s17 =	sld [smem:$0x3FFB];
	_ =	sdelay $0x3  }
0x98: {  	_ =	strace s17  }
0x99: {  	s3 =	sld [smem:$0x3FFC];
	_ =	sdelay $0x3  }
0x9a: {  	_ =	strace s3  }
0x9b: {  	s3 =	sld [smem:$0x3FFD];
	_ =	sdelay $0x3  }
0x9c: {  	_ =	strace s3  }
0x9d: {  	_ =	strace $0x8FFFFFFF  }
0x9e: {  	s18 =	sld [smem:$0x3FDB];
	_ =	sdelay $0x1  }
0x9f: {  	s19 =	simm.s32 $_scs_section_size  }
0xa0: {  	s5 =	simm.s32 $_size__tile_overlayer_lowered;
	s6 =	simm.s32 $_tile_overlayer_lowered  }
0xa1: {  	s22 =	simm.s32 $0x1BFF;
	s21 =	sshll.u32 s6, $0x1;
	s3 =	sadd.s32 s19, s18  }
0xa2: {  	s7 =	simm.s32 $0x0;
	s20 =	sshll.u32 s5, $0x1;
	s5 =	sadd.s32 s21, s3  }
0xa3: {  	[timem:s7], [sflag:s22] =	dma.local [hbm:s5], s20  }
0xa4: {  	_ =	swait.ge [sflag:s22], s20  }
0xa5: {  	s4 =	ssub.s32 $0x0, s20;
	[sflag:s22] =	ssyncset.done $0x0  }
0xa6: {  	[sflag:s22] =	ssyncadd.s32 s4;
	_ =	sdelay $0x1  }
0xa7: {  	s23 =	simm.s32 $0x1B8B  }
0xa8: {  	_ =	swait.ge [sflag:s23], $0x1  }
0xa9: {  	[sflag:s23] =	ssyncset.done $0x0  }
0xaa: {  	s25 =	simm.s32 $0x1B8E;
	s24 =	sld [smem:$0x3FFE];
	[sflag:s23] =	ssyncadd.s32 $0xFFFFFFFF  }
0xab: {  	s26 =	simm.s32 $execute0_lowered;
	[smem:$0x3FD2] =	sst s25  }
0xac: {  	s5 =	sshll.u32 s26, $0x1;
	_ =	strace $0x80000046;
	[dreg:$0x1] =	wrdreg $0xFFFFFFFF  }
0xad: {  	s28 =	simm.s32 $_size_execute0_lowered;
	s3 =	sadd.s32 s3, s5;
	[dreg:$0x0] =	wrdreg $0x0  }
0xae: {  	s5 =	sshll.u32 s28, $0x1;
	[dreg:$0x2] =	wrdreg s3  }
0xaf: {  	[dreg:$0x3] =	wrdreg s5  }
0xb0: {  	[dreg:$0x4] =	wrdreg $0xC0  }
0xb1: {  	_ =	task [dreg:s7], $0x5FFFF  }
0xb2: {  	[dreg:$0x1] =	wrdreg $0xFFFFFFFF  }
0xb3: {  	[dreg:$0x0] =	wrdreg $0x60  }
0xb4: {  	[dreg:$0x2] =	wrdreg s16  }
0xb5: {  	[dreg:$0x3] =	wrdreg s24  }
0xb6: {  	[dreg:$0x4] =	wrdreg $0x7A000  }
0xb7: {  	[dreg:$0x5] =	wrdreg $0x9  }
0xb8: {  	_ =	task.clear_ibuf [dreg:s7], $0x6FFFF;
	_ =	strace $0x90000046  }
0xb9: {  	s29 =	simm.s32 $0x9;
	_ =	strace $0x80000048  }
0xba: {  	_ =	swait.ge [sflag:s29], $0x1  }
0xbb: {  	[sflag:s29] =	ssyncadd.s32 $0xFFFFFFFF  }
0xbc: {  	_ =	strace $0x90000048  }
0xbd: {  	_ =	sfence  }
0xbe: {  	s30 =	sld [smem:$0x0];
	_ =	sdelay $0x2  }
0xbf: {  	s31 =	sshll.u32 s1, $0xD;
	s1 =	sshrl.u32 s1, $0x2  }
0xc0: {  	s3 =	sand.u32 $0x4000, s31;
	s1 =	sadd.s32 s1, s30  }
0xc1: {  	s0 =	sor.u32 s3, s0;
	s1 =	sshll.u32 s1, $0x11  }
0xc2: {  	s0 =	sor.u32 s1, s0  }
0xc3: {  	s0 =	sadd.s32 $0x8F2B, s0  }
0xc4: {  	[sflag:s0] =	ssyncadd.remote.s32 $0x1  }
0xc5: {  	_ =	sfence.sel $0xFFFF  }
0xc6: {  	[dreg:$0x0] =	wrdreg $0xFFFFFFFF;
	(pc) =	sbr.abs _section_cstart, $3  }
0xc7: {  	[dreg:$0x1] =	wrdreg $0xFFFFFFFF  }
0xc8: {  	_ =	task.clear_ibuf [dreg:s7], $0x2FFFF;
	_ =	strace $0x9FFFFFFF  }
0xc9: {  	(tm) =	ssettm $0x7FFFFFFF  }
tec
execute0_lowered:
.L_overlay_start_1:
0x0: {  	(tag) =	ssettag $0x1  }
0x1: {  	s1 =	rddreg [dreg:$0x0]  }
0x2: {  	s0 =	rddreg [dreg:$0x1]  }
0x3: {  	s3 =	rddreg [dreg:$0x2];
	s4 =	simm.s32 $0x0  }
0x4: {  	s13 =	stileid.u32;
	s2 =	srdreg.scid;
	s28 =	simm.s32 $0x3  }
0x5: {  	s29 =	simm.s32 $0x2;
	s30 =	simm.s32 $0x5200;
	s31 =	simm.s32 $0x5  }
0x6: {  	[smem:$0x7FF] =	sst s4;
	s8 =	smul.u32 $0x13C00, s13;
	s5 =	sadd.s32 $0x4FC600, s0  }
0x7: {  	s2 =	sand.u32 $0x1, s2;
	s6 =	sadd.s32 $0x4F2800, s0;
	s7 =	sadd.s32 $0x4E8A00, s0  }
0x8: {  	s18 =	sshll.u32 s13, $0x1;
	s11 =	smul.u32 $0x4F000, s13;
	s21 =	sshll.u32 s13, $0x6  }
0x9: {  	_ =	strace $0x80000047;
	s9 =	smul.u32 $0x13C000, s2;
	s12 =	ssub.s32 $0x2, s2  }
0xa: {  	s2 =	sor.u32 s2, s18;
	s18 =	simm.s32 $0x7;
	s10 =	sshrl.u32 s8, $0x3  }
0xb: {  	s19 =	sshrl.u32 s12, $0x1;
	s11 =	sshrl.u32 s11, $0x2;
	s14 =	smul.u32 $0x13880, s2  }
0xc: {  	s10 =	sadd.s32 s10, s0;
	s8 =	sadd.s32 s8, s9;
	s9 =	ssub.s32 s12, s19  }
0xd: {  	s20 =	sadd.s32 s11, s3;
	s11 =	smul.u32 $0x1388, s2;
	s19 =	simm.s32 $0x100  }
0xe: {  	s8 =	sshrl.u32 s8, $0x3;
	s10 =	sadd.s32 $0x6A00, s10;
	s25 =	sadd.s32 s5, s14  }
0xf: {  	s26 =	smax.u32 s9, $0x1;
	s17 =	sshrl.u32 s20, $0x3;
	s20 =	simm.s32 $0x200  }
0x10: {  	s9 =	simm.s32 $0x0;
	s0 =	sadd.s32 s8, s0;
	[dreg:$0x4] =	wrdreg s10  }
0x11: {  	s8 =	smul.u32 $0x2710, s2;
	s10 =	sor.u32 $0x1C07, s21;
	[dreg:$0x7] =	wrdreg s25  }
0x12: {  	[dreg:$0x9] =	wrdreg s26;
	s21 =	simm.s32 $0x1;
	s25 =	simm.s32 $0x180  }
0x13: {  	s26 =	simm.s32 $0x1600;
	s0 =	sadd.s32 $0x2E200, s0;
	s22 =	sshrl.u32 s8, $0x3  }
0x14: {  	[dreg:$0x8] =	wrdreg s0;
	s0 =	simm.s32 $0x4;
	s23 =	sadd.s32 s6, s22  }
0x15: {  	s24 =	sadd.s32 s7, s22;
	s22 =	simm.s32 $0x50;
	[dreg:$0x5] =	wrdreg s23  }
0x16: {  	[dreg:$0x6] =	wrdreg s24;
	s23 =	simm.s32 $0x2A00;
	s24 =	simm.s32 $0x80  }
.LBB2_1:
0x17: {  	s2 =	rddreg [dreg:$0x4]  }
0x18: {  	[spmem:s17], [sflag:s10] =	dma.local [hbm:s2], $0x2780  }
0x19: {  	_ =	swait.ge [sflag:s18], $0x2780  }
0x1a: {  	[sflag:s18] =	ssyncset.done $0x0  }
0x1b: {  	[sflag:s18] =	ssyncadd.s32 $0xFFFFD880  }
0x1c: {  	[bflag:$0x0] =	sbarrier.arrive $0xFFFF  }
0x1d: {  	s14 =	rddreg [dreg:$0x5]  }
0x1e: {  	[tilespmem:s4], [sflag:$0x1] =	stream.linear.gather [hbm4b:s14+s4], $0x50, $0x38;
	[tilespmem:$0x1B600] =	vst v63  }
0x1f: {  	s15 =	rddreg [dreg:$0x6]  }
0x20: {  	[tilespmem:s19], [sflag:$0x1] =	stream.linear.gather [hbm4b:s15+s4], $0x50, $0x38;
	[tilespmem:$0x1B600] =	vst v63  }
0x21: {  	s12 =	simm.s32 $0x0;
	s16 =	rddreg [dreg:$0x7]  }
0x22: {  	[tilespmem:s20], [sflag:$0x1] =	stream.linear.gather [hbm4b:s16+s4], $0x1400, $0x38;
	[tilespmem:$0x1B600] =	vst v63  }
.LBB2_2:
0x23: {  	_ =	swait.ge [sflag:s21], $0x50  }
0x24: {  	[sflag:s21] =	ssyncset.done $0x0  }
0x25: {  	[sflag:s21] =	ssyncadd.s32 $0xFFFFFFB0  }
0x26: {  	_ =	swait.ge [sflag:s21], $0x50  }
0x27: {  	[sflag:s21] =	ssyncset.done $0x0  }
0x28: {  	[sflag:s21] =	ssyncadd.s32 $0xFFFFFFB0  }
0x29: {  	s13 =	sshll.u32 s12, $0x1;
	_ =	swait.ge [sflag:s21], $0x1400  }
0x2a: {  	p0 =	seq.s32 s12, $0x0;
	s2 =	sor.u32 $0x1, s13;
	[sflag:s21] =	ssyncset.done $0x0  }
0x2b: {  	s14 =	simm.s32 @!p0 $0x6;
	s15 =	smul.u32 $0x50, s2;
	[sflag:s21] =	ssyncadd.s32 $0xFFFFEC00  }
0x2c: {  	[tilespmem:s23], [sflag:$0x3] =	stream.indirect.gather [hbm4b:s1+s22], $0x80, s4, s22, $0xb8;
	[tilespmem:$0x1B600] =	vst v63  }
0x2d: {  	_ =	swait.ge @!p0 [sflag:s14], $0x2800  }
0x2e: {  	s2 =	smul.u32 $0x28, s2;
	s15 =	sadd.s32 s8, s15;
	[sflag:s14] =	ssyncset.done @!p0 $0x0  }
0x2f: {  	[sflag:s14] =	ssyncadd.s32 @!p0 $0xFFFFD800;
	s14 =	sshrl.u32 s15, $0x3  }
0x30: {  	s16 =	simm.s32 $0x0;
	s2 =	sadd.s32 s11, s2;
	s15 =	sadd.s32 s6, s14  }
0x31: {  	[tilespmem:s24], [sflag:$0x2] =	stream.linear.gather [hbm4b:s15+s16], $0x50, $0x38;
	[tilespmem:$0x1B600] =	vst v63  }
0x32: {  	s2 =	sshll.u32 s2, $0x4;
	s14 =	sadd.s32 s7, s14  }
0x33: {  	[tilespmem:s25], [sflag:$0x2] =	stream.linear.gather [hbm4b:s14+s16], $0x50, $0x38;
	[tilespmem:$0x1B600] =	vst v63  }
0x34: {  	s2 =	sadd.s32 s5, s2  }
0x35: {  	[tilespmem:s26], [sflag:$0x2] =	stream.linear.gather [hbm4b:s2+s16], $0x1400, $0x38;
	[tilespmem:$0x1B600] =	vst v63  }
0x36: {  	_ =	swait.ge [sflag:s28], $0x2800  }
0x37: {  	[sflag:s28] =	ssyncset.done $0x0  }
0x38: {  	s16 =	simm.s32 $0x0;
	[sflag:s28] =	ssyncadd.s32 $0xFFFFD800  }
0x39: {  	s14 =	simm.s32 $0x2A80;
	v0 =	vld [tilespmem:s16+$0x200]  }
0x3a: {  	v1 =	vld [tilespmem:s14+$0xFFFFFF80]  }
0x3b: {  	v2 =	vld [tilespmem:s14+$0x0];
	_ =	sdelay $0x2  }
0x3c: {  	v3 =	vshll.u32 v0, $0x10  }
0x3d: {  	v0 =	vand.u32 $0xFFFF0000, v0;
	v1 =	vadd.f32 v3, v1  }
0x3e: {  	v0 =	vadd.f32 v0, v2  }
0x3f: {  	v1 =	vmax.f32 v1, $0.0e+00  }
0x40: {  	v0 =	vmax.f32 v0, $0.0e+00;
	[tilespmem:s14+$0xFFFFFF80] =	vst v1  }
0x41: {  	[tilespmem:s14+$0x0] =	vst v0  }
0x42: {  	v0 =	vld [tilespmem:s16+$0x210]  }
0x43: {  	v1 =	vld [tilespmem:s14+$0xFFFFFF90]  }
0x44: {  	v2 =	vld [tilespmem:s14+$0x10];
	_ =	sdelay $0x2  }
0x45: {  	v3 =	vshll.u32 v0, $0x10  }
0x46: {  	v0 =	vand.u32 $0xFFFF0000, v0;
	v1 =	vadd.f32 v3, v1  }
0x47: {  	v0 =	vadd.f32 v0, v2  }
0x48: {  	v1 =	vmax.f32 v1, $0.0e+00  }
0x49: {  	v0 =	vmax.f32 v0, $0.0e+00;
	[tilespmem:s14+$0xFFFFFF90] =	vst v1  }
0x4a: {  	[tilespmem:s14+$0x10] =	vst v0  }
0x4b: {  	v0 =	vld [tilespmem:s16+$0x220]  }
0x4c: {  	v1 =	vld [tilespmem:s14+$0xFFFFFFA0]  }
0x4d: {  	v2 =	vld [tilespmem:s14+$0x20];
	_ =	sdelay $0x2  }
0x4e: {  	v3 =	vshll.u32 v0, $0x10  }
0x4f: {  	v0 =	vand.u32 $0xFFFF0000, v0;
	v1 =	vadd.f32 v3, v1  }
0x50: {  	v0 =	vadd.f32 v0, v2  }
0x51: {  	v1 =	vmax.f32 v1, $0.0e+00  }
0x52: {  	v0 =	vmax.f32 v0, $0.0e+00;
	[tilespmem:s14+$0xFFFFFFA0] =	vst v1  }
0x53: {  	[tilespmem:s14+$0x20] =	vst v0  }
0x54: {  	v0 =	vld [tilespmem:s16+$0x230]  }
0x55: {  	v1 =	vld [tilespmem:s14+$0xFFFFFFB0]  }
0x56: {  	v2 =	vld [tilespmem:s14+$0x30];
	_ =	sdelay $0x2  }
0x57: {  	v3 =	vshll.u32 v0, $0x10  }
0x58: {  	v0 =	vand.u32 $0xFFFF0000, v0;
	v1 =	vadd.f32 v3, v1  }
0x59: {  	v0 =	vadd.f32 v0, v2  }
0x5a: {  	v1 =	vmax.f32 v1, $0.0e+00  }
0x5b: {  	v0 =	vmax.f32 v0, $0.0e+00;
	[tilespmem:s14+$0xFFFFFFB0] =	vst v1  }
0x5c: {  	[tilespmem:s14+$0x30] =	vst v0  }
0x5d: {  	v0 =	vld [tilespmem:s16+$0x240]  }
0x5e: {  	v1 =	vld [tilespmem:s14+$0xFFFFFFC0]  }
0x5f: {  	v2 =	vld [tilespmem:s14+$0x40];
	_ =	sdelay $0x2  }
0x60: {  	v3 =	vshll.u32 v0, $0x10  }
0x61: {  	v0 =	vand.u32 $0xFFFF0000, v0;
	v1 =	vadd.f32 v3, v1  }
0x62: {  	v0 =	vadd.f32 v0, v2  }
0x63: {  	v1 =	vmax.f32 v1, $0.0e+00  }
0x64: {  	v0 =	vmax.f32 v0, $0.0e+00;
	[tilespmem:s14+$0xFFFFFFC0] =	vst v1  }
0x65: {  	[tilespmem:s14+$0x40] =	vst v0  }
0x66: {  	v0 =	vld [tilespmem:s16+$0x250]  }
0x67: {  	v1 =	vld [tilespmem:s14+$0xFFFFFFD0]  }
0x68: {  	v2 =	vld [tilespmem:s14+$0x50];
	_ =	sdelay $0x2  }
0x69: {  	v3 =	vshll.u32 v0, $0x10  }
0x6a: {  	v0 =	vand.u32 $0xFFFF0000, v0;
	v1 =	vadd.f32 v3, v1  }
0x6b: {  	v0 =	vadd.f32 v0, v2  }
0x6c: {  	v1 =	vmax.f32 v1, $0.0e+00  }
0x6d: {  	v0 =	vmax.f32 v0, $0.0e+00;
	[tilespmem:s14+$0xFFFFFFD0] =	vst v1  }
0x6e: {  	[tilespmem:s14+$0x50] =	vst v0  }
0x6f: {  	v0 =	vld [tilespmem:s16+$0x260]  }
0x70: {  	v1 =	vld [tilespmem:s14+$0xFFFFFFE0]  }
0x71: {  	v2 =	vld [tilespmem:s14+$0x60];
	_ =	sdelay $0x2  }
0x72: {  	v3 =	vshll.u32 v0, $0x10  }
0x73: {  	v0 =	vand.u32 $0xFFFF0000, v0;
	v1 =	vadd.f32 v3, v1  }
0x74: {  	v2 =	vadd.f32 v0, v2  }
0x75: {  	v1 =	vmax.f32 v1, $0.0e+00  }
0x76: {  	v0 =	vld [tilespmem:s14+$0xFFFFFFF0];
	v2 =	vmax.f32 v2, $0.0e+00;
	[tilespmem:s14+$0xFFFFFFE0] =	vst v1  }
0x77: {  	[tilespmem:s14+$0x60] =	vst v2;
	v1 =	vld [tilespmem:s14+$0x70]  }
0x78: {  	s15 =	simm.s32 $0x2A80;
	v2 =	vld [tilespmem:s16+$0x270];
	s16 =	simm.s32 $0x200  }
.LBB2_3:
0x79: {  	p0 =	sne.s32 s16, $0x4E00  }
0x7a: {  	s14 =	sadd.s32 $0x100, s14;
	s2 =	smov.u32 s16;
	s16 =	sadd.s32 $0x200, s16  }
0x7b: {  	_ =	sdelay $0x1  }
0x7c: {  	v3 =	vshll.u32 v2, $0x10;
	v2 =	vand.u32 $0xFFFF0000, v2  }
0x7d: {  	v0 =	vadd.f32 v3, v0;
	v1 =	vadd.f32 v2, v1;
	_ =	sdelay $0x1  }
0x7e: {  	v0 =	vmax.f32 v0, $0.0e+00;
	v1 =	vmax.f32 v1, $0.0e+00  }
0x7f: {  	[tilespmem:s15+$0xFFFFFFF0] =	vst v0  }
0x80: {  	s2 =	sshra.s32 s2, $0x2;
	v0 =	vld [tilespmem:s14+$0x0];
	[tilespmem:s15+$0x70] =	vst v1;
	s15 =	smov.u32 s14  }
0x81: {  	v1 =	vld [tilespmem:s2+$0x200]  }
0x82: {  	v2 =	vld [tilespmem:s14+$0xFFFFFF80];
	_ =	sdelay $0x3  }
0x83: {  	v3 =	vshll.u32 v1, $0x10;
	v1 =	vand.u32 $0xFFFF0000, v1  }
0x84: {  	v2 =	vadd.f32 v3, v2;
	v0 =	vadd.f32 v1, v0;
	_ =	sdelay $0x1  }
0x85: {  	v1 =	vmax.f32 v2, $0.0e+00;
	v0 =	vmax.f32 v0, $0.0e+00  }
0x86: {  	[tilespmem:s14+$0xFFFFFF80] =	vst v1  }
0x87: {  	[tilespmem:s14+$0x0] =	vst v0;
	v0 =	vld [tilespmem:s14+$0x10]  }
0x88: {  	v1 =	vld [tilespmem:s2+$0x210]  }
0x89: {  	v2 =	vld [tilespmem:s14+$0xFFFFFF90];
	_ =	sdelay $0x3  }
0x8a: {  	v3 =	vshll.u32 v1, $0x10;
	v1 =	vand.u32 $0xFFFF0000, v1  }
0x8b: {  	v2 =	vadd.f32 v3, v2;
	v0 =	vadd.f32 v1, v0;
	_ =	sdelay $0x1  }
0x8c: {  	v1 =	vmax.f32 v2, $0.0e+00;
	v0 =	vmax.f32 v0, $0.0e+00  }
0x8d: {  	[tilespmem:s14+$0xFFFFFF90] =	vst v1  }
0x8e: {  	[tilespmem:s14+$0x10] =	vst v0;
	v0 =	vld [tilespmem:s14+$0x20]  }
0x8f: {  	v1 =	vld [tilespmem:s2+$0x220]  }
0x90: {  	v2 =	vld [tilespmem:s14+$0xFFFFFFA0];
	_ =	sdelay $0x3  }
0x91: {  	v3 =	vshll.u32 v1, $0x10;
	v1 =	vand.u32 $0xFFFF0000, v1  }
0x92: {  	v2 =	vadd.f32 v3, v2;
	v0 =	vadd.f32 v1, v0;
	_ =	sdelay $0x1  }
0x93: {  	v1 =	vmax.f32 v2, $0.0e+00;
	v0 =	vmax.f32 v0, $0.0e+00  }
0x94: {  	[tilespmem:s14+$0xFFFFFFA0] =	vst v1  }
0x95: {  	[tilespmem:s14+$0x20] =	vst v0;
	v0 =	vld [tilespmem:s14+$0x30]  }
0x96: {  	v1 =	vld [tilespmem:s2+$0x230]  }
0x97: {  	v2 =	vld [tilespmem:s14+$0xFFFFFFB0];
	_ =	sdelay $0x3  }
0x98: {  	v3 =	vshll.u32 v1, $0x10;
	v1 =	vand.u32 $0xFFFF0000, v1  }
0x99: {  	v2 =	vadd.f32 v3, v2;
	v0 =	vadd.f32 v1, v0;
	_ =	sdelay $0x1  }
0x9a: {  	v1 =	vmax.f32 v2, $0.0e+00;
	v0 =	vmax.f32 v0, $0.0e+00  }
0x9b: {  	[tilespmem:s14+$0xFFFFFFB0] =	vst v1  }
0x9c: {  	[tilespmem:s14+$0x30] =	vst v0;
	v0 =	vld [tilespmem:s14+$0x40]  }
0x9d: {  	v1 =	vld [tilespmem:s2+$0x240]  }
0x9e: {  	v2 =	vld [tilespmem:s14+$0xFFFFFFC0];
	_ =	sdelay $0x3  }
0x9f: {  	v3 =	vshll.u32 v1, $0x10;
	v1 =	vand.u32 $0xFFFF0000, v1  }
0xa0: {  	v2 =	vadd.f32 v3, v2;
	v0 =	vadd.f32 v1, v0;
	_ =	sdelay $0x1  }
0xa1: {  	v1 =	vmax.f32 v2, $0.0e+00;
	v0 =	vmax.f32 v0, $0.0e+00  }
0xa2: {  	[tilespmem:s14+$0xFFFFFFC0] =	vst v1  }
0xa3: {  	[tilespmem:s14+$0x40] =	vst v0;
	v0 =	vld [tilespmem:s14+$0x50]  }
0xa4: {  	v1 =	vld [tilespmem:s2+$0x250]  }
0xa5: {  	v2 =	vld [tilespmem:s14+$0xFFFFFFD0];
	_ =	sdelay $0x3  }
0xa6: {  	v3 =	vshll.u32 v1, $0x10;
	v1 =	vand.u32 $0xFFFF0000, v1  }
0xa7: {  	v2 =	vadd.f32 v3, v2;
	v0 =	vadd.f32 v1, v0;
	_ =	sdelay $0x1  }
0xa8: {  	v1 =	vmax.f32 v2, $0.0e+00;
	v0 =	vmax.f32 v0, $0.0e+00  }
0xa9: {  	[tilespmem:s14+$0xFFFFFFD0] =	vst v1  }
0xaa: {  	[tilespmem:s14+$0x50] =	vst v0;
	v1 =	vld [tilespmem:s14+$0x60]  }
0xab: {  	v0 =	vld [tilespmem:s2+$0x260]  }
0xac: {  	v2 =	vld [tilespmem:s14+$0xFFFFFFE0];
	_ =	sdelay $0x3  }
0xad: {  	v3 =	vshll.u32 v0, $0x10;
	v4 =	vand.u32 $0xFFFF0000, v0;
	v0 =	vld [tilespmem:s14+$0xFFFFFFF0]  }
0xae: {  	v2 =	vadd.f32 v3, v2;
	v1 =	vadd.f32 v4, v1;
	_ =	sdelay $0x1  }
.Ltmp0:
0xaf: {  	v2 =	vmax.f32 v2, $0.0e+00;
	v1 =	vmax.f32 v1, $0.0e+00;
	(pc) =	sbr.rel @p0 .LBB2_3-.Ltmp0, $4  }
0xb0: {  	[tilespmem:s14+$0xFFFFFFE0] =	vst v2  }
0xb1: {  	[tilespmem:s14+$0x60] =	vst v1  }
0xb2: {  	v2 =	vld [tilespmem:s2+$0x270]  }
0xb3: {  	v1 =	vld [tilespmem:s14+$0x70]  }
0xb4: {  	_ =	sdelay $0x2  }
0xb5: {  	v3 =	vshll.u32 v2, $0x10  }
0xb6: {  	v2 =	vand.u32 $0xFFFF0000, v2;
	v0 =	vadd.f32 v3, v0  }
0xb7: {  	v1 =	vadd.f32 v2, v1  }
0xb8: {  	v0 =	vmax.f32 v0, $0.0e+00  }
0xb9: {  	v1 =	vmax.f32 v1, $0.0e+00;
	[tilespmem:s15+$0xFFFFFFF0] =	vst v0  }
0xba: {  	[tilespmem:s15+$0x70] =	vst v1  }
0xbb: {  	[spmem:s3] =	stream.indirect.scatter.add.f32 [tilespmem:s23], [sflag:$0x5], $0x80, s19, s22, $0xb8;
	[tilespmem:$0x1B600] =	vst v63  }
0xbc: {  	_ =	swait.ge [sflag:s29], $0x50  }
0xbd: {  	[sflag:s29] =	ssyncset.done $0x0  }
0xbe: {  	[sflag:s29] =	ssyncadd.s32 $0xFFFFFFB0  }
0xbf: {  	_ =	swait.ge [sflag:s29], $0x50  }
0xc0: {  	[sflag:s29] =	ssyncset.done $0x0  }
0xc1: {  	[sflag:s29] =	ssyncadd.s32 $0xFFFFFFB0  }
0xc2: {  	_ =	swait.ge [sflag:s29], $0x1400  }
0xc3: {  	s2 =	sadd.s32 $0x2, s13;
	[sflag:s29] =	ssyncset.done $0x0  }
0xc4: {  	s13 =	smul.u32 $0x50, s2;
	[sflag:s29] =	ssyncadd.s32 $0xFFFFEC00  }
0xc5: {  	[tilespmem:s30], [sflag:$0x4] =	stream.indirect.gather [hbm4b:s1+s22], $0x80, s24, s22, $0xb8;
	[tilespmem:$0x1B600] =	vst v63  }
0xc6: {  	s2 =	smul.u32 $0x28, s2;
	s13 =	sadd.s32 s8, s13;
	_ =	swait.ge [sflag:s31], $0x2800  }
0xc7: {  	s16 =	simm.s32 $0x0;
	s13 =	sshrl.u32 s13, $0x3;
	[sflag:s31] =	ssyncset.done $0x0  }
0xc8: {  	s2 =	sadd.s32 s11, s2;
	s14 =	sadd.s32 s6, s13;
	[sflag:s31] =	ssyncadd.s32 $0xFFFFD800  }
0xc9: {  	[tilespmem:s16], [sflag:$0x1] =	stream.linear.gather [hbm4b:s14+s16], $0x50, $0x38;
	[tilespmem:$0x1B600] =	vst v63  }
0xca: {  	s2 =	sshll.u32 s2, $0x4;
	s13 =	sadd.s32 s7, s13  }
0xcb: {  	[tilespmem:s19], [sflag:$0x1] =	stream.linear.gather [hbm4b:s13+s16], $0x50, $0x38;
	[tilespmem:$0x1B600] =	vst v63  }
0xcc: {  	s2 =	sadd.s32 s5, s2  }
0xcd: {  	[tilespmem:s20], [sflag:$0x1] =	stream.linear.gather [hbm4b:s2+s16], $0x1400, $0x38;
	[tilespmem:$0x1B600] =	vst v63  }
0xce: {  	_ =	swait.ge [sflag:s0], $0x2800  }
0xcf: {  	[sflag:s0] =	ssyncset.done $0x0  }
0xd0: {  	s16 =	simm.s32 $0x0;
	[sflag:s0] =	ssyncadd.s32 $0xFFFFD800  }
0xd1: {  	s13 =	simm.s32 $0x52F0;
	v0 =	vld [tilespmem:s16+$0x1600]  }
0xd2: {  	v1 =	vld [tilespmem:s13+$0xFFFFFF10]  }
0xd3: {  	v2 =	vld [tilespmem:s13+$0xFFFFFF90];
	_ =	sdelay $0x2  }
0xd4: {  	v3 =	vshll.u32 v0, $0x10  }
0xd5: {  	v0 =	vand.u32 $0xFFFF0000, v0;
	v1 =	vadd.f32 v3, v1  }
0xd6: {  	v0 =	vadd.f32 v0, v2  }
0xd7: {  	v1 =	vmax.f32 v1, $0.0e+00  }
0xd8: {  	v0 =	vmax.f32 v0, $0.0e+00;
	[tilespmem:s13+$0xFFFFFF10] =	vst v1  }
0xd9: {  	[tilespmem:s13+$0xFFFFFF90] =	vst v0  }
0xda: {  	v0 =	vld [tilespmem:s16+$0x1610]  }
0xdb: {  	v1 =	vld [tilespmem:s13+$0xFFFFFF20]  }
0xdc: {  	v2 =	vld [tilespmem:s13+$0xFFFFFFA0];
	_ =	sdelay $0x2  }
0xdd: {  	v3 =	vshll.u32 v0, $0x10  }
0xde: {  	v0 =	vand.u32 $0xFFFF0000, v0;
	v1 =	vadd.f32 v3, v1  }
0xdf: {  	v0 =	vadd.f32 v0, v2  }
0xe0: {  	v1 =	vmax.f32 v1, $0.0e+00  }
0xe1: {  	v0 =	vmax.f32 v0, $0.0e+00;
	[tilespmem:s13+$0xFFFFFF20] =	vst v1  }
0xe2: {  	[tilespmem:s13+$0xFFFFFFA0] =	vst v0  }
0xe3: {  	v0 =	vld [tilespmem:s16+$0x1620]  }
0xe4: {  	v1 =	vld [tilespmem:s13+$0xFFFFFF30]  }
0xe5: {  	v2 =	vld [tilespmem:s13+$0xFFFFFFB0];
	_ =	sdelay $0x2  }
0xe6: {  	v3 =	vshll.u32 v0, $0x10  }
0xe7: {  	v0 =	vand.u32 $0xFFFF0000, v0;
	v1 =	vadd.f32 v3, v1  }
0xe8: {  	v0 =	vadd.f32 v0, v2  }
0xe9: {  	v1 =	vmax.f32 v1, $0.0e+00  }
0xea: {  	v0 =	vmax.f32 v0, $0.0e+00;
	[tilespmem:s13+$0xFFFFFF30] =	vst v1  }
0xeb: {  	[tilespmem:s13+$0xFFFFFFB0] =	vst v0  }
0xec: {  	v0 =	vld [tilespmem:s16+$0x1630]  }
0xed: {  	v1 =	vld [tilespmem:s13+$0xFFFFFF40]  }
0xee: {  	v2 =	vld [tilespmem:s13+$0xFFFFFFC0];
	_ =	sdelay $0x2  }
0xef: {  	v3 =	vshll.u32 v0, $0x10  }
0xf0: {  	v0 =	vand.u32 $0xFFFF0000, v0;
	v1 =	vadd.f32 v3, v1  }
0xf1: {  	v0 =	vadd.f32 v0, v2  }
0xf2: {  	v1 =	vmax.f32 v1, $0.0e+00  }
0xf3: {  	v0 =	vmax.f32 v0, $0.0e+00;
	[tilespmem:s13+$0xFFFFFF40] =	vst v1  }
0xf4: {  	[tilespmem:s13+$0xFFFFFFC0] =	vst v0  }
0xf5: {  	v0 =	vld [tilespmem:s16+$0x1640]  }
0xf6: {  	v1 =	vld [tilespmem:s13+$0xFFFFFF50]  }
0xf7: {  	v2 =	vld [tilespmem:s13+$0xFFFFFFD0];
	_ =	sdelay $0x2  }
0xf8: {  	v3 =	vshll.u32 v0, $0x10  }
0xf9: {  	v0 =	vand.u32 $0xFFFF0000, v0;
	v1 =	vadd.f32 v3, v1  }
0xfa: {  	v0 =	vadd.f32 v0, v2  }
0xfb: {  	v1 =	vmax.f32 v1, $0.0e+00  }
0xfc: {  	v0 =	vmax.f32 v0, $0.0e+00;
	[tilespmem:s13+$0xFFFFFF50] =	vst v1  }
0xfd: {  	[tilespmem:s13+$0xFFFFFFD0] =	vst v0  }
0xfe: {  	v0 =	vld [tilespmem:s16+$0x1650]  }
0xff: {  	v1 =	vld [tilespmem:s13+$0xFFFFFF60]  }
0x100: {  	v2 =	vld [tilespmem:s13+$0xFFFFFFE0];
	_ =	sdelay $0x2  }
0x101: {  	v3 =	vshll.u32 v0, $0x10  }
0x102: {  	v0 =	vand.u32 $0xFFFF0000, v0;
	v1 =	vadd.f32 v3, v1  }
0x103: {  	v0 =	vadd.f32 v0, v2  }
0x104: {  	v1 =	vmax.f32 v1, $0.0e+00  }
0x105: {  	v0 =	vmax.f32 v0, $0.0e+00;
	[tilespmem:s13+$0xFFFFFF60] =	vst v1  }
0x106: {  	[tilespmem:s13+$0xFFFFFFE0] =	vst v0  }
0x107: {  	v0 =	vld [tilespmem:s16+$0x1660]  }
0x108: {  	v2 =	vld [tilespmem:s13+$0xFFFFFFF0]  }
0x109: {  	v1 =	vld [tilespmem:s13+$0xFFFFFF70];
	_ =	sdelay $0x2  }
0x10a: {  	v3 =	vshll.u32 v0, $0x10;
	v0 =	vand.u32 $0xFFFF0000, v0  }
0x10b: {  	v0 =	vadd.f32 v0, v2  }
0x10c: {  	v1 =	vadd.f32 v3, v1  }
0x10d: {  	v0 =	vmax.f32 v0, $0.0e+00  }
0x10e: {  	v1 =	vmax.f32 v1, $0.0e+00;
	[tilespmem:s13+$0xFFFFFFF0] =	vst v0;
	v0 =	vld [tilespmem:s13+$0xFFFFFF80]  }
0x10f: {  	[tilespmem:s13+$0xFFFFFF70] =	vst v1;
	v1 =	vld [tilespmem:s13+$0x0]  }
0x110: {  	s15 =	simm.s32 $0x200;
	s14 =	simm.s32 $0x52F0;
	v2 =	vld [tilespmem:s16+$0x1670]  }
.LBB2_5:
0x111: {  	p0 =	sne.s32 s15, $0x4E00  }
0x112: {  	s13 =	sadd.s32 $0x100, s13;
	s2 =	smov.u32 s15;
	s15 =	sadd.s32 $0x200, s15  }
0x113: {  	_ =	sdelay $0x1  }
0x114: {  	v3 =	vshll.u32 v2, $0x10;
	v2 =	vand.u32 $0xFFFF0000, v2  }
0x115: {  	v0 =	vadd.f32 v3, v0;
	v1 =	vadd.f32 v2, v1;
	_ =	sdelay $0x1  }
0x116: {  	v0 =	vmax.f32 v0, $0.0e+00;
	v1 =	vmax.f32 v1, $0.0e+00  }
0x117: {  	[tilespmem:s14+$0xFFFFFF80] =	vst v0  }
0x118: {  	s2 =	sshra.s32 s2, $0x2;
	v0 =	vld [tilespmem:s13+$0xFFFFFF90];
	[tilespmem:s14+$0x0] =	vst v1;
	s14 =	smov.u32 s13  }
0x119: {  	v1 =	vld [tilespmem:s2+$0x1600]  }
0x11a: {  	v2 =	vld [tilespmem:s13+$0xFFFFFF10];
	_ =	sdelay $0x3  }
0x11b: {  	v3 =	vshll.u32 v1, $0x10;
	v1 =	vand.u32 $0xFFFF0000, v1  }
0x11c: {  	v2 =	vadd.f32 v3, v2;
	v0 =	vadd.f32 v1, v0;
	_ =	sdelay $0x1  }
0x11d: {  	v1 =	vmax.f32 v2, $0.0e+00;
	v0 =	vmax.f32 v0, $0.0e+00  }
0x11e: {  	[tilespmem:s13+$0xFFFFFF10] =	vst v1  }
0x11f: {  	[tilespmem:s13+$0xFFFFFF90] =	vst v0;
	v0 =	vld [tilespmem:s13+$0xFFFFFFA0]  }
0x120: {  	v1 =	vld [tilespmem:s2+$0x1610]  }
0x121: {  	v2 =	vld [tilespmem:s13+$0xFFFFFF20];
	_ =	sdelay $0x3  }
0x122: {  	v3 =	vshll.u32 v1, $0x10;
	v1 =	vand.u32 $0xFFFF0000, v1  }
0x123: {  	v2 =	vadd.f32 v3, v2;
	v0 =	vadd.f32 v1, v0;
	_ =	sdelay $0x1  }
0x124: {  	v1 =	vmax.f32 v2, $0.0e+00;
	v0 =	vmax.f32 v0, $0.0e+00  }
0x125: {  	[tilespmem:s13+$0xFFFFFF20] =	vst v1  }
0x126: {  	[tilespmem:s13+$0xFFFFFFA0] =	vst v0;
	v0 =	vld [tilespmem:s13+$0xFFFFFFB0]  }
0x127: {  	v1 =	vld [tilespmem:s2+$0x1620]  }
0x128: {  	v2 =	vld [tilespmem:s13+$0xFFFFFF30];
	_ =	sdelay $0x3  }
0x129: {  	v3 =	vshll.u32 v1, $0x10;
	v1 =	vand.u32 $0xFFFF0000, v1  }
0x12a: {  	v2 =	vadd.f32 v3, v2;
	v0 =	vadd.f32 v1, v0;
	_ =	sdelay $0x1  }
0x12b: {  	v1 =	vmax.f32 v2, $0.0e+00;
	v0 =	vmax.f32 v0, $0.0e+00  }
0x12c: {  	[tilespmem:s13+$0xFFFFFF30] =	vst v1  }
0x12d: {  	[tilespmem:s13+$0xFFFFFFB0] =	vst v0;
	v0 =	vld [tilespmem:s13+$0xFFFFFFC0]  }
0x12e: {  	v1 =	vld [tilespmem:s2+$0x1630]  }
0x12f: {  	v2 =	vld [tilespmem:s13+$0xFFFFFF40];
	_ =	sdelay $0x3  }
0x130: {  	v3 =	vshll.u32 v1, $0x10;
	v1 =	vand.u32 $0xFFFF0000, v1  }
0x131: {  	v2 =	vadd.f32 v3, v2;
	v0 =	vadd.f32 v1, v0;
	_ =	sdelay $0x1  }
0x132: {  	v1 =	vmax.f32 v2, $0.0e+00;
	v0 =	vmax.f32 v0, $0.0e+00  }
0x133: {  	[tilespmem:s13+$0xFFFFFF40] =	vst v1  }
0x134: {  	[tilespmem:s13+$0xFFFFFFC0] =	vst v0;
	v0 =	vld [tilespmem:s13+$0xFFFFFFD0]  }
0x135: {  	v1 =	vld [tilespmem:s2+$0x1640]  }
0x136: {  	v2 =	vld [tilespmem:s13+$0xFFFFFF50];
	_ =	sdelay $0x3  }
0x137: {  	v3 =	vshll.u32 v1, $0x10;
	v1 =	vand.u32 $0xFFFF0000, v1  }
0x138: {  	v2 =	vadd.f32 v3, v2;
	v0 =	vadd.f32 v1, v0;
	_ =	sdelay $0x1  }
0x139: {  	v1 =	vmax.f32 v2, $0.0e+00;
	v0 =	vmax.f32 v0, $0.0e+00  }
0x13a: {  	[tilespmem:s13+$0xFFFFFF50] =	vst v1  }
0x13b: {  	[tilespmem:s13+$0xFFFFFFD0] =	vst v0;
	v0 =	vld [tilespmem:s13+$0xFFFFFFE0]  }
0x13c: {  	v1 =	vld [tilespmem:s2+$0x1650]  }
0x13d: {  	v2 =	vld [tilespmem:s13+$0xFFFFFF60];
	_ =	sdelay $0x3  }
0x13e: {  	v3 =	vshll.u32 v1, $0x10;
	v1 =	vand.u32 $0xFFFF0000, v1  }
0x13f: {  	v2 =	vadd.f32 v3, v2;
	v0 =	vadd.f32 v1, v0;
	v1 =	vld [tilespmem:s13+$0xFFFFFFF0];
	_ =	sdelay $0x1  }
0x140: {  	v2 =	vmax.f32 v2, $0.0e+00;
	v0 =	vmax.f32 v0, $0.0e+00  }
0x141: {  	[tilespmem:s13+$0xFFFFFF60] =	vst v2  }
0x142: {  	[tilespmem:s13+$0xFFFFFFE0] =	vst v0  }
0x143: {  	v0 =	vld [tilespmem:s2+$0x1660]  }
0x144: {  	v2 =	vld [tilespmem:s13+$0xFFFFFF70];
	_ =	sdelay $0x3  }
0x145: {  	v3 =	vshll.u32 v0, $0x10;
	v0 =	vand.u32 $0xFFFF0000, v0  }
0x146: {  	v2 =	vadd.f32 v3, v2;
	v0 =	vadd.f32 v0, v1;
	_ =	sdelay $0x1  }
.Ltmp1:
0x147: {  	v1 =	vmax.f32 v2, $0.0e+00;
	v0 =	vmax.f32 v0, $0.0e+00;
	(pc) =	sbr.rel @p0 .LBB2_5-.Ltmp1, $4  }
0x148: {  	[tilespmem:s13+$0xFFFFFF70] =	vst v1  }
0x149: {  	[tilespmem:s13+$0xFFFFFFF0] =	vst v0;
	v0 =	vld [tilespmem:s13+$0xFFFFFF80]  }
0x14a: {  	v2 =	vld [tilespmem:s2+$0x1670]  }
0x14b: {  	v1 =	vld [tilespmem:s13+$0x0]  }
0x14c: {  	_ =	sdelay $0x2  }
0x14d: {  	s12 =	sadd.s32 $0x1, s12;
	v3 =	vshll.u32 v2, $0x10  }
0x14e: {  	p0 =	sne.s32 s12, $0x3E;
	v63 =	vand.u32 $0xFFFF0000, v2;
	v0 =	vadd.f32 v3, v0  }
.Ltmp2:
0x14f: {  	v1 =	vadd.f32 v63, v1;
	(pc) =	sbr.rel @p0 .LBB2_2-.Ltmp2, $4  }
0x150: {  	v0 =	vmax.f32 v0, $0.0e+00  }
0x151: {  	v1 =	vmax.f32 v1, $0.0e+00;
	[tilespmem:s14+$0xFFFFFF80] =	vst v0  }
0x152: {  	[tilespmem:s14+$0x0] =	vst v1  }
0x153: {  	[spmem:s3] =	stream.indirect.scatter.add.f32 [tilespmem:s30], [sflag:$0x6], $0x80, s25, s22, $0xb8;
	[tilespmem:$0x1B600] =	vst v63  }
0x154: {  	_ =	swait.ge [sflag:s21], $0x50  }
0x155: {  	[sflag:s21] =	ssyncset.done $0x0  }
0x156: {  	[sflag:s21] =	ssyncadd.s32 $0xFFFFFFB0  }
0x157: {  	_ =	swait.ge [sflag:s21], $0x50  }
0x158: {  	[sflag:s21] =	ssyncset.done $0x0  }
0x159: {  	[sflag:s21] =	ssyncadd.s32 $0xFFFFFFB0  }
0x15a: {  	_ =	swait.ge [sflag:s21], $0x1400  }
0x15b: {  	[sflag:s21] =	ssyncset.done $0x0  }
0x15c: {  	s2 =	simm.s32 $0x0;
	s15 =	simm.s32 $0x6;
	[sflag:s21] =	ssyncadd.s32 $0xFFFFEC00  }
0x15d: {  	[tilespmem:s23], [sflag:$0x3] =	stream.indirect.gather [hbm4b:s1+s22], $0x80, s2, s22, $0xb8;
	[tilespmem:$0x1B600] =	vst v63  }
0x15e: {  	_ =	swait.ge [sflag:s15], $0x2800  }
0x15f: {  	[sflag:s15] =	ssyncset.done $0x0  }
0x160: {  	[sflag:s15] =	ssyncadd.s32 $0xFFFFD800  }
0x161: {  	_ =	swait.ge [sflag:s28], $0x2800  }
0x162: {  	[sflag:s28] =	ssyncset.done $0x0  }
0x163: {  	s16 =	simm.s32 $0x0;
	[sflag:s28] =	ssyncadd.s32 $0xFFFFD800  }
0x164: {  	s12 =	simm.s32 $0x2A80;
	v0 =	vld [tilespmem:s16+$0x200]  }
0x165: {  	v1 =	vld [tilespmem:s12+$0xFFFFFF80]  }
0x166: {  	v2 =	vld [tilespmem:s12+$0x0];
	_ =	sdelay $0x2  }
0x167: {  	v3 =	vshll.u32 v0, $0x10  }
0x168: {  	v0 =	vand.u32 $0xFFFF0000, v0;
	v1 =	vadd.f32 v3, v1  }
0x169: {  	v0 =	vadd.f32 v0, v2  }
0x16a: {  	v1 =	vmax.f32 v1, $0.0e+00  }
0x16b: {  	v0 =	vmax.f32 v0, $0.0e+00;
	[tilespmem:s12+$0xFFFFFF80] =	vst v1  }
0x16c: {  	[tilespmem:s12+$0x0] =	vst v0  }
0x16d: {  	v0 =	vld [tilespmem:s16+$0x210]  }
0x16e: {  	v1 =	vld [tilespmem:s12+$0xFFFFFF90]  }
0x16f: {  	v2 =	vld [tilespmem:s12+$0x10];
	_ =	sdelay $0x2  }
0x170: {  	v3 =	vshll.u32 v0, $0x10  }
0x171: {  	v0 =	vand.u32 $0xFFFF0000, v0;
	v1 =	vadd.f32 v3, v1  }
0x172: {  	v0 =	vadd.f32 v0, v2  }
0x173: {  	v1 =	vmax.f32 v1, $0.0e+00  }
0x174: {  	v0 =	vmax.f32 v0, $0.0e+00;
	[tilespmem:s12+$0xFFFFFF90] =	vst v1  }
0x175: {  	[tilespmem:s12+$0x10] =	vst v0  }
0x176: {  	v0 =	vld [tilespmem:s16+$0x220]  }
0x177: {  	v1 =	vld [tilespmem:s12+$0xFFFFFFA0]  }
0x178: {  	v2 =	vld [tilespmem:s12+$0x20];
	_ =	sdelay $0x2  }
0x179: {  	v3 =	vshll.u32 v0, $0x10  }
0x17a: {  	v0 =	vand.u32 $0xFFFF0000, v0;
	v1 =	vadd.f32 v3, v1  }
0x17b: {  	v0 =	vadd.f32 v0, v2  }
0x17c: {  	v1 =	vmax.f32 v1, $0.0e+00  }
0x17d: {  	v0 =	vmax.f32 v0, $0.0e+00;
	[tilespmem:s12+$0xFFFFFFA0] =	vst v1  }
0x17e: {  	[tilespmem:s12+$0x20] =	vst v0  }
0x17f: {  	v0 =	vld [tilespmem:s16+$0x230]  }
0x180: {  	v1 =	vld [tilespmem:s12+$0xFFFFFFB0]  }
0x181: {  	v2 =	vld [tilespmem:s12+$0x30];
	_ =	sdelay $0x2  }
0x182: {  	v3 =	vshll.u32 v0, $0x10  }
0x183: {  	v0 =	vand.u32 $0xFFFF0000, v0;
	v1 =	vadd.f32 v3, v1  }
0x184: {  	v0 =	vadd.f32 v0, v2  }
0x185: {  	v1 =	vmax.f32 v1, $0.0e+00  }
0x186: {  	v0 =	vmax.f32 v0, $0.0e+00;
	[tilespmem:s12+$0xFFFFFFB0] =	vst v1  }
0x187: {  	[tilespmem:s12+$0x30] =	vst v0  }
0x188: {  	v0 =	vld [tilespmem:s16+$0x240]  }
0x189: {  	v1 =	vld [tilespmem:s12+$0xFFFFFFC0]  }
0x18a: {  	v2 =	vld [tilespmem:s12+$0x40];
	_ =	sdelay $0x2  }
0x18b: {  	v3 =	vshll.u32 v0, $0x10  }
0x18c: {  	v0 =	vand.u32 $0xFFFF0000, v0;
	v1 =	vadd.f32 v3, v1  }
0x18d: {  	v0 =	vadd.f32 v0, v2  }
0x18e: {  	v1 =	vmax.f32 v1, $0.0e+00  }
0x18f: {  	v0 =	vmax.f32 v0, $0.0e+00;
	[tilespmem:s12+$0xFFFFFFC0] =	vst v1  }
0x190: {  	[tilespmem:s12+$0x40] =	vst v0  }
0x191: {  	v0 =	vld [tilespmem:s16+$0x250]  }
0x192: {  	v1 =	vld [tilespmem:s12+$0xFFFFFFD0]  }
0x193: {  	v2 =	vld [tilespmem:s12+$0x50];
	_ =	sdelay $0x2  }
0x194: {  	v3 =	vshll.u32 v0, $0x10  }
0x195: {  	v0 =	vand.u32 $0xFFFF0000, v0;
	v1 =	vadd.f32 v3, v1  }
0x196: {  	v0 =	vadd.f32 v0, v2  }
0x197: {  	v1 =	vmax.f32 v1, $0.0e+00  }
0x198: {  	v0 =	vmax.f32 v0, $0.0e+00;
	[tilespmem:s12+$0xFFFFFFD0] =	vst v1  }
0x199: {  	[tilespmem:s12+$0x50] =	vst v0  }
0x19a: {  	v0 =	vld [tilespmem:s16+$0x260]  }
0x19b: {  	v1 =	vld [tilespmem:s12+$0xFFFFFFE0]  }
0x19c: {  	v2 =	vld [tilespmem:s12+$0x60];
	_ =	sdelay $0x2  }
0x19d: {  	v3 =	vshll.u32 v0, $0x10  }
0x19e: {  	v0 =	vand.u32 $0xFFFF0000, v0;
	v1 =	vadd.f32 v3, v1  }
0x19f: {  	v2 =	vadd.f32 v0, v2  }
0x1a0: {  	v1 =	vmax.f32 v1, $0.0e+00  }
0x1a1: {  	v0 =	vld [tilespmem:s12+$0xFFFFFFF0];
	v2 =	vmax.f32 v2, $0.0e+00;
	[tilespmem:s12+$0xFFFFFFE0] =	vst v1  }
0x1a2: {  	[tilespmem:s12+$0x60] =	vst v2;
	v1 =	vld [tilespmem:s12+$0x70]  }
0x1a3: {  	s14 =	simm.s32 $0x200;
	s13 =	simm.s32 $0x2A80;
	v2 =	vld [tilespmem:s16+$0x270]  }
.LBB2_8:
0x1a4: {  	p0 =	sne.s32 s14, $0x4E00  }
0x1a5: {  	s12 =	sadd.s32 $0x100, s12;
	s2 =	smov.u32 s14;
	s14 =	sadd.s32 $0x200, s14  }
0x1a6: {  	_ =	sdelay $0x1  }
0x1a7: {  	v3 =	vshll.u32 v2, $0x10;
	v2 =	vand.u32 $0xFFFF0000, v2  }
0x1a8: {  	v0 =	vadd.f32 v3, v0;
	v1 =	vadd.f32 v2, v1;
	_ =	sdelay $0x1  }
0x1a9: {  	v0 =	vmax.f32 v0, $0.0e+00;
	v1 =	vmax.f32 v1, $0.0e+00  }
0x1aa: {  	[tilespmem:s13+$0xFFFFFFF0] =	vst v0  }
0x1ab: {  	s2 =	sshra.s32 s2, $0x2;
	v0 =	vld [tilespmem:s12+$0x0];
	[tilespmem:s13+$0x70] =	vst v1;
	s13 =	smov.u32 s12  }
0x1ac: {  	v1 =	vld [tilespmem:s2+$0x200]  }
0x1ad: {  	v2 =	vld [tilespmem:s12+$0xFFFFFF80];
	_ =	sdelay $0x3  }
0x1ae: {  	v3 =	vshll.u32 v1, $0x10;
	v1 =	vand.u32 $0xFFFF0000, v1  }
0x1af: {  	v2 =	vadd.f32 v3, v2;
	v0 =	vadd.f32 v1, v0;
	_ =	sdelay $0x1  }
0x1b0: {  	v1 =	vmax.f32 v2, $0.0e+00;
	v0 =	vmax.f32 v0, $0.0e+00  }
0x1b1: {  	[tilespmem:s12+$0xFFFFFF80] =	vst v1  }
0x1b2: {  	[tilespmem:s12+$0x0] =	vst v0;
	v0 =	vld [tilespmem:s12+$0x10]  }
0x1b3: {  	v1 =	vld [tilespmem:s2+$0x210]  }
0x1b4: {  	v2 =	vld [tilespmem:s12+$0xFFFFFF90];
	_ =	sdelay $0x3  }
0x1b5: {  	v3 =	vshll.u32 v1, $0x10;
	v1 =	vand.u32 $0xFFFF0000, v1  }
0x1b6: {  	v2 =	vadd.f32 v3, v2;
	v0 =	vadd.f32 v1, v0;
	_ =	sdelay $0x1  }
0x1b7: {  	v1 =	vmax.f32 v2, $0.0e+00;
	v0 =	vmax.f32 v0, $0.0e+00  }
0x1b8: {  	[tilespmem:s12+$0xFFFFFF90] =	vst v1  }
0x1b9: {  	[tilespmem:s12+$0x10] =	vst v0;
	v0 =	vld [tilespmem:s12+$0x20]  }
0x1ba: {  	v1 =	vld [tilespmem:s2+$0x220]  }
0x1bb: {  	v2 =	vld [tilespmem:s12+$0xFFFFFFA0];
	_ =	sdelay $0x3  }
0x1bc: {  	v3 =	vshll.u32 v1, $0x10;
	v1 =	vand.u32 $0xFFFF0000, v1  }
0x1bd: {  	v2 =	vadd.f32 v3, v2;
	v0 =	vadd.f32 v1, v0;
	_ =	sdelay $0x1  }
0x1be: {  	v1 =	vmax.f32 v2, $0.0e+00;
	v0 =	vmax.f32 v0, $0.0e+00  }
0x1bf: {  	[tilespmem:s12+$0xFFFFFFA0] =	vst v1  }
0x1c0: {  	[tilespmem:s12+$0x20] =	vst v0;
	v0 =	vld [tilespmem:s12+$0x30]  }
0x1c1: {  	v1 =	vld [tilespmem:s2+$0x230]  }
0x1c2: {  	v2 =	vld [tilespmem:s12+$0xFFFFFFB0];
	_ =	sdelay $0x3  }
0x1c3: {  	v3 =	vshll.u32 v1, $0x10;
	v1 =	vand.u32 $0xFFFF0000, v1  }
0x1c4: {  	v2 =	vadd.f32 v3, v2;
	v0 =	vadd.f32 v1, v0;
	_ =	sdelay $0x1  }
0x1c5: {  	v1 =	vmax.f32 v2, $0.0e+00;
	v0 =	vmax.f32 v0, $0.0e+00  }
0x1c6: {  	[tilespmem:s12+$0xFFFFFFB0] =	vst v1  }
0x1c7: {  	[tilespmem:s12+$0x30] =	vst v0;
	v0 =	vld [tilespmem:s12+$0x40]  }
0x1c8: {  	v1 =	vld [tilespmem:s2+$0x240]  }
0x1c9: {  	v2 =	vld [tilespmem:s12+$0xFFFFFFC0];
	_ =	sdelay $0x3  }
0x1ca: {  	v3 =	vshll.u32 v1, $0x10;
	v1 =	vand.u32 $0xFFFF0000, v1  }
0x1cb: {  	v2 =	vadd.f32 v3, v2;
	v0 =	vadd.f32 v1, v0;
	_ =	sdelay $0x1  }
0x1cc: {  	v1 =	vmax.f32 v2, $0.0e+00;
	v0 =	vmax.f32 v0, $0.0e+00  }
0x1cd: {  	[tilespmem:s12+$0xFFFFFFC0] =	vst v1  }
0x1ce: {  	[tilespmem:s12+$0x40] =	vst v0;
	v0 =	vld [tilespmem:s12+$0x50]  }
0x1cf: {  	v1 =	vld [tilespmem:s2+$0x250]  }
0x1d0: {  	v2 =	vld [tilespmem:s12+$0xFFFFFFD0];
	_ =	sdelay $0x3  }
0x1d1: {  	v3 =	vshll.u32 v1, $0x10;
	v1 =	vand.u32 $0xFFFF0000, v1  }
0x1d2: {  	v2 =	vadd.f32 v3, v2;
	v0 =	vadd.f32 v1, v0;
	_ =	sdelay $0x1  }
0x1d3: {  	v1 =	vmax.f32 v2, $0.0e+00;
	v0 =	vmax.f32 v0, $0.0e+00  }
0x1d4: {  	[tilespmem:s12+$0xFFFFFFD0] =	vst v1  }
0x1d5: {  	[tilespmem:s12+$0x50] =	vst v0;
	v1 =	vld [tilespmem:s12+$0x60]  }
0x1d6: {  	v0 =	vld [tilespmem:s2+$0x260]  }
0x1d7: {  	v2 =	vld [tilespmem:s12+$0xFFFFFFE0];
	_ =	sdelay $0x3  }
0x1d8: {  	v3 =	vshll.u32 v0, $0x10;
	v4 =	vand.u32 $0xFFFF0000, v0;
	v0 =	vld [tilespmem:s12+$0xFFFFFFF0]  }
0x1d9: {  	v2 =	vadd.f32 v3, v2;
	v1 =	vadd.f32 v4, v1;
	_ =	sdelay $0x1  }
.Ltmp3:
0x1da: {  	v2 =	vmax.f32 v2, $0.0e+00;
	v1 =	vmax.f32 v1, $0.0e+00;
	(pc) =	sbr.rel @p0 .LBB2_8-.Ltmp3, $4  }
0x1db: {  	[tilespmem:s12+$0xFFFFFFE0] =	vst v2  }
0x1dc: {  	[tilespmem:s12+$0x60] =	vst v1  }
0x1dd: {  	v2 =	vld [tilespmem:s2+$0x270]  }
0x1de: {  	v1 =	vld [tilespmem:s12+$0x70]  }
0x1df: {  	_ =	sdelay $0x2  }
0x1e0: {  	v3 =	vshll.u32 v2, $0x10  }
0x1e1: {  	v63 =	vand.u32 $0xFFFF0000, v2;
	v0 =	vadd.f32 v3, v0  }
0x1e2: {  	v1 =	vadd.f32 v63, v1  }
0x1e3: {  	v0 =	vmax.f32 v0, $0.0e+00  }
0x1e4: {  	v1 =	vmax.f32 v1, $0.0e+00;
	[tilespmem:s13+$0xFFFFFFF0] =	vst v0  }
0x1e5: {  	[tilespmem:s13+$0x70] =	vst v1  }
0x1e6: {  	[spmem:s3] =	stream.indirect.scatter.add.f32 [tilespmem:s23], [sflag:$0x5], $0x80, s19, s22, $0xb8;
	[tilespmem:$0x1B600] =	vst v63  }
0x1e7: {  	_ =	swait.ge [sflag:s31], $0x2800  }
0x1e8: {  	[sflag:s31] =	ssyncset.done $0x0  }
0x1e9: {  	[sflag:s31] =	ssyncadd.s32 $0xFFFFD800  }
0x1ea: {  	[bflag:$0x0] =	sbarrier.arrive $0xFFFF  }
0x1eb: {  	s2 =	rddreg [dreg:$0x8]  }
0x1ec: {  	[hbm:s2], [sflag:s10] =	dma.local [spmem:s17], $0x2780  }
0x1ed: {  	_ =	swait.ge [sflag:s18], $0x2780  }
0x1ee: {  	s9 =	sadd.s32 $0x1, s9;
	s16 =	rddreg [dreg:$0x9]  }
0x1ef: {  	p0 =	sne.s32 s9, s16  }
.Ltmp4:
0x1f0: {  	_ = 	snop;
	(pc) =	sbr.rel @p0 .LBB2_1-.Ltmp4, $3  }
0x1f1: {  	_ =	sdelay $0x1  }
0x1f2: {  	[sflag:s18] =	ssyncset.done $0x0  }
0x1f3: {  	[sflag:s18] =	ssyncadd.s32 $0xFFFFD880  }
0x1f4: {  	_ =	sfence.sel $0x180000  }
0x1f5: {  	[bflag:$0x0] =	sbarrier.arrive $0xFFFF  }
0x1f6: {  	_ =	strace $0x90000047  }
0x1f7: {  	s0 =	stileid.u32;
	[bflag:$0x2] =	sbarrier.arrive $0xFFFF  }
0x1f8: {  	p0 =	sne.s32 s0, $0x0;
	s0 =	rddreg [dreg:$0x3]  }
0x1f9: {  	s0 =	sadd.s32 @!p0 $0x100000, s0  }
0x1fa: {  	[sflag:s0] =	ssyncadd.tile.s32 @!p0 $0x1;
	_ =	shalt  }
.Lfunc_end2:
_tile_overlayer_lowered:
.L_overlay_start_2:
0x1fb: {  	(tag) =	ssettag $0x2  }
0x1fc: {  	s0 =	rddreg [dreg:$0x0];
	s2 =	stileid.u32  }
0x1fd: {  	s1 =	rddreg [dreg:$0x1];
	p0 =	sne.s32 s2, $0x0  }
0x1fe: {  	s3 =	rddreg [dreg:$0x2];
	[bflag:$0x3] =	sbarrier.arrive $0xFFFF;
	s2 =	simm.s32 @!p0 $0x1C07  }
0x1ff: {  	[timem:s3], [sflag:s2] =	dma.local @!p0 [hbm:s0], s1  }
0x200: {  	s0 =	simm.s32 @!p0 $0x7  }
0x201: {  	_ =	swait.ge @!p0 [sflag:s0], s1  }
0x202: {  	s1 =	ssub.s32 @!p0 $0x0, s1;
	[sflag:s0] =	ssyncset.done @!p0 $0x0  }
0x203: {  	[sflag:s0] =	ssyncadd.s32 @!p0 s1  }
0x204: {  	[bflag:$0x3] =	sbarrier.arrive $0xFFFF  }
0x205: {  	_ =	shalt  }

// kernel: kernel.14.cloned.1.call-start
scs
__scs_entry_jumppad:
0x0: {  	(pc) =	sbr.rel $0x88, $3  }
0x1: {  	(tag) =	ssettag $0x0;
	lr =	simm.s32 $0x1  }
0x2: {  	[smem:$0x3F7F] =	sst lr;
	_ =	strace $0xD0000000  }
0x3: {  	_ = 	snop  }
0x4: {  	_ = 	snop  }
0x5: {  	_ = 	snop  }
0x6: {  	_ = 	snop  }
0x7: {  	_ = 	snop  }
__scs_overlays_trampoline_lowered:
0x8: {  	[smem:$0x3F8E] =	sst s0  }
0x9: {  	[smem:$0x3F8F] =	sst s1  }
0xa: {  	[smem:$0x3F90] =	sst s2  }
0xb: {  	[smem:$0x3F91] =	sst s3  }
0xc: {  	[smem:$0x3F92] =	sst s4  }
0xd: {  	[smem:$0x3F93] =	sst s5  }
0xe: {  	[smem:$0x3F94] =	sst s6  }
0xf: {  	[smem:$0x3F95] =	sst s7  }
0x10: {  	[smem:$0x3F96] =	sst s8  }
0x11: {  	[smem:$0x3F97] =	sst s9;
	s0 =	simm.s32 @!p0 $0x0  }
0x12: {  	s1 =	sld [smem:$0x3F7D];
	s0 =	simm.s32 @p0 $0x1  }
0x13: {  	[smem:$0x3F98] =	sst s0;
	s0 =	simm.s32 @!p1 $0x0  }
0x14: {  	s2 =	sld [smem:$0x3F7C];
	s0 =	simm.s32 @p1 $0x1  }
0x15: {  	[smem:$0x3F99] =	sst s0;
	s0 =	simm.s32 @!p2 $0x0  }
0x16: {  	s3 =	sld [smem:$0x3FDB];
	s0 =	simm.s32 @p2 $0x1  }
0x17: {  	s4 =	simm.s32 $0x1BF5;
	[smem:$0x3F9B] =	sst s0  }
0x18: {  	s0 =	sld [smem:$0x3F7E];
	_ =	swait.ge [sflag:s4], $0x0  }
0x19: {  	s7 =	sld [smem:$0x3F7F]  }
0x1a: {  	s8 =	sadd.s32 $0xFFFFE003, lr  }
0x1b: {  	s9 =	sadd.s32 $0xFFFFFEF7, lr;
	s5 =	simm.s32 $0xFFFFFFFF;
	p2 =	slt.u32 s8, $0xFFFFF086  }
0x1c: {  	p1 =	slt.u32 s9, $0xF7A;
	s5 =	simm.s32 @!p2 $0x0  }
0x1d: {  	s5 =	simm.s32 @p1 $0x1;
	p0 =	seq.s32 s7, s2  }
0x1e: {  	s7 =	smul.u32 @!p0 $0xF7A, s2;
	p2 =	seq.s32 @!p0 s5, $0x0  }
0x1f: {  	s9 =	smul.u32 $0xF7A, s1;
	s8 =	simm.s32 @!p0 $0x1BF5;
	p2 =	por !p2, p0  }
0x20: {  	[sflag:s8] =	ssyncset.s32 @!p0 $0xFFFFF086;
	s6 =	sadd.s32 @!p0 s3, s7;
	s7 =	simm.s32 @!p0 $0x108  }
0x21: {  	s3 =	sadd.s32 s3, s9;
	s6 =	sadd.s32 @!p0 $0x88, s6;
	s7 =	simm.s32 @p2 $0x1082  }
0x22: {  	[simem:s7], [sflag:s8] =	dma.local @!p0 [hbm:s6], $0xF7A  }
0x23: {  	s9 =	sor.u32 $0xD0000000, s2;
	s6 =	simm.s32 $0x108;
	_ =	swait.ge @!p0 [sflag:s8], $0x0  }
0x24: {  	s3 =	sadd.s32 $0x88, s3;
	s6 =	simm.s32 @!p1 $0x1082;
	[sflag:s4] =	ssyncset.s32 $0xFFFFF086  }
0x25: {  	[simem:s6], [sflag:s4] =	dma.local [hbm:s3], $0xF7A  }
0x26: {  	[smem:$0x3F7F] =	sst s1;
	(tag) =	ssettag s2;
	_ =	strace s9  }
0x27: {  	s1 =	sld [smem:$0x3F8F]  }
0x28: {  	s2 =	sld [smem:$0x3F90]  }
0x29: {  	s4 =	sld [smem:$0x3F92]  }
0x2a: {  	p0 =	seq.s32 s5, $0x0;
	s5 =	sld [smem:$0x3F93]  }
0x2b: {  	s6 =	sld [smem:$0x3F94]  }
0x2c: {  	s7 =	sld [smem:$0x3F95]  }
0x2d: {  	s3 =	simm.s32 $0x108;
	s8 =	sld [smem:$0x3F96]  }
0x2e: {  	s3 =	simm.s32 @!p0 $0x1082;
	s9 =	sld [smem:$0x3F97]  }
0x2f: {  	lr =	sadd.s32 s0, s3;
	s0 =	sld [smem:$0x3F8E]  }
0x30: {  	s3 =	sld [smem:$0x3F91]  }
0x31: {  	[smem:$0x3F9A] =	sst s10  }
0x32: {  	s10 =	sld [smem:$0x3F98];
	_ =	sdelay $0x3  }
0x33: {  	p0 =	seq.s32 s10, $0x1;
	s10 =	sld [smem:$0x3F9A];
	_ =	sdelay $0x3  }
0x34: {  	[smem:$0x3F9A] =	sst s10  }
0x35: {  	s10 =	sld [smem:$0x3F99];
	_ =	sdelay $0x3  }
0x36: {  	p1 =	seq.s32 s10, $0x1;
	s10 =	sld [smem:$0x3F9A];
	_ =	sdelay $0x3  }
0x37: {  	[smem:$0x3F9A] =	sst s10  }
0x38: {  	s10 =	sld [smem:$0x3F9B]  }
0x39: {  	_ = 	snop;
	(pc) =	sbr.ind lr, $3  }
0x3a: {  	_ = 	snop  }
0x3b: {  	_ = 	snop  }
0x3c: {  	p2 =	seq.s32 s10, $0x1;
	s10 =	sld [smem:$0x3F9A]  }
0x3d: {  	_ =	shalt  }
0x3e: {  	_ =	shalt  }
0x3f: {  	_ =	shalt  }
0x40: {  	_ =	shalt  }
0x41: {  	_ =	shalt  }
0x42: {  	_ =	shalt  }
0x43: {  	_ =	shalt  }
0x44: {  	_ =	shalt  }
0x45: {  	_ =	shalt  }
0x46: {  	_ =	shalt  }
0x47: {  	_ =	shalt  }
0x48: {  	_ =	shalt  }
0x49: {  	_ =	shalt  }
0x4a: {  	_ =	shalt  }
0x4b: {  	_ =	shalt  }
0x4c: {  	_ =	shalt  }
0x4d: {  	_ =	shalt  }
0x4e: {  	_ =	shalt  }
0x4f: {  	_ =	shalt  }
0x50: {  	_ =	shalt  }
0x51: {  	_ =	shalt  }
0x52: {  	_ =	shalt  }
0x53: {  	_ =	shalt  }
0x54: {  	_ =	shalt  }
0x55: {  	_ =	shalt  }
0x56: {  	_ =	shalt  }
0x57: {  	_ =	shalt  }
0x58: {  	_ =	shalt  }
0x59: {  	_ =	shalt  }
0x5a: {  	_ =	shalt  }
0x5b: {  	_ =	shalt  }
0x5c: {  	_ =	shalt  }
0x5d: {  	_ =	shalt  }
0x5e: {  	_ =	shalt  }
0x5f: {  	_ =	shalt  }
0x60: {  	_ =	shalt  }
0x61: {  	_ =	shalt  }
0x62: {  	_ =	shalt  }
0x63: {  	_ =	shalt  }
0x64: {  	_ =	shalt  }
0x65: {  	_ =	shalt  }
0x66: {  	_ =	shalt  }
0x67: {  	_ =	shalt  }
0x68: {  	_ =	shalt  }
0x69: {  	_ =	shalt  }
0x6a: {  	_ =	shalt  }
0x6b: {  	_ =	shalt  }
0x6c: {  	_ =	shalt  }
0x6d: {  	_ =	shalt  }
0x6e: {  	_ =	shalt  }
0x6f: {  	_ =	shalt  }
0x70: {  	_ =	shalt  }
0x71: {  	_ =	shalt  }
0x72: {  	_ =	shalt  }
0x73: {  	_ =	shalt  }
0x74: {  	_ =	shalt  }
0x75: {  	_ =	shalt  }
0x76: {  	_ =	shalt  }
0x77: {  	_ =	shalt  }
0x78: {  	_ =	shalt  }
0x79: {  	_ =	shalt  }
0x7a: {  	_ =	shalt  }
0x7b: {  	_ =	shalt  }
0x7c: {  	_ =	shalt  }
0x7d: {  	_ =	shalt  }
0x7e: {  	_ =	shalt  }
0x7f: {  	_ =	shalt  }
0x80: {  	_ =	shalt  }
0x81: {  	_ =	shalt  }
0x82: {  	_ =	shalt  }
0x83: {  	_ =	shalt  }
0x84: {  	_ =	shalt  }
0x85: {  	_ =	shalt  }
0x86: {  	_ =	shalt  }
0x87: {  	_ =	shalt  }
.Lfunc_end0:
.L_simem_size_0:
called_computation.1_lowered:
.L_overlay_start_0:
0x88: {  	s2 =	sld [smem:$0x3FD9]  }
0x89: {  	s3 =	sld [smem:$0x3FFE];
	_ =	sdelay $0x1  }
0x8a: {  	s1 =	srdreg.scid  }
0x8b: {  	s0 =	sand.u32 $0x1, s1  }
0x8c: {  	s14 =	sshll.u32 s0, $0xA;
	s2 =	sadd.s32 s3, s2  }
0x8d: {  	s2 =	sadd.s32 s2, s14  }
0x8e: {  	[smem:$0x3FA6] =	sst s2  }
0x8f: {  	_ = 	snop  }
0x90: {  	s2 =	sld [smem:$0x3FD0];
	_ =	sdelay $0x2  }
0x91: {  	s15 =	simm.s32 $0xA;
	s4 =	simm.s32 $0x10  }
0x92: {  	[smem:s4], [sflag:s15] =	dma.local [hbm:s2], $0x1  }
0x93: {  	_ =	swait.eq [sflag:s15], $0x1  }
0x94: {  	[sflag:s15] =	ssyncset.done $0x0  }
0x95: {  	[sflag:s15] =	ssyncadd.s32 $0xFFFFFFFF  }
0x96: {  	s16 =	sld [smem:$0x10];
	(tm) =	ssettm $0x1  }
0x97: {  	s17 =	sld [smem:$0x3FFB];
	_ =	sdelay $0x3  }
0x98: {  	_ =	strace s17  }
0x99: {  	s3 =	sld [smem:$0x3FFC];
	_ =	sdelay $0x3  }
0x9a: {  	_ =	strace s3  }
0x9b: {  	s3 =	sld [smem:$0x3FFD];
	_ =	sdelay $0x3  }
0x9c: {  	_ =	strace s3  }
0x9d: {  	_ =	strace $0x8FFFFFFF  }
0x9e: {  	s18 =	sld [smem:$0x3FDB];
	_ =	sdelay $0x1  }
0x9f: {  	s19 =	simm.s32 $_scs_section_size  }
0xa0: {  	s5 =	simm.s32 $_size__tile_overlayer_lowered;
	s6 =	simm.s32 $_tile_overlayer_lowered  }
0xa1: {  	s22 =	simm.s32 $0x1BFF;
	s21 =	sshll.u32 s6, $0x1;
	s3 =	sadd.s32 s19, s18  }
0xa2: {  	s7 =	simm.s32 $0x0;
	s20 =	sshll.u32 s5, $0x1;
	s5 =	sadd.s32 s21, s3  }
0xa3: {  	[timem:s7], [sflag:s22] =	dma.local [hbm:s5], s20  }
0xa4: {  	_ =	swait.ge [sflag:s22], s20  }
0xa5: {  	s4 =	ssub.s32 $0x0, s20;
	[sflag:s22] =	ssyncset.done $0x0  }
0xa6: {  	[sflag:s22] =	ssyncadd.s32 s4;
	_ =	sdelay $0x1  }
0xa7: {  	s23 =	simm.s32 $0x1B8B  }
0xa8: {  	_ =	swait.ge [sflag:s23], $0x1  }
0xa9: {  	[sflag:s23] =	ssyncset.done $0x0  }
0xaa: {  	s25 =	simm.s32 $0x1B8E;
	s24 =	sld [smem:$0x3FFE];
	[sflag:s23] =	ssyncadd.s32 $0xFFFFFFFF  }
0xab: {  	s26 =	simm.s32 $execute0_lowered;
	[smem:$0x3FD2] =	sst s25  }
0xac: {  	s5 =	sshll.u32 s26, $0x1;
	_ =	strace $0x80000049;
	[dreg:$0x1] =	wrdreg $0xFFFFFFFF  }
0xad: {  	s28 =	simm.s32 $_size_execute0_lowered;
	s3 =	sadd.s32 s3, s5;
	[dreg:$0x0] =	wrdreg $0x0  }
0xae: {  	s5 =	sshll.u32 s28, $0x1;
	[dreg:$0x2] =	wrdreg s3  }
0xaf: {  	[dreg:$0x3] =	wrdreg s5  }
0xb0: {  	[dreg:$0x4] =	wrdreg $0xC0  }
0xb1: {  	_ =	task [dreg:s7], $0x5FFFF  }
0xb2: {  	[dreg:$0x1] =	wrdreg $0xFFFFFFFF  }
0xb3: {  	[dreg:$0x0] =	wrdreg $0x60  }
0xb4: {  	[dreg:$0x2] =	wrdreg s16  }
0xb5: {  	[dreg:$0x3] =	wrdreg s24  }
0xb6: {  	[dreg:$0x4] =	wrdreg $0x7A000  }
0xb7: {  	[dreg:$0x5] =	wrdreg $0x9  }
0xb8: {  	_ =	task.clear_ibuf [dreg:s7], $0x6FFFF;
	_ =	strace $0x90000049  }
0xb9: {  	s29 =	simm.s32 $0x9;
	_ =	strace $0x8000004B  }
0xba: {  	_ =	swait.ge [sflag:s29], $0x1  }
0xbb: {  	[sflag:s29] =	ssyncadd.s32 $0xFFFFFFFF  }
0xbc: {  	_ =	strace $0x9000004B  }
0xbd: {  	_ =	sfence  }
0xbe: {  	s30 =	sld [smem:$0x0];
	_ =	sdelay $0x2  }
0xbf: {  	s31 =	sshll.u32 s1, $0xD;
	s1 =	sshrl.u32 s1, $0x2  }
0xc0: {  	s3 =	sand.u32 $0x4000, s31;
	s1 =	sadd.s32 s1, s30  }
0xc1: {  	s0 =	sor.u32 s3, s0;
	s1 =	sshll.u32 s1, $0x11  }
0xc2: {  	s0 =	sor.u32 s1, s0  }
0xc3: {  	s0 =	sadd.s32 $0x8F2B, s0  }
0xc4: {  	[sflag:s0] =	ssyncadd.remote.s32 $0x1  }
0xc5: {  	_ =	sfence.sel $0xFFFF  }
0xc6: {  	[dreg:$0x0] =	wrdreg $0xFFFFFFFF;
	(pc) =	sbr.abs _section_cstart, $3  }
0xc7: {  	[dreg:$0x1] =	wrdreg $0xFFFFFFFF  }
0xc8: {  	_ =	task.clear_ibuf [dreg:s7], $0x2FFFF;
	_ =	strace $0x9FFFFFFF  }
0xc9: {  	(tm) =	ssettm $0x7FFFFFFF  }
tec
execute0_lowered:
.L_overlay_start_1:
0x0: {  	(tag) =	ssettag $0x1  }
0x1: {  	s1 =	rddreg [dreg:$0x0]  }
0x2: {  	s0 =	rddreg [dreg:$0x1]  }
0x3: {  	s3 =	rddreg [dreg:$0x2];
	s4 =	simm.s32 $0x0  }
0x4: {  	s13 =	stileid.u32;
	s2 =	srdreg.scid;
	s28 =	simm.s32 $0x3  }
0x5: {  	s29 =	simm.s32 $0x2;
	s30 =	simm.s32 $0x5200;
	s31 =	simm.s32 $0x5  }
0x6: {  	[smem:$0x7FF] =	sst s4;
	s8 =	smul.u32 $0x13C00, s13;
	s5 =	sadd.s32 $0x76D600, s0  }
0x7: {  	s2 =	sand.u32 $0x1, s2;
	s6 =	sadd.s32 $0x4F2800, s0;
	s7 =	sadd.s32 $0x4E8A00, s0  }
0x8: {  	s18 =	sshll.u32 s13, $0x1;
	s11 =	smul.u32 $0x4F000, s13;
	s21 =	sshll.u32 s13, $0x6  }
0x9: {  	_ =	strace $0x8000004A;
	s9 =	smul.u32 $0x13C000, s2;
	s12 =	ssub.s32 $0x2, s2  }
0xa: {  	s2 =	sor.u32 s2, s18;
	s18 =	simm.s32 $0x7;
	s10 =	sshrl.u32 s8, $0x3  }
0xb: {  	s19 =	sshrl.u32 s12, $0x1;
	s11 =	sshrl.u32 s11, $0x2;
	s14 =	smul.u32 $0x13880, s2  }
0xc: {  	s10 =	sadd.s32 s10, s0;
	s8 =	sadd.s32 s8, s9;
	s9 =	ssub.s32 s12, s19  }
0xd: {  	s20 =	sadd.s32 s11, s3;
	s11 =	smul.u32 $0x1388, s2;
	s19 =	simm.s32 $0x100  }
0xe: {  	s8 =	sshrl.u32 s8, $0x3;
	s10 =	sadd.s32 $0x6A00, s10;
	s25 =	sadd.s32 s5, s14  }
0xf: {  	s26 =	smax.u32 s9, $0x1;
	s17 =	sshrl.u32 s20, $0x3;
	s20 =	simm.s32 $0x200  }
0x10: {  	s9 =	simm.s32 $0x0;
	s0 =	sadd.s32 s8, s0;
	[dreg:$0x4] =	wrdreg s10  }
0x11: {  	s8 =	smul.u32 $0x2710, s2;
	s10 =	sor.u32 $0x1C07, s21;
	[dreg:$0x7] =	wrdreg s25  }
0x12: {  	[dreg:$0x9] =	wrdreg s26;
	s21 =	simm.s32 $0x1;
	s25 =	simm.s32 $0x180  }
0x13: {  	s26 =	simm.s32 $0x1600;
	s0 =	sadd.s32 $0x4FC600, s0;
	s22 =	sshrl.u32 s8, $0x3  }
0x14: {  	[dreg:$0x8] =	wrdreg s0;
	s0 =	simm.s32 $0x4;
	s23 =	sadd.s32 s6, s22  }
0x15: {  	s24 =	sadd.s32 s7, s22;
	s22 =	simm.s32 $0x50;
	[dreg:$0x5] =	wrdreg s23  }
0x16: {  	[dreg:$0x6] =	wrdreg s24;
	s23 =	simm.s32 $0x2A00;
	s24 =	simm.s32 $0x80  }
.LBB2_1:
0x17: {  	s2 =	rddreg [dreg:$0x4]  }
0x18: {  	[spmem:s17], [sflag:s10] =	dma.local [hbm:s2], $0x2780  }
0x19: {  	_ =	swait.ge [sflag:s18], $0x2780  }
0x1a: {  	[sflag:s18] =	ssyncset.done $0x0  }
0x1b: {  	[sflag:s18] =	ssyncadd.s32 $0xFFFFD880  }
0x1c: {  	[bflag:$0x0] =	sbarrier.arrive $0xFFFF  }
0x1d: {  	s14 =	rddreg [dreg:$0x5]  }
0x1e: {  	[tilespmem:s4], [sflag:$0x1] =	stream.linear.gather [hbm4b:s14+s4], $0x50, $0x38;
	[tilespmem:$0x1B600] =	vst v63  }
0x1f: {  	s15 =	rddreg [dreg:$0x6]  }
0x20: {  	[tilespmem:s19], [sflag:$0x1] =	stream.linear.gather [hbm4b:s15+s4], $0x50, $0x38;
	[tilespmem:$0x1B600] =	vst v63  }
0x21: {  	s12 =	simm.s32 $0x0;
	s16 =	rddreg [dreg:$0x7]  }
0x22: {  	[tilespmem:s20], [sflag:$0x1] =	stream.linear.gather [hbm4b:s16+s4], $0x1400, $0x38;
	[tilespmem:$0x1B600] =	vst v63  }
.LBB2_2:
0x23: {  	_ =	swait.ge [sflag:s21], $0x50  }
0x24: {  	[sflag:s21] =	ssyncset.done $0x0  }
0x25: {  	[sflag:s21] =	ssyncadd.s32 $0xFFFFFFB0  }
0x26: {  	_ =	swait.ge [sflag:s21], $0x50  }
0x27: {  	[sflag:s21] =	ssyncset.done $0x0  }
0x28: {  	[sflag:s21] =	ssyncadd.s32 $0xFFFFFFB0  }
0x29: {  	s13 =	sshll.u32 s12, $0x1;
	_ =	swait.ge [sflag:s21], $0x1400  }
0x2a: {  	p0 =	seq.s32 s12, $0x0;
	s2 =	sor.u32 $0x1, s13;
	[sflag:s21] =	ssyncset.done $0x0  }
0x2b: {  	s14 =	simm.s32 @!p0 $0x6;
	s15 =	smul.u32 $0x50, s2;
	[sflag:s21] =	ssyncadd.s32 $0xFFFFEC00  }
0x2c: {  	[tilespmem:s23], [sflag:$0x3] =	stream.indirect.gather [hbm4b:s1+s22], $0x80, s4, s22, $0xb8;
	[tilespmem:$0x1B600] =	vst v63  }
0x2d: {  	_ =	swait.ge @!p0 [sflag:s14], $0x2800  }
0x2e: {  	s2 =	smul.u32 $0x28, s2;
	s15 =	sadd.s32 s8, s15;
	[sflag:s14] =	ssyncset.done @!p0 $0x0  }
0x2f: {  	[sflag:s14] =	ssyncadd.s32 @!p0 $0xFFFFD800;
	s14 =	sshrl.u32 s15, $0x3  }
0x30: {  	s16 =	simm.s32 $0x0;
	s2 =	sadd.s32 s11, s2;
	s15 =	sadd.s32 s6, s14  }
0x31: {  	[tilespmem:s24], [sflag:$0x2] =	stream.linear.gather [hbm4b:s15+s16], $0x50, $0x38;
	[tilespmem:$0x1B600] =	vst v63  }
0x32: {  	s2 =	sshll.u32 s2, $0x4;
	s14 =	sadd.s32 s7, s14  }
0x33: {  	[tilespmem:s25], [sflag:$0x2] =	stream.linear.gather [hbm4b:s14+s16], $0x50, $0x38;
	[tilespmem:$0x1B600] =	vst v63  }
0x34: {  	s2 =	sadd.s32 s5, s2  }
0x35: {  	[tilespmem:s26], [sflag:$0x2] =	stream.linear.gather [hbm4b:s2+s16], $0x1400, $0x38;
	[tilespmem:$0x1B600] =	vst v63  }
0x36: {  	_ =	swait.ge [sflag:s28], $0x2800  }
0x37: {  	[sflag:s28] =	ssyncset.done $0x0  }
0x38: {  	s16 =	simm.s32 $0x0;
	[sflag:s28] =	ssyncadd.s32 $0xFFFFD800  }
0x39: {  	s14 =	simm.s32 $0x2A80;
	v0 =	vld [tilespmem:s16+$0x200]  }
0x3a: {  	v1 =	vld [tilespmem:s14+$0xFFFFFF80]  }
0x3b: {  	v2 =	vld [tilespmem:s14+$0x0];
	_ =	sdelay $0x2  }
0x3c: {  	v3 =	vshll.u32 v0, $0x10  }
0x3d: {  	v0 =	vand.u32 $0xFFFF0000, v0;
	v1 =	vadd.f32 v3, v1  }
0x3e: {  	v0 =	vadd.f32 v0, v2  }
0x3f: {  	v1 =	vmax.f32 v1, $0.0e+00  }
0x40: {  	v0 =	vmax.f32 v0, $0.0e+00;
	[tilespmem:s14+$0xFFFFFF80] =	vst v1  }
0x41: {  	[tilespmem:s14+$0x0] =	vst v0  }
0x42: {  	v0 =	vld [tilespmem:s16+$0x210]  }
0x43: {  	v1 =	vld [tilespmem:s14+$0xFFFFFF90]  }
0x44: {  	v2 =	vld [tilespmem:s14+$0x10];
	_ =	sdelay $0x2  }
0x45: {  	v3 =	vshll.u32 v0, $0x10  }
0x46: {  	v0 =	vand.u32 $0xFFFF0000, v0;
	v1 =	vadd.f32 v3, v1  }
0x47: {  	v0 =	vadd.f32 v0, v2  }
0x48: {  	v1 =	vmax.f32 v1, $0.0e+00  }
0x49: {  	v0 =	vmax.f32 v0, $0.0e+00;
	[tilespmem:s14+$0xFFFFFF90] =	vst v1  }
0x4a: {  	[tilespmem:s14+$0x10] =	vst v0  }
0x4b: {  	v0 =	vld [tilespmem:s16+$0x220]  }
0x4c: {  	v1 =	vld [tilespmem:s14+$0xFFFFFFA0]  }
0x4d: {  	v2 =	vld [tilespmem:s14+$0x20];
	_ =	sdelay $0x2  }
0x4e: {  	v3 =	vshll.u32 v0, $0x10  }
0x4f: {  	v0 =	vand.u32 $0xFFFF0000, v0;
	v1 =	vadd.f32 v3, v1  }
0x50: {  	v0 =	vadd.f32 v0, v2  }
0x51: {  	v1 =	vmax.f32 v1, $0.0e+00  }
0x52: {  	v0 =	vmax.f32 v0, $0.0e+00;
	[tilespmem:s14+$0xFFFFFFA0] =	vst v1  }
0x53: {  	[tilespmem:s14+$0x20] =	vst v0  }
0x54: {  	v0 =	vld [tilespmem:s16+$0x230]  }
0x55: {  	v1 =	vld [tilespmem:s14+$0xFFFFFFB0]  }
0x56: {  	v2 =	vld [tilespmem:s14+$0x30];
	_ =	sdelay $0x2  }
0x57: {  	v3 =	vshll.u32 v0, $0x10  }
0x58: {  	v0 =	vand.u32 $0xFFFF0000, v0;
	v1 =	vadd.f32 v3, v1  }
0x59: {  	v0 =	vadd.f32 v0, v2  }
0x5a: {  	v1 =	vmax.f32 v1, $0.0e+00  }
0x5b: {  	v0 =	vmax.f32 v0, $0.0e+00;
	[tilespmem:s14+$0xFFFFFFB0] =	vst v1  }
0x5c: {  	[tilespmem:s14+$0x30] =	vst v0  }
0x5d: {  	v0 =	vld [tilespmem:s16+$0x240]  }
0x5e: {  	v1 =	vld [tilespmem:s14+$0xFFFFFFC0]  }
0x5f: {  	v2 =	vld [tilespmem:s14+$0x40];
	_ =	sdelay $0x2  }
0x60: {  	v3 =	vshll.u32 v0, $0x10  }
0x61: {  	v0 =	vand.u32 $0xFFFF0000, v0;
	v1 =	vadd.f32 v3, v1  }
0x62: {  	v0 =	vadd.f32 v0, v2  }
0x63: {  	v1 =	vmax.f32 v1, $0.0e+00  }
0x64: {  	v0 =	vmax.f32 v0, $0.0e+00;
	[tilespmem:s14+$0xFFFFFFC0] =	vst v1  }
0x65: {  	[tilespmem:s14+$0x40] =	vst v0  }
0x66: {  	v0 =	vld [tilespmem:s16+$0x250]  }
0x67: {  	v1 =	vld [tilespmem:s14+$0xFFFFFFD0]  }
0x68: {  	v2 =	vld [tilespmem:s14+$0x50];
	_ =	sdelay $0x2  }
0x69: {  	v3 =	vshll.u32 v0, $0x10  }
0x6a: {  	v0 =	vand.u32 $0xFFFF0000, v0;
	v1 =	vadd.f32 v3, v1  }
0x6b: {  	v0 =	vadd.f32 v0, v2  }
0x6c: {  	v1 =	vmax.f32 v1, $0.0e+00  }
0x6d: {  	v0 =	vmax.f32 v0, $0.0e+00;
	[tilespmem:s14+$0xFFFFFFD0] =	vst v1  }
0x6e: {  	[tilespmem:s14+$0x50] =	vst v0  }
0x6f: {  	v0 =	vld [tilespmem:s16+$0x260]  }
0x70: {  	v1 =	vld [tilespmem:s14+$0xFFFFFFE0]  }
0x71: {  	v2 =	vld [tilespmem:s14+$0x60];
	_ =	sdelay $0x2  }
0x72: {  	v3 =	vshll.u32 v0, $0x10  }
0x73: {  	v0 =	vand.u32 $0xFFFF0000, v0;
	v1 =	vadd.f32 v3, v1  }
0x74: {  	v2 =	vadd.f32 v0, v2  }
0x75: {  	v1 =	vmax.f32 v1, $0.0e+00  }
0x76: {  	v0 =	vld [tilespmem:s14+$0xFFFFFFF0];
	v2 =	vmax.f32 v2, $0.0e+00;
	[tilespmem:s14+$0xFFFFFFE0] =	vst v1  }
0x77: {  	[tilespmem:s14+$0x60] =	vst v2;
	v1 =	vld [tilespmem:s14+$0x70]  }
0x78: {  	s15 =	simm.s32 $0x2A80;
	v2 =	vld [tilespmem:s16+$0x270];
	s16 =	simm.s32 $0x200  }
.LBB2_3:
0x79: {  	p0 =	sne.s32 s16, $0x4E00  }
0x7a: {  	s14 =	sadd.s32 $0x100, s14;
	s2 =	smov.u32 s16;
	s16 =	sadd.s32 $0x200, s16  }
0x7b: {  	_ =	sdelay $0x1  }
0x7c: {  	v3 =	vshll.u32 v2, $0x10;
	v2 =	vand.u32 $0xFFFF0000, v2  }
0x7d: {  	v0 =	vadd.f32 v3, v0;
	v1 =	vadd.f32 v2, v1;
	_ =	sdelay $0x1  }
0x7e: {  	v0 =	vmax.f32 v0, $0.0e+00;
	v1 =	vmax.f32 v1, $0.0e+00  }
0x7f: {  	[tilespmem:s15+$0xFFFFFFF0] =	vst v0  }
0x80: {  	s2 =	sshra.s32 s2, $0x2;
	v0 =	vld [tilespmem:s14+$0x0];
	[tilespmem:s15+$0x70] =	vst v1;
	s15 =	smov.u32 s14  }
0x81: {  	v1 =	vld [tilespmem:s2+$0x200]  }
0x82: {  	v2 =	vld [tilespmem:s14+$0xFFFFFF80];
	_ =	sdelay $0x3  }
0x83: {  	v3 =	vshll.u32 v1, $0x10;
	v1 =	vand.u32 $0xFFFF0000, v1  }
0x84: {  	v2 =	vadd.f32 v3, v2;
	v0 =	vadd.f32 v1, v0;
	_ =	sdelay $0x1  }
0x85: {  	v1 =	vmax.f32 v2, $0.0e+00;
	v0 =	vmax.f32 v0, $0.0e+00  }
0x86: {  	[tilespmem:s14+$0xFFFFFF80] =	vst v1  }
0x87: {  	[tilespmem:s14+$0x0] =	vst v0;
	v0 =	vld [tilespmem:s14+$0x10]  }
0x88: {  	v1 =	vld [tilespmem:s2+$0x210]  }
0x89: {  	v2 =	vld [tilespmem:s14+$0xFFFFFF90];
	_ =	sdelay $0x3  }
0x8a: {  	v3 =	vshll.u32 v1, $0x10;
	v1 =	vand.u32 $0xFFFF0000, v1  }
0x8b: {  	v2 =	vadd.f32 v3, v2;
	v0 =	vadd.f32 v1, v0;
	_ =	sdelay $0x1  }
0x8c: {  	v1 =	vmax.f32 v2, $0.0e+00;
	v0 =	vmax.f32 v0, $0.0e+00  }
0x8d: {  	[tilespmem:s14+$0xFFFFFF90] =	vst v1  }
0x8e: {  	[tilespmem:s14+$0x10] =	vst v0;
	v0 =	vld [tilespmem:s14+$0x20]  }
0x8f: {  	v1 =	vld [tilespmem:s2+$0x220]  }
0x90: {  	v2 =	vld [tilespmem:s14+$0xFFFFFFA0];
	_ =	sdelay $0x3  }
0x91: {  	v3 =	vshll.u32 v1, $0x10;
	v1 =	vand.u32 $0xFFFF0000, v1  }
0x92: {  	v2 =	vadd.f32 v3, v2;
	v0 =	vadd.f32 v1, v0;
	_ =	sdelay $0x1  }
0x93: {  	v1 =	vmax.f32 v2, $0.0e+00;
	v0 =	vmax.f32 v0, $0.0e+00  }
0x94: {  	[tilespmem:s14+$0xFFFFFFA0] =	vst v1  }
0x95: {  	[tilespmem:s14+$0x20] =	vst v0;
	v0 =	vld [tilespmem:s14+$0x30]  }
0x96: {  	v1 =	vld [tilespmem:s2+$0x230]  }
0x97: {  	v2 =	vld [tilespmem:s14+$0xFFFFFFB0];
	_ =	sdelay $0x3  }
0x98: {  	v3 =	vshll.u32 v1, $0x10;
	v1 =	vand.u32 $0xFFFF0000, v1  }
0x99: {  	v2 =	vadd.f32 v3, v2;
	v0 =	vadd.f32 v1, v0;
	_ =	sdelay $0x1  }
0x9a: {  	v1 =	vmax.f32 v2, $0.0e+00;
	v0 =	vmax.f32 v0, $0.0e+00  }
0x9b: {  	[tilespmem:s14+$0xFFFFFFB0] =	vst v1  }
0x9c: {  	[tilespmem:s14+$0x30] =	vst v0;
	v0 =	vld [tilespmem:s14+$0x40]  }
0x9d: {  	v1 =	vld [tilespmem:s2+$0x240]  }
0x9e: {  	v2 =	vld [tilespmem:s14+$0xFFFFFFC0];
	_ =	sdelay $0x3  }
0x9f: {  	v3 =	vshll.u32 v1, $0x10;
	v1 =	vand.u32 $0xFFFF0000, v1  }
0xa0: {  	v2 =	vadd.f32 v3, v2;
	v0 =	vadd.f32 v1, v0;
	_ =	sdelay $0x1  }
0xa1: {  	v1 =	vmax.f32 v2, $0.0e+00;
	v0 =	vmax.f32 v0, $0.0e+00  }
0xa2: {  	[tilespmem:s14+$0xFFFFFFC0] =	vst v1  }
0xa3: {  	[tilespmem:s14+$0x40] =	vst v0;
	v0 =	vld [tilespmem:s14+$0x50]  }
0xa4: {  	v1 =	vld [tilespmem:s2+$0x250]  }
0xa5: {  	v2 =	vld [tilespmem:s14+$0xFFFFFFD0];
	_ =	sdelay $0x3  }
0xa6: {  	v3 =	vshll.u32 v1, $0x10;
	v1 =	vand.u32 $0xFFFF0000, v1  }
0xa7: {  	v2 =	vadd.f32 v3, v2;
	v0 =	vadd.f32 v1, v0;
	_ =	sdelay $0x1  }
0xa8: {  	v1 =	vmax.f32 v2, $0.0e+00;
	v0 =	vmax.f32 v0, $0.0e+00  }
0xa9: {  	[tilespmem:s14+$0xFFFFFFD0] =	vst v1  }
0xaa: {  	[tilespmem:s14+$0x50] =	vst v0;
	v1 =	vld [tilespmem:s14+$0x60]  }
0xab: {  	v0 =	vld [tilespmem:s2+$0x260]  }
0xac: {  	v2 =	vld [tilespmem:s14+$0xFFFFFFE0];
	_ =	sdelay $0x3  }
0xad: {  	v3 =	vshll.u32 v0, $0x10;
	v4 =	vand.u32 $0xFFFF0000, v0;
	v0 =	vld [tilespmem:s14+$0xFFFFFFF0]  }
0xae: {  	v2 =	vadd.f32 v3, v2;
	v1 =	vadd.f32 v4, v1;
	_ =	sdelay $0x1  }
.Ltmp0:
0xaf: {  	v2 =	vmax.f32 v2, $0.0e+00;
	v1 =	vmax.f32 v1, $0.0e+00;
	(pc) =	sbr.rel @p0 .LBB2_3-.Ltmp0, $4  }
0xb0: {  	[tilespmem:s14+$0xFFFFFFE0] =	vst v2  }
0xb1: {  	[tilespmem:s14+$0x60] =	vst v1  }
0xb2: {  	v2 =	vld [tilespmem:s2+$0x270]  }
0xb3: {  	v1 =	vld [tilespmem:s14+$0x70]  }
0xb4: {  	_ =	sdelay $0x2  }
0xb5: {  	v3 =	vshll.u32 v2, $0x10  }
0xb6: {  	v2 =	vand.u32 $0xFFFF0000, v2;
	v0 =	vadd.f32 v3, v0  }
0xb7: {  	v1 =	vadd.f32 v2, v1  }
0xb8: {  	v0 =	vmax.f32 v0, $0.0e+00  }
0xb9: {  	v1 =	vmax.f32 v1, $0.0e+00;
	[tilespmem:s15+$0xFFFFFFF0] =	vst v0  }
0xba: {  	[tilespmem:s15+$0x70] =	vst v1  }
0xbb: {  	[spmem:s3] =	stream.indirect.scatter.add.f32 [tilespmem:s23], [sflag:$0x5], $0x80, s19, s22, $0xb8;
	[tilespmem:$0x1B600] =	vst v63  }
0xbc: {  	_ =	swait.ge [sflag:s29], $0x50  }
0xbd: {  	[sflag:s29] =	ssyncset.done $0x0  }
0xbe: {  	[sflag:s29] =	ssyncadd.s32 $0xFFFFFFB0  }
0xbf: {  	_ =	swait.ge [sflag:s29], $0x50  }
0xc0: {  	[sflag:s29] =	ssyncset.done $0x0  }
0xc1: {  	[sflag:s29] =	ssyncadd.s32 $0xFFFFFFB0  }
0xc2: {  	_ =	swait.ge [sflag:s29], $0x1400  }
0xc3: {  	s2 =	sadd.s32 $0x2, s13;
	[sflag:s29] =	ssyncset.done $0x0  }
0xc4: {  	s13 =	smul.u32 $0x50, s2;
	[sflag:s29] =	ssyncadd.s32 $0xFFFFEC00  }
0xc5: {  	[tilespmem:s30], [sflag:$0x4] =	stream.indirect.gather [hbm4b:s1+s22], $0x80, s24, s22, $0xb8;
	[tilespmem:$0x1B600] =	vst v63  }
0xc6: {  	s2 =	smul.u32 $0x28, s2;
	s13 =	sadd.s32 s8, s13;
	_ =	swait.ge [sflag:s31], $0x2800  }
0xc7: {  	s16 =	simm.s32 $0x0;
	s13 =	sshrl.u32 s13, $0x3;
	[sflag:s31] =	ssyncset.done $0x0  }
0xc8: {  	s2 =	sadd.s32 s11, s2;
	s14 =	sadd.s32 s6, s13;
	[sflag:s31] =	ssyncadd.s32 $0xFFFFD800  }
0xc9: {  	[tilespmem:s16], [sflag:$0x1] =	stream.linear.gather [hbm4b:s14+s16], $0x50, $0x38;
	[tilespmem:$0x1B600] =	vst v63  }
0xca: {  	s2 =	sshll.u32 s2, $0x4;
	s13 =	sadd.s32 s7, s13  }
0xcb: {  	[tilespmem:s19], [sflag:$0x1] =	stream.linear.gather [hbm4b:s13+s16], $0x50, $0x38;
	[tilespmem:$0x1B600] =	vst v63  }
0xcc: {  	s2 =	sadd.s32 s5, s2  }
0xcd: {  	[tilespmem:s20], [sflag:$0x1] =	stream.linear.gather [hbm4b:s2+s16], $0x1400, $0x38;
	[tilespmem:$0x1B600] =	vst v63  }
0xce: {  	_ =	swait.ge [sflag:s0], $0x2800  }
0xcf: {  	[sflag:s0] =	ssyncset.done $0x0  }
0xd0: {  	s16 =	simm.s32 $0x0;
	[sflag:s0] =	ssyncadd.s32 $0xFFFFD800  }
0xd1: {  	s13 =	simm.s32 $0x52F0;
	v0 =	vld [tilespmem:s16+$0x1600]  }
0xd2: {  	v1 =	vld [tilespmem:s13+$0xFFFFFF10]  }
0xd3: {  	v2 =	vld [tilespmem:s13+$0xFFFFFF90];
	_ =	sdelay $0x2  }
0xd4: {  	v3 =	vshll.u32 v0, $0x10  }
0xd5: {  	v0 =	vand.u32 $0xFFFF0000, v0;
	v1 =	vadd.f32 v3, v1  }
0xd6: {  	v0 =	vadd.f32 v0, v2  }
0xd7: {  	v1 =	vmax.f32 v1, $0.0e+00  }
0xd8: {  	v0 =	vmax.f32 v0, $0.0e+00;
	[tilespmem:s13+$0xFFFFFF10] =	vst v1  }
0xd9: {  	[tilespmem:s13+$0xFFFFFF90] =	vst v0  }
0xda: {  	v0 =	vld [tilespmem:s16+$0x1610]  }
0xdb: {  	v1 =	vld [tilespmem:s13+$0xFFFFFF20]  }
0xdc: {  	v2 =	vld [tilespmem:s13+$0xFFFFFFA0];
	_ =	sdelay $0x2  }
0xdd: {  	v3 =	vshll.u32 v0, $0x10  }
0xde: {  	v0 =	vand.u32 $0xFFFF0000, v0;
	v1 =	vadd.f32 v3, v1  }
0xdf: {  	v0 =	vadd.f32 v0, v2  }
0xe0: {  	v1 =	vmax.f32 v1, $0.0e+00  }
0xe1: {  	v0 =	vmax.f32 v0, $0.0e+00;
	[tilespmem:s13+$0xFFFFFF20] =	vst v1  }
0xe2: {  	[tilespmem:s13+$0xFFFFFFA0] =	vst v0  }
0xe3: {  	v0 =	vld [tilespmem:s16+$0x1620]  }
0xe4: {  	v1 =	vld [tilespmem:s13+$0xFFFFFF30]  }
0xe5: {  	v2 =	vld [tilespmem:s13+$0xFFFFFFB0];
	_ =	sdelay $0x2  }
0xe6: {  	v3 =	vshll.u32 v0, $0x10  }
0xe7: {  	v0 =	vand.u32 $0xFFFF0000, v0;
	v1 =	vadd.f32 v3, v1  }
0xe8: {  	v0 =	vadd.f32 v0, v2  }
0xe9: {  	v1 =	vmax.f32 v1, $0.0e+00  }
0xea: {  	v0 =	vmax.f32 v0, $0.0e+00;
	[tilespmem:s13+$0xFFFFFF30] =	vst v1  }
0xeb: {  	[tilespmem:s13+$0xFFFFFFB0] =	vst v0  }
0xec: {  	v0 =	vld [tilespmem:s16+$0x1630]  }
0xed: {  	v1 =	vld [tilespmem:s13+$0xFFFFFF40]  }
0xee: {  	v2 =	vld [tilespmem:s13+$0xFFFFFFC0];
	_ =	sdelay $0x2  }
0xef: {  	v3 =	vshll.u32 v0, $0x10  }
0xf0: {  	v0 =	vand.u32 $0xFFFF0000, v0;
	v1 =	vadd.f32 v3, v1  }
0xf1: {  	v0 =	vadd.f32 v0, v2  }
0xf2: {  	v1 =	vmax.f32 v1, $0.0e+00  }
0xf3: {  	v0 =	vmax.f32 v0, $0.0e+00;
	[tilespmem:s13+$0xFFFFFF40] =	vst v1  }
0xf4: {  	[tilespmem:s13+$0xFFFFFFC0] =	vst v0  }
0xf5: {  	v0 =	vld [tilespmem:s16+$0x1640]  }
0xf6: {  	v1 =	vld [tilespmem:s13+$0xFFFFFF50]  }
0xf7: {  	v2 =	vld [tilespmem:s13+$0xFFFFFFD0];
	_ =	sdelay $0x2  }
0xf8: {  	v3 =	vshll.u32 v0, $0x10  }
0xf9: {  	v0 =	vand.u32 $0xFFFF0000, v0;
	v1 =	vadd.f32 v3, v1  }
0xfa: {  	v0 =	vadd.f32 v0, v2  }
0xfb: {  	v1 =	vmax.f32 v1, $0.0e+00  }
0xfc: {  	v0 =	vmax.f32 v0, $0.0e+00;
	[tilespmem:s13+$0xFFFFFF50] =	vst v1  }
0xfd: {  	[tilespmem:s13+$0xFFFFFFD0] =	vst v0  }
0xfe: {  	v0 =	vld [tilespmem:s16+$0x1650]  }
0xff: {  	v1 =	vld [tilespmem:s13+$0xFFFFFF60]  }
0x100: {  	v2 =	vld [tilespmem:s13+$0xFFFFFFE0];
	_ =	sdelay $0x2  }
0x101: {  	v3 =	vshll.u32 v0, $0x10  }
0x102: {  	v0 =	vand.u32 $0xFFFF0000, v0;
	v1 =	vadd.f32 v3, v1  }
0x103: {  	v0 =	vadd.f32 v0, v2  }
0x104: {  	v1 =	vmax.f32 v1, $0.0e+00  }
0x105: {  	v0 =	vmax.f32 v0, $0.0e+00;
	[tilespmem:s13+$0xFFFFFF60] =	vst v1  }
0x106: {  	[tilespmem:s13+$0xFFFFFFE0] =	vst v0  }
0x107: {  	v0 =	vld [tilespmem:s16+$0x1660]  }
0x108: {  	v2 =	vld [tilespmem:s13+$0xFFFFFFF0]  }
0x109: {  	v1 =	vld [tilespmem:s13+$0xFFFFFF70];
	_ =	sdelay $0x2  }
0x10a: {  	v3 =	vshll.u32 v0, $0x10;
	v0 =	vand.u32 $0xFFFF0000, v0  }
0x10b: {  	v0 =	vadd.f32 v0, v2  }
0x10c: {  	v1 =	vadd.f32 v3, v1  }
0x10d: {  	v0 =	vmax.f32 v0, $0.0e+00  }
0x10e: {  	v1 =	vmax.f32 v1, $0.0e+00;
	[tilespmem:s13+$0xFFFFFFF0] =	vst v0;
	v0 =	vld [tilespmem:s13+$0xFFFFFF80]  }
0x10f: {  	[tilespmem:s13+$0xFFFFFF70] =	vst v1;
	v1 =	vld [tilespmem:s13+$0x0]  }
0x110: {  	s15 =	simm.s32 $0x200;
	s14 =	simm.s32 $0x52F0;
	v2 =	vld [tilespmem:s16+$0x1670]  }
.LBB2_5:
0x111: {  	p0 =	sne.s32 s15, $0x4E00  }
0x112: {  	s13 =	sadd.s32 $0x100, s13;
	s2 =	smov.u32 s15;
	s15 =	sadd.s32 $0x200, s15  }
0x113: {  	_ =	sdelay $0x1  }
0x114: {  	v3 =	vshll.u32 v2, $0x10;
	v2 =	vand.u32 $0xFFFF0000, v2  }
0x115: {  	v0 =	vadd.f32 v3, v0;
	v1 =	vadd.f32 v2, v1;
	_ =	sdelay $0x1  }
0x116: {  	v0 =	vmax.f32 v0, $0.0e+00;
	v1 =	vmax.f32 v1, $0.0e+00  }
0x117: {  	[tilespmem:s14+$0xFFFFFF80] =	vst v0  }
0x118: {  	s2 =	sshra.s32 s2, $0x2;
	v0 =	vld [tilespmem:s13+$0xFFFFFF90];
	[tilespmem:s14+$0x0] =	vst v1;
	s14 =	smov.u32 s13  }
0x119: {  	v1 =	vld [tilespmem:s2+$0x1600]  }
0x11a: {  	v2 =	vld [tilespmem:s13+$0xFFFFFF10];
	_ =	sdelay $0x3  }
0x11b: {  	v3 =	vshll.u32 v1, $0x10;
	v1 =	vand.u32 $0xFFFF0000, v1  }
0x11c: {  	v2 =	vadd.f32 v3, v2;
	v0 =	vadd.f32 v1, v0;
	_ =	sdelay $0x1  }
0x11d: {  	v1 =	vmax.f32 v2, $0.0e+00;
	v0 =	vmax.f32 v0, $0.0e+00  }
0x11e: {  	[tilespmem:s13+$0xFFFFFF10] =	vst v1  }
0x11f: {  	[tilespmem:s13+$0xFFFFFF90] =	vst v0;
	v0 =	vld [tilespmem:s13+$0xFFFFFFA0]  }
0x120: {  	v1 =	vld [tilespmem:s2+$0x1610]  }
0x121: {  	v2 =	vld [tilespmem:s13+$0xFFFFFF20];
	_ =	sdelay $0x3  }
0x122: {  	v3 =	vshll.u32 v1, $0x10;
	v1 =	vand.u32 $0xFFFF0000, v1  }
0x123: {  	v2 =	vadd.f32 v3, v2;
	v0 =	vadd.f32 v1, v0;
	_ =	sdelay $0x1  }
0x124: {  	v1 =	vmax.f32 v2, $0.0e+00;
	v0 =	vmax.f32 v0, $0.0e+00  }
0x125: {  	[tilespmem:s13+$0xFFFFFF20] =	vst v1  }
0x126: {  	[tilespmem:s13+$0xFFFFFFA0] =	vst v0;
	v0 =	vld [tilespmem:s13+$0xFFFFFFB0]  }
0x127: {  	v1 =	vld [tilespmem:s2+$0x1620]  }
0x128: {  	v2 =	vld [tilespmem:s13+$0xFFFFFF30];
	_ =	sdelay $0x3  }
0x129: {  	v3 =	vshll.u32 v1, $0x10;
	v1 =	vand.u32 $0xFFFF0000, v1  }
0x12a: {  	v2 =	vadd.f32 v3, v2;
	v0 =	vadd.f32 v1, v0;
	_ =	sdelay $0x1  }
0x12b: {  	v1 =	vmax.f32 v2, $0.0e+00;
	v0 =	vmax.f32 v0, $0.0e+00  }
0x12c: {  	[tilespmem:s13+$0xFFFFFF30] =	vst v1  }
0x12d: {  	[tilespmem:s13+$0xFFFFFFB0] =	vst v0;
	v0 =	vld [tilespmem:s13+$0xFFFFFFC0]  }
0x12e: {  	v1 =	vld [tilespmem:s2+$0x1630]  }
0x12f: {  	v2 =	vld [tilespmem:s13+$0xFFFFFF40];
	_ =	sdelay $0x3  }
0x130: {  	v3 =	vshll.u32 v1, $0x10;
	v1 =	vand.u32 $0xFFFF0000, v1  }
0x131: {  	v2 =	vadd.f32 v3, v2;
	v0 =	vadd.f32 v1, v0;
	_ =	sdelay $0x1  }
0x132: {  	v1 =	vmax.f32 v2, $0.0e+00;
	v0 =	vmax.f32 v0, $0.0e+00  }
0x133: {  	[tilespmem:s13+$0xFFFFFF40] =	vst v1  }
0x134: {  	[tilespmem:s13+$0xFFFFFFC0] =	vst v0;
	v0 =	vld [tilespmem:s13+$0xFFFFFFD0]  }
0x135: {  	v1 =	vld [tilespmem:s2+$0x1640]  }
0x136: {  	v2 =	vld [tilespmem:s13+$0xFFFFFF50];
	_ =	sdelay $0x3  }
0x137: {  	v3 =	vshll.u32 v1, $0x10;
	v1 =	vand.u32 $0xFFFF0000, v1  }
0x138: {  	v2 =	vadd.f32 v3, v2;
	v0 =	vadd.f32 v1, v0;
	_ =	sdelay $0x1  }
0x139: {  	v1 =	vmax.f32 v2, $0.0e+00;
	v0 =	vmax.f32 v0, $0.0e+00  }
0x13a: {  	[tilespmem:s13+$0xFFFFFF50] =	vst v1  }
0x13b: {  	[tilespmem:s13+$0xFFFFFFD0] =	vst v0;
	v0 =	vld [tilespmem:s13+$0xFFFFFFE0]  }
0x13c: {  	v1 =	vld [tilespmem:s2+$0x1650]  }
0x13d: {  	v2 =	vld [tilespmem:s13+$0xFFFFFF60];
	_ =	sdelay $0x3  }
0x13e: {  	v3 =	vshll.u32 v1, $0x10;
	v1 =	vand.u32 $0xFFFF0000, v1  }
0x13f: {  	v2 =	vadd.f32 v3, v2;
	v0 =	vadd.f32 v1, v0;
	v1 =	vld [tilespmem:s13+$0xFFFFFFF0];
	_ =	sdelay $0x1  }
0x140: {  	v2 =	vmax.f32 v2, $0.0e+00;
	v0 =	vmax.f32 v0, $0.0e+00  }
0x141: {  	[tilespmem:s13+$0xFFFFFF60] =	vst v2  }
0x142: {  	[tilespmem:s13+$0xFFFFFFE0] =	vst v0  }
0x143: {  	v0 =	vld [tilespmem:s2+$0x1660]  }
0x144: {  	v2 =	vld [tilespmem:s13+$0xFFFFFF70];
	_ =	sdelay $0x3  }
0x145: {  	v3 =	vshll.u32 v0, $0x10;
	v0 =	vand.u32 $0xFFFF0000, v0  }
0x146: {  	v2 =	vadd.f32 v3, v2;
	v0 =	vadd.f32 v0, v1;
	_ =	sdelay $0x1  }
.Ltmp1:
0x147: {  	v1 =	vmax.f32 v2, $0.0e+00;
	v0 =	vmax.f32 v0, $0.0e+00;
	(pc) =	sbr.rel @p0 .LBB2_5-.Ltmp1, $4  }
0x148: {  	[tilespmem:s13+$0xFFFFFF70] =	vst v1  }
0x149: {  	[tilespmem:s13+$0xFFFFFFF0] =	vst v0;
	v0 =	vld [tilespmem:s13+$0xFFFFFF80]  }
0x14a: {  	v2 =	vld [tilespmem:s2+$0x1670]  }
0x14b: {  	v1 =	vld [tilespmem:s13+$0x0]  }
0x14c: {  	_ =	sdelay $0x2  }
0x14d: {  	s12 =	sadd.s32 $0x1, s12;
	v3 =	vshll.u32 v2, $0x10  }
0x14e: {  	p0 =	sne.s32 s12, $0x3E;
	v63 =	vand.u32 $0xFFFF0000, v2;
	v0 =	vadd.f32 v3, v0  }
.Ltmp2:
0x14f: {  	v1 =	vadd.f32 v63, v1;
	(pc) =	sbr.rel @p0 .LBB2_2-.Ltmp2, $4  }
0x150: {  	v0 =	vmax.f32 v0, $0.0e+00  }
0x151: {  	v1 =	vmax.f32 v1, $0.0e+00;
	[tilespmem:s14+$0xFFFFFF80] =	vst v0  }
0x152: {  	[tilespmem:s14+$0x0] =	vst v1  }
0x153: {  	[spmem:s3] =	stream.indirect.scatter.add.f32 [tilespmem:s30], [sflag:$0x6], $0x80, s25, s22, $0xb8;
	[tilespmem:$0x1B600] =	vst v63  }
0x154: {  	_ =	swait.ge [sflag:s21], $0x50  }
0x155: {  	[sflag:s21] =	ssyncset.done $0x0  }
0x156: {  	[sflag:s21] =	ssyncadd.s32 $0xFFFFFFB0  }
0x157: {  	_ =	swait.ge [sflag:s21], $0x50  }
0x158: {  	[sflag:s21] =	ssyncset.done $0x0  }
0x159: {  	[sflag:s21] =	ssyncadd.s32 $0xFFFFFFB0  }
0x15a: {  	_ =	swait.ge [sflag:s21], $0x1400  }
0x15b: {  	[sflag:s21] =	ssyncset.done $0x0  }
0x15c: {  	s2 =	simm.s32 $0x0;
	s15 =	simm.s32 $0x6;
	[sflag:s21] =	ssyncadd.s32 $0xFFFFEC00  }
0x15d: {  	[tilespmem:s23], [sflag:$0x3] =	stream.indirect.gather [hbm4b:s1+s22], $0x80, s2, s22, $0xb8;
	[tilespmem:$0x1B600] =	vst v63  }
0x15e: {  	_ =	swait.ge [sflag:s15], $0x2800  }
0x15f: {  	[sflag:s15] =	ssyncset.done $0x0  }
0x160: {  	[sflag:s15] =	ssyncadd.s32 $0xFFFFD800  }
0x161: {  	_ =	swait.ge [sflag:s28], $0x2800  }
0x162: {  	[sflag:s28] =	ssyncset.done $0x0  }
0x163: {  	s16 =	simm.s32 $0x0;
	[sflag:s28] =	ssyncadd.s32 $0xFFFFD800  }
0x164: {  	s12 =	simm.s32 $0x2A80;
	v0 =	vld [tilespmem:s16+$0x200]  }
0x165: {  	v1 =	vld [tilespmem:s12+$0xFFFFFF80]  }
0x166: {  	v2 =	vld [tilespmem:s12+$0x0];
	_ =	sdelay $0x2  }
0x167: {  	v3 =	vshll.u32 v0, $0x10  }
0x168: {  	v0 =	vand.u32 $0xFFFF0000, v0;
	v1 =	vadd.f32 v3, v1  }
0x169: {  	v0 =	vadd.f32 v0, v2  }
0x16a: {  	v1 =	vmax.f32 v1, $0.0e+00  }
0x16b: {  	v0 =	vmax.f32 v0, $0.0e+00;
	[tilespmem:s12+$0xFFFFFF80] =	vst v1  }
0x16c: {  	[tilespmem:s12+$0x0] =	vst v0  }
0x16d: {  	v0 =	vld [tilespmem:s16+$0x210]  }
0x16e: {  	v1 =	vld [tilespmem:s12+$0xFFFFFF90]  }
0x16f: {  	v2 =	vld [tilespmem:s12+$0x10];
	_ =	sdelay $0x2  }
0x170: {  	v3 =	vshll.u32 v0, $0x10  }
0x171: {  	v0 =	vand.u32 $0xFFFF0000, v0;
	v1 =	vadd.f32 v3, v1  }
0x172: {  	v0 =	vadd.f32 v0, v2  }
0x173: {  	v1 =	vmax.f32 v1, $0.0e+00  }
0x174: {  	v0 =	vmax.f32 v0, $0.0e+00;
	[tilespmem:s12+$0xFFFFFF90] =	vst v1  }
0x175: {  	[tilespmem:s12+$0x10] =	vst v0  }
0x176: {  	v0 =	vld [tilespmem:s16+$0x220]  }
0x177: {  	v1 =	vld [tilespmem:s12+$0xFFFFFFA0]  }
0x178: {  	v2 =	vld [tilespmem:s12+$0x20];
	_ =	sdelay $0x2  }
0x179: {  	v3 =	vshll.u32 v0, $0x10  }
0x17a: {  	v0 =	vand.u32 $0xFFFF0000, v0;
	v1 =	vadd.f32 v3, v1  }
0x17b: {  	v0 =	vadd.f32 v0, v2  }
0x17c: {  	v1 =	vmax.f32 v1, $0.0e+00  }
0x17d: {  	v0 =	vmax.f32 v0, $0.0e+00;
	[tilespmem:s12+$0xFFFFFFA0] =	vst v1  }
0x17e: {  	[tilespmem:s12+$0x20] =	vst v0  }
0x17f: {  	v0 =	vld [tilespmem:s16+$0x230]  }
0x180: {  	v1 =	vld [tilespmem:s12+$0xFFFFFFB0]  }
0x181: {  	v2 =	vld [tilespmem:s12+$0x30];
	_ =	sdelay $0x2  }
0x182: {  	v3 =	vshll.u32 v0, $0x10  }
0x183: {  	v0 =	vand.u32 $0xFFFF0000, v0;
	v1 =	vadd.f32 v3, v1  }
0x184: {  	v0 =	vadd.f32 v0, v2  }
0x185: {  	v1 =	vmax.f32 v1, $0.0e+00  }
0x186: {  	v0 =	vmax.f32 v0, $0.0e+00;
	[tilespmem:s12+$0xFFFFFFB0] =	vst v1  }
0x187: {  	[tilespmem:s12+$0x30] =	vst v0  }
0x188: {  	v0 =	vld [tilespmem:s16+$0x240]  }
0x189: {  	v1 =	vld [tilespmem:s12+$0xFFFFFFC0]  }
0x18a: {  	v2 =	vld [tilespmem:s12+$0x40];
	_ =	sdelay $0x2  }
0x18b: {  	v3 =	vshll.u32 v0, $0x10  }
0x18c: {  	v0 =	vand.u32 $0xFFFF0000, v0;
	v1 =	vadd.f32 v3, v1  }
0x18d: {  	v0 =	vadd.f32 v0, v2  }
0x18e: {  	v1 =	vmax.f32 v1, $0.0e+00  }
0x18f: {  	v0 =	vmax.f32 v0, $0.0e+00;
	[tilespmem:s12+$0xFFFFFFC0] =	vst v1  }
0x190: {  	[tilespmem:s12+$0x40] =	vst v0  }
0x191: {  	v0 =	vld [tilespmem:s16+$0x250]  }
0x192: {  	v1 =	vld [tilespmem:s12+$0xFFFFFFD0]  }
0x193: {  	v2 =	vld [tilespmem:s12+$0x50];
	_ =	sdelay $0x2  }
0x194: {  	v3 =	vshll.u32 v0, $0x10  }
0x195: {  	v0 =	vand.u32 $0xFFFF0000, v0;
	v1 =	vadd.f32 v3, v1  }
0x196: {  	v0 =	vadd.f32 v0, v2  }
0x197: {  	v1 =	vmax.f32 v1, $0.0e+00  }
0x198: {  	v0 =	vmax.f32 v0, $0.0e+00;
	[tilespmem:s12+$0xFFFFFFD0] =	vst v1  }
0x199: {  	[tilespmem:s12+$0x50] =	vst v0  }
0x19a: {  	v0 =	vld [tilespmem:s16+$0x260]  }
0x19b: {  	v1 =	vld [tilespmem:s12+$0xFFFFFFE0]  }
0x19c: {  	v2 =	vld [tilespmem:s12+$0x60];
	_ =	sdelay $0x2  }
0x19d: {  	v3 =	vshll.u32 v0, $0x10  }
0x19e: {  	v0 =	vand.u32 $0xFFFF0000, v0;
	v1 =	vadd.f32 v3, v1  }
0x19f: {  	v2 =	vadd.f32 v0, v2  }
0x1a0: {  	v1 =	vmax.f32 v1, $0.0e+00  }
0x1a1: {  	v0 =	vld [tilespmem:s12+$0xFFFFFFF0];
	v2 =	vmax.f32 v2, $0.0e+00;
	[tilespmem:s12+$0xFFFFFFE0] =	vst v1  }
0x1a2: {  	[tilespmem:s12+$0x60] =	vst v2;
	v1 =	vld [tilespmem:s12+$0x70]  }
0x1a3: {  	s14 =	simm.s32 $0x200;
	s13 =	simm.s32 $0x2A80;
	v2 =	vld [tilespmem:s16+$0x270]  }
.LBB2_8:
0x1a4: {  	p0 =	sne.s32 s14, $0x4E00  }
0x1a5: {  	s12 =	sadd.s32 $0x100, s12;
	s2 =	smov.u32 s14;
	s14 =	sadd.s32 $0x200, s14  }
0x1a6: {  	_ =	sdelay $0x1  }
0x1a7: {  	v3 =	vshll.u32 v2, $0x10;
	v2 =	vand.u32 $0xFFFF0000, v2  }
0x1a8: {  	v0 =	vadd.f32 v3, v0;
	v1 =	vadd.f32 v2, v1;
	_ =	sdelay $0x1  }
0x1a9: {  	v0 =	vmax.f32 v0, $0.0e+00;
	v1 =	vmax.f32 v1, $0.0e+00  }
0x1aa: {  	[tilespmem:s13+$0xFFFFFFF0] =	vst v0  }
0x1ab: {  	s2 =	sshra.s32 s2, $0x2;
	v0 =	vld [tilespmem:s12+$0x0];
	[tilespmem:s13+$0x70] =	vst v1;
	s13 =	smov.u32 s12  }
0x1ac: {  	v1 =	vld [tilespmem:s2+$0x200]  }
0x1ad: {  	v2 =	vld [tilespmem:s12+$0xFFFFFF80];
	_ =	sdelay $0x3  }
0x1ae: {  	v3 =	vshll.u32 v1, $0x10;
	v1 =	vand.u32 $0xFFFF0000, v1  }
0x1af: {  	v2 =	vadd.f32 v3, v2;
	v0 =	vadd.f32 v1, v0;
	_ =	sdelay $0x1  }
0x1b0: {  	v1 =	vmax.f32 v2, $0.0e+00;
	v0 =	vmax.f32 v0, $0.0e+00  }
0x1b1: {  	[tilespmem:s12+$0xFFFFFF80] =	vst v1  }
0x1b2: {  	[tilespmem:s12+$0x0] =	vst v0;
	v0 =	vld [tilespmem:s12+$0x10]  }
0x1b3: {  	v1 =	vld [tilespmem:s2+$0x210]  }
0x1b4: {  	v2 =	vld [tilespmem:s12+$0xFFFFFF90];
	_ =	sdelay $0x3  }
0x1b5: {  	v3 =	vshll.u32 v1, $0x10;
	v1 =	vand.u32 $0xFFFF0000, v1  }
0x1b6: {  	v2 =	vadd.f32 v3, v2;
	v0 =	vadd.f32 v1, v0;
	_ =	sdelay $0x1  }
0x1b7: {  	v1 =	vmax.f32 v2, $0.0e+00;
	v0 =	vmax.f32 v0, $0.0e+00  }
0x1b8: {  	[tilespmem:s12+$0xFFFFFF90] =	vst v1  }
0x1b9: {  	[tilespmem:s12+$0x10] =	vst v0;
	v0 =	vld [tilespmem:s12+$0x20]  }
0x1ba: {  	v1 =	vld [tilespmem:s2+$0x220]  }
0x1bb: {  	v2 =	vld [tilespmem:s12+$0xFFFFFFA0];
	_ =	sdelay $0x3  }
0x1bc: {  	v3 =	vshll.u32 v1, $0x10;
	v1 =	vand.u32 $0xFFFF0000, v1  }
0x1bd: {  	v2 =	vadd.f32 v3, v2;
	v0 =	vadd.f32 v1, v0;
	_ =	sdelay $0x1  }
0x1be: {  	v1 =	vmax.f32 v2, $0.0e+00;
	v0 =	vmax.f32 v0, $0.0e+00  }
0x1bf: {  	[tilespmem:s12+$0xFFFFFFA0] =	vst v1  }
0x1c0: {  	[tilespmem:s12+$0x20] =	vst v0;
	v0 =	vld [tilespmem:s12+$0x30]  }
0x1c1: {  	v1 =	vld [tilespmem:s2+$0x230]  }
0x1c2: {  	v2 =	vld [tilespmem:s12+$0xFFFFFFB0];
	_ =	sdelay $0x3  }
0x1c3: {  	v3 =	vshll.u32 v1, $0x10;
	v1 =	vand.u32 $0xFFFF0000, v1  }
0x1c4: {  	v2 =	vadd.f32 v3, v2;
	v0 =	vadd.f32 v1, v0;
	_ =	sdelay $0x1  }
0x1c5: {  	v1 =	vmax.f32 v2, $0.0e+00;
	v0 =	vmax.f32 v0, $0.0e+00  }
0x1c6: {  	[tilespmem:s12+$0xFFFFFFB0] =	vst v1  }
0x1c7: {  	[tilespmem:s12+$0x30] =	vst v0;
	v0 =	vld [tilespmem:s12+$0x40]  }
0x1c8: {  	v1 =	vld [tilespmem:s2+$0x240]  }
0x1c9: {  	v2 =	vld [tilespmem:s12+$0xFFFFFFC0];
	_ =	sdelay $0x3  }
0x1ca: {  	v3 =	vshll.u32 v1, $0x10;
	v1 =	vand.u32 $0xFFFF0000, v1  }
0x1cb: {  	v2 =	vadd.f32 v3, v2;
	v0 =	vadd.f32 v1, v0;
	_ =	sdelay $0x1  }
0x1cc: {  	v1 =	vmax.f32 v2, $0.0e+00;
	v0 =	vmax.f32 v0, $0.0e+00  }
0x1cd: {  	[tilespmem:s12+$0xFFFFFFC0] =	vst v1  }
0x1ce: {  	[tilespmem:s12+$0x40] =	vst v0;
	v0 =	vld [tilespmem:s12+$0x50]  }
0x1cf: {  	v1 =	vld [tilespmem:s2+$0x250]  }
0x1d0: {  	v2 =	vld [tilespmem:s12+$0xFFFFFFD0];
	_ =	sdelay $0x3  }
0x1d1: {  	v3 =	vshll.u32 v1, $0x10;
	v1 =	vand.u32 $0xFFFF0000, v1  }
0x1d2: {  	v2 =	vadd.f32 v3, v2;
	v0 =	vadd.f32 v1, v0;
	_ =	sdelay $0x1  }
0x1d3: {  	v1 =	vmax.f32 v2, $0.0e+00;
	v0 =	vmax.f32 v0, $0.0e+00  }
0x1d4: {  	[tilespmem:s12+$0xFFFFFFD0] =	vst v1  }
0x1d5: {  	[tilespmem:s12+$0x50] =	vst v0;
	v1 =	vld [tilespmem:s12+$0x60]  }
0x1d6: {  	v0 =	vld [tilespmem:s2+$0x260]  }
0x1d7: {  	v2 =	vld [tilespmem:s12+$0xFFFFFFE0];
	_ =	sdelay $0x3  }
0x1d8: {  	v3 =	vshll.u32 v0, $0x10;
	v4 =	vand.u32 $0xFFFF0000, v0;
	v0 =	vld [tilespmem:s12+$0xFFFFFFF0]  }
0x1d9: {  	v2 =	vadd.f32 v3, v2;
	v1 =	vadd.f32 v4, v1;
	_ =	sdelay $0x1  }
.Ltmp3:
0x1da: {  	v2 =	vmax.f32 v2, $0.0e+00;
	v1 =	vmax.f32 v1, $0.0e+00;
	(pc) =	sbr.rel @p0 .LBB2_8-.Ltmp3, $4  }
0x1db: {  	[tilespmem:s12+$0xFFFFFFE0] =	vst v2  }
0x1dc: {  	[tilespmem:s12+$0x60] =	vst v1  }
0x1dd: {  	v2 =	vld [tilespmem:s2+$0x270]  }
0x1de: {  	v1 =	vld [tilespmem:s12+$0x70]  }
0x1df: {  	_ =	sdelay $0x2  }
0x1e0: {  	v3 =	vshll.u32 v2, $0x10  }
0x1e1: {  	v63 =	vand.u32 $0xFFFF0000, v2;
	v0 =	vadd.f32 v3, v0  }
0x1e2: {  	v1 =	vadd.f32 v63, v1  }
0x1e3: {  	v0 =	vmax.f32 v0, $0.0e+00  }
0x1e4: {  	v1 =	vmax.f32 v1, $0.0e+00;
	[tilespmem:s13+$0xFFFFFFF0] =	vst v0  }
0x1e5: {  	[tilespmem:s13+$0x70] =	vst v1  }
0x1e6: {  	[spmem:s3] =	stream.indirect.scatter.add.f32 [tilespmem:s23], [sflag:$0x5], $0x80, s19, s22, $0xb8;
	[tilespmem:$0x1B600] =	vst v63  }
0x1e7: {  	_ =	swait.ge [sflag:s31], $0x2800  }
0x1e8: {  	[sflag:s31] =	ssyncset.done $0x0  }
0x1e9: {  	[sflag:s31] =	ssyncadd.s32 $0xFFFFD800  }
0x1ea: {  	[bflag:$0x0] =	sbarrier.arrive $0xFFFF  }
0x1eb: {  	s2 =	rddreg [dreg:$0x8]  }
0x1ec: {  	[hbm:s2], [sflag:s10] =	dma.local [spmem:s17], $0x2780  }
0x1ed: {  	_ =	swait.ge [sflag:s18], $0x2780  }
0x1ee: {  	s9 =	sadd.s32 $0x1, s9;
	s16 =	rddreg [dreg:$0x9]  }
0x1ef: {  	p0 =	sne.s32 s9, s16  }
.Ltmp4:
0x1f0: {  	_ = 	snop;
	(pc) =	sbr.rel @p0 .LBB2_1-.Ltmp4, $3  }
0x1f1: {  	_ =	sdelay $0x1  }
0x1f2: {  	[sflag:s18] =	ssyncset.done $0x0  }
0x1f3: {  	[sflag:s18] =	ssyncadd.s32 $0xFFFFD880  }
0x1f4: {  	_ =	sfence.sel $0x180000  }
0x1f5: {  	[bflag:$0x0] =	sbarrier.arrive $0xFFFF  }
0x1f6: {  	_ =	strace $0x9000004A  }
0x1f7: {  	s0 =	stileid.u32;
	[bflag:$0x2] =	sbarrier.arrive $0xFFFF  }
0x1f8: {  	p0 =	sne.s32 s0, $0x0;
	s0 =	rddreg [dreg:$0x3]  }
0x1f9: {  	s0 =	sadd.s32 @!p0 $0x100000, s0  }
0x1fa: {  	[sflag:s0] =	ssyncadd.tile.s32 @!p0 $0x1;
	_ =	shalt  }
.Lfunc_end2:
_tile_overlayer_lowered:
.L_overlay_start_2:
0x1fb: {  	(tag) =	ssettag $0x2  }
0x1fc: {  	s0 =	rddreg [dreg:$0x0];
	s2 =	stileid.u32  }
0x1fd: {  	s1 =	rddreg [dreg:$0x1];
	p0 =	sne.s32 s2, $0x0  }
0x1fe: {  	s3 =	rddreg [dreg:$0x2];
	[bflag:$0x3] =	sbarrier.arrive $0xFFFF;
	s2 =	simm.s32 @!p0 $0x1C07  }
0x1ff: {  	[timem:s3], [sflag:s2] =	dma.local @!p0 [hbm:s0], s1  }
0x200: {  	s0 =	simm.s32 @!p0 $0x7  }
0x201: {  	_ =	swait.ge @!p0 [sflag:s0], s1  }
0x202: {  	s1 =	ssub.s32 @!p0 $0x0, s1;
	[sflag:s0] =	ssyncset.done @!p0 $0x0  }
0x203: {  	[sflag:s0] =	ssyncadd.s32 @!p0 s1  }
0x204: {  	[bflag:$0x3] =	sbarrier.arrive $0xFFFF  }
0x205: {  	_ =	shalt  }

</sc_bundles>
